<compile_context>
chip_gen: v7x
topology: tpu7x:2x2x1
jax: 0.10.2.dev20260603
libtpu: 0.0.44.dev20260713+nightly
codegen_flags: <defaults>
</compile_context>

<pallas_src>
import functools

import jax
import jax.numpy as jnp
from jax import lax
from jax.experimental import pallas as pl
from jax.experimental.pallas import tpu as pltpu
from jax.experimental.pallas import tpu_sc as plsc

N_NODES = 10000
NPAD = 10240
N_EDGES = 320000
D = 128
NC = 2
NS = 16
NW = NC * NS
CHUNK = 128
EPT = 10240
NCHUNK = EPT // CHUNK
IG = 8
NGRP = NCHUNK // IG
EPAD = NW * EPT
RPT = NPAD // NS
DEG_W = 16


@functools.cache
def _mesh():
    return plsc.VectorSubcoreMesh(
        core_axis_name="c", subcore_axis_name="s", num_cores=NC, num_subcores=NS
    )


def _deg_body(dst_hbm, ones_hbm, zerosf_hbm, out_hbm, idx_v, ones_v, acc_sh):
    c = lax.axis_index("c")
    s = lax.axis_index("s")
    t = c * NS + s
    pltpu.sync_copy(dst_hbm.at[t], idx_v)
    pltpu.sync_copy(ones_hbm, ones_v)
    pltpu.sync_copy(
        zerosf_hbm.at[pl.ds(s * RPT, RPT)], acc_sh.at[pl.ds(s * RPT, RPT)]
    )
    plsc.subcore_barrier()

    def step(g, carry):
        for k in range(IG):
            pltpu.sync_copy(ones_v, acc_sh.at[idx_v.at[g, k]], add=True)
        return carry

    lax.fori_loop(0, NGRP, step, 0)
    plsc.subcore_barrier()
    pltpu.sync_copy(
        acc_sh.at[pl.ds(s * RPT, RPT)],
        out_hbm.at[c, pl.ds(s * RPT, RPT)],
    )


def _msg_body(y_hbm, src_hbm, dst_hbm, out_hbm, sidx, didx, buf0, buf1,
              acc_sh, semi0, semi1, semd0, semd1):
    c = lax.axis_index("c")
    s = lax.axis_index("s")
    t = c * NS + s
    bufs = (buf0, buf1)
    semi = (semi0, semi1)
    semd = (semd0, semd1)

    def idx_load(g, a):
        pltpu.async_copy(src_hbm.at[t, g], sidx.at[a], semi[a])
        pltpu.async_copy(dst_hbm.at[t, g], didx.at[a], semi[a])

    def idx_wait(g, a):
        pltpu.make_async_copy(src_hbm.at[t, g], sidx.at[a], semi[a]).wait()
        pltpu.make_async_copy(dst_hbm.at[t, g], didx.at[a], semi[a]).wait()

    def gather(a, k, b):
        pltpu.async_copy(y_hbm.at[sidx.at[a, k]], bufs[b], semd[b])

    def gather_wait(a, k, b):
        pltpu.make_async_copy(y_hbm.at[sidx.at[a, k]], bufs[b],
                              semd[b]).wait()

    idx_load(0, 0)
    idx_load(1, 1)
    pltpu.sync_copy(
        y_hbm.at[pl.ds(s * RPT, RPT)],
        acc_sh.at[pl.ds(s * RPT, RPT)],
    )
    plsc.subcore_barrier()
    idx_wait(0, 0)
    gather(0, 0, 0)

    def group_pair(gp, carry):
        for a in range(2):
            g = gp * 2 + a

            @pl.when(g + 1 < NGRP)
            def _():
                idx_wait(g + 1, 1 - a)

            for k in range(IG):
                b = k % 2
                if k + 1 < IG:
                    gather(a, k + 1, 1 - b)
                else:
                    @pl.when(g + 1 < NGRP)
                    def _():
                        gather(1 - a, 0, 1 - b)

                gather_wait(a, k, b)
                pltpu.sync_copy(bufs[b], acc_sh.at[didx.at[a, k]], add=True)

            @pl.when(g + 2 < NGRP)
            def _():
                idx_load(g + 2, a)

        return carry

    lax.fori_loop(0, NGRP // 2, group_pair, 0)
    plsc.subcore_barrier()
    pltpu.sync_copy(
        acc_sh.at[pl.ds(s * RPT, RPT)],
        out_hbm.at[c, pl.ds(s * RPT, RPT)],
    )


@functools.cache
def _deg_kernel():
    return pl.kernel(
        _deg_body,
        out_type=jax.ShapeDtypeStruct((NC, NPAD), jnp.float32),
        mesh=_mesh(),
        scratch_types=[
            pltpu.VMEM((NGRP, IG, CHUNK), jnp.int32),
            pltpu.VMEM((CHUNK,), jnp.float32),
            pltpu.VMEM_SHARED((NPAD,), jnp.float32),
        ],
    )


@functools.cache
def _msg_kernel():
    return pl.kernel(
        _msg_body,
        out_type=jax.ShapeDtypeStruct((NC, NPAD, D), jnp.float32),
        mesh=_mesh(),
        scratch_types=[
            pltpu.VMEM((2, IG, CHUNK), jnp.int32),
            pltpu.VMEM((2, IG, CHUNK), jnp.int32),
            pltpu.VMEM((CHUNK, D), jnp.float32),
            pltpu.VMEM((CHUNK, D), jnp.float32),
            pltpu.VMEM_SHARED((NPAD, D), jnp.float32),
            pltpu.SemaphoreType.DMA,
            pltpu.SemaphoreType.DMA,
            pltpu.SemaphoreType.DMA,
            pltpu.SemaphoreType.DMA,
        ],
    )



BM = 2048


def _dis(dp_ref):
    return lax.rsqrt(dp_ref[0, :, 0:1] + dp_ref[1, :, 0:1] + 1.0)


def _scale_mm_body(x_ref, w_ref, dp_ref, o_ref):
    xw = jnp.dot(
        x_ref[...], w_ref[...],
        preferred_element_type=jnp.float32, precision=lax.Precision.HIGHEST,
    )
    o_ref[...] = xw * _dis(dp_ref)


def _mid_body(p_ref, y_ref, b_ref, w_ref, dp_ref, o_ref):
    dis = _dis(dp_ref)
    agg = p_ref[0] + p_ref[1] - y_ref[...]
    h = jnp.maximum(agg * dis + b_ref[...], 0.0)
    hw = jnp.dot(
        h, w_ref[...],
        preferred_element_type=jnp.float32, precision=lax.Precision.HIGHEST,
    )
    o_ref[...] = hw * dis


def _final_body(p_ref, y_ref, b_ref, w_ref, b2_ref, dp_ref, o_ref):
    dis = _dis(dp_ref)
    agg = p_ref[0] + p_ref[1] - y_ref[...]
    h = jnp.maximum(agg * dis + b_ref[...], 0.0)
    hw = jnp.dot(
        h, w_ref[...],
        preferred_element_type=jnp.float32, precision=lax.Precision.HIGHEST,
    )
    o_ref[...] = hw + b2_ref[...]


def _row_spec():
    return pl.BlockSpec((BM, D), lambda i: (i, 0))


def _full_spec(shape):
    return pl.BlockSpec(shape, lambda i: tuple(0 for _ in shape))


def _p_spec():
    return pl.BlockSpec((NC, BM, D), lambda i: (0, i, 0))


def _dp_spec():
    return pl.BlockSpec((NC, BM, 1), lambda i: (0, i, 0))


_GRID = NPAD // BM

_scale_mm = pl.pallas_call(
    _scale_mm_body,
    grid=(_GRID,),
    in_specs=[_row_spec(), _full_spec((D, D)), _dp_spec()],
    out_specs=_row_spec(),
    out_shape=jax.ShapeDtypeStruct((NPAD, D), jnp.float32),
)

_mid = pl.pallas_call(
    _mid_body,
    grid=(_GRID,),
    in_specs=[_p_spec(), _row_spec(), _full_spec((1, D)), _full_spec((D, D)),
              _dp_spec()],
    out_specs=_row_spec(),
    out_shape=jax.ShapeDtypeStruct((NPAD, D), jnp.float32),
)

_final = pl.pallas_call(
    _final_body,
    grid=(_GRID,),
    in_specs=[_p_spec(), _row_spec(), _full_spec((1, D)), _full_spec((D, D)),
              _full_spec((1, D)), _dp_spec()],
    out_specs=_row_spec(),
    out_shape=jax.ShapeDtypeStruct((NPAD, D), jnp.float32),
)


@jax.jit
def kernel(x, edge_index, W1, b1, W2, b2, Wfc, bfc):
    ei = edge_index.astype(jnp.int32)
    npe = EPAD - N_EDGES
    src_pad = jnp.arange(npe, dtype=jnp.int32) % N_NODES
    dst_pad = N_NODES + (jnp.arange(npe, dtype=jnp.int32) % (NPAD - N_NODES))
    src4 = jnp.concatenate([ei[0], src_pad]).reshape(NW, NGRP, IG, CHUNK)
    dst4 = jnp.concatenate([ei[1], dst_pad]).reshape(NW, NGRP, IG, CHUNK)
    zerosf = jnp.zeros((NPAD,), jnp.float32)
    ones1 = jnp.ones((CHUNK,), jnp.float32)
    x_pad = jnp.pad(x, ((0, NPAD - N_NODES), (0, 0)))

    dp = _deg_kernel()(dst4, ones1, zerosf).reshape(NC, NPAD, 1)

    y1 = _scale_mm(x_pad, W1, dp)
    p1 = _msg_kernel()(y1, src4, dst4)
    y2 = _mid(p1, y1, b1.reshape(1, D), W2, dp)
    p2 = _msg_kernel()(y2, src4, dst4)
    out = _final(p2, y2, b2.reshape(1, D), Wfc, bfc.reshape(1, D), dp)
    return out[:N_NODES]

# --- scband reference (transcript-rebuilt; emitter-appended) ---
"""Pipeline reference for scband-gnnmodel-60378650247170 (READ-ONLY COPY).

The authoritative reference and input builder live on the scoring server;
editing this copy changes nothing except your own understanding.
"""

import jax, jax.numpy as jnp
import numpy as np

N_NODES = 10000
N_EDGES = 320000
D_IN = 128
D_HID = 128
D_OUT = 128


def gcn_conv(x, edge_index, W, b, num_nodes):
    # Faithful PyG GCNConv: add self-loops, symmetric normalization, linear transform, scatter-add aggregate.
    src = edge_index[0]
    dst = edge_index[1]
    loop = jnp.arange(num_nodes, dtype=src.dtype)
    src = jnp.concatenate([src, loop])
    dst = jnp.concatenate([dst, loop])
    deg = jnp.zeros((num_nodes,), dtype=x.dtype).at[dst].add(1.0)
    deg_inv_sqrt = jnp.where(deg > 0, deg ** -0.5, 0.0)
    norm = deg_inv_sqrt[src] * deg_inv_sqrt[dst]
    xw = x @ W
    msg = jnp.take(xw, src, axis=0) * norm[:, None]
    out = jnp.zeros((num_nodes, W.shape[1]), dtype=x.dtype).at[dst].add(msg)
    return out + b


def setup_inputs(seed: int = 0) -> dict:
    key = jax.random.key(seed)
    k = jax.random.split(key, 9)
    x = jax.random.normal(k[0], (N_NODES, D_IN), dtype=jnp.float32)
    edge_index = jax.random.randint(k[1], (2, N_EDGES), 0, N_NODES, dtype=jnp.int64 if jax.config.jax_enable_x64 else jnp.int32)
    W1 = jax.random.normal(k[2], (D_IN, D_HID), dtype=jnp.float32) * (1.0 / np.sqrt(D_IN))
    b1 = jnp.zeros((D_HID,), dtype=jnp.float32)
    W2 = jax.random.normal(k[3], (D_HID, D_HID), dtype=jnp.float32) * (1.0 / np.sqrt(D_HID))
    b2 = jnp.zeros((D_HID,), dtype=jnp.float32)
    Wfc = jax.random.normal(k[4], (D_HID, D_OUT), dtype=jnp.float32) * (1.0 / np.sqrt(D_HID))
    bfc = jnp.zeros((D_OUT,), dtype=jnp.float32)
    return {"x": x, "edge_index": edge_index, "W1": W1, "b1": b1, "W2": W2, "b2": b2, "Wfc": Wfc, "bfc": bfc}


def reference(x, edge_index, W1, b1, W2, b2, Wfc, bfc):
    h = jax.nn.relu(gcn_conv(x, edge_index, W1, b1, N_NODES))
    # dropout is identity in eval/reference mode
    h = jax.nn.relu(gcn_conv(h, edge_index, W2, b2, N_NODES))
    out = h @ Wfc + bfc
    return out

if __name__ == "__main__":
    import jax
    _d = setup_inputs()
    print(jax.jit(kernel)(*tuple(_d.values())))

</pallas_src>

<mosaic_0001>
#map = affine_map<(d0, d1) -> (0, 0)>
#map1 = affine_map<(d0, d1) -> (0, 0, 0, 0)>
#map2 = affine_map<(d0, d1) -> (0, 0, 0)>
module attributes {stable_mosaic.version = 14 : i64} {
  func.func @_msg_body(%arg0: i32, %arg1: i32, %arg2: memref<10240x128xf32, #tpu.memory_space<hbm>>, %arg3: memref<32x10x8x128xi32, #tpu.memory_space<hbm>>, %arg4: memref<32x10x8x128xi32, #tpu.memory_space<hbm>>, %arg5: memref<2x10240x128xf32, #tpu.memory_space<hbm>>, %arg6: memref<2x8x128xi32, #tpu.memory_space<vmem>>, %arg7: memref<2x8x128xi32, #tpu.memory_space<vmem>>, %arg8: memref<128x128xf32, #tpu.memory_space<vmem>>, %arg9: memref<128x128xf32, #tpu.memory_space<vmem>>, %arg10: memref<10240x128xf32, #tpu.memory_space<vmem_shared>>, %arg11: memref<!tpu.dma_semaphore, #tpu.memory_space<semaphore_mem>>, %arg12: memref<!tpu.dma_semaphore, #tpu.memory_space<semaphore_mem>>, %arg13: memref<!tpu.dma_semaphore, #tpu.memory_space<semaphore_mem>>, %arg14: memref<!tpu.dma_semaphore, #tpu.memory_space<semaphore_mem>>) attributes {dimension_semantics = [#tpu.dimension_semantics<core_parallel>, #tpu.dimension_semantics<subcore_parallel>], iteration_bounds = array<i64: 2, 16>, scalar_prefetch = 0 : i64, scratch_operands = 9 : i64, tpu.core_type = #tpu.core_type<sc_vector_subcore>, window_params = [{transform_indices = #map}, {transform_indices = #map1}, {transform_indices = #map1}, {transform_indices = #map2}]} {
    %mul3A = arith.constant 16 : i32
    %mul3A_0 = arith.muli %arg0, %mul3A : i32
    %add3A = arith.addi %mul3A_0, %arg1 : i32
    %dma_start3A = arith.constant 0 : i32
    %dma_start3A_1 = arith.constant 0 : i32
    %dma_start3A_2 = arith.constant 0 : i32
    %dma_start3A_3 = arith.constant 0 : i32
    %dma_start3A_4 = tpu.memref_slice %arg6[%dma_start3A_1, %dma_start3A_2, %dma_start3A_3] : memref<2x8x128xi32, #tpu.memory_space<vmem>> -> memref<1x8x128xi32, #tpu.memory_space<vmem>>
    %dma_start3A_5 = tpu.memref_squeeze %dma_start3A_4 : memref<1x8x128xi32, #tpu.memory_space<vmem>> -> memref<8x128xi32, #tpu.memory_space<vmem>>
    %dma_start3A_6 = arith.constant 0 : i32
    %dma_start3A_7 = arith.constant 0 : i32
    %dma_start3A_8 = tpu.memref_slice %arg3[%add3A, %dma_start3A, %dma_start3A_6, %dma_start3A_7] : memref<32x10x8x128xi32, #tpu.memory_space<hbm>> -> memref<1x1x8x128xi32, #tpu.memory_space<hbm>>
    %dma_start3A_9 = tpu.memref_squeeze %dma_start3A_8 : memref<1x1x8x128xi32, #tpu.memory_space<hbm>> -> memref<8x128xi32, #tpu.memory_space<hbm>>
    %dma_start3A_10 = arith.constant 0 : i32
    %dma_start3A_11 = arith.constant 0 : i32
    %dma_start3A_12 = tpu.memref_slice %arg6[%dma_start3A_1, %dma_start3A_10, %dma_start3A_11] : memref<2x8x128xi32, #tpu.memory_space<vmem>> -> memref<1x8x128xi32, #tpu.memory_space<vmem>>
    %dma_start3A_13 = tpu.memref_squeeze %dma_start3A_12 : memref<1x8x128xi32, #tpu.memory_space<vmem>> -> memref<8x128xi32, #tpu.memory_space<vmem>>
    %dma_start3A_14 = arith.constant 0 : i32
    %dma_start3A_15 = arith.constant 0 : i32
    %dma_start3A_16 = tpu.memref_slice %arg3[%add3A, %dma_start3A, %dma_start3A_14, %dma_start3A_15] : memref<32x10x8x128xi32, #tpu.memory_space<hbm>> -> memref<1x1x8x128xi32, #tpu.memory_space<hbm>>
    %dma_start3A_17 = tpu.memref_squeeze %dma_start3A_16 : memref<1x1x8x128xi32, #tpu.memory_space<hbm>> -> memref<8x128xi32, #tpu.memory_space<hbm>>
    tpu.enqueue_dma source(%dma_start3A_17 : memref<8x128xi32, #tpu.memory_space<hbm>>) target(%dma_start3A_13 : memref<8x128xi32, #tpu.memory_space<vmem>>) target_semaphore(%arg11 : memref<!tpu.dma_semaphore, #tpu.memory_space<semaphore_mem>>)
    %dma_start3A_18 = arith.constant 0 : i32
    %dma_start3A_19 = arith.constant 0 : i32
    %dma_start3A_20 = arith.constant 0 : i32
    %dma_start3A_21 = arith.constant 0 : i32
    %dma_start3A_22 = tpu.memref_slice %arg7[%dma_start3A_19, %dma_start3A_20, %dma_start3A_21] : memref<2x8x128xi32, #tpu.memory_space<vmem>> -> memref<1x8x128xi32, #tpu.memory_space<vmem>>
    %dma_start3A_23 = tpu.memref_squeeze %dma_start3A_22 : memref<1x8x128xi32, #tpu.memory_space<vmem>> -> memref<8x128xi32, #tpu.memory_space<vmem>>
    %dma_start3A_24 = arith.constant 0 : i32
    %dma_start3A_25 = arith.constant 0 : i32
    %dma_start3A_26 = tpu.memref_slice %arg4[%add3A, %dma_start3A_18, %dma_start3A_24, %dma_start3A_25] : memref<32x10x8x128xi32, #tpu.memory_space<hbm>> -> memref<1x1x8x128xi32, #tpu.memory_space<hbm>>
    %dma_start3A_27 = tpu.memref_squeeze %dma_start3A_26 : memref<1x1x8x128xi32, #tpu.memory_space<hbm>> -> memref<8x128xi32, #tpu.memory_space<hbm>>
    %dma_start3A_28 = arith.constant 0 : i32
    %dma_start3A_29 = arith.constant 0 : i32
    %dma_start3A_30 = tpu.memref_slice %arg7[%dma_start3A_19, %dma_start3A_28, %dma_start3A_29] : memref<2x8x128xi32, #tpu.memory_space<vmem>> -> memref<1x8x128xi32, #tpu.memory_space<vmem>>
    %dma_start3A_31 = tpu.memref_squeeze %dma_start3A_30 : memref<1x8x128xi32, #tpu.memory_space<vmem>> -> memref<8x128xi32, #tpu.memory_space<vmem>>
    %dma_start3A_32 = arith.constant 0 : i32
    %dma_start3A_33 = arith.constant 0 : i32
    %dma_start3A_34 = tpu.memref_slice %arg4[%add3A, %dma_start3A_18, %dma_start3A_32, %dma_start3A_33] : memref<32x10x8x128xi32, #tpu.memory_space<hbm>> -> memref<1x1x8x128xi32, #tpu.memory_space<hbm>>
    %dma_start3A_35 = tpu.memref_squeeze %dma_start3A_34 : memref<1x1x8x128xi32, #tpu.memory_space<hbm>> -> memref<8x128xi32, #tpu.memory_space<hbm>>
    tpu.enqueue_dma source(%dma_start3A_35 : memref<8x128xi32, #tpu.memory_space<hbm>>) target(%dma_start3A_31 : memref<8x128xi32, #tpu.memory_space<vmem>>) target_semaphore(%arg11 : memref<!tpu.dma_semaphore, #tpu.memory_space<semaphore_mem>>)
    %dma_start3A_36 = arith.constant 1 : i32
    %dma_start3A_37 = arith.constant 1 : i32
    %dma_start3A_38 = arith.constant 0 : i32
    %dma_start3A_39 = arith.constant 0 : i32
    %dma_start3A_40 = tpu.memref_slice %arg6[%dma_start3A_37, %dma_start3A_38, %dma_start3A_39] : memref<2x8x128xi32, #tpu.memory_space<vmem>> -> memref<1x8x128xi32, #tpu.memory_space<vmem>>
    %dma_start3A_41 = tpu.memref_squeeze %dma_start3A_40 : memref<1x8x128xi32, #tpu.memory_space<vmem>> -> memref<8x128xi32, #tpu.memory_space<vmem>>
    %dma_start3A_42 = arith.constant 0 : i32
    %dma_start3A_43 = arith.constant 0 : i32
    %dma_start3A_44 = tpu.memref_slice %arg3[%add3A, %dma_start3A_36, %dma_start3A_42, %dma_start3A_43] : memref<32x10x8x128xi32, #tpu.memory_space<hbm>> -> memref<1x1x8x128xi32, #tpu.memory_space<hbm>>
    %dma_start3A_45 = tpu.memref_squeeze %dma_start3A_44 : memref<1x1x8x128xi32, #tpu.memory_space<hbm>> -> memref<8x128xi32, #tpu.memory_space<hbm>>
    %dma_start3A_46 = arith.constant 0 : i32
    %dma_start3A_47 = arith.constant 0 : i32
    %dma_start3A_48 = tpu.memref_slice %arg6[%dma_start3A_37, %dma_start3A_46, %dma_start3A_47] : memref<2x8x128xi32, #tpu.memory_space<vmem>> -> memref<1x8x128xi32, #tpu.memory_space<vmem>>
    %dma_start3A_49 = tpu.memref_squeeze %dma_start3A_48 : memref<1x8x128xi32, #tpu.memory_space<vmem>> -> memref<8x128xi32, #tpu.memory_space<vmem>>
    %dma_start3A_50 = arith.constant 0 : i32
    %dma_start3A_51 = arith.constant 0 : i32
    %dma_start3A_52 = tpu.memref_slice %arg3[%add3A, %dma_start3A_36, %dma_start3A_50, %dma_start3A_51] : memref<32x10x8x128xi32, #tpu.memory_space<hbm>> -> memref<1x1x8x128xi32, #tpu.memory_space<hbm>>
    %dma_start3A_53 = tpu.memref_squeeze %dma_start3A_52 : memref<1x1x8x128xi32, #tpu.memory_space<hbm>> -> memref<8x128xi32, #tpu.memory_space<hbm>>
    tpu.enqueue_dma source(%dma_start3A_53 : memref<8x128xi32, #tpu.memory_space<hbm>>) target(%dma_start3A_49 : memref<8x128xi32, #tpu.memory_space<vmem>>) target_semaphore(%arg12 : memref<!tpu.dma_semaphore, #tpu.memory_space<semaphore_mem>>)
    %dma_start3A_54 = arith.constant 1 : i32
    %dma_start3A_55 = arith.constant 1 : i32
    %dma_start3A_56 = arith.constant 0 : i32
    %dma_start3A_57 = arith.constant 0 : i32
    %dma_start3A_58 = tpu.memref_slice %arg7[%dma_start3A_55, %dma_start3A_56, %dma_start3A_57] : memref<2x8x128xi32, #tpu.memory_space<vmem>> -> memref<1x8x128xi32, #tpu.memory_space<vmem>>
    %dma_start3A_59 = tpu.memref_squeeze %dma_start3A_58 : memref<1x8x128xi32, #tpu.memory_space<vmem>> -> memref<8x128xi32, #tpu.memory_space<vmem>>
    %dma_start3A_60 = arith.constant 0 : i32
    %dma_start3A_61 = arith.constant 0 : i32
    %dma_start3A_62 = tpu.memref_slice %arg4[%add3A, %dma_start3A_54, %dma_start3A_60, %dma_start3A_61] : memref<32x10x8x128xi32, #tpu.memory_space<hbm>> -> memref<1x1x8x128xi32, #tpu.memory_space<hbm>>
    %dma_start3A_63 = tpu.memref_squeeze %dma_start3A_62 : memref<1x1x8x128xi32, #tpu.memory_space<hbm>> -> memref<8x128xi32, #tpu.memory_space<hbm>>
    %dma_start3A_64 = arith.constant 0 : i32
    %dma_start3A_65 = arith.constant 0 : i32
    %dma_start3A_66 = tpu.memref_slice %arg7[%dma_start3A_55, %dma_start3A_64, %dma_start3A_65] : memref<2x8x128xi32, #tpu.memory_space<vmem>> -> memref<1x8x128xi32, #tpu.memory_space<vmem>>
    %dma_start3A_67 = tpu.memref_squeeze %dma_start3A_66 : memref<1x8x128xi32, #tpu.memory_space<vmem>> -> memref<8x128xi32, #tpu.memory_space<vmem>>
    %dma_start3A_68 = arith.constant 0 : i32
    %dma_start3A_69 = arith.constant 0 : i32
    %dma_start3A_70 = tpu.memref_slice %arg4[%add3A, %dma_start3A_54, %dma_start3A_68, %dma_start3A_69] : memref<32x10x8x128xi32, #tpu.memory_space<hbm>> -> memref<1x1x8x128xi32, #tpu.memory_space<hbm>>
    %dma_start3A_71 = tpu.memref_squeeze %dma_start3A_70 : memref<1x1x8x128xi32, #tpu.memory_space<hbm>> -> memref<8x128xi32, #tpu.memory_space<hbm>>
    tpu.enqueue_dma source(%dma_start3A_71 : memref<8x128xi32, #tpu.memory_space<hbm>>) target(%dma_start3A_67 : memref<8x128xi32, #tpu.memory_space<vmem>>) target_semaphore(%arg12 : memref<!tpu.dma_semaphore, #tpu.memory_space<semaphore_mem>>)
    %mul3A_72 = arith.constant 640 : i32
    %mul3A_73 = arith.muli %arg1, %mul3A_72 : i32
    %mul3A_74 = arith.constant 640 : i32
    %mul3A_75 = arith.muli %arg1, %mul3A_74 : i32
    "tpu.region"() ({
      %run_scoped3A = tpu.sem_alloc : memref<!tpu.dma_semaphore, #tpu.memory_space<semaphore_mem>>
      %dma_start3A_129 = arith.constant 0 : i32
      %dma_start3A_130 = tpu.memref_slice %arg10[%mul3A_75, %dma_start3A_129] : memref<10240x128xf32, #tpu.memory_space<vmem_shared>> -> memref<640x128xf32, #tpu.memory_space<vmem_shared>>
      %dma_start3A_131 = arith.constant 0 : i32
      %dma_start3A_132 = tpu.memref_slice %arg2[%mul3A_73, %dma_start3A_131] : memref<10240x128xf32, #tpu.memory_space<hbm>> -> memref<640x128xf32, #tpu.memory_space<hbm>>
      tpu.enqueue_dma source(%dma_start3A_132 : memref<640x128xf32, #tpu.memory_space<hbm>>) target(%dma_start3A_130 : memref<640x128xf32, #tpu.memory_space<vmem_shared>>) target_semaphore(%run_scoped3A : memref<!tpu.dma_semaphore, #tpu.memory_space<semaphore_mem>>)
      %dma_wait3A_133 = arith.constant 0 : i32
      %dma_wait3A_134 = tpu.memref_slice %arg10[%mul3A_75, %dma_wait3A_133] : memref<10240x128xf32, #tpu.memory_space<vmem_shared>> -> memref<640x128xf32, #tpu.memory_space<vmem_shared>>
      %dma_wait3A_135 = arith.constant 0 : i32
      %dma_wait3A_136 = tpu.memref_slice %arg2[%mul3A_73, %dma_wait3A_135] : memref<10240x128xf32, #tpu.memory_space<hbm>> -> memref<640x128xf32, #tpu.memory_space<hbm>>
      tpu.wait_dma2 semaphore(%run_scoped3A : memref<!tpu.dma_semaphore, #tpu.memory_space<semaphore_mem>>) src(%dma_wait3A_136 : memref<640x128xf32, #tpu.memory_space<hbm>>) dst(%dma_wait3A_134 : memref<640x128xf32, #tpu.memory_space<vmem_shared>>)
      tpu.yield
    }) : () -> ()
    %barrier3A = arith.constant 0 : index
    tpu.barrier barrier_id(%barrier3A)
    %dma_wait3A = arith.constant 0 : i32
    %dma_wait3A_76 = arith.constant 0 : i32
    %dma_wait3A_77 = arith.constant 0 : i32
    %dma_wait3A_78 = arith.constant 0 : i32
    %dma_wait3A_79 = tpu.memref_slice %arg6[%dma_wait3A_76, %dma_wait3A_77, %dma_wait3A_78] : memref<2x8x128xi32, #tpu.memory_space<vmem>> -> memref<1x8x128xi32, #tpu.memory_space<vmem>>
    %dma_wait3A_80 = tpu.memref_squeeze %dma_wait3A_79 : memref<1x8x128xi32, #tpu.memory_space<vmem>> -> memref<8x128xi32, #tpu.memory_space<vmem>>
    %dma_wait3A_81 = arith.constant 0 : i32
    %dma_wait3A_82 = arith.constant 0 : i32
    %dma_wait3A_83 = tpu.memref_slice %arg3[%add3A, %dma_wait3A, %dma_wait3A_81, %dma_wait3A_82] : memref<32x10x8x128xi32, #tpu.memory_space<hbm>> -> memref<1x1x8x128xi32, #tpu.memory_space<hbm>>
    %dma_wait3A_84 = tpu.memref_squeeze %dma_wait3A_83 : memref<1x1x8x128xi32, #tpu.memory_space<hbm>> -> memref<8x128xi32, #tpu.memory_space<hbm>>
    %dma_wait3A_85 = arith.constant 0 : i32
    %dma_wait3A_86 = arith.constant 0 : i32
    %dma_wait3A_87 = tpu.memref_slice %arg6[%dma_wait3A_76, %dma_wait3A_85, %dma_wait3A_86] : memref<2x8x128xi32, #tpu.memory_space<vmem>> -> memref<1x8x128xi32, #tpu.memory_space<vmem>>
    %dma_wait3A_88 = tpu.memref_squeeze %dma_wait3A_87 : memref<1x8x128xi32, #tpu.memory_space<vmem>> -> memref<8x128xi32, #tpu.memory_space<vmem>>
    %dma_wait3A_89 = arith.constant 0 : i32
    %dma_wait3A_90 = arith.constant 0 : i32
    %dma_wait3A_91 = tpu.memref_slice %arg3[%add3A, %dma_wait3A, %dma_wait3A_89, %dma_wait3A_90] : memref<32x10x8x128xi32, #tpu.memory_space<hbm>> -> memref<1x1x8x128xi32, #tpu.memory_space<hbm>>
    %dma_wait3A_92 = tpu.memref_squeeze %dma_wait3A_91 : memref<1x1x8x128xi32, #tpu.memory_space<hbm>> -> memref<8x128xi32, #tpu.memory_space<hbm>>
    tpu.wait_dma2 semaphore(%arg11 : memref<!tpu.dma_semaphore, #tpu.memory_space<semaphore_mem>>) src(%dma_wait3A_92 : memref<8x128xi32, #tpu.memory_space<hbm>>) dst(%dma_wait3A_88 : memref<8x128xi32, #tpu.memory_space<vmem>>)
    %dma_wait3A_93 = arith.constant 0 : i32
    %dma_wait3A_94 = arith.constant 0 : i32
    %dma_wait3A_95 = arith.constant 0 : i32
    %dma_wait3A_96 = arith.constant 0 : i32
    %dma_wait3A_97 = tpu.memref_slice %arg7[%dma_wait3A_94, %dma_wait3A_95, %dma_wait3A_96] : memref<2x8x128xi32, #tpu.memory_space<vmem>> -> memref<1x8x128xi32, #tpu.memory_space<vmem>>
    %dma_wait3A_98 = tpu.memref_squeeze %dma_wait3A_97 : memref<1x8x128xi32, #tpu.memory_space<vmem>> -> memref<8x128xi32, #tpu.memory_space<vmem>>
    %dma_wait3A_99 = arith.constant 0 : i32
    %dma_wait3A_100 = arith.constant 0 : i32
    %dma_wait3A_101 = tpu.memref_slice %arg4[%add3A, %dma_wait3A_93, %dma_wait3A_99, %dma_wait3A_100] : memref<32x10x8x128xi32, #tpu.memory_space<hbm>> -> memref<1x1x8x128xi32, #tpu.memory_space<hbm>>
    %dma_wait3A_102 = tpu.memref_squeeze %dma_wait3A_101 : memref<1x1x8x128xi32, #tpu.memory_space<hbm>> -> memref<8x128xi32, #tpu.memory_space<hbm>>
    %dma_wait3A_103 = arith.constant 0 : i32
    %dma_wait3A_104 = arith.constant 0 : i32
    %dma_wait3A_105 = tpu.memref_slice %arg7[%dma_wait3A_94, %dma_wait3A_103, %dma_wait3A_104] : memref<2x8x128xi32, #tpu.memory_space<vmem>> -> memref<1x8x128xi32, #tpu.memory_space<vmem>>
    %dma_wait3A_106 = tpu.memref_squeeze %dma_wait3A_105 : memref<1x8x128xi32, #tpu.memory_space<vmem>> -> memref<8x128xi32, #tpu.memory_space<vmem>>
    %dma_wait3A_107 = arith.constant 0 : i32
    %dma_wait3A_108 = arith.constant 0 : i32
    %dma_wait3A_109 = tpu.memref_slice %arg4[%add3A, %dma_wait3A_93, %dma_wait3A_107, %dma_wait3A_108] : memref<32x10x8x128xi32, #tpu.memory_space<hbm>> -> memref<1x1x8x128xi32, #tpu.memory_space<hbm>>
    %dma_wait3A_110 = tpu.memref_squeeze %dma_wait3A_109 : memref<1x1x8x128xi32, #tpu.memory_space<hbm>> -> memref<8x128xi32, #tpu.memory_space<hbm>>
    tpu.wait_dma2 semaphore(%arg11 : memref<!tpu.dma_semaphore, #tpu.memory_space<semaphore_mem>>) src(%dma_wait3A_110 : memref<8x128xi32, #tpu.memory_space<hbm>>) dst(%dma_wait3A_106 : memref<8x128xi32, #tpu.memory_space<vmem>>)
    %dma_start3A_111 = arith.constant 0 : i32
    %dma_start3A_112 = arith.constant 0 : i32
    %dma_start3A_113 = arith.constant 0 : i32
    %dma_start3A_114 = tpu.memref_slice %arg6[%dma_start3A_111, %dma_start3A_112, %dma_start3A_113] : memref<2x8x128xi32, #tpu.memory_space<vmem>> -> memref<1x1x128xi32, #tpu.memory_space<vmem>>
    %dma_start3A_115 = tpu.memref_squeeze %dma_start3A_114 : memref<1x1x128xi32, #tpu.memory_space<vmem>> -> memref<128xi32, #tpu.memory_space<vmem>>
    %dma_start3A_116 = arith.constant 0 : i32
    %dma_start3A_117 = arith.constant 0 : i32
    %dma_start3A_118 = tpu.memref_slice %arg2[%dma_start3A_116, %dma_start3A_117] : memref<10240x128xf32, #tpu.memory_space<hbm>> -> memref<10240x128xf32, #tpu.memory_space<hbm>>
    tpu.enqueue_indirect_dma source(%dma_start3A_118 : memref<10240x128xf32, #tpu.memory_space<hbm>>) target(%arg8 : memref<128x128xf32, #tpu.memory_space<vmem>>) offsets(%dma_start3A_115 : memref<128xi32, #tpu.memory_space<vmem>>) semaphore(%arg13 : memref<!tpu.dma_semaphore, #tpu.memory_space<semaphore_mem>>)
    %scan3A = arith.constant 0 : i32
    %scan3A_119 = arith.constant 0 : i32
    %scan3A_120 = arith.constant 5 : i32
    %scan3A_121 = arith.addi %scan3A_119, %scan3A_120 : i32
    %scan3A_122 = arith.constant 1 : i32
    scf.for %scan3A_129 = %scan3A_119 to %scan3A_121 step %scan3A_122  : i32 {
      %mul3A_130 = arith.constant 2 : i32
      %mul3A_131 = arith.muli %scan3A_129, %mul3A_130 : i32
      %add3A_132 = arith.constant 0 : i32
      %add3A_133 = arith.addi %mul3A_131, %add3A_132 : i32
      %add3A_134 = arith.constant 1 : i32
      %add3A_135 = arith.addi %add3A_133, %add3A_134 : i32
      %lt3A = arith.constant 10 : i32
      %lt3A_136 = arith.cmpi slt, %add3A_135, %lt3A : i32
      %convert_element_type3A = arith.extui %lt3A_136 : i1 to i32
      %cond3A = arith.constant 0 : i32
      %cond3A_137 = arith.cmpi ne, %convert_element_type3A, %cond3A : i32
      scf.if %cond3A_137 {
        %add3A_448 = arith.constant 1 : i32
        %add3A_449 = arith.addi %add3A_133, %add3A_448 : i32
        %dma_wait3A_450 = arith.constant 1 : i32
        %dma_wait3A_451 = arith.constant 0 : i32
        %dma_wait3A_452 = arith.constant 0 : i32
        %dma_wait3A_453 = tpu.memref_slice %arg6[%dma_wait3A_450, %dma_wait3A_451, %dma_wait3A_452] : memref<2x8x128xi32, #tpu.memory_space<vmem>> -> memref<1x8x128xi32, #tpu.memory_space<vmem>>
        %dma_wait3A_454 = tpu.memref_squeeze %dma_wait3A_453 : memref<1x8x128xi32, #tpu.memory_space<vmem>> -> memref<8x128xi32, #tpu.memory_space<vmem>>
        %dma_wait3A_455 = arith.constant 0 : i32
        %dma_wait3A_456 = arith.constant 0 : i32
        %dma_wait3A_457 = tpu.memref_slice %arg3[%add3A, %add3A_449, %dma_wait3A_455, %dma_wait3A_456] : memref<32x10x8x128xi32, #tpu.memory_space<hbm>> -> memref<1x1x8x128xi32, #tpu.memory_space<hbm>>
        %dma_wait3A_458 = tpu.memref_squeeze %dma_wait3A_457 : memref<1x1x8x128xi32, #tpu.memory_space<hbm>> -> memref<8x128xi32, #tpu.memory_space<hbm>>
        %dma_wait3A_459 = arith.constant 0 : i32
        %dma_wait3A_460 = arith.constant 0 : i32
        %dma_wait3A_461 = tpu.memref_slice %arg6[%dma_wait3A_450, %dma_wait3A_459, %dma_wait3A_460] : memref<2x8x128xi32, #tpu.memory_space<vmem>> -> memref<1x8x128xi32, #tpu.memory_space<vmem>>
        %dma_wait3A_462 = tpu.memref_squeeze %dma_wait3A_461 : memref<1x8x128xi32, #tpu.memory_space<vmem>> -> memref<8x128xi32, #tpu.memory_space<vmem>>
        %dma_wait3A_463 = arith.constant 0 : i32
        %dma_wait3A_464 = arith.constant 0 : i32
        %dma_wait3A_465 = tpu.memref_slice %arg3[%add3A, %add3A_449, %dma_wait3A_463, %dma_wait3A_464] : memref<32x10x8x128xi32, #tpu.memory_space<hbm>> -> memref<1x1x8x128xi32, #tpu.memory_space<hbm>>
        %dma_wait3A_466 = tpu.memref_squeeze %dma_wait3A_465 : memref<1x1x8x128xi32, #tpu.memory_space<hbm>> -> memref<8x128xi32, #tpu.memory_space<hbm>>
        tpu.wait_dma2 semaphore(%arg12 : memref<!tpu.dma_semaphore, #tpu.memory_space<semaphore_mem>>) src(%dma_wait3A_466 : memref<8x128xi32, #tpu.memory_space<hbm>>) dst(%dma_wait3A_462 : memref<8x128xi32, #tpu.memory_space<vmem>>)
        %dma_wait3A_467 = arith.constant 1 : i32
        %dma_wait3A_468 = arith.constant 0 : i32
        %dma_wait3A_469 = arith.constant 0 : i32
        %dma_wait3A_470 = tpu.memref_slice %arg7[%dma_wait3A_467, %dma_wait3A_468, %dma_wait3A_469] : memref<2x8x128xi32, #tpu.memory_space<vmem>> -> memref<1x8x128xi32, #tpu.memory_space<vmem>>
        %dma_wait3A_471 = tpu.memref_squeeze %dma_wait3A_470 : memref<1x8x128xi32, #tpu.memory_space<vmem>> -> memref<8x128xi32, #tpu.memory_space<vmem>>
        %dma_wait3A_472 = arith.constant 0 : i32
        %dma_wait3A_473 = arith.constant 0 : i32
        %dma_wait3A_474 = tpu.memref_slice %arg4[%add3A, %add3A_449, %dma_wait3A_472, %dma_wait3A_473] : memref<32x10x8x128xi32, #tpu.memory_space<hbm>> -> memref<1x1x8x128xi32, #tpu.memory_space<hbm>>
        %dma_wait3A_475 = tpu.memref_squeeze %dma_wait3A_474 : memref<1x1x8x128xi32, #tpu.memory_space<hbm>> -> memref<8x128xi32, #tpu.memory_space<hbm>>
        %dma_wait3A_476 = arith.constant 0 : i32
        %dma_wait3A_477 = arith.constant 0 : i32
        %dma_wait3A_478 = tpu.memref_slice %arg7[%dma_wait3A_467, %dma_wait3A_476, %dma_wait3A_477] : memref<2x8x128xi32, #tpu.memory_space<vmem>> -> memref<1x8x128xi32, #tpu.memory_space<vmem>>
        %dma_wait3A_479 = tpu.memref_squeeze %dma_wait3A_478 : memref<1x8x128xi32, #tpu.memory_space<vmem>> -> memref<8x128xi32, #tpu.memory_space<vmem>>
        %dma_wait3A_480 = arith.constant 0 : i32
        %dma_wait3A_481 = arith.constant 0 : i32
        %dma_wait3A_482 = tpu.memref_slice %arg4[%add3A, %add3A_449, %dma_wait3A_480, %dma_wait3A_481] : memref<32x10x8x128xi32, #tpu.memory_space<hbm>> -> memref<1x1x8x128xi32, #tpu.memory_space<hbm>>
        %dma_wait3A_483 = tpu.memref_squeeze %dma_wait3A_482 : memref<1x1x8x128xi32, #tpu.memory_space<hbm>> -> memref<8x128xi32, #tpu.memory_space<hbm>>
        tpu.wait_dma2 semaphore(%arg12 : memref<!tpu.dma_semaphore, #tpu.memory_space<semaphore_mem>>) src(%dma_wait3A_483 : memref<8x128xi32, #tpu.memory_space<hbm>>) dst(%dma_wait3A_479 : memref<8x128xi32, #tpu.memory_space<vmem>>)
      } else {
      }
      %dma_start3A_138 = arith.constant 0 : i32
      %dma_start3A_139 = arith.constant 1 : i32
      %dma_start3A_140 = arith.constant 0 : i32
      %dma_start3A_141 = tpu.memref_slice %arg6[%dma_start3A_138, %dma_start3A_139, %dma_start3A_140] : memref<2x8x128xi32, #tpu.memory_space<vmem>> -> memref<1x1x128xi32, #tpu.memory_space<vmem>>
      %dma_start3A_142 = tpu.memref_squeeze %dma_start3A_141 : memref<1x1x128xi32, #tpu.memory_space<vmem>> -> memref<128xi32, #tpu.memory_space<vmem>>
      %dma_start3A_143 = arith.constant 0 : i32
      %dma_start3A_144 = arith.constant 0 : i32
      %dma_start3A_145 = tpu.memref_slice %arg2[%dma_start3A_143, %dma_start3A_144] : memref<10240x128xf32, #tpu.memory_space<hbm>> -> memref<10240x128xf32, #tpu.memory_space<hbm>>
      tpu.enqueue_indirect_dma source(%dma_start3A_145 : memref<10240x128xf32, #tpu.memory_space<hbm>>) target(%arg9 : memref<128x128xf32, #tpu.memory_space<vmem>>) offsets(%dma_start3A_142 : memref<128xi32, #tpu.memory_space<vmem>>) semaphore(%arg14 : memref<!tpu.dma_semaphore, #tpu.memory_space<semaphore_mem>>)
      %dma_wait3A_146 = arith.constant 0 : i32
      %dma_wait3A_147 = arith.constant 0 : i32
      %dma_wait3A_148 = arith.constant 0 : i32
      %dma_wait3A_149 = tpu.memref_slice %arg6[%dma_wait3A_146, %dma_wait3A_147, %dma_wait3A_148] : memref<2x8x128xi32, #tpu.memory_space<vmem>> -> memref<1x1x128xi32, #tpu.memory_space<vmem>>
      %dma_wait3A_150 = tpu.memref_squeeze %dma_wait3A_149 : memref<1x1x128xi32, #tpu.memory_space<vmem>> -> memref<128xi32, #tpu.memory_space<vmem>>
      %dma_wait3A_151 = arith.constant 0 : i32
      %dma_wait3A_152 = arith.constant 0 : i32
      %dma_wait3A_153 = tpu.memref_slice %arg2[%dma_wait3A_151, %dma_wait3A_152] : memref<10240x128xf32, #tpu.memory_space<hbm>> -> memref<10240x128xf32, #tpu.memory_space<hbm>>
      tpu.wait_indirect_dma semaphore(%arg13 : memref<!tpu.dma_semaphore, #tpu.memory_space<semaphore_mem>>) src(%dma_wait3A_153 : memref<10240x128xf32, #tpu.memory_space<hbm>>) dst(%arg8 : memref<128x128xf32, #tpu.memory_space<vmem>>)
      %run_scoped3A = arith.constant 0 : i32
      %run_scoped3A_154 = arith.constant 0 : i32
      "tpu.region"() ({
        %run_scoped3A_448 = tpu.sem_alloc : memref<!tpu.dma_semaphore, #tpu.memory_space<semaphore_mem>>
        %dma_start3A_449 = arith.constant 0 : i32
        %dma_start3A_450 = tpu.memref_slice %arg7[%run_scoped3A, %run_scoped3A_154, %dma_start3A_449] : memref<2x8x128xi32, #tpu.memory_space<vmem>> -> memref<1x1x128xi32, #tpu.memory_space<vmem>>
        %dma_start3A_451 = tpu.memref_squeeze %dma_start3A_450 : memref<1x1x128xi32, #tpu.memory_space<vmem>> -> memref<128xi32, #tpu.memory_space<vmem>>
        %dma_start3A_452 = arith.constant 0 : i32
        %dma_start3A_453 = arith.constant 0 : i32
        %dma_start3A_454 = tpu.memref_slice %arg10[%dma_start3A_452, %dma_start3A_453] : memref<10240x128xf32, #tpu.memory_space<vmem_shared>> -> memref<10240x128xf32, #tpu.memory_space<vmem_shared>>
        tpu.enqueue_indirect_dma source(%arg8 : memref<128x128xf32, #tpu.memory_space<vmem>>) target(%dma_start3A_454 : memref<10240x128xf32, #tpu.memory_space<vmem_shared>>) offsets(%dma_start3A_451 : memref<128xi32, #tpu.memory_space<vmem>>) semaphore(%run_scoped3A_448 : memref<!tpu.dma_semaphore, #tpu.memory_space<semaphore_mem>>) {add = true}
        %dma_wait3A_455 = arith.constant 0 : i32
        %dma_wait3A_456 = tpu.memref_slice %arg7[%run_scoped3A, %run_scoped3A_154, %dma_wait3A_455] : memref<2x8x128xi32, #tpu.memory_space<vmem>> -> memref<1x1x128xi32, #tpu.memory_space<vmem>>
        %dma_wait3A_457 = tpu.memref_squeeze %dma_wait3A_456 : memref<1x1x128xi32, #tpu.memory_space<vmem>> -> memref<128xi32, #tpu.memory_space<vmem>>
        %dma_wait3A_458 = arith.constant 0 : i32
        %dma_wait3A_459 = arith.constant 0 : i32
        %dma_wait3A_460 = tpu.memref_slice %arg10[%dma_wait3A_458, %dma_wait3A_459] : memref<10240x128xf32, #tpu.memory_space<vmem_shared>> -> memref<10240x128xf32, #tpu.memory_space<vmem_shared>>
        tpu.wait_indirect_dma semaphore(%run_scoped3A_448 : memref<!tpu.dma_semaphore, #tpu.memory_space<semaphore_mem>>) src(%arg8 : memref<128x128xf32, #tpu.memory_space<vmem>>) dst(%dma_wait3A_460 : memref<10240x128xf32, #tpu.memory_space<vmem_shared>>)
        tpu.yield
      }) : () -> ()
      %dma_start3A_155 = arith.constant 0 : i32
      %dma_start3A_156 = arith.constant 2 : i32
      %dma_start3A_157 = arith.constant 0 : i32
      %dma_start3A_158 = tpu.memref_slice %arg6[%dma_start3A_155, %dma_start3A_156, %dma_start3A_157] : memref<2x8x128xi32, #tpu.memory_space<vmem>> -> memref<1x1x128xi32, #tpu.memory_space<vmem>>
      %dma_start3A_159 = tpu.memref_squeeze %dma_start3A_158 : memref<1x1x128xi32, #tpu.memory_space<vmem>> -> memref<128xi32, #tpu.memory_space<vmem>>
      %dma_start3A_160 = arith.constant 0 : i32
      %dma_start3A_161 = arith.constant 0 : i32
      %dma_start3A_162 = tpu.memref_slice %arg2[%dma_start3A_160, %dma_start3A_161] : memref<10240x128xf32, #tpu.memory_space<hbm>> -> memref<10240x128xf32, #tpu.memory_space<hbm>>
      tpu.enqueue_indirect_dma source(%dma_start3A_162 : memref<10240x128xf32, #tpu.memory_space<hbm>>) target(%arg8 : memref<128x128xf32, #tpu.memory_space<vmem>>) offsets(%dma_start3A_159 : memref<128xi32, #tpu.memory_space<vmem>>) semaphore(%arg13 : memref<!tpu.dma_semaphore, #tpu.memory_space<semaphore_mem>>)
      %dma_wait3A_163 = arith.constant 0 : i32
      %dma_wait3A_164 = arith.constant 1 : i32
      %dma_wait3A_165 = arith.constant 0 : i32
      %dma_wait3A_166 = tpu.memref_slice %arg6[%dma_wait3A_163, %dma_wait3A_164, %dma_wait3A_165] : memref<2x8x128xi32, #tpu.memory_space<vmem>> -> memref<1x1x128xi32, #tpu.memory_space<vmem>>
      %dma_wait3A_167 = tpu.memref_squeeze %dma_wait3A_166 : memref<1x1x128xi32, #tpu.memory_space<vmem>> -> memref<128xi32, #tpu.memory_space<vmem>>
      %dma_wait3A_168 = arith.constant 0 : i32
      %dma_wait3A_169 = arith.constant 0 : i32
      %dma_wait3A_170 = tpu.memref_slice %arg2[%dma_wait3A_168, %dma_wait3A_169] : memref<10240x128xf32, #tpu.memory_space<hbm>> -> memref<10240x128xf32, #tpu.memory_space<hbm>>
      tpu.wait_indirect_dma semaphore(%arg14 : memref<!tpu.dma_semaphore, #tpu.memory_space<semaphore_mem>>) src(%dma_wait3A_170 : memref<10240x128xf32, #tpu.memory_space<hbm>>) dst(%arg9 : memref<128x128xf32, #tpu.memory_space<vmem>>)
      %run_scoped3A_171 = arith.constant 0 : i32
      %run_scoped3A_172 = arith.constant 1 : i32
      "tpu.region"() ({
        %run_scoped3A_448 = tpu.sem_alloc : memref<!tpu.dma_semaphore, #tpu.memory_space<semaphore_mem>>
        %dma_start3A_449 = arith.constant 0 : i32
        %dma_start3A_450 = tpu.memref_slice %arg7[%run_scoped3A_171, %run_scoped3A_172, %dma_start3A_449] : memref<2x8x128xi32, #tpu.memory_space<vmem>> -> memref<1x1x128xi32, #tpu.memory_space<vmem>>
        %dma_start3A_451 = tpu.memref_squeeze %dma_start3A_450 : memref<1x1x128xi32, #tpu.memory_space<vmem>> -> memref<128xi32, #tpu.memory_space<vmem>>
        %dma_start3A_452 = arith.constant 0 : i32
        %dma_start3A_453 = arith.constant 0 : i32
        %dma_start3A_454 = tpu.memref_slice %arg10[%dma_start3A_452, %dma_start3A_453] : memref<10240x128xf32, #tpu.memory_space<vmem_shared>> -> memref<10240x128xf32, #tpu.memory_space<vmem_shared>>
        tpu.enqueue_indirect_dma source(%arg9 : memref<128x128xf32, #tpu.memory_space<vmem>>) target(%dma_start3A_454 : memref<10240x128xf32, #tpu.memory_space<vmem_shared>>) offsets(%dma_start3A_451 : memref<128xi32, #tpu.memory_space<vmem>>) semaphore(%run_scoped3A_448 : memref<!tpu.dma_semaphore, #tpu.memory_space<semaphore_mem>>) {add = true}
        %dma_wait3A_455 = arith.constant 0 : i32
        %dma_wait3A_456 = tpu.memref_slice %arg7[%run_scoped3A_171, %run_scoped3A_172, %dma_wait3A_455] : memref<2x8x128xi32, #tpu.memory_space<vmem>> -> memref<1x1x128xi32, #tpu.memory_space<vmem>>
        %dma_wait3A_457 = tpu.memref_squeeze %dma_wait3A_456 : memref<1x1x128xi32, #tpu.memory_space<vmem>> -> memref<128xi32, #tpu.memory_space<vmem>>
        %dma_wait3A_458 = arith.constant 0 : i32
        %dma_wait3A_459 = arith.constant 0 : i32
        %dma_wait3A_460 = tpu.memref_slice %arg10[%dma_wait3A_458, %dma_wait3A_459] : memref<10240x128xf32, #tpu.memory_space<vmem_shared>> -> memref<10240x128xf32, #tpu.memory_space<vmem_shared>>
        tpu.wait_indirect_dma semaphore(%run_scoped3A_448 : memref<!tpu.dma_semaphore, #tpu.memory_space<semaphore_mem>>) src(%arg9 : memref<128x128xf32, #tpu.memory_space<vmem>>) dst(%dma_wait3A_460 : memref<10240x128xf32, #tpu.memory_space<vmem_shared>>)
        tpu.yield
      }) : () -> ()
      %dma_start3A_173 = arith.constant 0 : i32
      %dma_start3A_174 = arith.constant 3 : i32
      %dma_start3A_175 = arith.constant 0 : i32
      %dma_start3A_176 = tpu.memref_slice %arg6[%dma_start3A_173, %dma_start3A_174, %dma_start3A_175] : memref<2x8x128xi32, #tpu.memory_space<vmem>> -> memref<1x1x128xi32, #tpu.memory_space<vmem>>
      %dma_start3A_177 = tpu.memref_squeeze %dma_start3A_176 : memref<1x1x128xi32, #tpu.memory_space<vmem>> -> memref<128xi32, #tpu.memory_space<vmem>>
      %dma_start3A_178 = arith.constant 0 : i32
      %dma_start3A_179 = arith.constant 0 : i32
      %dma_start3A_180 = tpu.memref_slice %arg2[%dma_start3A_178, %dma_start3A_179] : memref<10240x128xf32, #tpu.memory_space<hbm>> -> memref<10240x128xf32, #tpu.memory_space<hbm>>
      tpu.enqueue_indirect_dma source(%dma_start3A_180 : memref<10240x128xf32, #tpu.memory_space<hbm>>) target(%arg9 : memref<128x128xf32, #tpu.memory_space<vmem>>) offsets(%dma_start3A_177 : memref<128xi32, #tpu.memory_space<vmem>>) semaphore(%arg14 : memref<!tpu.dma_semaphore, #tpu.memory_space<semaphore_mem>>)
      %dma_wait3A_181 = arith.constant 0 : i32
      %dma_wait3A_182 = arith.constant 2 : i32
      %dma_wait3A_183 = arith.constant 0 : i32
      %dma_wait3A_184 = tpu.memref_slice %arg6[%dma_wait3A_181, %dma_wait3A_182, %dma_wait3A_183] : memref<2x8x128xi32, #tpu.memory_space<vmem>> -> memref<1x1x128xi32, #tpu.memory_space<vmem>>
      %dma_wait3A_185 = tpu.memref_squeeze %dma_wait3A_184 : memref<1x1x128xi32, #tpu.memory_space<vmem>> -> memref<128xi32, #tpu.memory_space<vmem>>
      %dma_wait3A_186 = arith.constant 0 : i32
      %dma_wait3A_187 = arith.constant 0 : i32
      %dma_wait3A_188 = tpu.memref_slice %arg2[%dma_wait3A_186, %dma_wait3A_187] : memref<10240x128xf32, #tpu.memory_space<hbm>> -> memref<10240x128xf32, #tpu.memory_space<hbm>>
      tpu.wait_indirect_dma semaphore(%arg13 : memref<!tpu.dma_semaphore, #tpu.memory_space<semaphore_mem>>) src(%dma_wait3A_188 : memref<10240x128xf32, #tpu.memory_space<hbm>>) dst(%arg8 : memref<128x128xf32, #tpu.memory_space<vmem>>)
      %run_scoped3A_189 = arith.constant 0 : i32
      %run_scoped3A_190 = arith.constant 2 : i32
      "tpu.region"() ({
        %run_scoped3A_448 = tpu.sem_alloc : memref<!tpu.dma_semaphore, #tpu.memory_space<semaphore_mem>>
        %dma_start3A_449 = arith.constant 0 : i32
        %dma_start3A_450 = tpu.memref_slice %arg7[%run_scoped3A_189, %run_scoped3A_190, %dma_start3A_449] : memref<2x8x128xi32, #tpu.memory_space<vmem>> -> memref<1x1x128xi32, #tpu.memory_space<vmem>>
        %dma_start3A_451 = tpu.memref_squeeze %dma_start3A_450 : memref<1x1x128xi32, #tpu.memory_space<vmem>> -> memref<128xi32, #tpu.memory_space<vmem>>
        %dma_start3A_452 = arith.constant 0 : i32
        %dma_start3A_453 = arith.constant 0 : i32
        %dma_start3A_454 = tpu.memref_slice %arg10[%dma_start3A_452, %dma_start3A_453] : memref<10240x128xf32, #tpu.memory_space<vmem_shared>> -> memref<10240x128xf32, #tpu.memory_space<vmem_shared>>
        tpu.enqueue_indirect_dma source(%arg8 : memref<128x128xf32, #tpu.memory_space<vmem>>) target(%dma_start3A_454 : memref<10240x128xf32, #tpu.memory_space<vmem_shared>>) offsets(%dma_start3A_451 : memref<128xi32, #tpu.memory_space<vmem>>) semaphore(%run_scoped3A_448 : memref<!tpu.dma_semaphore, #tpu.memory_space<semaphore_mem>>) {add = true}
        %dma_wait3A_455 = arith.constant 0 : i32
        %dma_wait3A_456 = tpu.memref_slice %arg7[%run_scoped3A_189, %run_scoped3A_190, %dma_wait3A_455] : memref<2x8x128xi32, #tpu.memory_space<vmem>> -> memref<1x1x128xi32, #tpu.memory_space<vmem>>
        %dma_wait3A_457 = tpu.memref_squeeze %dma_wait3A_456 : memref<1x1x128xi32, #tpu.memory_space<vmem>> -> memref<128xi32, #tpu.memory_space<vmem>>
        %dma_wait3A_458 = arith.constant 0 : i32
        %dma_wait3A_459 = arith.constant 0 : i32
        %dma_wait3A_460 = tpu.memref_slice %arg10[%dma_wait3A_458, %dma_wait3A_459] : memref<10240x128xf32, #tpu.memory_space<vmem_shared>> -> memref<10240x128xf32, #tpu.memory_space<vmem_shared>>
        tpu.wait_indirect_dma semaphore(%run_scoped3A_448 : memref<!tpu.dma_semaphore, #tpu.memory_space<semaphore_mem>>) src(%arg8 : memref<128x128xf32, #tpu.memory_space<vmem>>) dst(%dma_wait3A_460 : memref<10240x128xf32, #tpu.memory_space<vmem_shared>>)
        tpu.yield
      }) : () -> ()
      %dma_start3A_191 = arith.constant 0 : i32
      %dma_start3A_192 = arith.constant 4 : i32
      %dma_start3A_193 = arith.constant 0 : i32
      %dma_start3A_194 = tpu.memref_slice %arg6[%dma_start3A_191, %dma_start3A_192, %dma_start3A_193] : memref<2x8x128xi32, #tpu.memory_space<vmem>> -> memref<1x1x128xi32, #tpu.memory_space<vmem>>
      %dma_start3A_195 = tpu.memref_squeeze %dma_start3A_194 : memref<1x1x128xi32, #tpu.memory_space<vmem>> -> memref<128xi32, #tpu.memory_space<vmem>>
      %dma_start3A_196 = arith.constant 0 : i32
      %dma_start3A_197 = arith.constant 0 : i32
      %dma_start3A_198 = tpu.memref_slice %arg2[%dma_start3A_196, %dma_start3A_197] : memref<10240x128xf32, #tpu.memory_space<hbm>> -> memref<10240x128xf32, #tpu.memory_space<hbm>>
      tpu.enqueue_indirect_dma source(%dma_start3A_198 : memref<10240x128xf32, #tpu.memory_space<hbm>>) target(%arg8 : memref<128x128xf32, #tpu.memory_space<vmem>>) offsets(%dma_start3A_195 : memref<128xi32, #tpu.memory_space<vmem>>) semaphore(%arg13 : memref<!tpu.dma_semaphore, #tpu.memory_space<semaphore_mem>>)
      %dma_wait3A_199 = arith.constant 0 : i32
      %dma_wait3A_200 = arith.constant 3 : i32
      %dma_wait3A_201 = arith.constant 0 : i32
      %dma_wait3A_202 = tpu.memref_slice %arg6[%dma_wait3A_199, %dma_wait3A_200, %dma_wait3A_201] : memref<2x8x128xi32, #tpu.memory_space<vmem>> -> memref<1x1x128xi32, #tpu.memory_space<vmem>>
      %dma_wait3A_203 = tpu.memref_squeeze %dma_wait3A_202 : memref<1x1x128xi32, #tpu.memory_space<vmem>> -> memref<128xi32, #tpu.memory_space<vmem>>
      %dma_wait3A_204 = arith.constant 0 : i32
      %dma_wait3A_205 = arith.constant 0 : i32
      %dma_wait3A_206 = tpu.memref_slice %arg2[%dma_wait3A_204, %dma_wait3A_205] : memref<10240x128xf32, #tpu.memory_space<hbm>> -> memref<10240x128xf32, #tpu.memory_space<hbm>>
      tpu.wait_indirect_dma semaphore(%arg14 : memref<!tpu.dma_semaphore, #tpu.memory_space<semaphore_mem>>) src(%dma_wait3A_206 : memref<10240x128xf32, #tpu.memory_space<hbm>>) dst(%arg9 : memref<128x128xf32, #tpu.memory_space<vmem>>)
      %run_scoped3A_207 = arith.constant 0 : i32
      %run_scoped3A_208 = arith.constant 3 : i32
      "tpu.region"() ({
        %run_scoped3A_448 = tpu.sem_alloc : memref<!tpu.dma_semaphore, #tpu.memory_space<semaphore_mem>>
        %dma_start3A_449 = arith.constant 0 : i32
        %dma_start3A_450 = tpu.memref_slice %arg7[%run_scoped3A_207, %run_scoped3A_208, %dma_start3A_449] : memref<2x8x128xi32, #tpu.memory_space<vmem>> -> memref<1x1x128xi32, #tpu.memory_space<vmem>>
        %dma_start3A_451 = tpu.memref_squeeze %dma_start3A_450 : memref<1x1x128xi32, #tpu.memory_space<vmem>> -> memref<128xi32, #tpu.memory_space<vmem>>
        %dma_start3A_452 = arith.constant 0 : i32
        %dma_start3A_453 = arith.constant 0 : i32
        %dma_start3A_454 = tpu.memref_slice %arg10[%dma_start3A_452, %dma_start3A_453] : memref<10240x128xf32, #tpu.memory_space<vmem_shared>> -> memref<10240x128xf32, #tpu.memory_space<vmem_shared>>
        tpu.enqueue_indirect_dma source(%arg9 : memref<128x128xf32, #tpu.memory_space<vmem>>) target(%dma_start3A_454 : memref<10240x128xf32, #tpu.memory_space<vmem_shared>>) offsets(%dma_start3A_451 : memref<128xi32, #tpu.memory_space<vmem>>) semaphore(%run_scoped3A_448 : memref<!tpu.dma_semaphore, #tpu.memory_space<semaphore_mem>>) {add = true}
        %dma_wait3A_455 = arith.constant 0 : i32
        %dma_wait3A_456 = tpu.memref_slice %arg7[%run_scoped3A_207, %run_scoped3A_208, %dma_wait3A_455] : memref<2x8x128xi32, #tpu.memory_space<vmem>> -> memref<1x1x128xi32, #tpu.memory_space<vmem>>
        %dma_wait3A_457 = tpu.memref_squeeze %dma_wait3A_456 : memref<1x1x128xi32, #tpu.memory_space<vmem>> -> memref<128xi32, #tpu.memory_space<vmem>>
        %dma_wait3A_458 = arith.constant 0 : i32
        %dma_wait3A_459 = arith.constant 0 : i32
        %dma_wait3A_460 = tpu.memref_slice %arg10[%dma_wait3A_458, %dma_wait3A_459] : memref<10240x128xf32, #tpu.memory_space<vmem_shared>> -> memref<10240x128xf32, #tpu.memory_space<vmem_shared>>
        tpu.wait_indirect_dma semaphore(%run_scoped3A_448 : memref<!tpu.dma_semaphore, #tpu.memory_space<semaphore_mem>>) src(%arg9 : memref<128x128xf32, #tpu.memory_space<vmem>>) dst(%dma_wait3A_460 : memref<10240x128xf32, #tpu.memory_space<vmem_shared>>)
        tpu.yield
      }) : () -> ()
      %dma_start3A_209 = arith.constant 0 : i32
      %dma_start3A_210 = arith.constant 5 : i32
      %dma_start3A_211 = arith.constant 0 : i32
      %dma_start3A_212 = tpu.memref_slice %arg6[%dma_start3A_209, %dma_start3A_210, %dma_start3A_211] : memref<2x8x128xi32, #tpu.memory_space<vmem>> -> memref<1x1x128xi32, #tpu.memory_space<vmem>>
      %dma_start3A_213 = tpu.memref_squeeze %dma_start3A_212 : memref<1x1x128xi32, #tpu.memory_space<vmem>> -> memref<128xi32, #tpu.memory_space<vmem>>
      %dma_start3A_214 = arith.constant 0 : i32
      %dma_start3A_215 = arith.constant 0 : i32
      %dma_start3A_216 = tpu.memref_slice %arg2[%dma_start3A_214, %dma_start3A_215] : memref<10240x128xf32, #tpu.memory_space<hbm>> -> memref<10240x128xf32, #tpu.memory_space<hbm>>
      tpu.enqueue_indirect_dma source(%dma_start3A_216 : memref<10240x128xf32, #tpu.memory_space<hbm>>) target(%arg9 : memref<128x128xf32, #tpu.memory_space<vmem>>) offsets(%dma_start3A_213 : memref<128xi32, #tpu.memory_space<vmem>>) semaphore(%arg14 : memref<!tpu.dma_semaphore, #tpu.memory_space<semaphore_mem>>)
      %dma_wait3A_217 = arith.constant 0 : i32
      %dma_wait3A_218 = arith.constant 4 : i32
      %dma_wait3A_219 = arith.constant 0 : i32
      %dma_wait3A_220 = tpu.memref_slice %arg6[%dma_wait3A_217, %dma_wait3A_218, %dma_wait3A_219] : memref<2x8x128xi32, #tpu.memory_space<vmem>> -> memref<1x1x128xi32, #tpu.memory_space<vmem>>
      %dma_wait3A_221 = tpu.memref_squeeze %dma_wait3A_220 : memref<1x1x128xi32, #tpu.memory_space<vmem>> -> memref<128xi32, #tpu.memory_space<vmem>>
      %dma_wait3A_222 = arith.constant 0 : i32
      %dma_wait3A_223 = arith.constant 0 : i32
      %dma_wait3A_224 = tpu.memref_slice %arg2[%dma_wait3A_222, %dma_wait3A_223] : memref<10240x128xf32, #tpu.memory_space<hbm>> -> memref<10240x128xf32, #tpu.memory_space<hbm>>
      tpu.wait_indirect_dma semaphore(%arg13 : memref<!tpu.dma_semaphore, #tpu.memory_space<semaphore_mem>>) src(%dma_wait3A_224 : memref<10240x128xf32, #tpu.memory_space<hbm>>) dst(%arg8 : memref<128x128xf32, #tpu.memory_space<vmem>>)
      %run_scoped3A_225 = arith.constant 0 : i32
      %run_scoped3A_226 = arith.constant 4 : i32
      "tpu.region"() ({
        %run_scoped3A_448 = tpu.sem_alloc : memref<!tpu.dma_semaphore, #tpu.memory_space<semaphore_mem>>
        %dma_start3A_449 = arith.constant 0 : i32
        %dma_start3A_450 = tpu.memref_slice %arg7[%run_scoped3A_225, %run_scoped3A_226, %dma_start3A_449] : memref<2x8x128xi32, #tpu.memory_space<vmem>> -> memref<1x1x128xi32, #tpu.memory_space<vmem>>
        %dma_start3A_451 = tpu.memref_squeeze %dma_start3A_450 : memref<1x1x128xi32, #tpu.memory_space<vmem>> -> memref<128xi32, #tpu.memory_space<vmem>>
        %dma_start3A_452 = arith.constant 0 : i32
        %dma_start3A_453 = arith.constant 0 : i32
        %dma_start3A_454 = tpu.memref_slice %arg10[%dma_start3A_452, %dma_start3A_453] : memref<10240x128xf32, #tpu.memory_space<vmem_shared>> -> memref<10240x128xf32, #tpu.memory_space<vmem_shared>>
        tpu.enqueue_indirect_dma source(%arg8 : memref<128x128xf32, #tpu.memory_space<vmem>>) target(%dma_start3A_454 : memref<10240x128xf32, #tpu.memory_space<vmem_shared>>) offsets(%dma_start3A_451 : memref<128xi32, #tpu.memory_space<vmem>>) semaphore(%run_scoped3A_448 : memref<!tpu.dma_semaphore, #tpu.memory_space<semaphore_mem>>) {add = true}
        %dma_wait3A_455 = arith.constant 0 : i32
        %dma_wait3A_456 = tpu.memref_slice %arg7[%run_scoped3A_225, %run_scoped3A_226, %dma_wait3A_455] : memref<2x8x128xi32, #tpu.memory_space<vmem>> -> memref<1x1x128xi32, #tpu.memory_space<vmem>>
        %dma_wait3A_457 = tpu.memref_squeeze %dma_wait3A_456 : memref<1x1x128xi32, #tpu.memory_space<vmem>> -> memref<128xi32, #tpu.memory_space<vmem>>
        %dma_wait3A_458 = arith.constant 0 : i32
        %dma_wait3A_459 = arith.constant 0 : i32
        %dma_wait3A_460 = tpu.memref_slice %arg10[%dma_wait3A_458, %dma_wait3A_459] : memref<10240x128xf32, #tpu.memory_space<vmem_shared>> -> memref<10240x128xf32, #tpu.memory_space<vmem_shared>>
        tpu.wait_indirect_dma semaphore(%run_scoped3A_448 : memref<!tpu.dma_semaphore, #tpu.memory_space<semaphore_mem>>) src(%arg8 : memref<128x128xf32, #tpu.memory_space<vmem>>) dst(%dma_wait3A_460 : memref<10240x128xf32, #tpu.memory_space<vmem_shared>>)
        tpu.yield
      }) : () -> ()
      %dma_start3A_227 = arith.constant 0 : i32
      %dma_start3A_228 = arith.constant 6 : i32
      %dma_start3A_229 = arith.constant 0 : i32
      %dma_start3A_230 = tpu.memref_slice %arg6[%dma_start3A_227, %dma_start3A_228, %dma_start3A_229] : memref<2x8x128xi32, #tpu.memory_space<vmem>> -> memref<1x1x128xi32, #tpu.memory_space<vmem>>
      %dma_start3A_231 = tpu.memref_squeeze %dma_start3A_230 : memref<1x1x128xi32, #tpu.memory_space<vmem>> -> memref<128xi32, #tpu.memory_space<vmem>>
      %dma_start3A_232 = arith.constant 0 : i32
      %dma_start3A_233 = arith.constant 0 : i32
      %dma_start3A_234 = tpu.memref_slice %arg2[%dma_start3A_232, %dma_start3A_233] : memref<10240x128xf32, #tpu.memory_space<hbm>> -> memref<10240x128xf32, #tpu.memory_space<hbm>>
      tpu.enqueue_indirect_dma source(%dma_start3A_234 : memref<10240x128xf32, #tpu.memory_space<hbm>>) target(%arg8 : memref<128x128xf32, #tpu.memory_space<vmem>>) offsets(%dma_start3A_231 : memref<128xi32, #tpu.memory_space<vmem>>) semaphore(%arg13 : memref<!tpu.dma_semaphore, #tpu.memory_space<semaphore_mem>>)
      %dma_wait3A_235 = arith.constant 0 : i32
      %dma_wait3A_236 = arith.constant 5 : i32
      %dma_wait3A_237 = arith.constant 0 : i32
      %dma_wait3A_238 = tpu.memref_slice %arg6[%dma_wait3A_235, %dma_wait3A_236, %dma_wait3A_237] : memref<2x8x128xi32, #tpu.memory_space<vmem>> -> memref<1x1x128xi32, #tpu.memory_space<vmem>>
      %dma_wait3A_239 = tpu.memref_squeeze %dma_wait3A_238 : memref<1x1x128xi32, #tpu.memory_space<vmem>> -> memref<128xi32, #tpu.memory_space<vmem>>
      %dma_wait3A_240 = arith.constant 0 : i32
      %dma_wait3A_241 = arith.constant 0 : i32
      %dma_wait3A_242 = tpu.memref_slice %arg2[%dma_wait3A_240, %dma_wait3A_241] : memref<10240x128xf32, #tpu.memory_space<hbm>> -> memref<10240x128xf32, #tpu.memory_space<hbm>>
      tpu.wait_indirect_dma semaphore(%arg14 : memref<!tpu.dma_semaphore, #tpu.memory_space<semaphore_mem>>) src(%dma_wait3A_242 : memref<10240x128xf32, #tpu.memory_space<hbm>>) dst(%arg9 : memref<128x128xf32, #tpu.memory_space<vmem>>)
      %run_scoped3A_243 = arith.constant 0 : i32
      %run_scoped3A_244 = arith.constant 5 : i32
      "tpu.region"() ({
        %run_scoped3A_448 = tpu.sem_alloc : memref<!tpu.dma_semaphore, #tpu.memory_space<semaphore_mem>>
        %dma_start3A_449 = arith.constant 0 : i32
        %dma_start3A_450 = tpu.memref_slice %arg7[%run_scoped3A_243, %run_scoped3A_244, %dma_start3A_449] : memref<2x8x128xi32, #tpu.memory_space<vmem>> -> memref<1x1x128xi32, #tpu.memory_space<vmem>>
        %dma_start3A_451 = tpu.memref_squeeze %dma_start3A_450 : memref<1x1x128xi32, #tpu.memory_space<vmem>> -> memref<128xi32, #tpu.memory_space<vmem>>
        %dma_start3A_452 = arith.constant 0 : i32
        %dma_start3A_453 = arith.constant 0 : i32
        %dma_start3A_454 = tpu.memref_slice %arg10[%dma_start3A_452, %dma_start3A_453] : memref<10240x128xf32, #tpu.memory_space<vmem_shared>> -> memref<10240x128xf32, #tpu.memory_space<vmem_shared>>
        tpu.enqueue_indirect_dma source(%arg9 : memref<128x128xf32, #tpu.memory_space<vmem>>) target(%dma_start3A_454 : memref<10240x128xf32, #tpu.memory_space<vmem_shared>>) offsets(%dma_start3A_451 : memref<128xi32, #tpu.memory_space<vmem>>) semaphore(%run_scoped3A_448 : memref<!tpu.dma_semaphore, #tpu.memory_space<semaphore_mem>>) {add = true}
        %dma_wait3A_455 = arith.constant 0 : i32
        %dma_wait3A_456 = tpu.memref_slice %arg7[%run_scoped3A_243, %run_scoped3A_244, %dma_wait3A_455] : memref<2x8x128xi32, #tpu.memory_space<vmem>> -> memref<1x1x128xi32, #tpu.memory_space<vmem>>
        %dma_wait3A_457 = tpu.memref_squeeze %dma_wait3A_456 : memref<1x1x128xi32, #tpu.memory_space<vmem>> -> memref<128xi32, #tpu.memory_space<vmem>>
        %dma_wait3A_458 = arith.constant 0 : i32
        %dma_wait3A_459 = arith.constant 0 : i32
        %dma_wait3A_460 = tpu.memref_slice %arg10[%dma_wait3A_458, %dma_wait3A_459] : memref<10240x128xf32, #tpu.memory_space<vmem_shared>> -> memref<10240x128xf32, #tpu.memory_space<vmem_shared>>
        tpu.wait_indirect_dma semaphore(%run_scoped3A_448 : memref<!tpu.dma_semaphore, #tpu.memory_space<semaphore_mem>>) src(%arg9 : memref<128x128xf32, #tpu.memory_space<vmem>>) dst(%dma_wait3A_460 : memref<10240x128xf32, #tpu.memory_space<vmem_shared>>)
        tpu.yield
      }) : () -> ()
      %dma_start3A_245 = arith.constant 0 : i32
      %dma_start3A_246 = arith.constant 7 : i32
      %dma_start3A_247 = arith.constant 0 : i32
      %dma_start3A_248 = tpu.memref_slice %arg6[%dma_start3A_245, %dma_start3A_246, %dma_start3A_247] : memref<2x8x128xi32, #tpu.memory_space<vmem>> -> memref<1x1x128xi32, #tpu.memory_space<vmem>>
      %dma_start3A_249 = tpu.memref_squeeze %dma_start3A_248 : memref<1x1x128xi32, #tpu.memory_space<vmem>> -> memref<128xi32, #tpu.memory_space<vmem>>
      %dma_start3A_250 = arith.constant 0 : i32
      %dma_start3A_251 = arith.constant 0 : i32
      %dma_start3A_252 = tpu.memref_slice %arg2[%dma_start3A_250, %dma_start3A_251] : memref<10240x128xf32, #tpu.memory_space<hbm>> -> memref<10240x128xf32, #tpu.memory_space<hbm>>
      tpu.enqueue_indirect_dma source(%dma_start3A_252 : memref<10240x128xf32, #tpu.memory_space<hbm>>) target(%arg9 : memref<128x128xf32, #tpu.memory_space<vmem>>) offsets(%dma_start3A_249 : memref<128xi32, #tpu.memory_space<vmem>>) semaphore(%arg14 : memref<!tpu.dma_semaphore, #tpu.memory_space<semaphore_mem>>)
      %dma_wait3A_253 = arith.constant 0 : i32
      %dma_wait3A_254 = arith.constant 6 : i32
      %dma_wait3A_255 = arith.constant 0 : i32
      %dma_wait3A_256 = tpu.memref_slice %arg6[%dma_wait3A_253, %dma_wait3A_254, %dma_wait3A_255] : memref<2x8x128xi32, #tpu.memory_space<vmem>> -> memref<1x1x128xi32, #tpu.memory_space<vmem>>
      %dma_wait3A_257 = tpu.memref_squeeze %dma_wait3A_256 : memref<1x1x128xi32, #tpu.memory_space<vmem>> -> memref<128xi32, #tpu.memory_space<vmem>>
      %dma_wait3A_258 = arith.constant 0 : i32
      %dma_wait3A_259 = arith.constant 0 : i32
      %dma_wait3A_260 = tpu.memref_slice %arg2[%dma_wait3A_258, %dma_wait3A_259] : memref<10240x128xf32, #tpu.memory_space<hbm>> -> memref<10240x128xf32, #tpu.memory_space<hbm>>
      tpu.wait_indirect_dma semaphore(%arg13 : memref<!tpu.dma_semaphore, #tpu.memory_space<semaphore_mem>>) src(%dma_wait3A_260 : memref<10240x128xf32, #tpu.memory_space<hbm>>) dst(%arg8 : memref<128x128xf32, #tpu.memory_space<vmem>>)
      %run_scoped3A_261 = arith.constant 0 : i32
      %run_scoped3A_262 = arith.constant 6 : i32
      "tpu.region"() ({
        %run_scoped3A_448 = tpu.sem_alloc : memref<!tpu.dma_semaphore, #tpu.memory_space<semaphore_mem>>
        %dma_start3A_449 = arith.constant 0 : i32
        %dma_start3A_450 = tpu.memref_slice %arg7[%run_scoped3A_261, %run_scoped3A_262, %dma_start3A_449] : memref<2x8x128xi32, #tpu.memory_space<vmem>> -> memref<1x1x128xi32, #tpu.memory_space<vmem>>
        %dma_start3A_451 = tpu.memref_squeeze %dma_start3A_450 : memref<1x1x128xi32, #tpu.memory_space<vmem>> -> memref<128xi32, #tpu.memory_space<vmem>>
        %dma_start3A_452 = arith.constant 0 : i32
        %dma_start3A_453 = arith.constant 0 : i32
        %dma_start3A_454 = tpu.memref_slice %arg10[%dma_start3A_452, %dma_start3A_453] : memref<10240x128xf32, #tpu.memory_space<vmem_shared>> -> memref<10240x128xf32, #tpu.memory_space<vmem_shared>>
        tpu.enqueue_indirect_dma source(%arg8 : memref<128x128xf32, #tpu.memory_space<vmem>>) target(%dma_start3A_454 : memref<10240x128xf32, #tpu.memory_space<vmem_shared>>) offsets(%dma_start3A_451 : memref<128xi32, #tpu.memory_space<vmem>>) semaphore(%run_scoped3A_448 : memref<!tpu.dma_semaphore, #tpu.memory_space<semaphore_mem>>) {add = true}
        %dma_wait3A_455 = arith.constant 0 : i32
        %dma_wait3A_456 = tpu.memref_slice %arg7[%run_scoped3A_261, %run_scoped3A_262, %dma_wait3A_455] : memref<2x8x128xi32, #tpu.memory_space<vmem>> -> memref<1x1x128xi32, #tpu.memory_space<vmem>>
        %dma_wait3A_457 = tpu.memref_squeeze %dma_wait3A_456 : memref<1x1x128xi32, #tpu.memory_space<vmem>> -> memref<128xi32, #tpu.memory_space<vmem>>
        %dma_wait3A_458 = arith.constant 0 : i32
        %dma_wait3A_459 = arith.constant 0 : i32
        %dma_wait3A_460 = tpu.memref_slice %arg10[%dma_wait3A_458, %dma_wait3A_459] : memref<10240x128xf32, #tpu.memory_space<vmem_shared>> -> memref<10240x128xf32, #tpu.memory_space<vmem_shared>>
        tpu.wait_indirect_dma semaphore(%run_scoped3A_448 : memref<!tpu.dma_semaphore, #tpu.memory_space<semaphore_mem>>) src(%arg8 : memref<128x128xf32, #tpu.memory_space<vmem>>) dst(%dma_wait3A_460 : memref<10240x128xf32, #tpu.memory_space<vmem_shared>>)
        tpu.yield
      }) : () -> ()
      %add3A_263 = arith.constant 1 : i32
      %add3A_264 = arith.addi %add3A_133, %add3A_263 : i32
      %lt3A_265 = arith.constant 10 : i32
      %lt3A_266 = arith.cmpi slt, %add3A_264, %lt3A_265 : i32
      %convert_element_type3A_267 = arith.extui %lt3A_266 : i1 to i32
      %cond3A_268 = arith.constant 0 : i32
      %cond3A_269 = arith.cmpi ne, %convert_element_type3A_267, %cond3A_268 : i32
      scf.if %cond3A_269 {
        %dma_start3A_448 = arith.constant 1 : i32
        %dma_start3A_449 = arith.constant 0 : i32
        %dma_start3A_450 = arith.constant 0 : i32
        %dma_start3A_451 = tpu.memref_slice %arg6[%dma_start3A_448, %dma_start3A_449, %dma_start3A_450] : memref<2x8x128xi32, #tpu.memory_space<vmem>> -> memref<1x1x128xi32, #tpu.memory_space<vmem>>
        %dma_start3A_452 = tpu.memref_squeeze %dma_start3A_451 : memref<1x1x128xi32, #tpu.memory_space<vmem>> -> memref<128xi32, #tpu.memory_space<vmem>>
        %dma_start3A_453 = arith.constant 0 : i32
        %dma_start3A_454 = arith.constant 0 : i32
        %dma_start3A_455 = tpu.memref_slice %arg2[%dma_start3A_453, %dma_start3A_454] : memref<10240x128xf32, #tpu.memory_space<hbm>> -> memref<10240x128xf32, #tpu.memory_space<hbm>>
        tpu.enqueue_indirect_dma source(%dma_start3A_455 : memref<10240x128xf32, #tpu.memory_space<hbm>>) target(%arg8 : memref<128x128xf32, #tpu.memory_space<vmem>>) offsets(%dma_start3A_452 : memref<128xi32, #tpu.memory_space<vmem>>) semaphore(%arg13 : memref<!tpu.dma_semaphore, #tpu.memory_space<semaphore_mem>>)
      } else {
      }
      %dma_wait3A_270 = arith.constant 0 : i32
      %dma_wait3A_271 = arith.constant 7 : i32
      %dma_wait3A_272 = arith.constant 0 : i32
      %dma_wait3A_273 = tpu.memref_slice %arg6[%dma_wait3A_270, %dma_wait3A_271, %dma_wait3A_272] : memref<2x8x128xi32, #tpu.memory_space<vmem>> -> memref<1x1x128xi32, #tpu.memory_space<vmem>>
      %dma_wait3A_274 = tpu.memref_squeeze %dma_wait3A_273 : memref<1x1x128xi32, #tpu.memory_space<vmem>> -> memref<128xi32, #tpu.memory_space<vmem>>
      %dma_wait3A_275 = arith.constant 0 : i32
      %dma_wait3A_276 = arith.constant 0 : i32
      %dma_wait3A_277 = tpu.memref_slice %arg2[%dma_wait3A_275, %dma_wait3A_276] : memref<10240x128xf32, #tpu.memory_space<hbm>> -> memref<10240x128xf32, #tpu.memory_space<hbm>>
      tpu.wait_indirect_dma semaphore(%arg14 : memref<!tpu.dma_semaphore, #tpu.memory_space<semaphore_mem>>) src(%dma_wait3A_277 : memref<10240x128xf32, #tpu.memory_space<hbm>>) dst(%arg9 : memref<128x128xf32, #tpu.memory_space<vmem>>)
      %run_scoped3A_278 = arith.constant 0 : i32
      %run_scoped3A_279 = arith.constant 7 : i32
      "tpu.region"() ({
        %run_scoped3A_448 = tpu.sem_alloc : memref<!tpu.dma_semaphore, #tpu.memory_space<semaphore_mem>>
        %dma_start3A_449 = arith.constant 0 : i32
        %dma_start3A_450 = tpu.memref_slice %arg7[%run_scoped3A_278, %run_scoped3A_279, %dma_start3A_449] : memref<2x8x128xi32, #tpu.memory_space<vmem>> -> memref<1x1x128xi32, #tpu.memory_space<vmem>>
        %dma_start3A_451 = tpu.memref_squeeze %dma_start3A_450 : memref<1x1x128xi32, #tpu.memory_space<vmem>> -> memref<128xi32, #tpu.memory_space<vmem>>
        %dma_start3A_452 = arith.constant 0 : i32
        %dma_start3A_453 = arith.constant 0 : i32
        %dma_start3A_454 = tpu.memref_slice %arg10[%dma_start3A_452, %dma_start3A_453] : memref<10240x128xf32, #tpu.memory_space<vmem_shared>> -> memref<10240x128xf32, #tpu.memory_space<vmem_shared>>
        tpu.enqueue_indirect_dma source(%arg9 : memref<128x128xf32, #tpu.memory_space<vmem>>) target(%dma_start3A_454 : memref<10240x128xf32, #tpu.memory_space<vmem_shared>>) offsets(%dma_start3A_451 : memref<128xi32, #tpu.memory_space<vmem>>) semaphore(%run_scoped3A_448 : memref<!tpu.dma_semaphore, #tpu.memory_space<semaphore_mem>>) {add = true}
        %dma_wait3A_455 = arith.constant 0 : i32
        %dma_wait3A_456 = tpu.memref_slice %arg7[%run_scoped3A_278, %run_scoped3A_279, %dma_wait3A_455] : memref<2x8x128xi32, #tpu.memory_space<vmem>> -> memref<1x1x128xi32, #tpu.memory_space<vmem>>
        %dma_wait3A_457 = tpu.memref_squeeze %dma_wait3A_456 : memref<1x1x128xi32, #tpu.memory_space<vmem>> -> memref<128xi32, #tpu.memory_space<vmem>>
        %dma_wait3A_458 = arith.constant 0 : i32
        %dma_wait3A_459 = arith.constant 0 : i32
        %dma_wait3A_460 = tpu.memref_slice %arg10[%dma_wait3A_458, %dma_wait3A_459] : memref<10240x128xf32, #tpu.memory_space<vmem_shared>> -> memref<10240x128xf32, #tpu.memory_space<vmem_shared>>
        tpu.wait_indirect_dma semaphore(%run_scoped3A_448 : memref<!tpu.dma_semaphore, #tpu.memory_space<semaphore_mem>>) src(%arg9 : memref<128x128xf32, #tpu.memory_space<vmem>>) dst(%dma_wait3A_460 : memref<10240x128xf32, #tpu.memory_space<vmem_shared>>)
        tpu.yield
      }) : () -> ()
      %add3A_280 = arith.constant 2 : i32
      %add3A_281 = arith.addi %add3A_133, %add3A_280 : i32
      %lt3A_282 = arith.constant 10 : i32
      %lt3A_283 = arith.cmpi slt, %add3A_281, %lt3A_282 : i32
      %convert_element_type3A_284 = arith.extui %lt3A_283 : i1 to i32
      %cond3A_285 = arith.constant 0 : i32
      %cond3A_286 = arith.cmpi ne, %convert_element_type3A_284, %cond3A_285 : i32
      scf.if %cond3A_286 {
        %add3A_448 = arith.constant 2 : i32
        %add3A_449 = arith.addi %add3A_133, %add3A_448 : i32
        %dma_start3A_450 = arith.constant 0 : i32
        %dma_start3A_451 = arith.constant 0 : i32
        %dma_start3A_452 = arith.constant 0 : i32
        %dma_start3A_453 = tpu.memref_slice %arg6[%dma_start3A_450, %dma_start3A_451, %dma_start3A_452] : memref<2x8x128xi32, #tpu.memory_space<vmem>> -> memref<1x8x128xi32, #tpu.memory_space<vmem>>
        %dma_start3A_454 = tpu.memref_squeeze %dma_start3A_453 : memref<1x8x128xi32, #tpu.memory_space<vmem>> -> memref<8x128xi32, #tpu.memory_space<vmem>>
        %dma_start3A_455 = arith.constant 0 : i32
        %dma_start3A_456 = arith.constant 0 : i32
        %dma_start3A_457 = tpu.memref_slice %arg3[%add3A, %add3A_449, %dma_start3A_455, %dma_start3A_456] : memref<32x10x8x128xi32, #tpu.memory_space<hbm>> -> memref<1x1x8x128xi32, #tpu.memory_space<hbm>>
        %dma_start3A_458 = tpu.memref_squeeze %dma_start3A_457 : memref<1x1x8x128xi32, #tpu.memory_space<hbm>> -> memref<8x128xi32, #tpu.memory_space<hbm>>
        %dma_start3A_459 = arith.constant 0 : i32
        %dma_start3A_460 = arith.constant 0 : i32
        %dma_start3A_461 = tpu.memref_slice %arg6[%dma_start3A_450, %dma_start3A_459, %dma_start3A_460] : memref<2x8x128xi32, #tpu.memory_space<vmem>> -> memref<1x8x128xi32, #tpu.memory_space<vmem>>
        %dma_start3A_462 = tpu.memref_squeeze %dma_start3A_461 : memref<1x8x128xi32, #tpu.memory_space<vmem>> -> memref<8x128xi32, #tpu.memory_space<vmem>>
        %dma_start3A_463 = arith.constant 0 : i32
        %dma_start3A_464 = arith.constant 0 : i32
        %dma_start3A_465 = tpu.memref_slice %arg3[%add3A, %add3A_449, %dma_start3A_463, %dma_start3A_464] : memref<32x10x8x128xi32, #tpu.memory_space<hbm>> -> memref<1x1x8x128xi32, #tpu.memory_space<hbm>>
        %dma_start3A_466 = tpu.memref_squeeze %dma_start3A_465 : memref<1x1x8x128xi32, #tpu.memory_space<hbm>> -> memref<8x128xi32, #tpu.memory_space<hbm>>
        tpu.enqueue_dma source(%dma_start3A_466 : memref<8x128xi32, #tpu.memory_space<hbm>>) target(%dma_start3A_462 : memref<8x128xi32, #tpu.memory_space<vmem>>) target_semaphore(%arg11 : memref<!tpu.dma_semaphore, #tpu.memory_space<semaphore_mem>>)
        %dma_start3A_467 = arith.constant 0 : i32
        %dma_start3A_468 = arith.constant 0 : i32
        %dma_start3A_469 = arith.constant 0 : i32
        %dma_start3A_470 = tpu.memref_slice %arg7[%dma_start3A_467, %dma_start3A_468, %dma_start3A_469] : memref<2x8x128xi32, #tpu.memory_space<vmem>> -> memref<1x8x128xi32, #tpu.memory_space<vmem>>
        %dma_start3A_471 = tpu.memref_squeeze %dma_start3A_470 : memref<1x8x128xi32, #tpu.memory_space<vmem>> -> memref<8x128xi32, #tpu.memory_space<vmem>>
        %dma_start3A_472 = arith.constant 0 : i32
        %dma_start3A_473 = arith.constant 0 : i32
        %dma_start3A_474 = tpu.memref_slice %arg4[%add3A, %add3A_449, %dma_start3A_472, %dma_start3A_473] : memref<32x10x8x128xi32, #tpu.memory_space<hbm>> -> memref<1x1x8x128xi32, #tpu.memory_space<hbm>>
        %dma_start3A_475 = tpu.memref_squeeze %dma_start3A_474 : memref<1x1x8x128xi32, #tpu.memory_space<hbm>> -> memref<8x128xi32, #tpu.memory_space<hbm>>
        %dma_start3A_476 = arith.constant 0 : i32
        %dma_start3A_477 = arith.constant 0 : i32
        %dma_start3A_478 = tpu.memref_slice %arg7[%dma_start3A_467, %dma_start3A_476, %dma_start3A_477] : memref<2x8x128xi32, #tpu.memory_space<vmem>> -> memref<1x8x128xi32, #tpu.memory_space<vmem>>
        %dma_start3A_479 = tpu.memref_squeeze %dma_start3A_478 : memref<1x8x128xi32, #tpu.memory_space<vmem>> -> memref<8x128xi32, #tpu.memory_space<vmem>>
        %dma_start3A_480 = arith.constant 0 : i32
        %dma_start3A_481 = arith.constant 0 : i32
        %dma_start3A_482 = tpu.memref_slice %arg4[%add3A, %add3A_449, %dma_start3A_480, %dma_start3A_481] : memref<32x10x8x128xi32, #tpu.memory_space<hbm>> -> memref<1x1x8x128xi32, #tpu.memory_space<hbm>>
        %dma_start3A_483 = tpu.memref_squeeze %dma_start3A_482 : memref<1x1x8x128xi32, #tpu.memory_space<hbm>> -> memref<8x128xi32, #tpu.memory_space<hbm>>
        tpu.enqueue_dma source(%dma_start3A_483 : memref<8x128xi32, #tpu.memory_space<hbm>>) target(%dma_start3A_479 : memref<8x128xi32, #tpu.memory_space<vmem>>) target_semaphore(%arg11 : memref<!tpu.dma_semaphore, #tpu.memory_space<semaphore_mem>>)
      } else {
      }
      %mul3A_287 = arith.constant 2 : i32
      %mul3A_288 = arith.muli %scan3A_129, %mul3A_287 : i32
      %add3A_289 = arith.constant 1 : i32
      %add3A_290 = arith.addi %mul3A_288, %add3A_289 : i32
      %add3A_291 = arith.constant 1 : i32
      %add3A_292 = arith.addi %add3A_290, %add3A_291 : i32
      %lt3A_293 = arith.constant 10 : i32
      %lt3A_294 = arith.cmpi slt, %add3A_292, %lt3A_293 : i32
      %convert_element_type3A_295 = arith.extui %lt3A_294 : i1 to i32
      %cond3A_296 = arith.constant 0 : i32
      %cond3A_297 = arith.cmpi ne, %convert_element_type3A_295, %cond3A_296 : i32
      scf.if %cond3A_297 {
        %add3A_448 = arith.constant 1 : i32
        %add3A_449 = arith.addi %add3A_290, %add3A_448 : i32
        %dma_wait3A_450 = arith.constant 0 : i32
        %dma_wait3A_451 = arith.constant 0 : i32
        %dma_wait3A_452 = arith.constant 0 : i32
        %dma_wait3A_453 = tpu.memref_slice %arg6[%dma_wait3A_450, %dma_wait3A_451, %dma_wait3A_452] : memref<2x8x128xi32, #tpu.memory_space<vmem>> -> memref<1x8x128xi32, #tpu.memory_space<vmem>>
        %dma_wait3A_454 = tpu.memref_squeeze %dma_wait3A_453 : memref<1x8x128xi32, #tpu.memory_space<vmem>> -> memref<8x128xi32, #tpu.memory_space<vmem>>
        %dma_wait3A_455 = arith.constant 0 : i32
        %dma_wait3A_456 = arith.constant 0 : i32
        %dma_wait3A_457 = tpu.memref_slice %arg3[%add3A, %add3A_449, %dma_wait3A_455, %dma_wait3A_456] : memref<32x10x8x128xi32, #tpu.memory_space<hbm>> -> memref<1x1x8x128xi32, #tpu.memory_space<hbm>>
        %dma_wait3A_458 = tpu.memref_squeeze %dma_wait3A_457 : memref<1x1x8x128xi32, #tpu.memory_space<hbm>> -> memref<8x128xi32, #tpu.memory_space<hbm>>
        %dma_wait3A_459 = arith.constant 0 : i32
        %dma_wait3A_460 = arith.constant 0 : i32
        %dma_wait3A_461 = tpu.memref_slice %arg6[%dma_wait3A_450, %dma_wait3A_459, %dma_wait3A_460] : memref<2x8x128xi32, #tpu.memory_space<vmem>> -> memref<1x8x128xi32, #tpu.memory_space<vmem>>
        %dma_wait3A_462 = tpu.memref_squeeze %dma_wait3A_461 : memref<1x8x128xi32, #tpu.memory_space<vmem>> -> memref<8x128xi32, #tpu.memory_space<vmem>>
        %dma_wait3A_463 = arith.constant 0 : i32
        %dma_wait3A_464 = arith.constant 0 : i32
        %dma_wait3A_465 = tpu.memref_slice %arg3[%add3A, %add3A_449, %dma_wait3A_463, %dma_wait3A_464] : memref<32x10x8x128xi32, #tpu.memory_space<hbm>> -> memref<1x1x8x128xi32, #tpu.memory_space<hbm>>
        %dma_wait3A_466 = tpu.memref_squeeze %dma_wait3A_465 : memref<1x1x8x128xi32, #tpu.memory_space<hbm>> -> memref<8x128xi32, #tpu.memory_space<hbm>>
        tpu.wait_dma2 semaphore(%arg11 : memref<!tpu.dma_semaphore, #tpu.memory_space<semaphore_mem>>) src(%dma_wait3A_466 : memref<8x128xi32, #tpu.memory_space<hbm>>) dst(%dma_wait3A_462 : memref<8x128xi32, #tpu.memory_space<vmem>>)
        %dma_wait3A_467 = arith.constant 0 : i32
        %dma_wait3A_468 = arith.constant 0 : i32
        %dma_wait3A_469 = arith.constant 0 : i32
        %dma_wait3A_470 = tpu.memref_slice %arg7[%dma_wait3A_467, %dma_wait3A_468, %dma_wait3A_469] : memref<2x8x128xi32, #tpu.memory_space<vmem>> -> memref<1x8x128xi32, #tpu.memory_space<vmem>>
        %dma_wait3A_471 = tpu.memref_squeeze %dma_wait3A_470 : memref<1x8x128xi32, #tpu.memory_space<vmem>> -> memref<8x128xi32, #tpu.memory_space<vmem>>
        %dma_wait3A_472 = arith.constant 0 : i32
        %dma_wait3A_473 = arith.constant 0 : i32
        %dma_wait3A_474 = tpu.memref_slice %arg4[%add3A, %add3A_449, %dma_wait3A_472, %dma_wait3A_473] : memref<32x10x8x128xi32, #tpu.memory_space<hbm>> -> memref<1x1x8x128xi32, #tpu.memory_space<hbm>>
        %dma_wait3A_475 = tpu.memref_squeeze %dma_wait3A_474 : memref<1x1x8x128xi32, #tpu.memory_space<hbm>> -> memref<8x128xi32, #tpu.memory_space<hbm>>
        %dma_wait3A_476 = arith.constant 0 : i32
        %dma_wait3A_477 = arith.constant 0 : i32
        %dma_wait3A_478 = tpu.memref_slice %arg7[%dma_wait3A_467, %dma_wait3A_476, %dma_wait3A_477] : memref<2x8x128xi32, #tpu.memory_space<vmem>> -> memref<1x8x128xi32, #tpu.memory_space<vmem>>
        %dma_wait3A_479 = tpu.memref_squeeze %dma_wait3A_478 : memref<1x8x128xi32, #tpu.memory_space<vmem>> -> memref<8x128xi32, #tpu.memory_space<vmem>>
        %dma_wait3A_480 = arith.constant 0 : i32
        %dma_wait3A_481 = arith.constant 0 : i32
        %dma_wait3A_482 = tpu.memref_slice %arg4[%add3A, %add3A_449, %dma_wait3A_480, %dma_wait3A_481] : memref<32x10x8x128xi32, #tpu.memory_space<hbm>> -> memref<1x1x8x128xi32, #tpu.memory_space<hbm>>
        %dma_wait3A_483 = tpu.memref_squeeze %dma_wait3A_482 : memref<1x1x8x128xi32, #tpu.memory_space<hbm>> -> memref<8x128xi32, #tpu.memory_space<hbm>>
        tpu.wait_dma2 semaphore(%arg11 : memref<!tpu.dma_semaphore, #tpu.memory_space<semaphore_mem>>) src(%dma_wait3A_483 : memref<8x128xi32, #tpu.memory_space<hbm>>) dst(%dma_wait3A_479 : memref<8x128xi32, #tpu.memory_space<vmem>>)
      } else {
      }
      %dma_start3A_298 = arith.constant 1 : i32
      %dma_start3A_299 = arith.constant 1 : i32
      %dma_start3A_300 = arith.constant 0 : i32
      %dma_start3A_301 = tpu.memref_slice %arg6[%dma_start3A_298, %dma_start3A_299, %dma_start3A_300] : memref<2x8x128xi32, #tpu.memory_space<vmem>> -> memref<1x1x128xi32, #tpu.memory_space<vmem>>
      %dma_start3A_302 = tpu.memref_squeeze %dma_start3A_301 : memref<1x1x128xi32, #tpu.memory_space<vmem>> -> memref<128xi32, #tpu.memory_space<vmem>>
      %dma_start3A_303 = arith.constant 0 : i32
      %dma_start3A_304 = arith.constant 0 : i32
      %dma_start3A_305 = tpu.memref_slice %arg2[%dma_start3A_303, %dma_start3A_304] : memref<10240x128xf32, #tpu.memory_space<hbm>> -> memref<10240x128xf32, #tpu.memory_space<hbm>>
      tpu.enqueue_indirect_dma source(%dma_start3A_305 : memref<10240x128xf32, #tpu.memory_space<hbm>>) target(%arg9 : memref<128x128xf32, #tpu.memory_space<vmem>>) offsets(%dma_start3A_302 : memref<128xi32, #tpu.memory_space<vmem>>) semaphore(%arg14 : memref<!tpu.dma_semaphore, #tpu.memory_space<semaphore_mem>>)
      %dma_wait3A_306 = arith.constant 1 : i32
      %dma_wait3A_307 = arith.constant 0 : i32
      %dma_wait3A_308 = arith.constant 0 : i32
      %dma_wait3A_309 = tpu.memref_slice %arg6[%dma_wait3A_306, %dma_wait3A_307, %dma_wait3A_308] : memref<2x8x128xi32, #tpu.memory_space<vmem>> -> memref<1x1x128xi32, #tpu.memory_space<vmem>>
      %dma_wait3A_310 = tpu.memref_squeeze %dma_wait3A_309 : memref<1x1x128xi32, #tpu.memory_space<vmem>> -> memref<128xi32, #tpu.memory_space<vmem>>
      %dma_wait3A_311 = arith.constant 0 : i32
      %dma_wait3A_312 = arith.constant 0 : i32
      %dma_wait3A_313 = tpu.memref_slice %arg2[%dma_wait3A_311, %dma_wait3A_312] : memref<10240x128xf32, #tpu.memory_space<hbm>> -> memref<10240x128xf32, #tpu.memory_space<hbm>>
      tpu.wait_indirect_dma semaphore(%arg13 : memref<!tpu.dma_semaphore, #tpu.memory_space<semaphore_mem>>) src(%dma_wait3A_313 : memref<10240x128xf32, #tpu.memory_space<hbm>>) dst(%arg8 : memref<128x128xf32, #tpu.memory_space<vmem>>)
      %run_scoped3A_314 = arith.constant 1 : i32
      %run_scoped3A_315 = arith.constant 0 : i32
      "tpu.region"() ({
        %run_scoped3A_448 = tpu.sem_alloc : memref<!tpu.dma_semaphore, #tpu.memory_space<semaphore_mem>>
        %dma_start3A_449 = arith.constant 0 : i32
        %dma_start3A_450 = tpu.memref_slice %arg7[%run_scoped3A_314, %run_scoped3A_315, %dma_start3A_449] : memref<2x8x128xi32, #tpu.memory_space<vmem>> -> memref<1x1x128xi32, #tpu.memory_space<vmem>>
        %dma_start3A_451 = tpu.memref_squeeze %dma_start3A_450 : memref<1x1x128xi32, #tpu.memory_space<vmem>> -> memref<128xi32, #tpu.memory_space<vmem>>
        %dma_start3A_452 = arith.constant 0 : i32
        %dma_start3A_453 = arith.constant 0 : i32
        %dma_start3A_454 = tpu.memref_slice %arg10[%dma_start3A_452, %dma_start3A_453] : memref<10240x128xf32, #tpu.memory_space<vmem_shared>> -> memref<10240x128xf32, #tpu.memory_space<vmem_shared>>
        tpu.enqueue_indirect_dma source(%arg8 : memref<128x128xf32, #tpu.memory_space<vmem>>) target(%dma_start3A_454 : memref<10240x128xf32, #tpu.memory_space<vmem_shared>>) offsets(%dma_start3A_451 : memref<128xi32, #tpu.memory_space<vmem>>) semaphore(%run_scoped3A_448 : memref<!tpu.dma_semaphore, #tpu.memory_space<semaphore_mem>>) {add = true}
        %dma_wait3A_455 = arith.constant 0 : i32
        %dma_wait3A_456 = tpu.memref_slice %arg7[%run_scoped3A_314, %run_scoped3A_315, %dma_wait3A_455] : memref<2x8x128xi32, #tpu.memory_space<vmem>> -> memref<1x1x128xi32, #tpu.memory_space<vmem>>
        %dma_wait3A_457 = tpu.memref_squeeze %dma_wait3A_456 : memref<1x1x128xi32, #tpu.memory_space<vmem>> -> memref<128xi32, #tpu.memory_space<vmem>>
        %dma_wait3A_458 = arith.constant 0 : i32
        %dma_wait3A_459 = arith.constant 0 : i32
        %dma_wait3A_460 = tpu.memref_slice %arg10[%dma_wait3A_458, %dma_wait3A_459] : memref<10240x128xf32, #tpu.memory_space<vmem_shared>> -> memref<10240x128xf32, #tpu.memory_space<vmem_shared>>
        tpu.wait_indirect_dma semaphore(%run_scoped3A_448 : memref<!tpu.dma_semaphore, #tpu.memory_space<semaphore_mem>>) src(%arg8 : memref<128x128xf32, #tpu.memory_space<vmem>>) dst(%dma_wait3A_460 : memref<10240x128xf32, #tpu.memory_space<vmem_shared>>)
        tpu.yield
      }) : () -> ()
      %dma_start3A_316 = arith.constant 1 : i32
      %dma_start3A_317 = arith.constant 2 : i32
      %dma_start3A_318 = arith.constant 0 : i32
      %dma_start3A_319 = tpu.memref_slice %arg6[%dma_start3A_316, %dma_start3A_317, %dma_start3A_318] : memref<2x8x128xi32, #tpu.memory_space<vmem>> -> memref<1x1x128xi32, #tpu.memory_space<vmem>>
      %dma_start3A_320 = tpu.memref_squeeze %dma_start3A_319 : memref<1x1x128xi32, #tpu.memory_space<vmem>> -> memref<128xi32, #tpu.memory_space<vmem>>
      %dma_start3A_321 = arith.constant 0 : i32
      %dma_start3A_322 = arith.constant 0 : i32
      %dma_start3A_323 = tpu.memref_slice %arg2[%dma_start3A_321, %dma_start3A_322] : memref<10240x128xf32, #tpu.memory_space<hbm>> -> memref<10240x128xf32, #tpu.memory_space<hbm>>
      tpu.enqueue_indirect_dma source(%dma_start3A_323 : memref<10240x128xf32, #tpu.memory_space<hbm>>) target(%arg8 : memref<128x128xf32, #tpu.memory_space<vmem>>) offsets(%dma_start3A_320 : memref<128xi32, #tpu.memory_space<vmem>>) semaphore(%arg13 : memref<!tpu.dma_semaphore, #tpu.memory_space<semaphore_mem>>)
      %dma_wait3A_324 = arith.constant 1 : i32
      %dma_wait3A_325 = arith.constant 1 : i32
      %dma_wait3A_326 = arith.constant 0 : i32
      %dma_wait3A_327 = tpu.memref_slice %arg6[%dma_wait3A_324, %dma_wait3A_325, %dma_wait3A_326] : memref<2x8x128xi32, #tpu.memory_space<vmem>> -> memref<1x1x128xi32, #tpu.memory_space<vmem>>
      %dma_wait3A_328 = tpu.memref_squeeze %dma_wait3A_327 : memref<1x1x128xi32, #tpu.memory_space<vmem>> -> memref<128xi32, #tpu.memory_space<vmem>>
      %dma_wait3A_329 = arith.constant 0 : i32
      %dma_wait3A_330 = arith.constant 0 : i32
      %dma_wait3A_331 = tpu.memref_slice %arg2[%dma_wait3A_329, %dma_wait3A_330] : memref<10240x128xf32, #tpu.memory_space<hbm>> -> memref<10240x128xf32, #tpu.memory_space<hbm>>
      tpu.wait_indirect_dma semaphore(%arg14 : memref<!tpu.dma_semaphore, #tpu.memory_space<semaphore_mem>>) src(%dma_wait3A_331 : memref<10240x128xf32, #tpu.memory_space<hbm>>) dst(%arg9 : memref<128x128xf32, #tpu.memory_space<vmem>>)
      %run_scoped3A_332 = arith.constant 1 : i32
      %run_scoped3A_333 = arith.constant 1 : i32
      "tpu.region"() ({
        %run_scoped3A_448 = tpu.sem_alloc : memref<!tpu.dma_semaphore, #tpu.memory_space<semaphore_mem>>
        %dma_start3A_449 = arith.constant 0 : i32
        %dma_start3A_450 = tpu.memref_slice %arg7[%run_scoped3A_332, %run_scoped3A_333, %dma_start3A_449] : memref<2x8x128xi32, #tpu.memory_space<vmem>> -> memref<1x1x128xi32, #tpu.memory_space<vmem>>
        %dma_start3A_451 = tpu.memref_squeeze %dma_start3A_450 : memref<1x1x128xi32, #tpu.memory_space<vmem>> -> memref<128xi32, #tpu.memory_space<vmem>>
        %dma_start3A_452 = arith.constant 0 : i32
        %dma_start3A_453 = arith.constant 0 : i32
        %dma_start3A_454 = tpu.memref_slice %arg10[%dma_start3A_452, %dma_start3A_453] : memref<10240x128xf32, #tpu.memory_space<vmem_shared>> -> memref<10240x128xf32, #tpu.memory_space<vmem_shared>>
        tpu.enqueue_indirect_dma source(%arg9 : memref<128x128xf32, #tpu.memory_space<vmem>>) target(%dma_start3A_454 : memref<10240x128xf32, #tpu.memory_space<vmem_shared>>) offsets(%dma_start3A_451 : memref<128xi32, #tpu.memory_space<vmem>>) semaphore(%run_scoped3A_448 : memref<!tpu.dma_semaphore, #tpu.memory_space<semaphore_mem>>) {add = true}
        %dma_wait3A_455 = arith.constant 0 : i32
        %dma_wait3A_456 = tpu.memref_slice %arg7[%run_scoped3A_332, %run_scoped3A_333, %dma_wait3A_455] : memref<2x8x128xi32, #tpu.memory_space<vmem>> -> memref<1x1x128xi32, #tpu.memory_space<vmem>>
        %dma_wait3A_457 = tpu.memref_squeeze %dma_wait3A_456 : memref<1x1x128xi32, #tpu.memory_space<vmem>> -> memref<128xi32, #tpu.memory_space<vmem>>
        %dma_wait3A_458 = arith.constant 0 : i32
        %dma_wait3A_459 = arith.constant 0 : i32
        %dma_wait3A_460 = tpu.memref_slice %arg10[%dma_wait3A_458, %dma_wait3A_459] : memref<10240x128xf32, #tpu.memory_space<vmem_shared>> -> memref<10240x128xf32, #tpu.memory_space<vmem_shared>>
        tpu.wait_indirect_dma semaphore(%run_scoped3A_448 : memref<!tpu.dma_semaphore, #tpu.memory_space<semaphore_mem>>) src(%arg9 : memref<128x128xf32, #tpu.memory_space<vmem>>) dst(%dma_wait3A_460 : memref<10240x128xf32, #tpu.memory_space<vmem_shared>>)
        tpu.yield
      }) : () -> ()
      %dma_start3A_334 = arith.constant 1 : i32
      %dma_start3A_335 = arith.constant 3 : i32
      %dma_start3A_336 = arith.constant 0 : i32
      %dma_start3A_337 = tpu.memref_slice %arg6[%dma_start3A_334, %dma_start3A_335, %dma_start3A_336] : memref<2x8x128xi32, #tpu.memory_space<vmem>> -> memref<1x1x128xi32, #tpu.memory_space<vmem>>
      %dma_start3A_338 = tpu.memref_squeeze %dma_start3A_337 : memref<1x1x128xi32, #tpu.memory_space<vmem>> -> memref<128xi32, #tpu.memory_space<vmem>>
      %dma_start3A_339 = arith.constant 0 : i32
      %dma_start3A_340 = arith.constant 0 : i32
      %dma_start3A_341 = tpu.memref_slice %arg2[%dma_start3A_339, %dma_start3A_340] : memref<10240x128xf32, #tpu.memory_space<hbm>> -> memref<10240x128xf32, #tpu.memory_space<hbm>>
      tpu.enqueue_indirect_dma source(%dma_start3A_341 : memref<10240x128xf32, #tpu.memory_space<hbm>>) target(%arg9 : memref<128x128xf32, #tpu.memory_space<vmem>>) offsets(%dma_start3A_338 : memref<128xi32, #tpu.memory_space<vmem>>) semaphore(%arg14 : memref<!tpu.dma_semaphore, #tpu.memory_space<semaphore_mem>>)
      %dma_wait3A_342 = arith.constant 1 : i32
      %dma_wait3A_343 = arith.constant 2 : i32
      %dma_wait3A_344 = arith.constant 0 : i32
      %dma_wait3A_345 = tpu.memref_slice %arg6[%dma_wait3A_342, %dma_wait3A_343, %dma_wait3A_344] : memref<2x8x128xi32, #tpu.memory_space<vmem>> -> memref<1x1x128xi32, #tpu.memory_space<vmem>>
      %dma_wait3A_346 = tpu.memref_squeeze %dma_wait3A_345 : memref<1x1x128xi32, #tpu.memory_space<vmem>> -> memref<128xi32, #tpu.memory_space<vmem>>
      %dma_wait3A_347 = arith.constant 0 : i32
      %dma_wait3A_348 = arith.constant 0 : i32
      %dma_wait3A_349 = tpu.memref_slice %arg2[%dma_wait3A_347, %dma_wait3A_348] : memref<10240x128xf32, #tpu.memory_space<hbm>> -> memref<10240x128xf32, #tpu.memory_space<hbm>>
      tpu.wait_indirect_dma semaphore(%arg13 : memref<!tpu.dma_semaphore, #tpu.memory_space<semaphore_mem>>) src(%dma_wait3A_349 : memref<10240x128xf32, #tpu.memory_space<hbm>>) dst(%arg8 : memref<128x128xf32, #tpu.memory_space<vmem>>)
      %run_scoped3A_350 = arith.constant 1 : i32
      %run_scoped3A_351 = arith.constant 2 : i32
      "tpu.region"() ({
        %run_scoped3A_448 = tpu.sem_alloc : memref<!tpu.dma_semaphore, #tpu.memory_space<semaphore_mem>>
        %dma_start3A_449 = arith.constant 0 : i32
        %dma_start3A_450 = tpu.memref_slice %arg7[%run_scoped3A_350, %run_scoped3A_351, %dma_start3A_449] : memref<2x8x128xi32, #tpu.memory_space<vmem>> -> memref<1x1x128xi32, #tpu.memory_space<vmem>>
        %dma_start3A_451 = tpu.memref_squeeze %dma_start3A_450 : memref<1x1x128xi32, #tpu.memory_space<vmem>> -> memref<128xi32, #tpu.memory_space<vmem>>
        %dma_start3A_452 = arith.constant 0 : i32
        %dma_start3A_453 = arith.constant 0 : i32
        %dma_start3A_454 = tpu.memref_slice %arg10[%dma_start3A_452, %dma_start3A_453] : memref<10240x128xf32, #tpu.memory_space<vmem_shared>> -> memref<10240x128xf32, #tpu.memory_space<vmem_shared>>
        tpu.enqueue_indirect_dma source(%arg8 : memref<128x128xf32, #tpu.memory_space<vmem>>) target(%dma_start3A_454 : memref<10240x128xf32, #tpu.memory_space<vmem_shared>>) offsets(%dma_start3A_451 : memref<128xi32, #tpu.memory_space<vmem>>) semaphore(%run_scoped3A_448 : memref<!tpu.dma_semaphore, #tpu.memory_space<semaphore_mem>>) {add = true}
        %dma_wait3A_455 = arith.constant 0 : i32
        %dma_wait3A_456 = tpu.memref_slice %arg7[%run_scoped3A_350, %run_scoped3A_351, %dma_wait3A_455] : memref<2x8x128xi32, #tpu.memory_space<vmem>> -> memref<1x1x128xi32, #tpu.memory_space<vmem>>
        %dma_wait3A_457 = tpu.memref_squeeze %dma_wait3A_456 : memref<1x1x128xi32, #tpu.memory_space<vmem>> -> memref<128xi32, #tpu.memory_space<vmem>>
        %dma_wait3A_458 = arith.constant 0 : i32
        %dma_wait3A_459 = arith.constant 0 : i32
        %dma_wait3A_460 = tpu.memref_slice %arg10[%dma_wait3A_458, %dma_wait3A_459] : memref<10240x128xf32, #tpu.memory_space<vmem_shared>> -> memref<10240x128xf32, #tpu.memory_space<vmem_shared>>
        tpu.wait_indirect_dma semaphore(%run_scoped3A_448 : memref<!tpu.dma_semaphore, #tpu.memory_space<semaphore_mem>>) src(%arg8 : memref<128x128xf32, #tpu.memory_space<vmem>>) dst(%dma_wait3A_460 : memref<10240x128xf32, #tpu.memory_space<vmem_shared>>)
        tpu.yield
      }) : () -> ()
      %dma_start3A_352 = arith.constant 1 : i32
      %dma_start3A_353 = arith.constant 4 : i32
      %dma_start3A_354 = arith.constant 0 : i32
      %dma_start3A_355 = tpu.memref_slice %arg6[%dma_start3A_352, %dma_start3A_353, %dma_start3A_354] : memref<2x8x128xi32, #tpu.memory_space<vmem>> -> memref<1x1x128xi32, #tpu.memory_space<vmem>>
      %dma_start3A_356 = tpu.memref_squeeze %dma_start3A_355 : memref<1x1x128xi32, #tpu.memory_space<vmem>> -> memref<128xi32, #tpu.memory_space<vmem>>
      %dma_start3A_357 = arith.constant 0 : i32
      %dma_start3A_358 = arith.constant 0 : i32
      %dma_start3A_359 = tpu.memref_slice %arg2[%dma_start3A_357, %dma_start3A_358] : memref<10240x128xf32, #tpu.memory_space<hbm>> -> memref<10240x128xf32, #tpu.memory_space<hbm>>
      tpu.enqueue_indirect_dma source(%dma_start3A_359 : memref<10240x128xf32, #tpu.memory_space<hbm>>) target(%arg8 : memref<128x128xf32, #tpu.memory_space<vmem>>) offsets(%dma_start3A_356 : memref<128xi32, #tpu.memory_space<vmem>>) semaphore(%arg13 : memref<!tpu.dma_semaphore, #tpu.memory_space<semaphore_mem>>)
      %dma_wait3A_360 = arith.constant 1 : i32
      %dma_wait3A_361 = arith.constant 3 : i32
      %dma_wait3A_362 = arith.constant 0 : i32
      %dma_wait3A_363 = tpu.memref_slice %arg6[%dma_wait3A_360, %dma_wait3A_361, %dma_wait3A_362] : memref<2x8x128xi32, #tpu.memory_space<vmem>> -> memref<1x1x128xi32, #tpu.memory_space<vmem>>
      %dma_wait3A_364 = tpu.memref_squeeze %dma_wait3A_363 : memref<1x1x128xi32, #tpu.memory_space<vmem>> -> memref<128xi32, #tpu.memory_space<vmem>>
      %dma_wait3A_365 = arith.constant 0 : i32
      %dma_wait3A_366 = arith.constant 0 : i32
      %dma_wait3A_367 = tpu.memref_slice %arg2[%dma_wait3A_365, %dma_wait3A_366] : memref<10240x128xf32, #tpu.memory_space<hbm>> -> memref<10240x128xf32, #tpu.memory_space<hbm>>
      tpu.wait_indirect_dma semaphore(%arg14 : memref<!tpu.dma_semaphore, #tpu.memory_space<semaphore_mem>>) src(%dma_wait3A_367 : memref<10240x128xf32, #tpu.memory_space<hbm>>) dst(%arg9 : memref<128x128xf32, #tpu.memory_space<vmem>>)
      %run_scoped3A_368 = arith.constant 1 : i32
      %run_scoped3A_369 = arith.constant 3 : i32
      "tpu.region"() ({
        %run_scoped3A_448 = tpu.sem_alloc : memref<!tpu.dma_semaphore, #tpu.memory_space<semaphore_mem>>
        %dma_start3A_449 = arith.constant 0 : i32
        %dma_start3A_450 = tpu.memref_slice %arg7[%run_scoped3A_368, %run_scoped3A_369, %dma_start3A_449] : memref<2x8x128xi32, #tpu.memory_space<vmem>> -> memref<1x1x128xi32, #tpu.memory_space<vmem>>
        %dma_start3A_451 = tpu.memref_squeeze %dma_start3A_450 : memref<1x1x128xi32, #tpu.memory_space<vmem>> -> memref<128xi32, #tpu.memory_space<vmem>>
        %dma_start3A_452 = arith.constant 0 : i32
        %dma_start3A_453 = arith.constant 0 : i32
        %dma_start3A_454 = tpu.memref_slice %arg10[%dma_start3A_452, %dma_start3A_453] : memref<10240x128xf32, #tpu.memory_space<vmem_shared>> -> memref<10240x128xf32, #tpu.memory_space<vmem_shared>>
        tpu.enqueue_indirect_dma source(%arg9 : memref<128x128xf32, #tpu.memory_space<vmem>>) target(%dma_start3A_454 : memref<10240x128xf32, #tpu.memory_space<vmem_shared>>) offsets(%dma_start3A_451 : memref<128xi32, #tpu.memory_space<vmem>>) semaphore(%run_scoped3A_448 : memref<!tpu.dma_semaphore, #tpu.memory_space<semaphore_mem>>) {add = true}
        %dma_wait3A_455 = arith.constant 0 : i32
        %dma_wait3A_456 = tpu.memref_slice %arg7[%run_scoped3A_368, %run_scoped3A_369, %dma_wait3A_455] : memref<2x8x128xi32, #tpu.memory_space<vmem>> -> memref<1x1x128xi32, #tpu.memory_space<vmem>>
        %dma_wait3A_457 = tpu.memref_squeeze %dma_wait3A_456 : memref<1x1x128xi32, #tpu.memory_space<vmem>> -> memref<128xi32, #tpu.memory_space<vmem>>
        %dma_wait3A_458 = arith.constant 0 : i32
        %dma_wait3A_459 = arith.constant 0 : i32
        %dma_wait3A_460 = tpu.memref_slice %arg10[%dma_wait3A_458, %dma_wait3A_459] : memref<10240x128xf32, #tpu.memory_space<vmem_shared>> -> memref<10240x128xf32, #tpu.memory_space<vmem_shared>>
        tpu.wait_indirect_dma semaphore(%run_scoped3A_448 : memref<!tpu.dma_semaphore, #tpu.memory_space<semaphore_mem>>) src(%arg9 : memref<128x128xf32, #tpu.memory_space<vmem>>) dst(%dma_wait3A_460 : memref<10240x128xf32, #tpu.memory_space<vmem_shared>>)
        tpu.yield
      }) : () -> ()
      %dma_start3A_370 = arith.constant 1 : i32
      %dma_start3A_371 = arith.constant 5 : i32
      %dma_start3A_372 = arith.constant 0 : i32
      %dma_start3A_373 = tpu.memref_slice %arg6[%dma_start3A_370, %dma_start3A_371, %dma_start3A_372] : memref<2x8x128xi32, #tpu.memory_space<vmem>> -> memref<1x1x128xi32, #tpu.memory_space<vmem>>
      %dma_start3A_374 = tpu.memref_squeeze %dma_start3A_373 : memref<1x1x128xi32, #tpu.memory_space<vmem>> -> memref<128xi32, #tpu.memory_space<vmem>>
      %dma_start3A_375 = arith.constant 0 : i32
      %dma_start3A_376 = arith.constant 0 : i32
      %dma_start3A_377 = tpu.memref_slice %arg2[%dma_start3A_375, %dma_start3A_376] : memref<10240x128xf32, #tpu.memory_space<hbm>> -> memref<10240x128xf32, #tpu.memory_space<hbm>>
      tpu.enqueue_indirect_dma source(%dma_start3A_377 : memref<10240x128xf32, #tpu.memory_space<hbm>>) target(%arg9 : memref<128x128xf32, #tpu.memory_space<vmem>>) offsets(%dma_start3A_374 : memref<128xi32, #tpu.memory_space<vmem>>) semaphore(%arg14 : memref<!tpu.dma_semaphore, #tpu.memory_space<semaphore_mem>>)
      %dma_wait3A_378 = arith.constant 1 : i32
      %dma_wait3A_379 = arith.constant 4 : i32
      %dma_wait3A_380 = arith.constant 0 : i32
      %dma_wait3A_381 = tpu.memref_slice %arg6[%dma_wait3A_378, %dma_wait3A_379, %dma_wait3A_380] : memref<2x8x128xi32, #tpu.memory_space<vmem>> -> memref<1x1x128xi32, #tpu.memory_space<vmem>>
      %dma_wait3A_382 = tpu.memref_squeeze %dma_wait3A_381 : memref<1x1x128xi32, #tpu.memory_space<vmem>> -> memref<128xi32, #tpu.memory_space<vmem>>
      %dma_wait3A_383 = arith.constant 0 : i32
      %dma_wait3A_384 = arith.constant 0 : i32
      %dma_wait3A_385 = tpu.memref_slice %arg2[%dma_wait3A_383, %dma_wait3A_384] : memref<10240x128xf32, #tpu.memory_space<hbm>> -> memref<10240x128xf32, #tpu.memory_space<hbm>>
      tpu.wait_indirect_dma semaphore(%arg13 : memref<!tpu.dma_semaphore, #tpu.memory_space<semaphore_mem>>) src(%dma_wait3A_385 : memref<10240x128xf32, #tpu.memory_space<hbm>>) dst(%arg8 : memref<128x128xf32, #tpu.memory_space<vmem>>)
      %run_scoped3A_386 = arith.constant 1 : i32
      %run_scoped3A_387 = arith.constant 4 : i32
      "tpu.region"() ({
        %run_scoped3A_448 = tpu.sem_alloc : memref<!tpu.dma_semaphore, #tpu.memory_space<semaphore_mem>>
        %dma_start3A_449 = arith.constant 0 : i32
        %dma_start3A_450 = tpu.memref_slice %arg7[%run_scoped3A_386, %run_scoped3A_387, %dma_start3A_449] : memref<2x8x128xi32, #tpu.memory_space<vmem>> -> memref<1x1x128xi32, #tpu.memory_space<vmem>>
        %dma_start3A_451 = tpu.memref_squeeze %dma_start3A_450 : memref<1x1x128xi32, #tpu.memory_space<vmem>> -> memref<128xi32, #tpu.memory_space<vmem>>
        %dma_start3A_452 = arith.constant 0 : i32
        %dma_start3A_453 = arith.constant 0 : i32
        %dma_start3A_454 = tpu.memref_slice %arg10[%dma_start3A_452, %dma_start3A_453] : memref<10240x128xf32, #tpu.memory_space<vmem_shared>> -> memref<10240x128xf32, #tpu.memory_space<vmem_shared>>
        tpu.enqueue_indirect_dma source(%arg8 : memref<128x128xf32, #tpu.memory_space<vmem>>) target(%dma_start3A_454 : memref<10240x128xf32, #tpu.memory_space<vmem_shared>>) offsets(%dma_start3A_451 : memref<128xi32, #tpu.memory_space<vmem>>) semaphore(%run_scoped3A_448 : memref<!tpu.dma_semaphore, #tpu.memory_space<semaphore_mem>>) {add = true}
        %dma_wait3A_455 = arith.constant 0 : i32
        %dma_wait3A_456 = tpu.memref_slice %arg7[%run_scoped3A_386, %run_scoped3A_387, %dma_wait3A_455] : memref<2x8x128xi32, #tpu.memory_space<vmem>> -> memref<1x1x128xi32, #tpu.memory_space<vmem>>
        %dma_wait3A_457 = tpu.memref_squeeze %dma_wait3A_456 : memref<1x1x128xi32, #tpu.memory_space<vmem>> -> memref<128xi32, #tpu.memory_space<vmem>>
        %dma_wait3A_458 = arith.constant 0 : i32
        %dma_wait3A_459 = arith.constant 0 : i32
        %dma_wait3A_460 = tpu.memref_slice %arg10[%dma_wait3A_458, %dma_wait3A_459] : memref<10240x128xf32, #tpu.memory_space<vmem_shared>> -> memref<10240x128xf32, #tpu.memory_space<vmem_shared>>
        tpu.wait_indirect_dma semaphore(%run_scoped3A_448 : memref<!tpu.dma_semaphore, #tpu.memory_space<semaphore_mem>>) src(%arg8 : memref<128x128xf32, #tpu.memory_space<vmem>>) dst(%dma_wait3A_460 : memref<10240x128xf32, #tpu.memory_space<vmem_shared>>)
        tpu.yield
      }) : () -> ()
      %dma_start3A_388 = arith.constant 1 : i32
      %dma_start3A_389 = arith.constant 6 : i32
      %dma_start3A_390 = arith.constant 0 : i32
      %dma_start3A_391 = tpu.memref_slice %arg6[%dma_start3A_388, %dma_start3A_389, %dma_start3A_390] : memref<2x8x128xi32, #tpu.memory_space<vmem>> -> memref<1x1x128xi32, #tpu.memory_space<vmem>>
      %dma_start3A_392 = tpu.memref_squeeze %dma_start3A_391 : memref<1x1x128xi32, #tpu.memory_space<vmem>> -> memref<128xi32, #tpu.memory_space<vmem>>
      %dma_start3A_393 = arith.constant 0 : i32
      %dma_start3A_394 = arith.constant 0 : i32
      %dma_start3A_395 = tpu.memref_slice %arg2[%dma_start3A_393, %dma_start3A_394] : memref<10240x128xf32, #tpu.memory_space<hbm>> -> memref<10240x128xf32, #tpu.memory_space<hbm>>
      tpu.enqueue_indirect_dma source(%dma_start3A_395 : memref<10240x128xf32, #tpu.memory_space<hbm>>) target(%arg8 : memref<128x128xf32, #tpu.memory_space<vmem>>) offsets(%dma_start3A_392 : memref<128xi32, #tpu.memory_space<vmem>>) semaphore(%arg13 : memref<!tpu.dma_semaphore, #tpu.memory_space<semaphore_mem>>)
      %dma_wait3A_396 = arith.constant 1 : i32
      %dma_wait3A_397 = arith.constant 5 : i32
      %dma_wait3A_398 = arith.constant 0 : i32
      %dma_wait3A_399 = tpu.memref_slice %arg6[%dma_wait3A_396, %dma_wait3A_397, %dma_wait3A_398] : memref<2x8x128xi32, #tpu.memory_space<vmem>> -> memref<1x1x128xi32, #tpu.memory_space<vmem>>
      %dma_wait3A_400 = tpu.memref_squeeze %dma_wait3A_399 : memref<1x1x128xi32, #tpu.memory_space<vmem>> -> memref<128xi32, #tpu.memory_space<vmem>>
      %dma_wait3A_401 = arith.constant 0 : i32
      %dma_wait3A_402 = arith.constant 0 : i32
      %dma_wait3A_403 = tpu.memref_slice %arg2[%dma_wait3A_401, %dma_wait3A_402] : memref<10240x128xf32, #tpu.memory_space<hbm>> -> memref<10240x128xf32, #tpu.memory_space<hbm>>
      tpu.wait_indirect_dma semaphore(%arg14 : memref<!tpu.dma_semaphore, #tpu.memory_space<semaphore_mem>>) src(%dma_wait3A_403 : memref<10240x128xf32, #tpu.memory_space<hbm>>) dst(%arg9 : memref<128x128xf32, #tpu.memory_space<vmem>>)
      %run_scoped3A_404 = arith.constant 1 : i32
      %run_scoped3A_405 = arith.constant 5 : i32
      "tpu.region"() ({
        %run_scoped3A_448 = tpu.sem_alloc : memref<!tpu.dma_semaphore, #tpu.memory_space<semaphore_mem>>
        %dma_start3A_449 = arith.constant 0 : i32
        %dma_start3A_450 = tpu.memref_slice %arg7[%run_scoped3A_404, %run_scoped3A_405, %dma_start3A_449] : memref<2x8x128xi32, #tpu.memory_space<vmem>> -> memref<1x1x128xi32, #tpu.memory_space<vmem>>
        %dma_start3A_451 = tpu.memref_squeeze %dma_start3A_450 : memref<1x1x128xi32, #tpu.memory_space<vmem>> -> memref<128xi32, #tpu.memory_space<vmem>>
        %dma_start3A_452 = arith.constant 0 : i32
        %dma_start3A_453 = arith.constant 0 : i32
        %dma_start3A_454 = tpu.memref_slice %arg10[%dma_start3A_452, %dma_start3A_453] : memref<10240x128xf32, #tpu.memory_space<vmem_shared>> -> memref<10240x128xf32, #tpu.memory_space<vmem_shared>>
        tpu.enqueue_indirect_dma source(%arg9 : memref<128x128xf32, #tpu.memory_space<vmem>>) target(%dma_start3A_454 : memref<10240x128xf32, #tpu.memory_space<vmem_shared>>) offsets(%dma_start3A_451 : memref<128xi32, #tpu.memory_space<vmem>>) semaphore(%run_scoped3A_448 : memref<!tpu.dma_semaphore, #tpu.memory_space<semaphore_mem>>) {add = true}
        %dma_wait3A_455 = arith.constant 0 : i32
        %dma_wait3A_456 = tpu.memref_slice %arg7[%run_scoped3A_404, %run_scoped3A_405, %dma_wait3A_455] : memref<2x8x128xi32, #tpu.memory_space<vmem>> -> memref<1x1x128xi32, #tpu.memory_space<vmem>>
        %dma_wait3A_457 = tpu.memref_squeeze %dma_wait3A_456 : memref<1x1x128xi32, #tpu.memory_space<vmem>> -> memref<128xi32, #tpu.memory_space<vmem>>
        %dma_wait3A_458 = arith.constant 0 : i32
        %dma_wait3A_459 = arith.constant 0 : i32
        %dma_wait3A_460 = tpu.memref_slice %arg10[%dma_wait3A_458, %dma_wait3A_459] : memref<10240x128xf32, #tpu.memory_space<vmem_shared>> -> memref<10240x128xf32, #tpu.memory_space<vmem_shared>>
        tpu.wait_indirect_dma semaphore(%run_scoped3A_448 : memref<!tpu.dma_semaphore, #tpu.memory_space<semaphore_mem>>) src(%arg9 : memref<128x128xf32, #tpu.memory_space<vmem>>) dst(%dma_wait3A_460 : memref<10240x128xf32, #tpu.memory_space<vmem_shared>>)
        tpu.yield
      }) : () -> ()
      %dma_start3A_406 = arith.constant 1 : i32
      %dma_start3A_407 = arith.constant 7 : i32
      %dma_start3A_408 = arith.constant 0 : i32
      %dma_start3A_409 = tpu.memref_slice %arg6[%dma_start3A_406, %dma_start3A_407, %dma_start3A_408] : memref<2x8x128xi32, #tpu.memory_space<vmem>> -> memref<1x1x128xi32, #tpu.memory_space<vmem>>
      %dma_start3A_410 = tpu.memref_squeeze %dma_start3A_409 : memref<1x1x128xi32, #tpu.memory_space<vmem>> -> memref<128xi32, #tpu.memory_space<vmem>>
      %dma_start3A_411 = arith.constant 0 : i32
      %dma_start3A_412 = arith.constant 0 : i32
      %dma_start3A_413 = tpu.memref_slice %arg2[%dma_start3A_411, %dma_start3A_412] : memref<10240x128xf32, #tpu.memory_space<hbm>> -> memref<10240x128xf32, #tpu.memory_space<hbm>>
      tpu.enqueue_indirect_dma source(%dma_start3A_413 : memref<10240x128xf32, #tpu.memory_space<hbm>>) target(%arg9 : memref<128x128xf32, #tpu.memory_space<vmem>>) offsets(%dma_start3A_410 : memref<128xi32, #tpu.memory_space<vmem>>) semaphore(%arg14 : memref<!tpu.dma_semaphore, #tpu.memory_space<semaphore_mem>>)
      %dma_wait3A_414 = arith.constant 1 : i32
      %dma_wait3A_415 = arith.constant 6 : i32
      %dma_wait3A_416 = arith.constant 0 : i32
      %dma_wait3A_417 = tpu.memref_slice %arg6[%dma_wait3A_414, %dma_wait3A_415, %dma_wait3A_416] : memref<2x8x128xi32, #tpu.memory_space<vmem>> -> memref<1x1x128xi32, #tpu.memory_space<vmem>>
      %dma_wait3A_418 = tpu.memref_squeeze %dma_wait3A_417 : memref<1x1x128xi32, #tpu.memory_space<vmem>> -> memref<128xi32, #tpu.memory_space<vmem>>
      %dma_wait3A_419 = arith.constant 0 : i32
      %dma_wait3A_420 = arith.constant 0 : i32
      %dma_wait3A_421 = tpu.memref_slice %arg2[%dma_wait3A_419, %dma_wait3A_420] : memref<10240x128xf32, #tpu.memory_space<hbm>> -> memref<10240x128xf32, #tpu.memory_space<hbm>>
      tpu.wait_indirect_dma semaphore(%arg13 : memref<!tpu.dma_semaphore, #tpu.memory_space<semaphore_mem>>) src(%dma_wait3A_421 : memref<10240x128xf32, #tpu.memory_space<hbm>>) dst(%arg8 : memref<128x128xf32, #tpu.memory_space<vmem>>)
      %run_scoped3A_422 = arith.constant 1 : i32
      %run_scoped3A_423 = arith.constant 6 : i32
      "tpu.region"() ({
        %run_scoped3A_448 = tpu.sem_alloc : memref<!tpu.dma_semaphore, #tpu.memory_space<semaphore_mem>>
        %dma_start3A_449 = arith.constant 0 : i32
        %dma_start3A_450 = tpu.memref_slice %arg7[%run_scoped3A_422, %run_scoped3A_423, %dma_start3A_449] : memref<2x8x128xi32, #tpu.memory_space<vmem>> -> memref<1x1x128xi32, #tpu.memory_space<vmem>>
        %dma_start3A_451 = tpu.memref_squeeze %dma_start3A_450 : memref<1x1x128xi32, #tpu.memory_space<vmem>> -> memref<128xi32, #tpu.memory_space<vmem>>
        %dma_start3A_452 = arith.constant 0 : i32
        %dma_start3A_453 = arith.constant 0 : i32
        %dma_start3A_454 = tpu.memref_slice %arg10[%dma_start3A_452, %dma_start3A_453] : memref<10240x128xf32, #tpu.memory_space<vmem_shared>> -> memref<10240x128xf32, #tpu.memory_space<vmem_shared>>
        tpu.enqueue_indirect_dma source(%arg8 : memref<128x128xf32, #tpu.memory_space<vmem>>) target(%dma_start3A_454 : memref<10240x128xf32, #tpu.memory_space<vmem_shared>>) offsets(%dma_start3A_451 : memref<128xi32, #tpu.memory_space<vmem>>) semaphore(%run_scoped3A_448 : memref<!tpu.dma_semaphore, #tpu.memory_space<semaphore_mem>>) {add = true}
        %dma_wait3A_455 = arith.constant 0 : i32
        %dma_wait3A_456 = tpu.memref_slice %arg7[%run_scoped3A_422, %run_scoped3A_423, %dma_wait3A_455] : memref<2x8x128xi32, #tpu.memory_space<vmem>> -> memref<1x1x128xi32, #tpu.memory_space<vmem>>
        %dma_wait3A_457 = tpu.memref_squeeze %dma_wait3A_456 : memref<1x1x128xi32, #tpu.memory_space<vmem>> -> memref<128xi32, #tpu.memory_space<vmem>>
        %dma_wait3A_458 = arith.constant 0 : i32
        %dma_wait3A_459 = arith.constant 0 : i32
        %dma_wait3A_460 = tpu.memref_slice %arg10[%dma_wait3A_458, %dma_wait3A_459] : memref<10240x128xf32, #tpu.memory_space<vmem_shared>> -> memref<10240x128xf32, #tpu.memory_space<vmem_shared>>
        tpu.wait_indirect_dma semaphore(%run_scoped3A_448 : memref<!tpu.dma_semaphore, #tpu.memory_space<semaphore_mem>>) src(%arg8 : memref<128x128xf32, #tpu.memory_space<vmem>>) dst(%dma_wait3A_460 : memref<10240x128xf32, #tpu.memory_space<vmem_shared>>)
        tpu.yield
      }) : () -> ()
      %add3A_424 = arith.constant 1 : i32
      %add3A_425 = arith.addi %add3A_290, %add3A_424 : i32
      %lt3A_426 = arith.constant 10 : i32
      %lt3A_427 = arith.cmpi slt, %add3A_425, %lt3A_426 : i32
      %convert_element_type3A_428 = arith.extui %lt3A_427 : i1 to i32
      %cond3A_429 = arith.constant 0 : i32
      %cond3A_430 = arith.cmpi ne, %convert_element_type3A_428, %cond3A_429 : i32
      scf.if %cond3A_430 {
        %dma_start3A_448 = arith.constant 0 : i32
        %dma_start3A_449 = arith.constant 0 : i32
        %dma_start3A_450 = arith.constant 0 : i32
        %dma_start3A_451 = tpu.memref_slice %arg6[%dma_start3A_448, %dma_start3A_449, %dma_start3A_450] : memref<2x8x128xi32, #tpu.memory_space<vmem>> -> memref<1x1x128xi32, #tpu.memory_space<vmem>>
        %dma_start3A_452 = tpu.memref_squeeze %dma_start3A_451 : memref<1x1x128xi32, #tpu.memory_space<vmem>> -> memref<128xi32, #tpu.memory_space<vmem>>
        %dma_start3A_453 = arith.constant 0 : i32
        %dma_start3A_454 = arith.constant 0 : i32
        %dma_start3A_455 = tpu.memref_slice %arg2[%dma_start3A_453, %dma_start3A_454] : memref<10240x128xf32, #tpu.memory_space<hbm>> -> memref<10240x128xf32, #tpu.memory_space<hbm>>
        tpu.enqueue_indirect_dma source(%dma_start3A_455 : memref<10240x128xf32, #tpu.memory_space<hbm>>) target(%arg8 : memref<128x128xf32, #tpu.memory_space<vmem>>) offsets(%dma_start3A_452 : memref<128xi32, #tpu.memory_space<vmem>>) semaphore(%arg13 : memref<!tpu.dma_semaphore, #tpu.memory_space<semaphore_mem>>)
      } else {
      }
      %dma_wait3A_431 = arith.constant 1 : i32
      %dma_wait3A_432 = arith.constant 7 : i32
      %dma_wait3A_433 = arith.constant 0 : i32
      %dma_wait3A_434 = tpu.memref_slice %arg6[%dma_wait3A_431, %dma_wait3A_432, %dma_wait3A_433] : memref<2x8x128xi32, #tpu.memory_space<vmem>> -> memref<1x1x128xi32, #tpu.memory_space<vmem>>
      %dma_wait3A_435 = tpu.memref_squeeze %dma_wait3A_434 : memref<1x1x128xi32, #tpu.memory_space<vmem>> -> memref<128xi32, #tpu.memory_space<vmem>>
      %dma_wait3A_436 = arith.constant 0 : i32
      %dma_wait3A_437 = arith.constant 0 : i32
      %dma_wait3A_438 = tpu.memref_slice %arg2[%dma_wait3A_436, %dma_wait3A_437] : memref<10240x128xf32, #tpu.memory_space<hbm>> -> memref<10240x128xf32, #tpu.memory_space<hbm>>
      tpu.wait_indirect_dma semaphore(%arg14 : memref<!tpu.dma_semaphore, #tpu.memory_space<semaphore_mem>>) src(%dma_wait3A_438 : memref<10240x128xf32, #tpu.memory_space<hbm>>) dst(%arg9 : memref<128x128xf32, #tpu.memory_space<vmem>>)
      %run_scoped3A_439 = arith.constant 1 : i32
      %run_scoped3A_440 = arith.constant 7 : i32
      "tpu.region"() ({
        %run_scoped3A_448 = tpu.sem_alloc : memref<!tpu.dma_semaphore, #tpu.memory_space<semaphore_mem>>
        %dma_start3A_449 = arith.constant 0 : i32
        %dma_start3A_450 = tpu.memref_slice %arg7[%run_scoped3A_439, %run_scoped3A_440, %dma_start3A_449] : memref<2x8x128xi32, #tpu.memory_space<vmem>> -> memref<1x1x128xi32, #tpu.memory_space<vmem>>
        %dma_start3A_451 = tpu.memref_squeeze %dma_start3A_450 : memref<1x1x128xi32, #tpu.memory_space<vmem>> -> memref<128xi32, #tpu.memory_space<vmem>>
        %dma_start3A_452 = arith.constant 0 : i32
        %dma_start3A_453 = arith.constant 0 : i32
        %dma_start3A_454 = tpu.memref_slice %arg10[%dma_start3A_452, %dma_start3A_453] : memref<10240x128xf32, #tpu.memory_space<vmem_shared>> -> memref<10240x128xf32, #tpu.memory_space<vmem_shared>>
        tpu.enqueue_indirect_dma source(%arg9 : memref<128x128xf32, #tpu.memory_space<vmem>>) target(%dma_start3A_454 : memref<10240x128xf32, #tpu.memory_space<vmem_shared>>) offsets(%dma_start3A_451 : memref<128xi32, #tpu.memory_space<vmem>>) semaphore(%run_scoped3A_448 : memref<!tpu.dma_semaphore, #tpu.memory_space<semaphore_mem>>) {add = true}
        %dma_wait3A_455 = arith.constant 0 : i32
        %dma_wait3A_456 = tpu.memref_slice %arg7[%run_scoped3A_439, %run_scoped3A_440, %dma_wait3A_455] : memref<2x8x128xi32, #tpu.memory_space<vmem>> -> memref<1x1x128xi32, #tpu.memory_space<vmem>>
        %dma_wait3A_457 = tpu.memref_squeeze %dma_wait3A_456 : memref<1x1x128xi32, #tpu.memory_space<vmem>> -> memref<128xi32, #tpu.memory_space<vmem>>
        %dma_wait3A_458 = arith.constant 0 : i32
        %dma_wait3A_459 = arith.constant 0 : i32
        %dma_wait3A_460 = tpu.memref_slice %arg10[%dma_wait3A_458, %dma_wait3A_459] : memref<10240x128xf32, #tpu.memory_space<vmem_shared>> -> memref<10240x128xf32, #tpu.memory_space<vmem_shared>>
        tpu.wait_indirect_dma semaphore(%run_scoped3A_448 : memref<!tpu.dma_semaphore, #tpu.memory_space<semaphore_mem>>) src(%arg9 : memref<128x128xf32, #tpu.memory_space<vmem>>) dst(%dma_wait3A_460 : memref<10240x128xf32, #tpu.memory_space<vmem_shared>>)
        tpu.yield
      }) : () -> ()
      %add3A_441 = arith.constant 2 : i32
      %add3A_442 = arith.addi %add3A_290, %add3A_441 : i32
      %lt3A_443 = arith.constant 10 : i32
      %lt3A_444 = arith.cmpi slt, %add3A_442, %lt3A_443 : i32
      %convert_element_type3A_445 = arith.extui %lt3A_444 : i1 to i32
      %cond3A_446 = arith.constant 0 : i32
      %cond3A_447 = arith.cmpi ne, %convert_element_type3A_445, %cond3A_446 : i32
      scf.if %cond3A_447 {
        %add3A_448 = arith.constant 2 : i32
        %add3A_449 = arith.addi %add3A_290, %add3A_448 : i32
        %dma_start3A_450 = arith.constant 1 : i32
        %dma_start3A_451 = arith.constant 0 : i32
        %dma_start3A_452 = arith.constant 0 : i32
        %dma_start3A_453 = tpu.memref_slice %arg6[%dma_start3A_450, %dma_start3A_451, %dma_start3A_452] : memref<2x8x128xi32, #tpu.memory_space<vmem>> -> memref<1x8x128xi32, #tpu.memory_space<vmem>>
        %dma_start3A_454 = tpu.memref_squeeze %dma_start3A_453 : memref<1x8x128xi32, #tpu.memory_space<vmem>> -> memref<8x128xi32, #tpu.memory_space<vmem>>
        %dma_start3A_455 = arith.constant 0 : i32
        %dma_start3A_456 = arith.constant 0 : i32
        %dma_start3A_457 = tpu.memref_slice %arg3[%add3A, %add3A_449, %dma_start3A_455, %dma_start3A_456] : memref<32x10x8x128xi32, #tpu.memory_space<hbm>> -> memref<1x1x8x128xi32, #tpu.memory_space<hbm>>
        %dma_start3A_458 = tpu.memref_squeeze %dma_start3A_457 : memref<1x1x8x128xi32, #tpu.memory_space<hbm>> -> memref<8x128xi32, #tpu.memory_space<hbm>>
        %dma_start3A_459 = arith.constant 0 : i32
        %dma_start3A_460 = arith.constant 0 : i32
        %dma_start3A_461 = tpu.memref_slice %arg6[%dma_start3A_450, %dma_start3A_459, %dma_start3A_460] : memref<2x8x128xi32, #tpu.memory_space<vmem>> -> memref<1x8x128xi32, #tpu.memory_space<vmem>>
        %dma_start3A_462 = tpu.memref_squeeze %dma_start3A_461 : memref<1x8x128xi32, #tpu.memory_space<vmem>> -> memref<8x128xi32, #tpu.memory_space<vmem>>
        %dma_start3A_463 = arith.constant 0 : i32
        %dma_start3A_464 = arith.constant 0 : i32
        %dma_start3A_465 = tpu.memref_slice %arg3[%add3A, %add3A_449, %dma_start3A_463, %dma_start3A_464] : memref<32x10x8x128xi32, #tpu.memory_space<hbm>> -> memref<1x1x8x128xi32, #tpu.memory_space<hbm>>
        %dma_start3A_466 = tpu.memref_squeeze %dma_start3A_465 : memref<1x1x8x128xi32, #tpu.memory_space<hbm>> -> memref<8x128xi32, #tpu.memory_space<hbm>>
        tpu.enqueue_dma source(%dma_start3A_466 : memref<8x128xi32, #tpu.memory_space<hbm>>) target(%dma_start3A_462 : memref<8x128xi32, #tpu.memory_space<vmem>>) target_semaphore(%arg12 : memref<!tpu.dma_semaphore, #tpu.memory_space<semaphore_mem>>)
        %dma_start3A_467 = arith.constant 1 : i32
        %dma_start3A_468 = arith.constant 0 : i32
        %dma_start3A_469 = arith.constant 0 : i32
        %dma_start3A_470 = tpu.memref_slice %arg7[%dma_start3A_467, %dma_start3A_468, %dma_start3A_469] : memref<2x8x128xi32, #tpu.memory_space<vmem>> -> memref<1x8x128xi32, #tpu.memory_space<vmem>>
        %dma_start3A_471 = tpu.memref_squeeze %dma_start3A_470 : memref<1x8x128xi32, #tpu.memory_space<vmem>> -> memref<8x128xi32, #tpu.memory_space<vmem>>
        %dma_start3A_472 = arith.constant 0 : i32
        %dma_start3A_473 = arith.constant 0 : i32
        %dma_start3A_474 = tpu.memref_slice %arg4[%add3A, %add3A_449, %dma_start3A_472, %dma_start3A_473] : memref<32x10x8x128xi32, #tpu.memory_space<hbm>> -> memref<1x1x8x128xi32, #tpu.memory_space<hbm>>
        %dma_start3A_475 = tpu.memref_squeeze %dma_start3A_474 : memref<1x1x8x128xi32, #tpu.memory_space<hbm>> -> memref<8x128xi32, #tpu.memory_space<hbm>>
        %dma_start3A_476 = arith.constant 0 : i32
        %dma_start3A_477 = arith.constant 0 : i32
        %dma_start3A_478 = tpu.memref_slice %arg7[%dma_start3A_467, %dma_start3A_476, %dma_start3A_477] : memref<2x8x128xi32, #tpu.memory_space<vmem>> -> memref<1x8x128xi32, #tpu.memory_space<vmem>>
        %dma_start3A_479 = tpu.memref_squeeze %dma_start3A_478 : memref<1x8x128xi32, #tpu.memory_space<vmem>> -> memref<8x128xi32, #tpu.memory_space<vmem>>
        %dma_start3A_480 = arith.constant 0 : i32
        %dma_start3A_481 = arith.constant 0 : i32
        %dma_start3A_482 = tpu.memref_slice %arg4[%add3A, %add3A_449, %dma_start3A_480, %dma_start3A_481] : memref<32x10x8x128xi32, #tpu.memory_space<hbm>> -> memref<1x1x8x128xi32, #tpu.memory_space<hbm>>
        %dma_start3A_483 = tpu.memref_squeeze %dma_start3A_482 : memref<1x1x8x128xi32, #tpu.memory_space<hbm>> -> memref<8x128xi32, #tpu.memory_space<hbm>>
        tpu.enqueue_dma source(%dma_start3A_483 : memref<8x128xi32, #tpu.memory_space<hbm>>) target(%dma_start3A_479 : memref<8x128xi32, #tpu.memory_space<vmem>>) target_semaphore(%arg12 : memref<!tpu.dma_semaphore, #tpu.memory_space<semaphore_mem>>)
      } else {
      }
    }
    %scan3A_123 = arith.constant 5 : i32
    %barrier3A_124 = arith.constant 0 : index
    tpu.barrier barrier_id(%barrier3A_124)
    %mul3A_125 = arith.constant 640 : i32
    %mul3A_126 = arith.muli %arg1, %mul3A_125 : i32
    %mul3A_127 = arith.constant 640 : i32
    %mul3A_128 = arith.muli %arg1, %mul3A_127 : i32
    "tpu.region"() ({
      %run_scoped3A = tpu.sem_alloc : memref<!tpu.dma_semaphore, #tpu.memory_space<semaphore_mem>>
      %dma_start3A_129 = arith.constant 0 : i32
      %dma_start3A_130 = tpu.memref_slice %arg5[%arg0, %mul3A_128, %dma_start3A_129] : memref<2x10240x128xf32, #tpu.memory_space<hbm>> -> memref<1x640x128xf32, #tpu.memory_space<hbm>>
      %dma_start3A_131 = tpu.memref_squeeze %dma_start3A_130 : memref<1x640x128xf32, #tpu.memory_space<hbm>> -> memref<640x128xf32, #tpu.memory_space<hbm>>
      %dma_start3A_132 = arith.constant 0 : i32
      %dma_start3A_133 = tpu.memref_slice %arg10[%mul3A_126, %dma_start3A_132] : memref<10240x128xf32, #tpu.memory_space<vmem_shared>> -> memref<640x128xf32, #tpu.memory_space<vmem_shared>>
      tpu.enqueue_dma source(%dma_start3A_133 : memref<640x128xf32, #tpu.memory_space<vmem_shared>>) target(%dma_start3A_131 : memref<640x128xf32, #tpu.memory_space<hbm>>) target_semaphore(%run_scoped3A : memref<!tpu.dma_semaphore, #tpu.memory_space<semaphore_mem>>)
      %dma_wait3A_134 = arith.constant 0 : i32
      %dma_wait3A_135 = tpu.memref_slice %arg5[%arg0, %mul3A_128, %dma_wait3A_134] : memref<2x10240x128xf32, #tpu.memory_space<hbm>> -> memref<1x640x128xf32, #tpu.memory_space<hbm>>
      %dma_wait3A_136 = tpu.memref_squeeze %dma_wait3A_135 : memref<1x640x128xf32, #tpu.memory_space<hbm>> -> memref<640x128xf32, #tpu.memory_space<hbm>>
      %dma_wait3A_137 = arith.constant 0 : i32
      %dma_wait3A_138 = tpu.memref_slice %arg10[%mul3A_126, %dma_wait3A_137] : memref<10240x128xf32, #tpu.memory_space<vmem_shared>> -> memref<640x128xf32, #tpu.memory_space<vmem_shared>>
      tpu.wait_dma2 semaphore(%run_scoped3A : memref<!tpu.dma_semaphore, #tpu.memory_space<semaphore_mem>>) src(%dma_wait3A_138 : memref<640x128xf32, #tpu.memory_space<vmem_shared>>) dst(%dma_wait3A_136 : memref<640x128xf32, #tpu.memory_space<hbm>>)
      tpu.yield
    }) : () -> ()
    return
  }
}

#map = affine_map<(d0, d1) -> (0, 0, 0, 0)>
#map1 = affine_map<(d0, d1) -> (0)>
#map2 = affine_map<(d0, d1) -> (0, 0)>
module attributes {stable_mosaic.version = 14 : i64} {
  func.func @_deg_body(%arg0: i32, %arg1: i32, %arg2: memref<32x10x8x128xi32, #tpu.memory_space<hbm>>, %arg3: memref<128xf32, #tpu.memory_space<hbm>>, %arg4: memref<10240xf32, #tpu.memory_space<hbm>>, %arg5: memref<2x10240xf32, #tpu.memory_space<hbm>>, %arg6: memref<10x8x128xi32, #tpu.memory_space<vmem>>, %arg7: memref<128xf32, #tpu.memory_space<vmem>>, %arg8: memref<10240xf32, #tpu.memory_space<vmem_shared>>) attributes {dimension_semantics = [#tpu.dimension_semantics<core_parallel>, #tpu.dimension_semantics<subcore_parallel>], iteration_bounds = array<i64: 2, 16>, scalar_prefetch = 0 : i64, scratch_operands = 3 : i64, tpu.core_type = #tpu.core_type<sc_vector_subcore>, window_params = [{transform_indices = #map}, {transform_indices = #map1}, {transform_indices = #map1}, {transform_indices = #map2}]} {
    %mul3A = arith.constant 16 : i32
    %mul3A_0 = arith.muli %arg0, %mul3A : i32
    %add3A = arith.addi %mul3A_0, %arg1 : i32
    "tpu.region"() ({
      %run_scoped3A = tpu.sem_alloc : memref<!tpu.dma_semaphore, #tpu.memory_space<semaphore_mem>>
      %dma_start3A = arith.constant 0 : i32
      %dma_start3A_15 = arith.constant 0 : i32
      %dma_start3A_16 = arith.constant 0 : i32
      %dma_start3A_17 = tpu.memref_slice %arg2[%add3A, %dma_start3A, %dma_start3A_15, %dma_start3A_16] : memref<32x10x8x128xi32, #tpu.memory_space<hbm>> -> memref<1x10x8x128xi32, #tpu.memory_space<hbm>>
      %dma_start3A_18 = tpu.memref_squeeze %dma_start3A_17 : memref<1x10x8x128xi32, #tpu.memory_space<hbm>> -> memref<10x8x128xi32, #tpu.memory_space<hbm>>
      %dma_start3A_19 = arith.constant 0 : i32
      %dma_start3A_20 = arith.constant 0 : i32
      %dma_start3A_21 = arith.constant 0 : i32
      %dma_start3A_22 = tpu.memref_slice %arg2[%add3A, %dma_start3A_19, %dma_start3A_20, %dma_start3A_21] : memref<32x10x8x128xi32, #tpu.memory_space<hbm>> -> memref<1x10x8x128xi32, #tpu.memory_space<hbm>>
      %dma_start3A_23 = tpu.memref_squeeze %dma_start3A_22 : memref<1x10x8x128xi32, #tpu.memory_space<hbm>> -> memref<10x8x128xi32, #tpu.memory_space<hbm>>
      tpu.enqueue_dma source(%dma_start3A_23 : memref<10x8x128xi32, #tpu.memory_space<hbm>>) target(%arg6 : memref<10x8x128xi32, #tpu.memory_space<vmem>>) target_semaphore(%run_scoped3A : memref<!tpu.dma_semaphore, #tpu.memory_space<semaphore_mem>>)
      %dma_wait3A = arith.constant 0 : i32
      %dma_wait3A_24 = arith.constant 0 : i32
      %dma_wait3A_25 = arith.constant 0 : i32
      %dma_wait3A_26 = tpu.memref_slice %arg2[%add3A, %dma_wait3A, %dma_wait3A_24, %dma_wait3A_25] : memref<32x10x8x128xi32, #tpu.memory_space<hbm>> -> memref<1x10x8x128xi32, #tpu.memory_space<hbm>>
      %dma_wait3A_27 = tpu.memref_squeeze %dma_wait3A_26 : memref<1x10x8x128xi32, #tpu.memory_space<hbm>> -> memref<10x8x128xi32, #tpu.memory_space<hbm>>
      %dma_wait3A_28 = arith.constant 0 : i32
      %dma_wait3A_29 = arith.constant 0 : i32
      %dma_wait3A_30 = arith.constant 0 : i32
      %dma_wait3A_31 = tpu.memref_slice %arg2[%add3A, %dma_wait3A_28, %dma_wait3A_29, %dma_wait3A_30] : memref<32x10x8x128xi32, #tpu.memory_space<hbm>> -> memref<1x10x8x128xi32, #tpu.memory_space<hbm>>
      %dma_wait3A_32 = tpu.memref_squeeze %dma_wait3A_31 : memref<1x10x8x128xi32, #tpu.memory_space<hbm>> -> memref<10x8x128xi32, #tpu.memory_space<hbm>>
      tpu.wait_dma2 semaphore(%run_scoped3A : memref<!tpu.dma_semaphore, #tpu.memory_space<semaphore_mem>>) src(%dma_wait3A_32 : memref<10x8x128xi32, #tpu.memory_space<hbm>>) dst(%arg6 : memref<10x8x128xi32, #tpu.memory_space<vmem>>)
      tpu.yield
    }) : () -> ()
    "tpu.region"() ({
      %run_scoped3A = tpu.sem_alloc : memref<!tpu.dma_semaphore, #tpu.memory_space<semaphore_mem>>
      tpu.enqueue_dma source(%arg3 : memref<128xf32, #tpu.memory_space<hbm>>) target(%arg7 : memref<128xf32, #tpu.memory_space<vmem>>) target_semaphore(%run_scoped3A : memref<!tpu.dma_semaphore, #tpu.memory_space<semaphore_mem>>)
      tpu.wait_dma2 semaphore(%run_scoped3A : memref<!tpu.dma_semaphore, #tpu.memory_space<semaphore_mem>>) src(%arg3 : memref<128xf32, #tpu.memory_space<hbm>>) dst(%arg7 : memref<128xf32, #tpu.memory_space<vmem>>)
      tpu.yield
    }) : () -> ()
    %mul3A_1 = arith.constant 640 : i32
    %mul3A_2 = arith.muli %arg1, %mul3A_1 : i32
    %mul3A_3 = arith.constant 640 : i32
    %mul3A_4 = arith.muli %arg1, %mul3A_3 : i32
    "tpu.region"() ({
      %run_scoped3A = tpu.sem_alloc : memref<!tpu.dma_semaphore, #tpu.memory_space<semaphore_mem>>
      %dma_start3A = tpu.memref_slice %arg8[%mul3A_4] : memref<10240xf32, #tpu.memory_space<vmem_shared>> -> memref<640xf32, #tpu.memory_space<vmem_shared>>
      %dma_start3A_15 = tpu.memref_slice %arg4[%mul3A_2] : memref<10240xf32, #tpu.memory_space<hbm>> -> memref<640xf32, #tpu.memory_space<hbm>>
      tpu.enqueue_dma source(%dma_start3A_15 : memref<640xf32, #tpu.memory_space<hbm>>) target(%dma_start3A : memref<640xf32, #tpu.memory_space<vmem_shared>>) target_semaphore(%run_scoped3A : memref<!tpu.dma_semaphore, #tpu.memory_space<semaphore_mem>>)
      %dma_wait3A = tpu.memref_slice %arg8[%mul3A_4] : memref<10240xf32, #tpu.memory_space<vmem_shared>> -> memref<640xf32, #tpu.memory_space<vmem_shared>>
      %dma_wait3A_16 = tpu.memref_slice %arg4[%mul3A_2] : memref<10240xf32, #tpu.memory_space<hbm>> -> memref<640xf32, #tpu.memory_space<hbm>>
      tpu.wait_dma2 semaphore(%run_scoped3A : memref<!tpu.dma_semaphore, #tpu.memory_space<semaphore_mem>>) src(%dma_wait3A_16 : memref<640xf32, #tpu.memory_space<hbm>>) dst(%dma_wait3A : memref<640xf32, #tpu.memory_space<vmem_shared>>)
      tpu.yield
    }) : () -> ()
    %barrier3A = arith.constant 0 : index
    tpu.barrier barrier_id(%barrier3A)
    %scan3A = arith.constant 0 : i32
    %scan3A_5 = arith.constant 0 : i32
    %scan3A_6 = arith.constant 10 : i32
    %scan3A_7 = arith.addi %scan3A_5, %scan3A_6 : i32
    %scan3A_8 = arith.constant 1 : i32
    scf.for %scan3A_15 = %scan3A_5 to %scan3A_7 step %scan3A_8  : i32 {
      %run_scoped3A = arith.constant 0 : i32
      "tpu.region"() ({
        %run_scoped3A_23 = tpu.sem_alloc : memref<!tpu.dma_semaphore, #tpu.memory_space<semaphore_mem>>
        %dma_start3A = arith.constant 0 : i32
        %dma_start3A_24 = tpu.memref_slice %arg6[%scan3A_15, %run_scoped3A, %dma_start3A] : memref<10x8x128xi32, #tpu.memory_space<vmem>> -> memref<1x1x128xi32, #tpu.memory_space<vmem>>
        %dma_start3A_25 = tpu.memref_squeeze %dma_start3A_24 : memref<1x1x128xi32, #tpu.memory_space<vmem>> -> memref<128xi32, #tpu.memory_space<vmem>>
        %dma_start3A_26 = arith.constant 0 : i32
        %dma_start3A_27 = tpu.memref_slice %arg8[%dma_start3A_26] : memref<10240xf32, #tpu.memory_space<vmem_shared>> -> memref<10240xf32, #tpu.memory_space<vmem_shared>>
        tpu.enqueue_indirect_dma source(%arg7 : memref<128xf32, #tpu.memory_space<vmem>>) target(%dma_start3A_27 : memref<10240xf32, #tpu.memory_space<vmem_shared>>) offsets(%dma_start3A_25 : memref<128xi32, #tpu.memory_space<vmem>>) semaphore(%run_scoped3A_23 : memref<!tpu.dma_semaphore, #tpu.memory_space<semaphore_mem>>) {add = true}
        %dma_wait3A = arith.constant 0 : i32
        %dma_wait3A_28 = tpu.memref_slice %arg6[%scan3A_15, %run_scoped3A, %dma_wait3A] : memref<10x8x128xi32, #tpu.memory_space<vmem>> -> memref<1x1x128xi32, #tpu.memory_space<vmem>>
        %dma_wait3A_29 = tpu.memref_squeeze %dma_wait3A_28 : memref<1x1x128xi32, #tpu.memory_space<vmem>> -> memref<128xi32, #tpu.memory_space<vmem>>
        %dma_wait3A_30 = arith.constant 0 : i32
        %dma_wait3A_31 = tpu.memref_slice %arg8[%dma_wait3A_30] : memref<10240xf32, #tpu.memory_space<vmem_shared>> -> memref<10240xf32, #tpu.memory_space<vmem_shared>>
        tpu.wait_indirect_dma semaphore(%run_scoped3A_23 : memref<!tpu.dma_semaphore, #tpu.memory_space<semaphore_mem>>) src(%arg7 : memref<128xf32, #tpu.memory_space<vmem>>) dst(%dma_wait3A_31 : memref<10240xf32, #tpu.memory_space<vmem_shared>>)
        tpu.yield
      }) : () -> ()
      %run_scoped3A_16 = arith.constant 1 : i32
      "tpu.region"() ({
        %run_scoped3A_23 = tpu.sem_alloc : memref<!tpu.dma_semaphore, #tpu.memory_space<semaphore_mem>>
        %dma_start3A = arith.constant 0 : i32
        %dma_start3A_24 = tpu.memref_slice %arg6[%scan3A_15, %run_scoped3A_16, %dma_start3A] : memref<10x8x128xi32, #tpu.memory_space<vmem>> -> memref<1x1x128xi32, #tpu.memory_space<vmem>>
        %dma_start3A_25 = tpu.memref_squeeze %dma_start3A_24 : memref<1x1x128xi32, #tpu.memory_space<vmem>> -> memref<128xi32, #tpu.memory_space<vmem>>
        %dma_start3A_26 = arith.constant 0 : i32
        %dma_start3A_27 = tpu.memref_slice %arg8[%dma_start3A_26] : memref<10240xf32, #tpu.memory_space<vmem_shared>> -> memref<10240xf32, #tpu.memory_space<vmem_shared>>
        tpu.enqueue_indirect_dma source(%arg7 : memref<128xf32, #tpu.memory_space<vmem>>) target(%dma_start3A_27 : memref<10240xf32, #tpu.memory_space<vmem_shared>>) offsets(%dma_start3A_25 : memref<128xi32, #tpu.memory_space<vmem>>) semaphore(%run_scoped3A_23 : memref<!tpu.dma_semaphore, #tpu.memory_space<semaphore_mem>>) {add = true}
        %dma_wait3A = arith.constant 0 : i32
        %dma_wait3A_28 = tpu.memref_slice %arg6[%scan3A_15, %run_scoped3A_16, %dma_wait3A] : memref<10x8x128xi32, #tpu.memory_space<vmem>> -> memref<1x1x128xi32, #tpu.memory_space<vmem>>
        %dma_wait3A_29 = tpu.memref_squeeze %dma_wait3A_28 : memref<1x1x128xi32, #tpu.memory_space<vmem>> -> memref<128xi32, #tpu.memory_space<vmem>>
        %dma_wait3A_30 = arith.constant 0 : i32
        %dma_wait3A_31 = tpu.memref_slice %arg8[%dma_wait3A_30] : memref<10240xf32, #tpu.memory_space<vmem_shared>> -> memref<10240xf32, #tpu.memory_space<vmem_shared>>
        tpu.wait_indirect_dma semaphore(%run_scoped3A_23 : memref<!tpu.dma_semaphore, #tpu.memory_space<semaphore_mem>>) src(%arg7 : memref<128xf32, #tpu.memory_space<vmem>>) dst(%dma_wait3A_31 : memref<10240xf32, #tpu.memory_space<vmem_shared>>)
        tpu.yield
      }) : () -> ()
      %run_scoped3A_17 = arith.constant 2 : i32
      "tpu.region"() ({
        %run_scoped3A_23 = tpu.sem_alloc : memref<!tpu.dma_semaphore, #tpu.memory_space<semaphore_mem>>
        %dma_start3A = arith.constant 0 : i32
        %dma_start3A_24 = tpu.memref_slice %arg6[%scan3A_15, %run_scoped3A_17, %dma_start3A] : memref<10x8x128xi32, #tpu.memory_space<vmem>> -> memref<1x1x128xi32, #tpu.memory_space<vmem>>
        %dma_start3A_25 = tpu.memref_squeeze %dma_start3A_24 : memref<1x1x128xi32, #tpu.memory_space<vmem>> -> memref<128xi32, #tpu.memory_space<vmem>>
        %dma_start3A_26 = arith.constant 0 : i32
        %dma_start3A_27 = tpu.memref_slice %arg8[%dma_start3A_26] : memref<10240xf32, #tpu.memory_space<vmem_shared>> -> memref<10240xf32, #tpu.memory_space<vmem_shared>>
        tpu.enqueue_indirect_dma source(%arg7 : memref<128xf32, #tpu.memory_space<vmem>>) target(%dma_start3A_27 : memref<10240xf32, #tpu.memory_space<vmem_shared>>) offsets(%dma_start3A_25 : memref<128xi32, #tpu.memory_space<vmem>>) semaphore(%run_scoped3A_23 : memref<!tpu.dma_semaphore, #tpu.memory_space<semaphore_mem>>) {add = true}
        %dma_wait3A = arith.constant 0 : i32
        %dma_wait3A_28 = tpu.memref_slice %arg6[%scan3A_15, %run_scoped3A_17, %dma_wait3A] : memref<10x8x128xi32, #tpu.memory_space<vmem>> -> memref<1x1x128xi32, #tpu.memory_space<vmem>>
        %dma_wait3A_29 = tpu.memref_squeeze %dma_wait3A_28 : memref<1x1x128xi32, #tpu.memory_space<vmem>> -> memref<128xi32, #tpu.memory_space<vmem>>
        %dma_wait3A_30 = arith.constant 0 : i32
        %dma_wait3A_31 = tpu.memref_slice %arg8[%dma_wait3A_30] : memref<10240xf32, #tpu.memory_space<vmem_shared>> -> memref<10240xf32, #tpu.memory_space<vmem_shared>>
        tpu.wait_indirect_dma semaphore(%run_scoped3A_23 : memref<!tpu.dma_semaphore, #tpu.memory_space<semaphore_mem>>) src(%arg7 : memref<128xf32, #tpu.memory_space<vmem>>) dst(%dma_wait3A_31 : memref<10240xf32, #tpu.memory_space<vmem_shared>>)
        tpu.yield
      }) : () -> ()
      %run_scoped3A_18 = arith.constant 3 : i32
      "tpu.region"() ({
        %run_scoped3A_23 = tpu.sem_alloc : memref<!tpu.dma_semaphore, #tpu.memory_space<semaphore_mem>>
        %dma_start3A = arith.constant 0 : i32
        %dma_start3A_24 = tpu.memref_slice %arg6[%scan3A_15, %run_scoped3A_18, %dma_start3A] : memref<10x8x128xi32, #tpu.memory_space<vmem>> -> memref<1x1x128xi32, #tpu.memory_space<vmem>>
        %dma_start3A_25 = tpu.memref_squeeze %dma_start3A_24 : memref<1x1x128xi32, #tpu.memory_space<vmem>> -> memref<128xi32, #tpu.memory_space<vmem>>
        %dma_start3A_26 = arith.constant 0 : i32
        %dma_start3A_27 = tpu.memref_slice %arg8[%dma_start3A_26] : memref<10240xf32, #tpu.memory_space<vmem_shared>> -> memref<10240xf32, #tpu.memory_space<vmem_shared>>
        tpu.enqueue_indirect_dma source(%arg7 : memref<128xf32, #tpu.memory_space<vmem>>) target(%dma_start3A_27 : memref<10240xf32, #tpu.memory_space<vmem_shared>>) offsets(%dma_start3A_25 : memref<128xi32, #tpu.memory_space<vmem>>) semaphore(%run_scoped3A_23 : memref<!tpu.dma_semaphore, #tpu.memory_space<semaphore_mem>>) {add = true}
        %dma_wait3A = arith.constant 0 : i32
        %dma_wait3A_28 = tpu.memref_slice %arg6[%scan3A_15, %run_scoped3A_18, %dma_wait3A] : memref<10x8x128xi32, #tpu.memory_space<vmem>> -> memref<1x1x128xi32, #tpu.memory_space<vmem>>
        %dma_wait3A_29 = tpu.memref_squeeze %dma_wait3A_28 : memref<1x1x128xi32, #tpu.memory_space<vmem>> -> memref<128xi32, #tpu.memory_space<vmem>>
        %dma_wait3A_30 = arith.constant 0 : i32
        %dma_wait3A_31 = tpu.memref_slice %arg8[%dma_wait3A_30] : memref<10240xf32, #tpu.memory_space<vmem_shared>> -> memref<10240xf32, #tpu.memory_space<vmem_shared>>
        tpu.wait_indirect_dma semaphore(%run_scoped3A_23 : memref<!tpu.dma_semaphore, #tpu.memory_space<semaphore_mem>>) src(%arg7 : memref<128xf32, #tpu.memory_space<vmem>>) dst(%dma_wait3A_31 : memref<10240xf32, #tpu.memory_space<vmem_shared>>)
        tpu.yield
      }) : () -> ()
      %run_scoped3A_19 = arith.constant 4 : i32
      "tpu.region"() ({
        %run_scoped3A_23 = tpu.sem_alloc : memref<!tpu.dma_semaphore, #tpu.memory_space<semaphore_mem>>
        %dma_start3A = arith.constant 0 : i32
        %dma_start3A_24 = tpu.memref_slice %arg6[%scan3A_15, %run_scoped3A_19, %dma_start3A] : memref<10x8x128xi32, #tpu.memory_space<vmem>> -> memref<1x1x128xi32, #tpu.memory_space<vmem>>
        %dma_start3A_25 = tpu.memref_squeeze %dma_start3A_24 : memref<1x1x128xi32, #tpu.memory_space<vmem>> -> memref<128xi32, #tpu.memory_space<vmem>>
        %dma_start3A_26 = arith.constant 0 : i32
        %dma_start3A_27 = tpu.memref_slice %arg8[%dma_start3A_26] : memref<10240xf32, #tpu.memory_space<vmem_shared>> -> memref<10240xf32, #tpu.memory_space<vmem_shared>>
        tpu.enqueue_indirect_dma source(%arg7 : memref<128xf32, #tpu.memory_space<vmem>>) target(%dma_start3A_27 : memref<10240xf32, #tpu.memory_space<vmem_shared>>) offsets(%dma_start3A_25 : memref<128xi32, #tpu.memory_space<vmem>>) semaphore(%run_scoped3A_23 : memref<!tpu.dma_semaphore, #tpu.memory_space<semaphore_mem>>) {add = true}
        %dma_wait3A = arith.constant 0 : i32
        %dma_wait3A_28 = tpu.memref_slice %arg6[%scan3A_15, %run_scoped3A_19, %dma_wait3A] : memref<10x8x128xi32, #tpu.memory_space<vmem>> -> memref<1x1x128xi32, #tpu.memory_space<vmem>>
        %dma_wait3A_29 = tpu.memref_squeeze %dma_wait3A_28 : memref<1x1x128xi32, #tpu.memory_space<vmem>> -> memref<128xi32, #tpu.memory_space<vmem>>
        %dma_wait3A_30 = arith.constant 0 : i32
        %dma_wait3A_31 = tpu.memref_slice %arg8[%dma_wait3A_30] : memref<10240xf32, #tpu.memory_space<vmem_shared>> -> memref<10240xf32, #tpu.memory_space<vmem_shared>>
        tpu.wait_indirect_dma semaphore(%run_scoped3A_23 : memref<!tpu.dma_semaphore, #tpu.memory_space<semaphore_mem>>) src(%arg7 : memref<128xf32, #tpu.memory_space<vmem>>) dst(%dma_wait3A_31 : memref<10240xf32, #tpu.memory_space<vmem_shared>>)
        tpu.yield
      }) : () -> ()
      %run_scoped3A_20 = arith.constant 5 : i32
      "tpu.region"() ({
        %run_scoped3A_23 = tpu.sem_alloc : memref<!tpu.dma_semaphore, #tpu.memory_space<semaphore_mem>>
        %dma_start3A = arith.constant 0 : i32
        %dma_start3A_24 = tpu.memref_slice %arg6[%scan3A_15, %run_scoped3A_20, %dma_start3A] : memref<10x8x128xi32, #tpu.memory_space<vmem>> -> memref<1x1x128xi32, #tpu.memory_space<vmem>>
        %dma_start3A_25 = tpu.memref_squeeze %dma_start3A_24 : memref<1x1x128xi32, #tpu.memory_space<vmem>> -> memref<128xi32, #tpu.memory_space<vmem>>
        %dma_start3A_26 = arith.constant 0 : i32
        %dma_start3A_27 = tpu.memref_slice %arg8[%dma_start3A_26] : memref<10240xf32, #tpu.memory_space<vmem_shared>> -> memref<10240xf32, #tpu.memory_space<vmem_shared>>
        tpu.enqueue_indirect_dma source(%arg7 : memref<128xf32, #tpu.memory_space<vmem>>) target(%dma_start3A_27 : memref<10240xf32, #tpu.memory_space<vmem_shared>>) offsets(%dma_start3A_25 : memref<128xi32, #tpu.memory_space<vmem>>) semaphore(%run_scoped3A_23 : memref<!tpu.dma_semaphore, #tpu.memory_space<semaphore_mem>>) {add = true}
        %dma_wait3A = arith.constant 0 : i32
        %dma_wait3A_28 = tpu.memref_slice %arg6[%scan3A_15, %run_scoped3A_20, %dma_wait3A] : memref<10x8x128xi32, #tpu.memory_space<vmem>> -> memref<1x1x128xi32, #tpu.memory_space<vmem>>
        %dma_wait3A_29 = tpu.memref_squeeze %dma_wait3A_28 : memref<1x1x128xi32, #tpu.memory_space<vmem>> -> memref<128xi32, #tpu.memory_space<vmem>>
        %dma_wait3A_30 = arith.constant 0 : i32
        %dma_wait3A_31 = tpu.memref_slice %arg8[%dma_wait3A_30] : memref<10240xf32, #tpu.memory_space<vmem_shared>> -> memref<10240xf32, #tpu.memory_space<vmem_shared>>
        tpu.wait_indirect_dma semaphore(%run_scoped3A_23 : memref<!tpu.dma_semaphore, #tpu.memory_space<semaphore_mem>>) src(%arg7 : memref<128xf32, #tpu.memory_space<vmem>>) dst(%dma_wait3A_31 : memref<10240xf32, #tpu.memory_space<vmem_shared>>)
        tpu.yield
      }) : () -> ()
      %run_scoped3A_21 = arith.constant 6 : i32
      "tpu.region"() ({
        %run_scoped3A_23 = tpu.sem_alloc : memref<!tpu.dma_semaphore, #tpu.memory_space<semaphore_mem>>
        %dma_start3A = arith.constant 0 : i32
        %dma_start3A_24 = tpu.memref_slice %arg6[%scan3A_15, %run_scoped3A_21, %dma_start3A] : memref<10x8x128xi32, #tpu.memory_space<vmem>> -> memref<1x1x128xi32, #tpu.memory_space<vmem>>
        %dma_start3A_25 = tpu.memref_squeeze %dma_start3A_24 : memref<1x1x128xi32, #tpu.memory_space<vmem>> -> memref<128xi32, #tpu.memory_space<vmem>>
        %dma_start3A_26 = arith.constant 0 : i32
        %dma_start3A_27 = tpu.memref_slice %arg8[%dma_start3A_26] : memref<10240xf32, #tpu.memory_space<vmem_shared>> -> memref<10240xf32, #tpu.memory_space<vmem_shared>>
        tpu.enqueue_indirect_dma source(%arg7 : memref<128xf32, #tpu.memory_space<vmem>>) target(%dma_start3A_27 : memref<10240xf32, #tpu.memory_space<vmem_shared>>) offsets(%dma_start3A_25 : memref<128xi32, #tpu.memory_space<vmem>>) semaphore(%run_scoped3A_23 : memref<!tpu.dma_semaphore, #tpu.memory_space<semaphore_mem>>) {add = true}
        %dma_wait3A = arith.constant 0 : i32
        %dma_wait3A_28 = tpu.memref_slice %arg6[%scan3A_15, %run_scoped3A_21, %dma_wait3A] : memref<10x8x128xi32, #tpu.memory_space<vmem>> -> memref<1x1x128xi32, #tpu.memory_space<vmem>>
        %dma_wait3A_29 = tpu.memref_squeeze %dma_wait3A_28 : memref<1x1x128xi32, #tpu.memory_space<vmem>> -> memref<128xi32, #tpu.memory_space<vmem>>
        %dma_wait3A_30 = arith.constant 0 : i32
        %dma_wait3A_31 = tpu.memref_slice %arg8[%dma_wait3A_30] : memref<10240xf32, #tpu.memory_space<vmem_shared>> -> memref<10240xf32, #tpu.memory_space<vmem_shared>>
        tpu.wait_indirect_dma semaphore(%run_scoped3A_23 : memref<!tpu.dma_semaphore, #tpu.memory_space<semaphore_mem>>) src(%arg7 : memref<128xf32, #tpu.memory_space<vmem>>) dst(%dma_wait3A_31 : memref<10240xf32, #tpu.memory_space<vmem_shared>>)
        tpu.yield
      }) : () -> ()
      %run_scoped3A_22 = arith.constant 7 : i32
      "tpu.region"() ({
        %run_scoped3A_23 = tpu.sem_alloc : memref<!tpu.dma_semaphore, #tpu.memory_space<semaphore_mem>>
        %dma_start3A = arith.constant 0 : i32
        %dma_start3A_24 = tpu.memref_slice %arg6[%scan3A_15, %run_scoped3A_22, %dma_start3A] : memref<10x8x128xi32, #tpu.memory_space<vmem>> -> memref<1x1x128xi32, #tpu.memory_space<vmem>>
        %dma_start3A_25 = tpu.memref_squeeze %dma_start3A_24 : memref<1x1x128xi32, #tpu.memory_space<vmem>> -> memref<128xi32, #tpu.memory_space<vmem>>
        %dma_start3A_26 = arith.constant 0 : i32
        %dma_start3A_27 = tpu.memref_slice %arg8[%dma_start3A_26] : memref<10240xf32, #tpu.memory_space<vmem_shared>> -> memref<10240xf32, #tpu.memory_space<vmem_shared>>
        tpu.enqueue_indirect_dma source(%arg7 : memref<128xf32, #tpu.memory_space<vmem>>) target(%dma_start3A_27 : memref<10240xf32, #tpu.memory_space<vmem_shared>>) offsets(%dma_start3A_25 : memref<128xi32, #tpu.memory_space<vmem>>) semaphore(%run_scoped3A_23 : memref<!tpu.dma_semaphore, #tpu.memory_space<semaphore_mem>>) {add = true}
        %dma_wait3A = arith.constant 0 : i32
        %dma_wait3A_28 = tpu.memref_slice %arg6[%scan3A_15, %run_scoped3A_22, %dma_wait3A] : memref<10x8x128xi32, #tpu.memory_space<vmem>> -> memref<1x1x128xi32, #tpu.memory_space<vmem>>
        %dma_wait3A_29 = tpu.memref_squeeze %dma_wait3A_28 : memref<1x1x128xi32, #tpu.memory_space<vmem>> -> memref<128xi32, #tpu.memory_space<vmem>>
        %dma_wait3A_30 = arith.constant 0 : i32
        %dma_wait3A_31 = tpu.memref_slice %arg8[%dma_wait3A_30] : memref<10240xf32, #tpu.memory_space<vmem_shared>> -> memref<10240xf32, #tpu.memory_space<vmem_shared>>
        tpu.wait_indirect_dma semaphore(%run_scoped3A_23 : memref<!tpu.dma_semaphore, #tpu.memory_space<semaphore_mem>>) src(%arg7 : memref<128xf32, #tpu.memory_space<vmem>>) dst(%dma_wait3A_31 : memref<10240xf32, #tpu.memory_space<vmem_shared>>)
        tpu.yield
      }) : () -> ()
    }
    %scan3A_9 = arith.constant 10 : i32
    %barrier3A_10 = arith.constant 0 : index
    tpu.barrier barrier_id(%barrier3A_10)
    %mul3A_11 = arith.constant 640 : i32
    %mul3A_12 = arith.muli %arg1, %mul3A_11 : i32
    %mul3A_13 = arith.constant 640 : i32
    %mul3A_14 = arith.muli %arg1, %mul3A_13 : i32
    "tpu.region"() ({
      %run_scoped3A = tpu.sem_alloc : memref<!tpu.dma_semaphore, #tpu.memory_space<semaphore_mem>>
      %dma_start3A = tpu.memref_slice %arg5[%arg0, %mul3A_14] : memref<2x10240xf32, #tpu.memory_space<hbm>> -> memref<1x640xf32, #tpu.memory_space<hbm>>
      %dma_start3A_15 = tpu.memref_squeeze %dma_start3A : memref<1x640xf32, #tpu.memory_space<hbm>> -> memref<640xf32, #tpu.memory_space<hbm>>
      %dma_start3A_16 = tpu.memref_slice %arg8[%mul3A_12] : memref<10240xf32, #tpu.memory_space<vmem_shared>> -> memref<640xf32, #tpu.memory_space<vmem_shared>>
      tpu.enqueue_dma source(%dma_start3A_16 : memref<640xf32, #tpu.memory_space<vmem_shared>>) target(%dma_start3A_15 : memref<640xf32, #tpu.memory_space<hbm>>) target_semaphore(%run_scoped3A : memref<!tpu.dma_semaphore, #tpu.memory_space<semaphore_mem>>)
      %dma_wait3A = tpu.memref_slice %arg5[%arg0, %mul3A_14] : memref<2x10240xf32, #tpu.memory_space<hbm>> -> memref<1x640xf32, #tpu.memory_space<hbm>>
      %dma_wait3A_17 = tpu.memref_squeeze %dma_wait3A : memref<1x640xf32, #tpu.memory_space<hbm>> -> memref<640xf32, #tpu.memory_space<hbm>>
      %dma_wait3A_18 = tpu.memref_slice %arg8[%mul3A_12] : memref<10240xf32, #tpu.memory_space<vmem_shared>> -> memref<640xf32, #tpu.memory_space<vmem_shared>>
      tpu.wait_dma2 semaphore(%run_scoped3A : memref<!tpu.dma_semaphore, #tpu.memory_space<semaphore_mem>>) src(%dma_wait3A_18 : memref<640xf32, #tpu.memory_space<vmem_shared>>) dst(%dma_wait3A_17 : memref<640xf32, #tpu.memory_space<hbm>>)
      tpu.yield
    }) : () -> ()
    return
  }
}

#map = affine_map<(d0, d1) -> (0, 0)>
#map1 = affine_map<(d0, d1) -> (0, 0, 0, 0)>
#map2 = affine_map<(d0, d1) -> (0, 0, 0)>
module attributes {stable_mosaic.version = 14 : i64} {
  func.func @_msg_body(%arg0: i32, %arg1: i32, %arg2: memref<10240x128xf32, #tpu.memory_space<hbm>>, %arg3: memref<32x10x8x128xi32, #tpu.memory_space<hbm>>, %arg4: memref<32x10x8x128xi32, #tpu.memory_space<hbm>>, %arg5: memref<2x10240x128xf32, #tpu.memory_space<hbm>>, %arg6: memref<2x8x128xi32, #tpu.memory_space<vmem>>, %arg7: memref<2x8x128xi32, #tpu.memory_space<vmem>>, %arg8: memref<128x128xf32, #tpu.memory_space<vmem>>, %arg9: memref<128x128xf32, #tpu.memory_space<vmem>>, %arg10: memref<10240x128xf32, #tpu.memory_space<vmem_shared>>, %arg11: memref<!tpu.dma_semaphore, #tpu.memory_space<semaphore_mem>>, %arg12: memref<!tpu.dma_semaphore, #tpu.memory_space<semaphore_mem>>, %arg13: memref<!tpu.dma_semaphore, #tpu.memory_space<semaphore_mem>>, %arg14: memref<!tpu.dma_semaphore, #tpu.memory_space<semaphore_mem>>) attributes {dimension_semantics = [#tpu.dimension_semantics<core_parallel>, #tpu.dimension_semantics<subcore_parallel>], iteration_bounds = array<i64: 2, 16>, scalar_prefetch = 0 : i64, scratch_operands = 9 : i64, tpu.core_type = #tpu.core_type<sc_vector_subcore>, window_params = [{transform_indices = #map}, {transform_indices = #map1}, {transform_indices = #map1}, {transform_indices = #map2}]} {
    %mul3A = arith.constant 16 : i32
    %mul3A_0 = arith.muli %arg0, %mul3A : i32
    %add3A = arith.addi %mul3A_0, %arg1 : i32
    %dma_start3A = arith.constant 0 : i32
    %dma_start3A_1 = arith.constant 0 : i32
    %dma_start3A_2 = arith.constant 0 : i32
    %dma_start3A_3 = arith.constant 0 : i32
    %dma_start3A_4 = tpu.memref_slice %arg6[%dma_start3A_1, %dma_start3A_2, %dma_start3A_3] : memref<2x8x128xi32, #tpu.memory_space<vmem>> -> memref<1x8x128xi32, #tpu.memory_space<vmem>>
    %dma_start3A_5 = tpu.memref_squeeze %dma_start3A_4 : memref<1x8x128xi32, #tpu.memory_space<vmem>> -> memref<8x128xi32, #tpu.memory_space<vmem>>
    %dma_start3A_6 = arith.constant 0 : i32
    %dma_start3A_7 = arith.constant 0 : i32
    %dma_start3A_8 = tpu.memref_slice %arg3[%add3A, %dma_start3A, %dma_start3A_6, %dma_start3A_7] : memref<32x10x8x128xi32, #tpu.memory_space<hbm>> -> memref<1x1x8x128xi32, #tpu.memory_space<hbm>>
    %dma_start3A_9 = tpu.memref_squeeze %dma_start3A_8 : memref<1x1x8x128xi32, #tpu.memory_space<hbm>> -> memref<8x128xi32, #tpu.memory_space<hbm>>
    %dma_start3A_10 = arith.constant 0 : i32
    %dma_start3A_11 = arith.constant 0 : i32
    %dma_start3A_12 = tpu.memref_slice %arg6[%dma_start3A_1, %dma_start3A_10, %dma_start3A_11] : memref<2x8x128xi32, #tpu.memory_space<vmem>> -> memref<1x8x128xi32, #tpu.memory_space<vmem>>
    %dma_start3A_13 = tpu.memref_squeeze %dma_start3A_12 : memref<1x8x128xi32, #tpu.memory_space<vmem>> -> memref<8x128xi32, #tpu.memory_space<vmem>>
    %dma_start3A_14 = arith.constant 0 : i32
    %dma_start3A_15 = arith.constant 0 : i32
    %dma_start3A_16 = tpu.memref_slice %arg3[%add3A, %dma_start3A, %dma_start3A_14, %dma_start3A_15] : memref<32x10x8x128xi32, #tpu.memory_space<hbm>> -> memref<1x1x8x128xi32, #tpu.memory_space<hbm>>
    %dma_start3A_17 = tpu.memref_squeeze %dma_start3A_16 : memref<1x1x8x128xi32, #tpu.memory_space<hbm>> -> memref<8x128xi32, #tpu.memory_space<hbm>>
    tpu.enqueue_dma source(%dma_start3A_17 : memref<8x128xi32, #tpu.memory_space<hbm>>) target(%dma_start3A_13 : memref<8x128xi32, #tpu.memory_space<vmem>>) target_semaphore(%arg11 : memref<!tpu.dma_semaphore, #tpu.memory_space<semaphore_mem>>)
    %dma_start3A_18 = arith.constant 0 : i32
    %dma_start3A_19 = arith.constant 0 : i32
    %dma_start3A_20 = arith.constant 0 : i32
    %dma_start3A_21 = arith.constant 0 : i32
    %dma_start3A_22 = tpu.memref_slice %arg7[%dma_start3A_19, %dma_start3A_20, %dma_start3A_21] : memref<2x8x128xi32, #tpu.memory_space<vmem>> -> memref<1x8x128xi32, #tpu.memory_space<vmem>>
    %dma_start3A_23 = tpu.memref_squeeze %dma_start3A_22 : memref<1x8x128xi32, #tpu.memory_space<vmem>> -> memref<8x128xi32, #tpu.memory_space<vmem>>
    %dma_start3A_24 = arith.constant 0 : i32
    %dma_start3A_25 = arith.constant 0 : i32
    %dma_start3A_26 = tpu.memref_slice %arg4[%add3A, %dma_start3A_18, %dma_start3A_24, %dma_start3A_25] : memref<32x10x8x128xi32, #tpu.memory_space<hbm>> -> memref<1x1x8x128xi32, #tpu.memory_space<hbm>>
    %dma_start3A_27 = tpu.memref_squeeze %dma_start3A_26 : memref<1x1x8x128xi32, #tpu.memory_space<hbm>> -> memref<8x128xi32, #tpu.memory_space<hbm>>
    %dma_start3A_28 = arith.constant 0 : i32
    %dma_start3A_29 = arith.constant 0 : i32
    %dma_start3A_30 = tpu.memref_slice %arg7[%dma_start3A_19, %dma_start3A_28, %dma_start3A_29] : memref<2x8x128xi32, #tpu.memory_space<vmem>> -> memref<1x8x128xi32, #tpu.memory_space<vmem>>
    %dma_start3A_31 = tpu.memref_squeeze %dma_start3A_30 : memref<1x8x128xi32, #tpu.memory_space<vmem>> -> memref<8x128xi32, #tpu.memory_space<vmem>>
    %dma_start3A_32 = arith.constant 0 : i32
    %dma_start3A_33 = arith.constant 0 : i32
    %dma_start3A_34 = tpu.memref_slice %arg4[%add3A, %dma_start3A_18, %dma_start3A_32, %dma_start3A_33] : memref<32x10x8x128xi32, #tpu.memory_space<hbm>> -> memref<1x1x8x128xi32, #tpu.memory_space<hbm>>
    %dma_start3A_35 = tpu.memref_squeeze %dma_start3A_34 : memref<1x1x8x128xi32, #tpu.memory_space<hbm>> -> memref<8x128xi32, #tpu.memory_space<hbm>>
    tpu.enqueue_dma source(%dma_start3A_35 : memref<8x128xi32, #tpu.memory_space<hbm>>) target(%dma_start3A_31 : memref<8x128xi32, #tpu.memory_space<vmem>>) target_semaphore(%arg11 : memref<!tpu.dma_semaphore, #tpu.memory_space<semaphore_mem>>)
    %dma_start3A_36 = arith.constant 1 : i32
    %dma_start3A_37 = arith.constant 1 : i32
    %dma_start3A_38 = arith.constant 0 : i32
    %dma_start3A_39 = arith.constant 0 : i32
    %dma_start3A_40 = tpu.memref_slice %arg6[%dma_start3A_37, %dma_start3A_38, %dma_start3A_39] : memref<2x8x128xi32, #tpu.memory_space<vmem>> -> memref<1x8x128xi32, #tpu.memory_space<vmem>>
    %dma_start3A_41 = tpu.memref_squeeze %dma_start3A_40 : memref<1x8x128xi32, #tpu.memory_space<vmem>> -> memref<8x128xi32, #tpu.memory_space<vmem>>
    %dma_start3A_42 = arith.constant 0 : i32
    %dma_start3A_43 = arith.constant 0 : i32
    %dma_start3A_44 = tpu.memref_slice %arg3[%add3A, %dma_start3A_36, %dma_start3A_42, %dma_start3A_43] : memref<32x10x8x128xi32, #tpu.memory_space<hbm>> -> memref<1x1x8x128xi32, #tpu.memory_space<hbm>>
    %dma_start3A_45 = tpu.memref_squeeze %dma_start3A_44 : memref<1x1x8x128xi32, #tpu.memory_space<hbm>> -> memref<8x128xi32, #tpu.memory_space<hbm>>
    %dma_start3A_46 = arith.constant 0 : i32
    %dma_start3A_47 = arith.constant 0 : i32
    %dma_start3A_48 = tpu.memref_slice %arg6[%dma_start3A_37, %dma_start3A_46, %dma_start3A_47] : memref<2x8x128xi32, #tpu.memory_space<vmem>> -> memref<1x8x128xi32, #tpu.memory_space<vmem>>
    %dma_start3A_49 = tpu.memref_squeeze %dma_start3A_48 : memref<1x8x128xi32, #tpu.memory_space<vmem>> -> memref<8x128xi32, #tpu.memory_space<vmem>>
    %dma_start3A_50 = arith.constant 0 : i32
    %dma_start3A_51 = arith.constant 0 : i32
    %dma_start3A_52 = tpu.memref_slice %arg3[%add3A, %dma_start3A_36, %dma_start3A_50, %dma_start3A_51] : memref<32x10x8x128xi32, #tpu.memory_space<hbm>> -> memref<1x1x8x128xi32, #tpu.memory_space<hbm>>
    %dma_start3A_53 = tpu.memref_squeeze %dma_start3A_52 : memref<1x1x8x128xi32, #tpu.memory_space<hbm>> -> memref<8x128xi32, #tpu.memory_space<hbm>>
    tpu.enqueue_dma source(%dma_start3A_53 : memref<8x128xi32, #tpu.memory_space<hbm>>) target(%dma_start3A_49 : memref<8x128xi32, #tpu.memory_space<vmem>>) target_semaphore(%arg12 : memref<!tpu.dma_semaphore, #tpu.memory_space<semaphore_mem>>)
    %dma_start3A_54 = arith.constant 1 : i32
    %dma_start3A_55 = arith.constant 1 : i32
    %dma_start3A_56 = arith.constant 0 : i32
    %dma_start3A_57 = arith.constant 0 : i32
    %dma_start3A_58 = tpu.memref_slice %arg7[%dma_start3A_55, %dma_start3A_56, %dma_start3A_57] : memref<2x8x128xi32, #tpu.memory_space<vmem>> -> memref<1x8x128xi32, #tpu.memory_space<vmem>>
    %dma_start3A_59 = tpu.memref_squeeze %dma_start3A_58 : memref<1x8x128xi32, #tpu.memory_space<vmem>> -> memref<8x128xi32, #tpu.memory_space<vmem>>
    %dma_start3A_60 = arith.constant 0 : i32
    %dma_start3A_61 = arith.constant 0 : i32
    %dma_start3A_62 = tpu.memref_slice %arg4[%add3A, %dma_start3A_54, %dma_start3A_60, %dma_start3A_61] : memref<32x10x8x128xi32, #tpu.memory_space<hbm>> -> memref<1x1x8x128xi32, #tpu.memory_space<hbm>>
    %dma_start3A_63 = tpu.memref_squeeze %dma_start3A_62 : memref<1x1x8x128xi32, #tpu.memory_space<hbm>> -> memref<8x128xi32, #tpu.memory_space<hbm>>
    %dma_start3A_64 = arith.constant 0 : i32
    %dma_start3A_65 = arith.constant 0 : i32
    %dma_start3A_66 = tpu.memref_slice %arg7[%dma_start3A_55, %dma_start3A_64, %dma_start3A_65] : memref<2x8x128xi32, #tpu.memory_space<vmem>> -> memref<1x8x128xi32, #tpu.memory_space<vmem>>
    %dma_start3A_67 = tpu.memref_squeeze %dma_start3A_66 : memref<1x8x128xi32, #tpu.memory_space<vmem>> -> memref<8x128xi32, #tpu.memory_space<vmem>>
    %dma_start3A_68 = arith.constant 0 : i32
    %dma_start3A_69 = arith.constant 0 : i32
    %dma_start3A_70 = tpu.memref_slice %arg4[%add3A, %dma_start3A_54, %dma_start3A_68, %dma_start3A_69] : memref<32x10x8x128xi32, #tpu.memory_space<hbm>> -> memref<1x1x8x128xi32, #tpu.memory_space<hbm>>
    %dma_start3A_71 = tpu.memref_squeeze %dma_start3A_70 : memref<1x1x8x128xi32, #tpu.memory_space<hbm>> -> memref<8x128xi32, #tpu.memory_space<hbm>>
    tpu.enqueue_dma source(%dma_start3A_71 : memref<8x128xi32, #tpu.memory_space<hbm>>) target(%dma_start3A_67 : memref<8x128xi32, #tpu.memory_space<vmem>>) target_semaphore(%arg12 : memref<!tpu.dma_semaphore, #tpu.memory_space<semaphore_mem>>)
    %mul3A_72 = arith.constant 640 : i32
    %mul3A_73 = arith.muli %arg1, %mul3A_72 : i32
    %mul3A_74 = arith.constant 640 : i32
    %mul3A_75 = arith.muli %arg1, %mul3A_74 : i32
    "tpu.region"() ({
      %run_scoped3A = tpu.sem_alloc : memref<!tpu.dma_semaphore, #tpu.memory_space<semaphore_mem>>
      %dma_start3A_129 = arith.constant 0 : i32
      %dma_start3A_130 = tpu.memref_slice %arg10[%mul3A_75, %dma_start3A_129] : memref<10240x128xf32, #tpu.memory_space<vmem_shared>> -> memref<640x128xf32, #tpu.memory_space<vmem_shared>>
      %dma_start3A_131 = arith.constant 0 : i32
      %dma_start3A_132 = tpu.memref_slice %arg2[%mul3A_73, %dma_start3A_131] : memref<10240x128xf32, #tpu.memory_space<hbm>> -> memref<640x128xf32, #tpu.memory_space<hbm>>
      tpu.enqueue_dma source(%dma_start3A_132 : memref<640x128xf32, #tpu.memory_space<hbm>>) target(%dma_start3A_130 : memref<640x128xf32, #tpu.memory_space<vmem_shared>>) target_semaphore(%run_scoped3A : memref<!tpu.dma_semaphore, #tpu.memory_space<semaphore_mem>>)
      %dma_wait3A_133 = arith.constant 0 : i32
      %dma_wait3A_134 = tpu.memref_slice %arg10[%mul3A_75, %dma_wait3A_133] : memref<10240x128xf32, #tpu.memory_space<vmem_shared>> -> memref<640x128xf32, #tpu.memory_space<vmem_shared>>
      %dma_wait3A_135 = arith.constant 0 : i32
      %dma_wait3A_136 = tpu.memref_slice %arg2[%mul3A_73, %dma_wait3A_135] : memref<10240x128xf32, #tpu.memory_space<hbm>> -> memref<640x128xf32, #tpu.memory_space<hbm>>
      tpu.wait_dma2 semaphore(%run_scoped3A : memref<!tpu.dma_semaphore, #tpu.memory_space<semaphore_mem>>) src(%dma_wait3A_136 : memref<640x128xf32, #tpu.memory_space<hbm>>) dst(%dma_wait3A_134 : memref<640x128xf32, #tpu.memory_space<vmem_shared>>)
      tpu.yield
    }) : () -> ()
    %barrier3A = arith.constant 0 : index
    tpu.barrier barrier_id(%barrier3A)
    %dma_wait3A = arith.constant 0 : i32
    %dma_wait3A_76 = arith.constant 0 : i32
    %dma_wait3A_77 = arith.constant 0 : i32
    %dma_wait3A_78 = arith.constant 0 : i32
    %dma_wait3A_79 = tpu.memref_slice %arg6[%dma_wait3A_76, %dma_wait3A_77, %dma_wait3A_78] : memref<2x8x128xi32, #tpu.memory_space<vmem>> -> memref<1x8x128xi32, #tpu.memory_space<vmem>>
    %dma_wait3A_80 = tpu.memref_squeeze %dma_wait3A_79 : memref<1x8x128xi32, #tpu.memory_space<vmem>> -> memref<8x128xi32, #tpu.memory_space<vmem>>
    %dma_wait3A_81 = arith.constant 0 : i32
    %dma_wait3A_82 = arith.constant 0 : i32
    %dma_wait3A_83 = tpu.memref_slice %arg3[%add3A, %dma_wait3A, %dma_wait3A_81, %dma_wait3A_82] : memref<32x10x8x128xi32, #tpu.memory_space<hbm>> -> memref<1x1x8x128xi32, #tpu.memory_space<hbm>>
    %dma_wait3A_84 = tpu.memref_squeeze %dma_wait3A_83 : memref<1x1x8x128xi32, #tpu.memory_space<hbm>> -> memref<8x128xi32, #tpu.memory_space<hbm>>
    %dma_wait3A_85 = arith.constant 0 : i32
    %dma_wait3A_86 = arith.constant 0 : i32
    %dma_wait3A_87 = tpu.memref_slice %arg6[%dma_wait3A_76, %dma_wait3A_85, %dma_wait3A_86] : memref<2x8x128xi32, #tpu.memory_space<vmem>> -> memref<1x8x128xi32, #tpu.memory_space<vmem>>
    %dma_wait3A_88 = tpu.memref_squeeze %dma_wait3A_87 : memref<1x8x128xi32, #tpu.memory_space<vmem>> -> memref<8x128xi32, #tpu.memory_space<vmem>>
    %dma_wait3A_89 = arith.constant 0 : i32
    %dma_wait3A_90 = arith.constant 0 : i32
    %dma_wait3A_91 = tpu.memref_slice %arg3[%add3A, %dma_wait3A, %dma_wait3A_89, %dma_wait3A_90] : memref<32x10x8x128xi32, #tpu.memory_space<hbm>> -> memref<1x1x8x128xi32, #tpu.memory_space<hbm>>
    %dma_wait3A_92 = tpu.memref_squeeze %dma_wait3A_91 : memref<1x1x8x128xi32, #tpu.memory_space<hbm>> -> memref<8x128xi32, #tpu.memory_space<hbm>>
    tpu.wait_dma2 semaphore(%arg11 : memref<!tpu.dma_semaphore, #tpu.memory_space<semaphore_mem>>) src(%dma_wait3A_92 : memref<8x128xi32, #tpu.memory_space<hbm>>) dst(%dma_wait3A_88 : memref<8x128xi32, #tpu.memory_space<vmem>>)
    %dma_wait3A_93 = arith.constant 0 : i32
    %dma_wait3A_94 = arith.constant 0 : i32
    %dma_wait3A_95 = arith.constant 0 : i32
    %dma_wait3A_96 = arith.constant 0 : i32
    %dma_wait3A_97 = tpu.memref_slice %arg7[%dma_wait3A_94, %dma_wait3A_95, %dma_wait3A_96] : memref<2x8x128xi32, #tpu.memory_space<vmem>> -> memref<1x8x128xi32, #tpu.memory_space<vmem>>
    %dma_wait3A_98 = tpu.memref_squeeze %dma_wait3A_97 : memref<1x8x128xi32, #tpu.memory_space<vmem>> -> memref<8x128xi32, #tpu.memory_space<vmem>>
    %dma_wait3A_99 = arith.constant 0 : i32
    %dma_wait3A_100 = arith.constant 0 : i32
    %dma_wait3A_101 = tpu.memref_slice %arg4[%add3A, %dma_wait3A_93, %dma_wait3A_99, %dma_wait3A_100] : memref<32x10x8x128xi32, #tpu.memory_space<hbm>> -> memref<1x1x8x128xi32, #tpu.memory_space<hbm>>
    %dma_wait3A_102 = tpu.memref_squeeze %dma_wait3A_101 : memref<1x1x8x128xi32, #tpu.memory_space<hbm>> -> memref<8x128xi32, #tpu.memory_space<hbm>>
    %dma_wait3A_103 = arith.constant 0 : i32
    %dma_wait3A_104 = arith.constant 0 : i32
    %dma_wait3A_105 = tpu.memref_slice %arg7[%dma_wait3A_94, %dma_wait3A_103, %dma_wait3A_104] : memref<2x8x128xi32, #tpu.memory_space<vmem>> -> memref<1x8x128xi32, #tpu.memory_space<vmem>>
    %dma_wait3A_106 = tpu.memref_squeeze %dma_wait3A_105 : memref<1x8x128xi32, #tpu.memory_space<vmem>> -> memref<8x128xi32, #tpu.memory_space<vmem>>
    %dma_wait3A_107 = arith.constant 0 : i32
    %dma_wait3A_108 = arith.constant 0 : i32
    %dma_wait3A_109 = tpu.memref_slice %arg4[%add3A, %dma_wait3A_93, %dma_wait3A_107, %dma_wait3A_108] : memref<32x10x8x128xi32, #tpu.memory_space<hbm>> -> memref<1x1x8x128xi32, #tpu.memory_space<hbm>>
    %dma_wait3A_110 = tpu.memref_squeeze %dma_wait3A_109 : memref<1x1x8x128xi32, #tpu.memory_space<hbm>> -> memref<8x128xi32, #tpu.memory_space<hbm>>
    tpu.wait_dma2 semaphore(%arg11 : memref<!tpu.dma_semaphore, #tpu.memory_space<semaphore_mem>>) src(%dma_wait3A_110 : memref<8x128xi32, #tpu.memory_space<hbm>>) dst(%dma_wait3A_106 : memref<8x128xi32, #tpu.memory_space<vmem>>)
    %dma_start3A_111 = arith.constant 0 : i32
    %dma_start3A_112 = arith.constant 0 : i32
    %dma_start3A_113 = arith.constant 0 : i32
    %dma_start3A_114 = tpu.memref_slice %arg6[%dma_start3A_111, %dma_start3A_112, %dma_start3A_113] : memref<2x8x128xi32, #tpu.memory_space<vmem>> -> memref<1x1x128xi32, #tpu.memory_space<vmem>>
    %dma_start3A_115 = tpu.memref_squeeze %dma_start3A_114 : memref<1x1x128xi32, #tpu.memory_space<vmem>> -> memref<128xi32, #tpu.memory_space<vmem>>
    %dma_start3A_116 = arith.constant 0 : i32
    %dma_start3A_117 = arith.constant 0 : i32
    %dma_start3A_118 = tpu.memref_slice %arg2[%dma_start3A_116, %dma_start3A_117] : memref<10240x128xf32, #tpu.memory_space<hbm>> -> memref<10240x128xf32, #tpu.memory_space<hbm>>
    tpu.enqueue_indirect_dma source(%dma_start3A_118 : memref<10240x128xf32, #tpu.memory_space<hbm>>) target(%arg8 : memref<128x128xf32, #tpu.memory_space<vmem>>) offsets(%dma_start3A_115 : memref<128xi32, #tpu.memory_space<vmem>>) semaphore(%arg13 : memref<!tpu.dma_semaphore, #tpu.memory_space<semaphore_mem>>)
    %scan3A = arith.constant 0 : i32
    %scan3A_119 = arith.constant 0 : i32
    %scan3A_120 = arith.constant 5 : i32
    %scan3A_121 = arith.addi %scan3A_119, %scan3A_120 : i32
    %scan3A_122 = arith.constant 1 : i32
    scf.for %scan3A_129 = %scan3A_119 to %scan3A_121 step %scan3A_122  : i32 {
      %mul3A_130 = arith.constant 2 : i32
      %mul3A_131 = arith.muli %scan3A_129, %mul3A_130 : i32
      %add3A_132 = arith.constant 0 : i32
      %add3A_133 = arith.addi %mul3A_131, %add3A_132 : i32
      %add3A_134 = arith.constant 1 : i32
      %add3A_135 = arith.addi %add3A_133, %add3A_134 : i32
      %lt3A = arith.constant 10 : i32
      %lt3A_136 = arith.cmpi slt, %add3A_135, %lt3A : i32
      %convert_element_type3A = arith.extui %lt3A_136 : i1 to i32
      %cond3A = arith.constant 0 : i32
      %cond3A_137 = arith.cmpi ne, %convert_element_type3A, %cond3A : i32
      scf.if %cond3A_137 {
        %add3A_448 = arith.constant 1 : i32
        %add3A_449 = arith.addi %add3A_133, %add3A_448 : i32
        %dma_wait3A_450 = arith.constant 1 : i32
        %dma_wait3A_451 = arith.constant 0 : i32
        %dma_wait3A_452 = arith.constant 0 : i32
        %dma_wait3A_453 = tpu.memref_slice %arg6[%dma_wait3A_450, %dma_wait3A_451, %dma_wait3A_452] : memref<2x8x128xi32, #tpu.memory_space<vmem>> -> memref<1x8x128xi32, #tpu.memory_space<vmem>>
        %dma_wait3A_454 = tpu.memref_squeeze %dma_wait3A_453 : memref<1x8x128xi32, #tpu.memory_space<vmem>> -> memref<8x128xi32, #tpu.memory_space<vmem>>
        %dma_wait3A_455 = arith.constant 0 : i32
        %dma_wait3A_456 = arith.constant 0 : i32
        %dma_wait3A_457 = tpu.memref_slice %arg3[%add3A, %add3A_449, %dma_wait3A_455, %dma_wait3A_456] : memref<32x10x8x128xi32, #tpu.memory_space<hbm>> -> memref<1x1x8x128xi32, #tpu.memory_space<hbm>>
        %dma_wait3A_458 = tpu.memref_squeeze %dma_wait3A_457 : memref<1x1x8x128xi32, #tpu.memory_space<hbm>> -> memref<8x128xi32, #tpu.memory_space<hbm>>
        %dma_wait3A_459 = arith.constant 0 : i32
        %dma_wait3A_460 = arith.constant 0 : i32
        %dma_wait3A_461 = tpu.memref_slice %arg6[%dma_wait3A_450, %dma_wait3A_459, %dma_wait3A_460] : memref<2x8x128xi32, #tpu.memory_space<vmem>> -> memref<1x8x128xi32, #tpu.memory_space<vmem>>
        %dma_wait3A_462 = tpu.memref_squeeze %dma_wait3A_461 : memref<1x8x128xi32, #tpu.memory_space<vmem>> -> memref<8x128xi32, #tpu.memory_space<vmem>>
        %dma_wait3A_463 = arith.constant 0 : i32
        %dma_wait3A_464 = arith.constant 0 : i32
        %dma_wait3A_465 = tpu.memref_slice %arg3[%add3A, %add3A_449, %dma_wait3A_463, %dma_wait3A_464] : memref<32x10x8x128xi32, #tpu.memory_space<hbm>> -> memref<1x1x8x128xi32, #tpu.memory_space<hbm>>
        %dma_wait3A_466 = tpu.memref_squeeze %dma_wait3A_465 : memref<1x1x8x128xi32, #tpu.memory_space<hbm>> -> memref<8x128xi32, #tpu.memory_space<hbm>>
        tpu.wait_dma2 semaphore(%arg12 : memref<!tpu.dma_semaphore, #tpu.memory_space<semaphore_mem>>) src(%dma_wait3A_466 : memref<8x128xi32, #tpu.memory_space<hbm>>) dst(%dma_wait3A_462 : memref<8x128xi32, #tpu.memory_space<vmem>>)
        %dma_wait3A_467 = arith.constant 1 : i32
        %dma_wait3A_468 = arith.constant 0 : i32
        %dma_wait3A_469 = arith.constant 0 : i32
        %dma_wait3A_470 = tpu.memref_slice %arg7[%dma_wait3A_467, %dma_wait3A_468, %dma_wait3A_469] : memref<2x8x128xi32, #tpu.memory_space<vmem>> -> memref<1x8x128xi32, #tpu.memory_space<vmem>>
        %dma_wait3A_471 = tpu.memref_squeeze %dma_wait3A_470 : memref<1x8x128xi32, #tpu.memory_space<vmem>> -> memref<8x128xi32, #tpu.memory_space<vmem>>
        %dma_wait3A_472 = arith.constant 0 : i32
        %dma_wait3A_473 = arith.constant 0 : i32
        %dma_wait3A_474 = tpu.memref_slice %arg4[%add3A, %add3A_449, %dma_wait3A_472, %dma_wait3A_473] : memref<32x10x8x128xi32, #tpu.memory_space<hbm>> -> memref<1x1x8x128xi32, #tpu.memory_space<hbm>>
        %dma_wait3A_475 = tpu.memref_squeeze %dma_wait3A_474 : memref<1x1x8x128xi32, #tpu.memory_space<hbm>> -> memref<8x128xi32, #tpu.memory_space<hbm>>
        %dma_wait3A_476 = arith.constant 0 : i32
        %dma_wait3A_477 = arith.constant 0 : i32
        %dma_wait3A_478 = tpu.memref_slice %arg7[%dma_wait3A_467, %dma_wait3A_476, %dma_wait3A_477] : memref<2x8x128xi32, #tpu.memory_space<vmem>> -> memref<1x8x128xi32, #tpu.memory_space<vmem>>
        %dma_wait3A_479 = tpu.memref_squeeze %dma_wait3A_478 : memref<1x8x128xi32, #tpu.memory_space<vmem>> -> memref<8x128xi32, #tpu.memory_space<vmem>>
        %dma_wait3A_480 = arith.constant 0 : i32
        %dma_wait3A_481 = arith.constant 0 : i32
        %dma_wait3A_482 = tpu.memref_slice %arg4[%add3A, %add3A_449, %dma_wait3A_480, %dma_wait3A_481] : memref<32x10x8x128xi32, #tpu.memory_space<hbm>> -> memref<1x1x8x128xi32, #tpu.memory_space<hbm>>
        %dma_wait3A_483 = tpu.memref_squeeze %dma_wait3A_482 : memref<1x1x8x128xi32, #tpu.memory_space<hbm>> -> memref<8x128xi32, #tpu.memory_space<hbm>>
        tpu.wait_dma2 semaphore(%arg12 : memref<!tpu.dma_semaphore, #tpu.memory_space<semaphore_mem>>) src(%dma_wait3A_483 : memref<8x128xi32, #tpu.memory_space<hbm>>) dst(%dma_wait3A_479 : memref<8x128xi32, #tpu.memory_space<vmem>>)
      } else {
      }
      %dma_start3A_138 = arith.constant 0 : i32
      %dma_start3A_139 = arith.constant 1 : i32
      %dma_start3A_140 = arith.constant 0 : i32
      %dma_start3A_141 = tpu.memref_slice %arg6[%dma_start3A_138, %dma_start3A_139, %dma_start3A_140] : memref<2x8x128xi32, #tpu.memory_space<vmem>> -> memref<1x1x128xi32, #tpu.memory_space<vmem>>
      %dma_start3A_142 = tpu.memref_squeeze %dma_start3A_141 : memref<1x1x128xi32, #tpu.memory_space<vmem>> -> memref<128xi32, #tpu.memory_space<vmem>>
      %dma_start3A_143 = arith.constant 0 : i32
      %dma_start3A_144 = arith.constant 0 : i32
      %dma_start3A_145 = tpu.memref_slice %arg2[%dma_start3A_143, %dma_start3A_144] : memref<10240x128xf32, #tpu.memory_space<hbm>> -> memref<10240x128xf32, #tpu.memory_space<hbm>>
      tpu.enqueue_indirect_dma source(%dma_start3A_145 : memref<10240x128xf32, #tpu.memory_space<hbm>>) target(%arg9 : memref<128x128xf32, #tpu.memory_space<vmem>>) offsets(%dma_start3A_142 : memref<128xi32, #tpu.memory_space<vmem>>) semaphore(%arg14 : memref<!tpu.dma_semaphore, #tpu.memory_space<semaphore_mem>>)
      %dma_wait3A_146 = arith.constant 0 : i32
      %dma_wait3A_147 = arith.constant 0 : i32
      %dma_wait3A_148 = arith.constant 0 : i32
      %dma_wait3A_149 = tpu.memref_slice %arg6[%dma_wait3A_146, %dma_wait3A_147, %dma_wait3A_148] : memref<2x8x128xi32, #tpu.memory_space<vmem>> -> memref<1x1x128xi32, #tpu.memory_space<vmem>>
      %dma_wait3A_150 = tpu.memref_squeeze %dma_wait3A_149 : memref<1x1x128xi32, #tpu.memory_space<vmem>> -> memref<128xi32, #tpu.memory_space<vmem>>
      %dma_wait3A_151 = arith.constant 0 : i32
      %dma_wait3A_152 = arith.constant 0 : i32
      %dma_wait3A_153 = tpu.memref_slice %arg2[%dma_wait3A_151, %dma_wait3A_152] : memref<10240x128xf32, #tpu.memory_space<hbm>> -> memref<10240x128xf32, #tpu.memory_space<hbm>>
      tpu.wait_indirect_dma semaphore(%arg13 : memref<!tpu.dma_semaphore, #tpu.memory_space<semaphore_mem>>) src(%dma_wait3A_153 : memref<10240x128xf32, #tpu.memory_space<hbm>>) dst(%arg8 : memref<128x128xf32, #tpu.memory_space<vmem>>)
      %run_scoped3A = arith.constant 0 : i32
      %run_scoped3A_154 = arith.constant 0 : i32
      "tpu.region"() ({
        %run_scoped3A_448 = tpu.sem_alloc : memref<!tpu.dma_semaphore, #tpu.memory_space<semaphore_mem>>
        %dma_start3A_449 = arith.constant 0 : i32
        %dma_start3A_450 = tpu.memref_slice %arg7[%run_scoped3A, %run_scoped3A_154, %dma_start3A_449] : memref<2x8x128xi32, #tpu.memory_space<vmem>> -> memref<1x1x128xi32, #tpu.memory_space<vmem>>
        %dma_start3A_451 = tpu.memref_squeeze %dma_start3A_450 : memref<1x1x128xi32, #tpu.memory_space<vmem>> -> memref<128xi32, #tpu.memory_space<vmem>>
        %dma_start3A_452 = arith.constant 0 : i32
        %dma_start3A_453 = arith.constant 0 : i32
        %dma_start3A_454 = tpu.memref_slice %arg10[%dma_start3A_452, %dma_start3A_453] : memref<10240x128xf32, #tpu.memory_space<vmem_shared>> -> memref<10240x128xf32, #tpu.memory_space<vmem_shared>>
        tpu.enqueue_indirect_dma source(%arg8 : memref<128x128xf32, #tpu.memory_space<vmem>>) target(%dma_start3A_454 : memref<10240x128xf32, #tpu.memory_space<vmem_shared>>) offsets(%dma_start3A_451 : memref<128xi32, #tpu.memory_space<vmem>>) semaphore(%run_scoped3A_448 : memref<!tpu.dma_semaphore, #tpu.memory_space<semaphore_mem>>) {add = true}
        %dma_wait3A_455 = arith.constant 0 : i32
        %dma_wait3A_456 = tpu.memref_slice %arg7[%run_scoped3A, %run_scoped3A_154, %dma_wait3A_455] : memref<2x8x128xi32, #tpu.memory_space<vmem>> -> memref<1x1x128xi32, #tpu.memory_space<vmem>>
        %dma_wait3A_457 = tpu.memref_squeeze %dma_wait3A_456 : memref<1x1x128xi32, #tpu.memory_space<vmem>> -> memref<128xi32, #tpu.memory_space<vmem>>
        %dma_wait3A_458 = arith.constant 0 : i32
        %dma_wait3A_459 = arith.constant 0 : i32
        %dma_wait3A_460 = tpu.memref_slice %arg10[%dma_wait3A_458, %dma_wait3A_459] : memref<10240x128xf32, #tpu.memory_space<vmem_shared>> -> memref<10240x128xf32, #tpu.memory_space<vmem_shared>>
        tpu.wait_indirect_dma semaphore(%run_scoped3A_448 : memref<!tpu.dma_semaphore, #tpu.memory_space<semaphore_mem>>) src(%arg8 : memref<128x128xf32, #tpu.memory_space<vmem>>) dst(%dma_wait3A_460 : memref<10240x128xf32, #tpu.memory_space<vmem_shared>>)
        tpu.yield
      }) : () -> ()
      %dma_start3A_155 = arith.constant 0 : i32
      %dma_start3A_156 = arith.constant 2 : i32
      %dma_start3A_157 = arith.constant 0 : i32
      %dma_start3A_158 = tpu.memref_slice %arg6[%dma_start3A_155, %dma_start3A_156, %dma_start3A_157] : memref<2x8x128xi32, #tpu.memory_space<vmem>> -> memref<1x1x128xi32, #tpu.memory_space<vmem>>
      %dma_start3A_159 = tpu.memref_squeeze %dma_start3A_158 : memref<1x1x128xi32, #tpu.memory_space<vmem>> -> memref<128xi32, #tpu.memory_space<vmem>>
      %dma_start3A_160 = arith.constant 0 : i32
      %dma_start3A_161 = arith.constant 0 : i32
      %dma_start3A_162 = tpu.memref_slice %arg2[%dma_start3A_160, %dma_start3A_161] : memref<10240x128xf32, #tpu.memory_space<hbm>> -> memref<10240x128xf32, #tpu.memory_space<hbm>>
      tpu.enqueue_indirect_dma source(%dma_start3A_162 : memref<10240x128xf32, #tpu.memory_space<hbm>>) target(%arg8 : memref<128x128xf32, #tpu.memory_space<vmem>>) offsets(%dma_start3A_159 : memref<128xi32, #tpu.memory_space<vmem>>) semaphore(%arg13 : memref<!tpu.dma_semaphore, #tpu.memory_space<semaphore_mem>>)
      %dma_wait3A_163 = arith.constant 0 : i32
      %dma_wait3A_164 = arith.constant 1 : i32
      %dma_wait3A_165 = arith.constant 0 : i32
      %dma_wait3A_166 = tpu.memref_slice %arg6[%dma_wait3A_163, %dma_wait3A_164, %dma_wait3A_165] : memref<2x8x128xi32, #tpu.memory_space<vmem>> -> memref<1x1x128xi32, #tpu.memory_space<vmem>>
      %dma_wait3A_167 = tpu.memref_squeeze %dma_wait3A_166 : memref<1x1x128xi32, #tpu.memory_space<vmem>> -> memref<128xi32, #tpu.memory_space<vmem>>
      %dma_wait3A_168 = arith.constant 0 : i32
      %dma_wait3A_169 = arith.constant 0 : i32
      %dma_wait3A_170 = tpu.memref_slice %arg2[%dma_wait3A_168, %dma_wait3A_169] : memref<10240x128xf32, #tpu.memory_space<hbm>> -> memref<10240x128xf32, #tpu.memory_space<hbm>>
      tpu.wait_indirect_dma semaphore(%arg14 : memref<!tpu.dma_semaphore, #tpu.memory_space<semaphore_mem>>) src(%dma_wait3A_170 : memref<10240x128xf32, #tpu.memory_space<hbm>>) dst(%arg9 : memref<128x128xf32, #tpu.memory_space<vmem>>)
      %run_scoped3A_171 = arith.constant 0 : i32
      %run_scoped3A_172 = arith.constant 1 : i32
      "tpu.region"() ({
        %run_scoped3A_448 = tpu.sem_alloc : memref<!tpu.dma_semaphore, #tpu.memory_space<semaphore_mem>>
        %dma_start3A_449 = arith.constant 0 : i32
        %dma_start3A_450 = tpu.memref_slice %arg7[%run_scoped3A_171, %run_scoped3A_172, %dma_start3A_449] : memref<2x8x128xi32, #tpu.memory_space<vmem>> -> memref<1x1x128xi32, #tpu.memory_space<vmem>>
        %dma_start3A_451 = tpu.memref_squeeze %dma_start3A_450 : memref<1x1x128xi32, #tpu.memory_space<vmem>> -> memref<128xi32, #tpu.memory_space<vmem>>
        %dma_start3A_452 = arith.constant 0 : i32
        %dma_start3A_453 = arith.constant 0 : i32
        %dma_start3A_454 = tpu.memref_slice %arg10[%dma_start3A_452, %dma_start3A_453] : memref<10240x128xf32, #tpu.memory_space<vmem_shared>> -> memref<10240x128xf32, #tpu.memory_space<vmem_shared>>
        tpu.enqueue_indirect_dma source(%arg9 : memref<128x128xf32, #tpu.memory_space<vmem>>) target(%dma_start3A_454 : memref<10240x128xf32, #tpu.memory_space<vmem_shared>>) offsets(%dma_start3A_451 : memref<128xi32, #tpu.memory_space<vmem>>) semaphore(%run_scoped3A_448 : memref<!tpu.dma_semaphore, #tpu.memory_space<semaphore_mem>>) {add = true}
        %dma_wait3A_455 = arith.constant 0 : i32
        %dma_wait3A_456 = tpu.memref_slice %arg7[%run_scoped3A_171, %run_scoped3A_172, %dma_wait3A_455] : memref<2x8x128xi32, #tpu.memory_space<vmem>> -> memref<1x1x128xi32, #tpu.memory_space<vmem>>
        %dma_wait3A_457 = tpu.memref_squeeze %dma_wait3A_456 : memref<1x1x128xi32, #tpu.memory_space<vmem>> -> memref<128xi32, #tpu.memory_space<vmem>>
        %dma_wait3A_458 = arith.constant 0 : i32
        %dma_wait3A_459 = arith.constant 0 : i32
        %dma_wait3A_460 = tpu.memref_slice %arg10[%dma_wait3A_458, %dma_wait3A_459] : memref<10240x128xf32, #tpu.memory_space<vmem_shared>> -> memref<10240x128xf32, #tpu.memory_space<vmem_shared>>
        tpu.wait_indirect_dma semaphore(%run_scoped3A_448 : memref<!tpu.dma_semaphore, #tpu.memory_space<semaphore_mem>>) src(%arg9 : memref<128x128xf32, #tpu.memory_space<vmem>>) dst(%dma_wait3A_460 : memref<10240x128xf32, #tpu.memory_space<vmem_shared>>)
        tpu.yield
      }) : () -> ()
      %dma_start3A_173 = arith.constant 0 : i32
      %dma_start3A_174 = arith.constant 3 : i32
      %dma_start3A_175 = arith.constant 0 : i32
      %dma_start3A_176 = tpu.memref_slice %arg6[%dma_start3A_173, %dma_start3A_174, %dma_start3A_175] : memref<2x8x128xi32, #tpu.memory_space<vmem>> -> memref<1x1x128xi32, #tpu.memory_space<vmem>>
      %dma_start3A_177 = tpu.memref_squeeze %dma_start3A_176 : memref<1x1x128xi32, #tpu.memory_space<vmem>> -> memref<128xi32, #tpu.memory_space<vmem>>
      %dma_start3A_178 = arith.constant 0 : i32
      %dma_start3A_179 = arith.constant 0 : i32
      %dma_start3A_180 = tpu.memref_slice %arg2[%dma_start3A_178, %dma_start3A_179] : memref<10240x128xf32, #tpu.memory_space<hbm>> -> memref<10240x128xf32, #tpu.memory_space<hbm>>
      tpu.enqueue_indirect_dma source(%dma_start3A_180 : memref<10240x128xf32, #tpu.memory_space<hbm>>) target(%arg9 : memref<128x128xf32, #tpu.memory_space<vmem>>) offsets(%dma_start3A_177 : memref<128xi32, #tpu.memory_space<vmem>>) semaphore(%arg14 : memref<!tpu.dma_semaphore, #tpu.memory_space<semaphore_mem>>)
      %dma_wait3A_181 = arith.constant 0 : i32
      %dma_wait3A_182 = arith.constant 2 : i32
      %dma_wait3A_183 = arith.constant 0 : i32
      %dma_wait3A_184 = tpu.memref_slice %arg6[%dma_wait3A_181, %dma_wait3A_182, %dma_wait3A_183] : memref<2x8x128xi32, #tpu.memory_space<vmem>> -> memref<1x1x128xi32, #tpu.memory_space<vmem>>
      %dma_wait3A_185 = tpu.memref_squeeze %dma_wait3A_184 : memref<1x1x128xi32, #tpu.memory_space<vmem>> -> memref<128xi32, #tpu.memory_space<vmem>>
      %dma_wait3A_186 = arith.constant 0 : i32
      %dma_wait3A_187 = arith.constant 0 : i32
      %dma_wait3A_188 = tpu.memref_slice %arg2[%dma_wait3A_186, %dma_wait3A_187] : memref<10240x128xf32, #tpu.memory_space<hbm>> -> memref<10240x128xf32, #tpu.memory_space<hbm>>
      tpu.wait_indirect_dma semaphore(%arg13 : memref<!tpu.dma_semaphore, #tpu.memory_space<semaphore_mem>>) src(%dma_wait3A_188 : memref<10240x128xf32, #tpu.memory_space<hbm>>) dst(%arg8 : memref<128x128xf32, #tpu.memory_space<vmem>>)
      %run_scoped3A_189 = arith.constant 0 : i32
      %run_scoped3A_190 = arith.constant 2 : i32
      "tpu.region"() ({
        %run_scoped3A_448 = tpu.sem_alloc : memref<!tpu.dma_semaphore, #tpu.memory_space<semaphore_mem>>
        %dma_start3A_449 = arith.constant 0 : i32
        %dma_start3A_450 = tpu.memref_slice %arg7[%run_scoped3A_189, %run_scoped3A_190, %dma_start3A_449] : memref<2x8x128xi32, #tpu.memory_space<vmem>> -> memref<1x1x128xi32, #tpu.memory_space<vmem>>
        %dma_start3A_451 = tpu.memref_squeeze %dma_start3A_450 : memref<1x1x128xi32, #tpu.memory_space<vmem>> -> memref<128xi32, #tpu.memory_space<vmem>>
        %dma_start3A_452 = arith.constant 0 : i32
        %dma_start3A_453 = arith.constant 0 : i32
        %dma_start3A_454 = tpu.memref_slice %arg10[%dma_start3A_452, %dma_start3A_453] : memref<10240x128xf32, #tpu.memory_space<vmem_shared>> -> memref<10240x128xf32, #tpu.memory_space<vmem_shared>>
        tpu.enqueue_indirect_dma source(%arg8 : memref<128x128xf32, #tpu.memory_space<vmem>>) target(%dma_start3A_454 : memref<10240x128xf32, #tpu.memory_space<vmem_shared>>) offsets(%dma_start3A_451 : memref<128xi32, #tpu.memory_space<vmem>>) semaphore(%run_scoped3A_448 : memref<!tpu.dma_semaphore, #tpu.memory_space<semaphore_mem>>) {add = true}
        %dma_wait3A_455 = arith.constant 0 : i32
        %dma_wait3A_456 = tpu.memref_slice %arg7[%run_scoped3A_189, %run_scoped3A_190, %dma_wait3A_455] : memref<2x8x128xi32, #tpu.memory_space<vmem>> -> memref<1x1x128xi32, #tpu.memory_space<vmem>>
        %dma_wait3A_457 = tpu.memref_squeeze %dma_wait3A_456 : memref<1x1x128xi32, #tpu.memory_space<vmem>> -> memref<128xi32, #tpu.memory_space<vmem>>
        %dma_wait3A_458 = arith.constant 0 : i32
        %dma_wait3A_459 = arith.constant 0 : i32
        %dma_wait3A_460 = tpu.memref_slice %arg10[%dma_wait3A_458, %dma_wait3A_459] : memref<10240x128xf32, #tpu.memory_space<vmem_shared>> -> memref<10240x128xf32, #tpu.memory_space<vmem_shared>>
        tpu.wait_indirect_dma semaphore(%run_scoped3A_448 : memref<!tpu.dma_semaphore, #tpu.memory_space<semaphore_mem>>) src(%arg8 : memref<128x128xf32, #tpu.memory_space<vmem>>) dst(%dma_wait3A_460 : memref<10240x128xf32, #tpu.memory_space<vmem_shared>>)
        tpu.yield
      }) : () -> ()
      %dma_start3A_191 = arith.constant 0 : i32
      %dma_start3A_192 = arith.constant 4 : i32
      %dma_start3A_193 = arith.constant 0 : i32
      %dma_start3A_194 = tpu.memref_slice %arg6[%dma_start3A_191, %dma_start3A_192, %dma_start3A_193] : memref<2x8x128xi32, #tpu.memory_space<vmem>> -> memref<1x1x128xi32, #tpu.memory_space<vmem>>
      %dma_start3A_195 = tpu.memref_squeeze %dma_start3A_194 : memref<1x1x128xi32, #tpu.memory_space<vmem>> -> memref<128xi32, #tpu.memory_space<vmem>>
      %dma_start3A_196 = arith.constant 0 : i32
      %dma_start3A_197 = arith.constant 0 : i32
      %dma_start3A_198 = tpu.memref_slice %arg2[%dma_start3A_196, %dma_start3A_197] : memref<10240x128xf32, #tpu.memory_space<hbm>> -> memref<10240x128xf32, #tpu.memory_space<hbm>>
      tpu.enqueue_indirect_dma source(%dma_start3A_198 : memref<10240x128xf32, #tpu.memory_space<hbm>>) target(%arg8 : memref<128x128xf32, #tpu.memory_space<vmem>>) offsets(%dma_start3A_195 : memref<128xi32, #tpu.memory_space<vmem>>) semaphore(%arg13 : memref<!tpu.dma_semaphore, #tpu.memory_space<semaphore_mem>>)
      %dma_wait3A_199 = arith.constant 0 : i32
      %dma_wait3A_200 = arith.constant 3 : i32
      %dma_wait3A_201 = arith.constant 0 : i32
      %dma_wait3A_202 = tpu.memref_slice %arg6[%dma_wait3A_199, %dma_wait3A_200, %dma_wait3A_201] : memref<2x8x128xi32, #tpu.memory_space<vmem>> -> memref<1x1x128xi32, #tpu.memory_space<vmem>>
      %dma_wait3A_203 = tpu.memref_squeeze %dma_wait3A_202 : memref<1x1x128xi32, #tpu.memory_space<vmem>> -> memref<128xi32, #tpu.memory_space<vmem>>
      %dma_wait3A_204 = arith.constant 0 : i32
      %dma_wait3A_205 = arith.constant 0 : i32
      %dma_wait3A_206 = tpu.memref_slice %arg2[%dma_wait3A_204, %dma_wait3A_205] : memref<10240x128xf32, #tpu.memory_space<hbm>> -> memref<10240x128xf32, #tpu.memory_space<hbm>>
      tpu.wait_indirect_dma semaphore(%arg14 : memref<!tpu.dma_semaphore, #tpu.memory_space<semaphore_mem>>) src(%dma_wait3A_206 : memref<10240x128xf32, #tpu.memory_space<hbm>>) dst(%arg9 : memref<128x128xf32, #tpu.memory_space<vmem>>)
      %run_scoped3A_207 = arith.constant 0 : i32
      %run_scoped3A_208 = arith.constant 3 : i32
      "tpu.region"() ({
        %run_scoped3A_448 = tpu.sem_alloc : memref<!tpu.dma_semaphore, #tpu.memory_space<semaphore_mem>>
        %dma_start3A_449 = arith.constant 0 : i32
        %dma_start3A_450 = tpu.memref_slice %arg7[%run_scoped3A_207, %run_scoped3A_208, %dma_start3A_449] : memref<2x8x128xi32, #tpu.memory_space<vmem>> -> memref<1x1x128xi32, #tpu.memory_space<vmem>>
        %dma_start3A_451 = tpu.memref_squeeze %dma_start3A_450 : memref<1x1x128xi32, #tpu.memory_space<vmem>> -> memref<128xi32, #tpu.memory_space<vmem>>
        %dma_start3A_452 = arith.constant 0 : i32
        %dma_start3A_453 = arith.constant 0 : i32
        %dma_start3A_454 = tpu.memref_slice %arg10[%dma_start3A_452, %dma_start3A_453] : memref<10240x128xf32, #tpu.memory_space<vmem_shared>> -> memref<10240x128xf32, #tpu.memory_space<vmem_shared>>
        tpu.enqueue_indirect_dma source(%arg9 : memref<128x128xf32, #tpu.memory_space<vmem>>) target(%dma_start3A_454 : memref<10240x128xf32, #tpu.memory_space<vmem_shared>>) offsets(%dma_start3A_451 : memref<128xi32, #tpu.memory_space<vmem>>) semaphore(%run_scoped3A_448 : memref<!tpu.dma_semaphore, #tpu.memory_space<semaphore_mem>>) {add = true}
        %dma_wait3A_455 = arith.constant 0 : i32
        %dma_wait3A_456 = tpu.memref_slice %arg7[%run_scoped3A_207, %run_scoped3A_208, %dma_wait3A_455] : memref<2x8x128xi32, #tpu.memory_space<vmem>> -> memref<1x1x128xi32, #tpu.memory_space<vmem>>
        %dma_wait3A_457 = tpu.memref_squeeze %dma_wait3A_456 : memref<1x1x128xi32, #tpu.memory_space<vmem>> -> memref<128xi32, #tpu.memory_space<vmem>>
        %dma_wait3A_458 = arith.constant 0 : i32
        %dma_wait3A_459 = arith.constant 0 : i32
        %dma_wait3A_460 = tpu.memref_slice %arg10[%dma_wait3A_458, %dma_wait3A_459] : memref<10240x128xf32, #tpu.memory_space<vmem_shared>> -> memref<10240x128xf32, #tpu.memory_space<vmem_shared>>
        tpu.wait_indirect_dma semaphore(%run_scoped3A_448 : memref<!tpu.dma_semaphore, #tpu.memory_space<semaphore_mem>>) src(%arg9 : memref<128x128xf32, #tpu.memory_space<vmem>>) dst(%dma_wait3A_460 : memref<10240x128xf32, #tpu.memory_space<vmem_shared>>)
        tpu.yield
      }) : () -> ()
      %dma_start3A_209 = arith.constant 0 : i32
      %dma_start3A_210 = arith.constant 5 : i32
      %dma_start3A_211 = arith.constant 0 : i32
      %dma_start3A_212 = tpu.memref_slice %arg6[%dma_start3A_209, %dma_start3A_210, %dma_start3A_211] : memref<2x8x128xi32, #tpu.memory_space<vmem>> -> memref<1x1x128xi32, #tpu.memory_space<vmem>>
      %dma_start3A_213 = tpu.memref_squeeze %dma_start3A_212 : memref<1x1x128xi32, #tpu.memory_space<vmem>> -> memref<128xi32, #tpu.memory_space<vmem>>
      %dma_start3A_214 = arith.constant 0 : i32
      %dma_start3A_215 = arith.constant 0 : i32
      %dma_start3A_216 = tpu.memref_slice %arg2[%dma_start3A_214, %dma_start3A_215] : memref<10240x128xf32, #tpu.memory_space<hbm>> -> memref<10240x128xf32, #tpu.memory_space<hbm>>
      tpu.enqueue_indirect_dma source(%dma_start3A_216 : memref<10240x128xf32, #tpu.memory_space<hbm>>) target(%arg9 : memref<128x128xf32, #tpu.memory_space<vmem>>) offsets(%dma_start3A_213 : memref<128xi32, #tpu.memory_space<vmem>>) semaphore(%arg14 : memref<!tpu.dma_semaphore, #tpu.memory_space<semaphore_mem>>)
      %dma_wait3A_217 = arith.constant 0 : i32
      %dma_wait3A_218 = arith.constant 4 : i32
      %dma_wait3A_219 = arith.constant 0 : i32
      %dma_wait3A_220 = tpu.memref_slice %arg6[%dma_wait3A_217, %dma_wait3A_218, %dma_wait3A_219] : memref<2x8x128xi32, #tpu.memory_space<vmem>> -> memref<1x1x128xi32, #tpu.memory_space<vmem>>
      %dma_wait3A_221 = tpu.memref_squeeze %dma_wait3A_220 : memref<1x1x128xi32, #tpu.memory_space<vmem>> -> memref<128xi32, #tpu.memory_space<vmem>>
      %dma_wait3A_222 = arith.constant 0 : i32
      %dma_wait3A_223 = arith.constant 0 : i32
      %dma_wait3A_224 = tpu.memref_slice %arg2[%dma_wait3A_222, %dma_wait3A_223] : memref<10240x128xf32, #tpu.memory_space<hbm>> -> memref<10240x128xf32, #tpu.memory_space<hbm>>
      tpu.wait_indirect_dma semaphore(%arg13 : memref<!tpu.dma_semaphore, #tpu.memory_space<semaphore_mem>>) src(%dma_wait3A_224 : memref<10240x128xf32, #tpu.memory_space<hbm>>) dst(%arg8 : memref<128x128xf32, #tpu.memory_space<vmem>>)
      %run_scoped3A_225 = arith.constant 0 : i32
      %run_scoped3A_226 = arith.constant 4 : i32
      "tpu.region"() ({
        %run_scoped3A_448 = tpu.sem_alloc : memref<!tpu.dma_semaphore, #tpu.memory_space<semaphore_mem>>
        %dma_start3A_449 = arith.constant 0 : i32
        %dma_start3A_450 = tpu.memref_slice %arg7[%run_scoped3A_225, %run_scoped3A_226, %dma_start3A_449] : memref<2x8x128xi32, #tpu.memory_space<vmem>> -> memref<1x1x128xi32, #tpu.memory_space<vmem>>
        %dma_start3A_451 = tpu.memref_squeeze %dma_start3A_450 : memref<1x1x128xi32, #tpu.memory_space<vmem>> -> memref<128xi32, #tpu.memory_space<vmem>>
        %dma_start3A_452 = arith.constant 0 : i32
        %dma_start3A_453 = arith.constant 0 : i32
        %dma_start3A_454 = tpu.memref_slice %arg10[%dma_start3A_452, %dma_start3A_453] : memref<10240x128xf32, #tpu.memory_space<vmem_shared>> -> memref<10240x128xf32, #tpu.memory_space<vmem_shared>>
        tpu.enqueue_indirect_dma source(%arg8 : memref<128x128xf32, #tpu.memory_space<vmem>>) target(%dma_start3A_454 : memref<10240x128xf32, #tpu.memory_space<vmem_shared>>) offsets(%dma_start3A_451 : memref<128xi32, #tpu.memory_space<vmem>>) semaphore(%run_scoped3A_448 : memref<!tpu.dma_semaphore, #tpu.memory_space<semaphore_mem>>) {add = true}
        %dma_wait3A_455 = arith.constant 0 : i32
        %dma_wait3A_456 = tpu.memref_slice %arg7[%run_scoped3A_225, %run_scoped3A_226, %dma_wait3A_455] : memref<2x8x128xi32, #tpu.memory_space<vmem>> -> memref<1x1x128xi32, #tpu.memory_space<vmem>>
        %dma_wait3A_457 = tpu.memref_squeeze %dma_wait3A_456 : memref<1x1x128xi32, #tpu.memory_space<vmem>> -> memref<128xi32, #tpu.memory_space<vmem>>
        %dma_wait3A_458 = arith.constant 0 : i32
        %dma_wait3A_459 = arith.constant 0 : i32
        %dma_wait3A_460 = tpu.memref_slice %arg10[%dma_wait3A_458, %dma_wait3A_459] : memref<10240x128xf32, #tpu.memory_space<vmem_shared>> -> memref<10240x128xf32, #tpu.memory_space<vmem_shared>>
        tpu.wait_indirect_dma semaphore(%run_scoped3A_448 : memref<!tpu.dma_semaphore, #tpu.memory_space<semaphore_mem>>) src(%arg8 : memref<128x128xf32, #tpu.memory_space<vmem>>) dst(%dma_wait3A_460 : memref<10240x128xf32, #tpu.memory_space<vmem_shared>>)
        tpu.yield
      }) : () -> ()
      %dma_start3A_227 = arith.constant 0 : i32
      %dma_start3A_228 = arith.constant 6 : i32
      %dma_start3A_229 = arith.constant 0 : i32
      %dma_start3A_230 = tpu.memref_slice %arg6[%dma_start3A_227, %dma_start3A_228, %dma_start3A_229] : memref<2x8x128xi32, #tpu.memory_space<vmem>> -> memref<1x1x128xi32, #tpu.memory_space<vmem>>
      %dma_start3A_231 = tpu.memref_squeeze %dma_start3A_230 : memref<1x1x128xi32, #tpu.memory_space<vmem>> -> memref<128xi32, #tpu.memory_space<vmem>>
      %dma_start3A_232 = arith.constant 0 : i32
      %dma_start3A_233 = arith.constant 0 : i32
      %dma_start3A_234 = tpu.memref_slice %arg2[%dma_start3A_232, %dma_start3A_233] : memref<10240x128xf32, #tpu.memory_space<hbm>> -> memref<10240x128xf32, #tpu.memory_space<hbm>>
      tpu.enqueue_indirect_dma source(%dma_start3A_234 : memref<10240x128xf32, #tpu.memory_space<hbm>>) target(%arg8 : memref<128x128xf32, #tpu.memory_space<vmem>>) offsets(%dma_start3A_231 : memref<128xi32, #tpu.memory_space<vmem>>) semaphore(%arg13 : memref<!tpu.dma_semaphore, #tpu.memory_space<semaphore_mem>>)
      %dma_wait3A_235 = arith.constant 0 : i32
      %dma_wait3A_236 = arith.constant 5 : i32
      %dma_wait3A_237 = arith.constant 0 : i32
      %dma_wait3A_238 = tpu.memref_slice %arg6[%dma_wait3A_235, %dma_wait3A_236, %dma_wait3A_237] : memref<2x8x128xi32, #tpu.memory_space<vmem>> -> memref<1x1x128xi32, #tpu.memory_space<vmem>>
      %dma_wait3A_239 = tpu.memref_squeeze %dma_wait3A_238 : memref<1x1x128xi32, #tpu.memory_space<vmem>> -> memref<128xi32, #tpu.memory_space<vmem>>
      %dma_wait3A_240 = arith.constant 0 : i32
      %dma_wait3A_241 = arith.constant 0 : i32
      %dma_wait3A_242 = tpu.memref_slice %arg2[%dma_wait3A_240, %dma_wait3A_241] : memref<10240x128xf32, #tpu.memory_space<hbm>> -> memref<10240x128xf32, #tpu.memory_space<hbm>>
      tpu.wait_indirect_dma semaphore(%arg14 : memref<!tpu.dma_semaphore, #tpu.memory_space<semaphore_mem>>) src(%dma_wait3A_242 : memref<10240x128xf32, #tpu.memory_space<hbm>>) dst(%arg9 : memref<128x128xf32, #tpu.memory_space<vmem>>)
      %run_scoped3A_243 = arith.constant 0 : i32
      %run_scoped3A_244 = arith.constant 5 : i32
      "tpu.region"() ({
        %run_scoped3A_448 = tpu.sem_alloc : memref<!tpu.dma_semaphore, #tpu.memory_space<semaphore_mem>>
        %dma_start3A_449 = arith.constant 0 : i32
        %dma_start3A_450 = tpu.memref_slice %arg7[%run_scoped3A_243, %run_scoped3A_244, %dma_start3A_449] : memref<2x8x128xi32, #tpu.memory_space<vmem>> -> memref<1x1x128xi32, #tpu.memory_space<vmem>>
        %dma_start3A_451 = tpu.memref_squeeze %dma_start3A_450 : memref<1x1x128xi32, #tpu.memory_space<vmem>> -> memref<128xi32, #tpu.memory_space<vmem>>
        %dma_start3A_452 = arith.constant 0 : i32
        %dma_start3A_453 = arith.constant 0 : i32
        %dma_start3A_454 = tpu.memref_slice %arg10[%dma_start3A_452, %dma_start3A_453] : memref<10240x128xf32, #tpu.memory_space<vmem_shared>> -> memref<10240x128xf32, #tpu.memory_space<vmem_shared>>
        tpu.enqueue_indirect_dma source(%arg9 : memref<128x128xf32, #tpu.memory_space<vmem>>) target(%dma_start3A_454 : memref<10240x128xf32, #tpu.memory_space<vmem_shared>>) offsets(%dma_start3A_451 : memref<128xi32, #tpu.memory_space<vmem>>) semaphore(%run_scoped3A_448 : memref<!tpu.dma_semaphore, #tpu.memory_space<semaphore_mem>>) {add = true}
        %dma_wait3A_455 = arith.constant 0 : i32
        %dma_wait3A_456 = tpu.memref_slice %arg7[%run_scoped3A_243, %run_scoped3A_244, %dma_wait3A_455] : memref<2x8x128xi32, #tpu.memory_space<vmem>> -> memref<1x1x128xi32, #tpu.memory_space<vmem>>
        %dma_wait3A_457 = tpu.memref_squeeze %dma_wait3A_456 : memref<1x1x128xi32, #tpu.memory_space<vmem>> -> memref<128xi32, #tpu.memory_space<vmem>>
        %dma_wait3A_458 = arith.constant 0 : i32
        %dma_wait3A_459 = arith.constant 0 : i32
        %dma_wait3A_460 = tpu.memref_slice %arg10[%dma_wait3A_458, %dma_wait3A_459] : memref<10240x128xf32, #tpu.memory_space<vmem_shared>> -> memref<10240x128xf32, #tpu.memory_space<vmem_shared>>
        tpu.wait_indirect_dma semaphore(%run_scoped3A_448 : memref<!tpu.dma_semaphore, #tpu.memory_space<semaphore_mem>>) src(%arg9 : memref<128x128xf32, #tpu.memory_space<vmem>>) dst(%dma_wait3A_460 : memref<10240x128xf32, #tpu.memory_space<vmem_shared>>)
        tpu.yield
      }) : () -> ()
      %dma_start3A_245 = arith.constant 0 : i32
      %dma_start3A_246 = arith.constant 7 : i32
      %dma_start3A_247 = arith.constant 0 : i32
      %dma_start3A_248 = tpu.memref_slice %arg6[%dma_start3A_245, %dma_start3A_246, %dma_start3A_247] : memref<2x8x128xi32, #tpu.memory_space<vmem>> -> memref<1x1x128xi32, #tpu.memory_space<vmem>>
      %dma_start3A_249 = tpu.memref_squeeze %dma_start3A_248 : memref<1x1x128xi32, #tpu.memory_space<vmem>> -> memref<128xi32, #tpu.memory_space<vmem>>
      %dma_start3A_250 = arith.constant 0 : i32
      %dma_start3A_251 = arith.constant 0 : i32
      %dma_start3A_252 = tpu.memref_slice %arg2[%dma_start3A_250, %dma_start3A_251] : memref<10240x128xf32, #tpu.memory_space<hbm>> -> memref<10240x128xf32, #tpu.memory_space<hbm>>
      tpu.enqueue_indirect_dma source(%dma_start3A_252 : memref<10240x128xf32, #tpu.memory_space<hbm>>) target(%arg9 : memref<128x128xf32, #tpu.memory_space<vmem>>) offsets(%dma_start3A_249 : memref<128xi32, #tpu.memory_space<vmem>>) semaphore(%arg14 : memref<!tpu.dma_semaphore, #tpu.memory_space<semaphore_mem>>)
      %dma_wait3A_253 = arith.constant 0 : i32
      %dma_wait3A_254 = arith.constant 6 : i32
      %dma_wait3A_255 = arith.constant 0 : i32
      %dma_wait3A_256 = tpu.memref_slice %arg6[%dma_wait3A_253, %dma_wait3A_254, %dma_wait3A_255] : memref<2x8x128xi32, #tpu.memory_space<vmem>> -> memref<1x1x128xi32, #tpu.memory_space<vmem>>
      %dma_wait3A_257 = tpu.memref_squeeze %dma_wait3A_256 : memref<1x1x128xi32, #tpu.memory_space<vmem>> -> memref<128xi32, #tpu.memory_space<vmem>>
      %dma_wait3A_258 = arith.constant 0 : i32
      %dma_wait3A_259 = arith.constant 0 : i32
      %dma_wait3A_260 = tpu.memref_slice %arg2[%dma_wait3A_258, %dma_wait3A_259] : memref<10240x128xf32, #tpu.memory_space<hbm>> -> memref<10240x128xf32, #tpu.memory_space<hbm>>
      tpu.wait_indirect_dma semaphore(%arg13 : memref<!tpu.dma_semaphore, #tpu.memory_space<semaphore_mem>>) src(%dma_wait3A_260 : memref<10240x128xf32, #tpu.memory_space<hbm>>) dst(%arg8 : memref<128x128xf32, #tpu.memory_space<vmem>>)
      %run_scoped3A_261 = arith.constant 0 : i32
      %run_scoped3A_262 = arith.constant 6 : i32
      "tpu.region"() ({
        %run_scoped3A_448 = tpu.sem_alloc : memref<!tpu.dma_semaphore, #tpu.memory_space<semaphore_mem>>
        %dma_start3A_449 = arith.constant 0 : i32
        %dma_start3A_450 = tpu.memref_slice %arg7[%run_scoped3A_261, %run_scoped3A_262, %dma_start3A_449] : memref<2x8x128xi32, #tpu.memory_space<vmem>> -> memref<1x1x128xi32, #tpu.memory_space<vmem>>
        %dma_start3A_451 = tpu.memref_squeeze %dma_start3A_450 : memref<1x1x128xi32, #tpu.memory_space<vmem>> -> memref<128xi32, #tpu.memory_space<vmem>>
        %dma_start3A_452 = arith.constant 0 : i32
        %dma_start3A_453 = arith.constant 0 : i32
        %dma_start3A_454 = tpu.memref_slice %arg10[%dma_start3A_452, %dma_start3A_453] : memref<10240x128xf32, #tpu.memory_space<vmem_shared>> -> memref<10240x128xf32, #tpu.memory_space<vmem_shared>>
        tpu.enqueue_indirect_dma source(%arg8 : memref<128x128xf32, #tpu.memory_space<vmem>>) target(%dma_start3A_454 : memref<10240x128xf32, #tpu.memory_space<vmem_shared>>) offsets(%dma_start3A_451 : memref<128xi32, #tpu.memory_space<vmem>>) semaphore(%run_scoped3A_448 : memref<!tpu.dma_semaphore, #tpu.memory_space<semaphore_mem>>) {add = true}
        %dma_wait3A_455 = arith.constant 0 : i32
        %dma_wait3A_456 = tpu.memref_slice %arg7[%run_scoped3A_261, %run_scoped3A_262, %dma_wait3A_455] : memref<2x8x128xi32, #tpu.memory_space<vmem>> -> memref<1x1x128xi32, #tpu.memory_space<vmem>>
        %dma_wait3A_457 = tpu.memref_squeeze %dma_wait3A_456 : memref<1x1x128xi32, #tpu.memory_space<vmem>> -> memref<128xi32, #tpu.memory_space<vmem>>
        %dma_wait3A_458 = arith.constant 0 : i32
        %dma_wait3A_459 = arith.constant 0 : i32
        %dma_wait3A_460 = tpu.memref_slice %arg10[%dma_wait3A_458, %dma_wait3A_459] : memref<10240x128xf32, #tpu.memory_space<vmem_shared>> -> memref<10240x128xf32, #tpu.memory_space<vmem_shared>>
        tpu.wait_indirect_dma semaphore(%run_scoped3A_448 : memref<!tpu.dma_semaphore, #tpu.memory_space<semaphore_mem>>) src(%arg8 : memref<128x128xf32, #tpu.memory_space<vmem>>) dst(%dma_wait3A_460 : memref<10240x128xf32, #tpu.memory_space<vmem_shared>>)
        tpu.yield
      }) : () -> ()
      %add3A_263 = arith.constant 1 : i32
      %add3A_264 = arith.addi %add3A_133, %add3A_263 : i32
      %lt3A_265 = arith.constant 10 : i32
      %lt3A_266 = arith.cmpi slt, %add3A_264, %lt3A_265 : i32
      %convert_element_type3A_267 = arith.extui %lt3A_266 : i1 to i32
      %cond3A_268 = arith.constant 0 : i32
      %cond3A_269 = arith.cmpi ne, %convert_element_type3A_267, %cond3A_268 : i32
      scf.if %cond3A_269 {
        %dma_start3A_448 = arith.constant 1 : i32
        %dma_start3A_449 = arith.constant 0 : i32
        %dma_start3A_450 = arith.constant 0 : i32
        %dma_start3A_451 = tpu.memref_slice %arg6[%dma_start3A_448, %dma_start3A_449, %dma_start3A_450] : memref<2x8x128xi32, #tpu.memory_space<vmem>> -> memref<1x1x128xi32, #tpu.memory_space<vmem>>
        %dma_start3A_452 = tpu.memref_squeeze %dma_start3A_451 : memref<1x1x128xi32, #tpu.memory_space<vmem>> -> memref<128xi32, #tpu.memory_space<vmem>>
        %dma_start3A_453 = arith.constant 0 : i32
        %dma_start3A_454 = arith.constant 0 : i32
        %dma_start3A_455 = tpu.memref_slice %arg2[%dma_start3A_453, %dma_start3A_454] : memref<10240x128xf32, #tpu.memory_space<hbm>> -> memref<10240x128xf32, #tpu.memory_space<hbm>>
        tpu.enqueue_indirect_dma source(%dma_start3A_455 : memref<10240x128xf32, #tpu.memory_space<hbm>>) target(%arg8 : memref<128x128xf32, #tpu.memory_space<vmem>>) offsets(%dma_start3A_452 : memref<128xi32, #tpu.memory_space<vmem>>) semaphore(%arg13 : memref<!tpu.dma_semaphore, #tpu.memory_space<semaphore_mem>>)
      } else {
      }
      %dma_wait3A_270 = arith.constant 0 : i32
      %dma_wait3A_271 = arith.constant 7 : i32
      %dma_wait3A_272 = arith.constant 0 : i32
      %dma_wait3A_273 = tpu.memref_slice %arg6[%dma_wait3A_270, %dma_wait3A_271, %dma_wait3A_272] : memref<2x8x128xi32, #tpu.memory_space<vmem>> -> memref<1x1x128xi32, #tpu.memory_space<vmem>>
      %dma_wait3A_274 = tpu.memref_squeeze %dma_wait3A_273 : memref<1x1x128xi32, #tpu.memory_space<vmem>> -> memref<128xi32, #tpu.memory_space<vmem>>
      %dma_wait3A_275 = arith.constant 0 : i32
      %dma_wait3A_276 = arith.constant 0 : i32
      %dma_wait3A_277 = tpu.memref_slice %arg2[%dma_wait3A_275, %dma_wait3A_276] : memref<10240x128xf32, #tpu.memory_space<hbm>> -> memref<10240x128xf32, #tpu.memory_space<hbm>>
      tpu.wait_indirect_dma semaphore(%arg14 : memref<!tpu.dma_semaphore, #tpu.memory_space<semaphore_mem>>) src(%dma_wait3A_277 : memref<10240x128xf32, #tpu.memory_space<hbm>>) dst(%arg9 : memref<128x128xf32, #tpu.memory_space<vmem>>)
      %run_scoped3A_278 = arith.constant 0 : i32
      %run_scoped3A_279 = arith.constant 7 : i32
      "tpu.region"() ({
        %run_scoped3A_448 = tpu.sem_alloc : memref<!tpu.dma_semaphore, #tpu.memory_space<semaphore_mem>>
        %dma_start3A_449 = arith.constant 0 : i32
        %dma_start3A_450 = tpu.memref_slice %arg7[%run_scoped3A_278, %run_scoped3A_279, %dma_start3A_449] : memref<2x8x128xi32, #tpu.memory_space<vmem>> -> memref<1x1x128xi32, #tpu.memory_space<vmem>>
        %dma_start3A_451 = tpu.memref_squeeze %dma_start3A_450 : memref<1x1x128xi32, #tpu.memory_space<vmem>> -> memref<128xi32, #tpu.memory_space<vmem>>
        %dma_start3A_452 = arith.constant 0 : i32
        %dma_start3A_453 = arith.constant 0 : i32
        %dma_start3A_454 = tpu.memref_slice %arg10[%dma_start3A_452, %dma_start3A_453] : memref<10240x128xf32, #tpu.memory_space<vmem_shared>> -> memref<10240x128xf32, #tpu.memory_space<vmem_shared>>
        tpu.enqueue_indirect_dma source(%arg9 : memref<128x128xf32, #tpu.memory_space<vmem>>) target(%dma_start3A_454 : memref<10240x128xf32, #tpu.memory_space<vmem_shared>>) offsets(%dma_start3A_451 : memref<128xi32, #tpu.memory_space<vmem>>) semaphore(%run_scoped3A_448 : memref<!tpu.dma_semaphore, #tpu.memory_space<semaphore_mem>>) {add = true}
        %dma_wait3A_455 = arith.constant 0 : i32
        %dma_wait3A_456 = tpu.memref_slice %arg7[%run_scoped3A_278, %run_scoped3A_279, %dma_wait3A_455] : memref<2x8x128xi32, #tpu.memory_space<vmem>> -> memref<1x1x128xi32, #tpu.memory_space<vmem>>
        %dma_wait3A_457 = tpu.memref_squeeze %dma_wait3A_456 : memref<1x1x128xi32, #tpu.memory_space<vmem>> -> memref<128xi32, #tpu.memory_space<vmem>>
        %dma_wait3A_458 = arith.constant 0 : i32
        %dma_wait3A_459 = arith.constant 0 : i32
        %dma_wait3A_460 = tpu.memref_slice %arg10[%dma_wait3A_458, %dma_wait3A_459] : memref<10240x128xf32, #tpu.memory_space<vmem_shared>> -> memref<10240x128xf32, #tpu.memory_space<vmem_shared>>
        tpu.wait_indirect_dma semaphore(%run_scoped3A_448 : memref<!tpu.dma_semaphore, #tpu.memory_space<semaphore_mem>>) src(%arg9 : memref<128x128xf32, #tpu.memory_space<vmem>>) dst(%dma_wait3A_460 : memref<10240x128xf32, #tpu.memory_space<vmem_shared>>)
        tpu.yield
      }) : () -> ()
      %add3A_280 = arith.constant 2 : i32
      %add3A_281 = arith.addi %add3A_133, %add3A_280 : i32
      %lt3A_282 = arith.constant 10 : i32
      %lt3A_283 = arith.cmpi slt, %add3A_281, %lt3A_282 : i32
      %convert_element_type3A_284 = arith.extui %lt3A_283 : i1 to i32
      %cond3A_285 = arith.constant 0 : i32
      %cond3A_286 = arith.cmpi ne, %convert_element_type3A_284, %cond3A_285 : i32
      scf.if %cond3A_286 {
        %add3A_448 = arith.constant 2 : i32
        %add3A_449 = arith.addi %add3A_133, %add3A_448 : i32
        %dma_start3A_450 = arith.constant 0 : i32
        %dma_start3A_451 = arith.constant 0 : i32
        %dma_start3A_452 = arith.constant 0 : i32
        %dma_start3A_453 = tpu.memref_slice %arg6[%dma_start3A_450, %dma_start3A_451, %dma_start3A_452] : memref<2x8x128xi32, #tpu.memory_space<vmem>> -> memref<1x8x128xi32, #tpu.memory_space<vmem>>
        %dma_start3A_454 = tpu.memref_squeeze %dma_start3A_453 : memref<1x8x128xi32, #tpu.memory_space<vmem>> -> memref<8x128xi32, #tpu.memory_space<vmem>>
        %dma_start3A_455 = arith.constant 0 : i32
        %dma_start3A_456 = arith.constant 0 : i32
        %dma_start3A_457 = tpu.memref_slice %arg3[%add3A, %add3A_449, %dma_start3A_455, %dma_start3A_456] : memref<32x10x8x128xi32, #tpu.memory_space<hbm>> -> memref<1x1x8x128xi32, #tpu.memory_space<hbm>>
        %dma_start3A_458 = tpu.memref_squeeze %dma_start3A_457 : memref<1x1x8x128xi32, #tpu.memory_space<hbm>> -> memref<8x128xi32, #tpu.memory_space<hbm>>
        %dma_start3A_459 = arith.constant 0 : i32
        %dma_start3A_460 = arith.constant 0 : i32
        %dma_start3A_461 = tpu.memref_slice %arg6[%dma_start3A_450, %dma_start3A_459, %dma_start3A_460] : memref<2x8x128xi32, #tpu.memory_space<vmem>> -> memref<1x8x128xi32, #tpu.memory_space<vmem>>
        %dma_start3A_462 = tpu.memref_squeeze %dma_start3A_461 : memref<1x8x128xi32, #tpu.memory_space<vmem>> -> memref<8x128xi32, #tpu.memory_space<vmem>>
        %dma_start3A_463 = arith.constant 0 : i32
        %dma_start3A_464 = arith.constant 0 : i32
        %dma_start3A_465 = tpu.memref_slice %arg3[%add3A, %add3A_449, %dma_start3A_463, %dma_start3A_464] : memref<32x10x8x128xi32, #tpu.memory_space<hbm>> -> memref<1x1x8x128xi32, #tpu.memory_space<hbm>>
        %dma_start3A_466 = tpu.memref_squeeze %dma_start3A_465 : memref<1x1x8x128xi32, #tpu.memory_space<hbm>> -> memref<8x128xi32, #tpu.memory_space<hbm>>
        tpu.enqueue_dma source(%dma_start3A_466 : memref<8x128xi32, #tpu.memory_space<hbm>>) target(%dma_start3A_462 : memref<8x128xi32, #tpu.memory_space<vmem>>) target_semaphore(%arg11 : memref<!tpu.dma_semaphore, #tpu.memory_space<semaphore_mem>>)
        %dma_start3A_467 = arith.constant 0 : i32
        %dma_start3A_468 = arith.constant 0 : i32
        %dma_start3A_469 = arith.constant 0 : i32
        %dma_start3A_470 = tpu.memref_slice %arg7[%dma_start3A_467, %dma_start3A_468, %dma_start3A_469] : memref<2x8x128xi32, #tpu.memory_space<vmem>> -> memref<1x8x128xi32, #tpu.memory_space<vmem>>
        %dma_start3A_471 = tpu.memref_squeeze %dma_start3A_470 : memref<1x8x128xi32, #tpu.memory_space<vmem>> -> memref<8x128xi32, #tpu.memory_space<vmem>>
        %dma_start3A_472 = arith.constant 0 : i32
        %dma_start3A_473 = arith.constant 0 : i32
        %dma_start3A_474 = tpu.memref_slice %arg4[%add3A, %add3A_449, %dma_start3A_472, %dma_start3A_473] : memref<32x10x8x128xi32, #tpu.memory_space<hbm>> -> memref<1x1x8x128xi32, #tpu.memory_space<hbm>>
        %dma_start3A_475 = tpu.memref_squeeze %dma_start3A_474 : memref<1x1x8x128xi32, #tpu.memory_space<hbm>> -> memref<8x128xi32, #tpu.memory_space<hbm>>
        %dma_start3A_476 = arith.constant 0 : i32
        %dma_start3A_477 = arith.constant 0 : i32
        %dma_start3A_478 = tpu.memref_slice %arg7[%dma_start3A_467, %dma_start3A_476, %dma_start3A_477] : memref<2x8x128xi32, #tpu.memory_space<vmem>> -> memref<1x8x128xi32, #tpu.memory_space<vmem>>
        %dma_start3A_479 = tpu.memref_squeeze %dma_start3A_478 : memref<1x8x128xi32, #tpu.memory_space<vmem>> -> memref<8x128xi32, #tpu.memory_space<vmem>>
        %dma_start3A_480 = arith.constant 0 : i32
        %dma_start3A_481 = arith.constant 0 : i32
        %dma_start3A_482 = tpu.memref_slice %arg4[%add3A, %add3A_449, %dma_start3A_480, %dma_start3A_481] : memref<32x10x8x128xi32, #tpu.memory_space<hbm>> -> memref<1x1x8x128xi32, #tpu.memory_space<hbm>>
        %dma_start3A_483 = tpu.memref_squeeze %dma_start3A_482 : memref<1x1x8x128xi32, #tpu.memory_space<hbm>> -> memref<8x128xi32, #tpu.memory_space<hbm>>
        tpu.enqueue_dma source(%dma_start3A_483 : memref<8x128xi32, #tpu.memory_space<hbm>>) target(%dma_start3A_479 : memref<8x128xi32, #tpu.memory_space<vmem>>) target_semaphore(%arg11 : memref<!tpu.dma_semaphore, #tpu.memory_space<semaphore_mem>>)
      } else {
      }
      %mul3A_287 = arith.constant 2 : i32
      %mul3A_288 = arith.muli %scan3A_129, %mul3A_287 : i32
      %add3A_289 = arith.constant 1 : i32
      %add3A_290 = arith.addi %mul3A_288, %add3A_289 : i32
      %add3A_291 = arith.constant 1 : i32
      %add3A_292 = arith.addi %add3A_290, %add3A_291 : i32
      %lt3A_293 = arith.constant 10 : i32
      %lt3A_294 = arith.cmpi slt, %add3A_292, %lt3A_293 : i32
      %convert_element_type3A_295 = arith.extui %lt3A_294 : i1 to i32
      %cond3A_296 = arith.constant 0 : i32
      %cond3A_297 = arith.cmpi ne, %convert_element_type3A_295, %cond3A_296 : i32
      scf.if %cond3A_297 {
        %add3A_448 = arith.constant 1 : i32
        %add3A_449 = arith.addi %add3A_290, %add3A_448 : i32
        %dma_wait3A_450 = arith.constant 0 : i32
        %dma_wait3A_451 = arith.constant 0 : i32
        %dma_wait3A_452 = arith.constant 0 : i32
        %dma_wait3A_453 = tpu.memref_slice %arg6[%dma_wait3A_450, %dma_wait3A_451, %dma_wait3A_452] : memref<2x8x128xi32, #tpu.memory_space<vmem>> -> memref<1x8x128xi32, #tpu.memory_space<vmem>>
        %dma_wait3A_454 = tpu.memref_squeeze %dma_wait3A_453 : memref<1x8x128xi32, #tpu.memory_space<vmem>> -> memref<8x128xi32, #tpu.memory_space<vmem>>
        %dma_wait3A_455 = arith.constant 0 : i32
        %dma_wait3A_456 = arith.constant 0 : i32
        %dma_wait3A_457 = tpu.memref_slice %arg3[%add3A, %add3A_449, %dma_wait3A_455, %dma_wait3A_456] : memref<32x10x8x128xi32, #tpu.memory_space<hbm>> -> memref<1x1x8x128xi32, #tpu.memory_space<hbm>>
        %dma_wait3A_458 = tpu.memref_squeeze %dma_wait3A_457 : memref<1x1x8x128xi32, #tpu.memory_space<hbm>> -> memref<8x128xi32, #tpu.memory_space<hbm>>
        %dma_wait3A_459 = arith.constant 0 : i32
        %dma_wait3A_460 = arith.constant 0 : i32
        %dma_wait3A_461 = tpu.memref_slice %arg6[%dma_wait3A_450, %dma_wait3A_459, %dma_wait3A_460] : memref<2x8x128xi32, #tpu.memory_space<vmem>> -> memref<1x8x128xi32, #tpu.memory_space<vmem>>
        %dma_wait3A_462 = tpu.memref_squeeze %dma_wait3A_461 : memref<1x8x128xi32, #tpu.memory_space<vmem>> -> memref<8x128xi32, #tpu.memory_space<vmem>>
        %dma_wait3A_463 = arith.constant 0 : i32
        %dma_wait3A_464 = arith.constant 0 : i32
        %dma_wait3A_465 = tpu.memref_slice %arg3[%add3A, %add3A_449, %dma_wait3A_463, %dma_wait3A_464] : memref<32x10x8x128xi32, #tpu.memory_space<hbm>> -> memref<1x1x8x128xi32, #tpu.memory_space<hbm>>
        %dma_wait3A_466 = tpu.memref_squeeze %dma_wait3A_465 : memref<1x1x8x128xi32, #tpu.memory_space<hbm>> -> memref<8x128xi32, #tpu.memory_space<hbm>>
        tpu.wait_dma2 semaphore(%arg11 : memref<!tpu.dma_semaphore, #tpu.memory_space<semaphore_mem>>) src(%dma_wait3A_466 : memref<8x128xi32, #tpu.memory_space<hbm>>) dst(%dma_wait3A_462 : memref<8x128xi32, #tpu.memory_space<vmem>>)
        %dma_wait3A_467 = arith.constant 0 : i32
        %dma_wait3A_468 = arith.constant 0 : i32
        %dma_wait3A_469 = arith.constant 0 : i32
        %dma_wait3A_470 = tpu.memref_slice %arg7[%dma_wait3A_467, %dma_wait3A_468, %dma_wait3A_469] : memref<2x8x128xi32, #tpu.memory_space<vmem>> -> memref<1x8x128xi32, #tpu.memory_space<vmem>>
        %dma_wait3A_471 = tpu.memref_squeeze %dma_wait3A_470 : memref<1x8x128xi32, #tpu.memory_space<vmem>> -> memref<8x128xi32, #tpu.memory_space<vmem>>
        %dma_wait3A_472 = arith.constant 0 : i32
        %dma_wait3A_473 = arith.constant 0 : i32
        %dma_wait3A_474 = tpu.memref_slice %arg4[%add3A, %add3A_449, %dma_wait3A_472, %dma_wait3A_473] : memref<32x10x8x128xi32, #tpu.memory_space<hbm>> -> memref<1x1x8x128xi32, #tpu.memory_space<hbm>>
        %dma_wait3A_475 = tpu.memref_squeeze %dma_wait3A_474 : memref<1x1x8x128xi32, #tpu.memory_space<hbm>> -> memref<8x128xi32, #tpu.memory_space<hbm>>
        %dma_wait3A_476 = arith.constant 0 : i32
        %dma_wait3A_477 = arith.constant 0 : i32
        %dma_wait3A_478 = tpu.memref_slice %arg7[%dma_wait3A_467, %dma_wait3A_476, %dma_wait3A_477] : memref<2x8x128xi32, #tpu.memory_space<vmem>> -> memref<1x8x128xi32, #tpu.memory_space<vmem>>
        %dma_wait3A_479 = tpu.memref_squeeze %dma_wait3A_478 : memref<1x8x128xi32, #tpu.memory_space<vmem>> -> memref<8x128xi32, #tpu.memory_space<vmem>>
        %dma_wait3A_480 = arith.constant 0 : i32
        %dma_wait3A_481 = arith.constant 0 : i32
        %dma_wait3A_482 = tpu.memref_slice %arg4[%add3A, %add3A_449, %dma_wait3A_480, %dma_wait3A_481] : memref<32x10x8x128xi32, #tpu.memory_space<hbm>> -> memref<1x1x8x128xi32, #tpu.memory_space<hbm>>
        %dma_wait3A_483 = tpu.memref_squeeze %dma_wait3A_482 : memref<1x1x8x128xi32, #tpu.memory_space<hbm>> -> memref<8x128xi32, #tpu.memory_space<hbm>>
        tpu.wait_dma2 semaphore(%arg11 : memref<!tpu.dma_semaphore, #tpu.memory_space<semaphore_mem>>) src(%dma_wait3A_483 : memref<8x128xi32, #tpu.memory_space<hbm>>) dst(%dma_wait3A_479 : memref<8x128xi32, #tpu.memory_space<vmem>>)
      } else {
      }
      %dma_start3A_298 = arith.constant 1 : i32
      %dma_start3A_299 = arith.constant 1 : i32
      %dma_start3A_300 = arith.constant 0 : i32
      %dma_start3A_301 = tpu.memref_slice %arg6[%dma_start3A_298, %dma_start3A_299, %dma_start3A_300] : memref<2x8x128xi32, #tpu.memory_space<vmem>> -> memref<1x1x128xi32, #tpu.memory_space<vmem>>
      %dma_start3A_302 = tpu.memref_squeeze %dma_start3A_301 : memref<1x1x128xi32, #tpu.memory_space<vmem>> -> memref<128xi32, #tpu.memory_space<vmem>>
      %dma_start3A_303 = arith.constant 0 : i32
      %dma_start3A_304 = arith.constant 0 : i32
      %dma_start3A_305 = tpu.memref_slice %arg2[%dma_start3A_303, %dma_start3A_304] : memref<10240x128xf32, #tpu.memory_space<hbm>> -> memref<10240x128xf32, #tpu.memory_space<hbm>>
      tpu.enqueue_indirect_dma source(%dma_start3A_305 : memref<10240x128xf32, #tpu.memory_space<hbm>>) target(%arg9 : memref<128x128xf32, #tpu.memory_space<vmem>>) offsets(%dma_start3A_302 : memref<128xi32, #tpu.memory_space<vmem>>) semaphore(%arg14 : memref<!tpu.dma_semaphore, #tpu.memory_space<semaphore_mem>>)
      %dma_wait3A_306 = arith.constant 1 : i32
      %dma_wait3A_307 = arith.constant 0 : i32
      %dma_wait3A_308 = arith.constant 0 : i32
      %dma_wait3A_309 = tpu.memref_slice %arg6[%dma_wait3A_306, %dma_wait3A_307, %dma_wait3A_308] : memref<2x8x128xi32, #tpu.memory_space<vmem>> -> memref<1x1x128xi32, #tpu.memory_space<vmem>>
      %dma_wait3A_310 = tpu.memref_squeeze %dma_wait3A_309 : memref<1x1x128xi32, #tpu.memory_space<vmem>> -> memref<128xi32, #tpu.memory_space<vmem>>
      %dma_wait3A_311 = arith.constant 0 : i32
      %dma_wait3A_312 = arith.constant 0 : i32
      %dma_wait3A_313 = tpu.memref_slice %arg2[%dma_wait3A_311, %dma_wait3A_312] : memref<10240x128xf32, #tpu.memory_space<hbm>> -> memref<10240x128xf32, #tpu.memory_space<hbm>>
      tpu.wait_indirect_dma semaphore(%arg13 : memref<!tpu.dma_semaphore, #tpu.memory_space<semaphore_mem>>) src(%dma_wait3A_313 : memref<10240x128xf32, #tpu.memory_space<hbm>>) dst(%arg8 : memref<128x128xf32, #tpu.memory_space<vmem>>)
      %run_scoped3A_314 = arith.constant 1 : i32
      %run_scoped3A_315 = arith.constant 0 : i32
      "tpu.region"() ({
        %run_scoped3A_448 = tpu.sem_alloc : memref<!tpu.dma_semaphore, #tpu.memory_space<semaphore_mem>>
        %dma_start3A_449 = arith.constant 0 : i32
        %dma_start3A_450 = tpu.memref_slice %arg7[%run_scoped3A_314, %run_scoped3A_315, %dma_start3A_449] : memref<2x8x128xi32, #tpu.memory_space<vmem>> -> memref<1x1x128xi32, #tpu.memory_space<vmem>>
        %dma_start3A_451 = tpu.memref_squeeze %dma_start3A_450 : memref<1x1x128xi32, #tpu.memory_space<vmem>> -> memref<128xi32, #tpu.memory_space<vmem>>
        %dma_start3A_452 = arith.constant 0 : i32
        %dma_start3A_453 = arith.constant 0 : i32
        %dma_start3A_454 = tpu.memref_slice %arg10[%dma_start3A_452, %dma_start3A_453] : memref<10240x128xf32, #tpu.memory_space<vmem_shared>> -> memref<10240x128xf32, #tpu.memory_space<vmem_shared>>
        tpu.enqueue_indirect_dma source(%arg8 : memref<128x128xf32, #tpu.memory_space<vmem>>) target(%dma_start3A_454 : memref<10240x128xf32, #tpu.memory_space<vmem_shared>>) offsets(%dma_start3A_451 : memref<128xi32, #tpu.memory_space<vmem>>) semaphore(%run_scoped3A_448 : memref<!tpu.dma_semaphore, #tpu.memory_space<semaphore_mem>>) {add = true}
        %dma_wait3A_455 = arith.constant 0 : i32
        %dma_wait3A_456 = tpu.memref_slice %arg7[%run_scoped3A_314, %run_scoped3A_315, %dma_wait3A_455] : memref<2x8x128xi32, #tpu.memory_space<vmem>> -> memref<1x1x128xi32, #tpu.memory_space<vmem>>
        %dma_wait3A_457 = tpu.memref_squeeze %dma_wait3A_456 : memref<1x1x128xi32, #tpu.memory_space<vmem>> -> memref<128xi32, #tpu.memory_space<vmem>>
        %dma_wait3A_458 = arith.constant 0 : i32
        %dma_wait3A_459 = arith.constant 0 : i32
        %dma_wait3A_460 = tpu.memref_slice %arg10[%dma_wait3A_458, %dma_wait3A_459] : memref<10240x128xf32, #tpu.memory_space<vmem_shared>> -> memref<10240x128xf32, #tpu.memory_space<vmem_shared>>
        tpu.wait_indirect_dma semaphore(%run_scoped3A_448 : memref<!tpu.dma_semaphore, #tpu.memory_space<semaphore_mem>>) src(%arg8 : memref<128x128xf32, #tpu.memory_space<vmem>>) dst(%dma_wait3A_460 : memref<10240x128xf32, #tpu.memory_space<vmem_shared>>)
        tpu.yield
      }) : () -> ()
      %dma_start3A_316 = arith.constant 1 : i32
      %dma_start3A_317 = arith.constant 2 : i32
      %dma_start3A_318 = arith.constant 0 : i32
      %dma_start3A_319 = tpu.memref_slice %arg6[%dma_start3A_316, %dma_start3A_317, %dma_start3A_318] : memref<2x8x128xi32, #tpu.memory_space<vmem>> -> memref<1x1x128xi32, #tpu.memory_space<vmem>>
      %dma_start3A_320 = tpu.memref_squeeze %dma_start3A_319 : memref<1x1x128xi32, #tpu.memory_space<vmem>> -> memref<128xi32, #tpu.memory_space<vmem>>
      %dma_start3A_321 = arith.constant 0 : i32
      %dma_start3A_322 = arith.constant 0 : i32
      %dma_start3A_323 = tpu.memref_slice %arg2[%dma_start3A_321, %dma_start3A_322] : memref<10240x128xf32, #tpu.memory_space<hbm>> -> memref<10240x128xf32, #tpu.memory_space<hbm>>
      tpu.enqueue_indirect_dma source(%dma_start3A_323 : memref<10240x128xf32, #tpu.memory_space<hbm>>) target(%arg8 : memref<128x128xf32, #tpu.memory_space<vmem>>) offsets(%dma_start3A_320 : memref<128xi32, #tpu.memory_space<vmem>>) semaphore(%arg13 : memref<!tpu.dma_semaphore, #tpu.memory_space<semaphore_mem>>)
      %dma_wait3A_324 = arith.constant 1 : i32
      %dma_wait3A_325 = arith.constant 1 : i32
      %dma_wait3A_326 = arith.constant 0 : i32
      %dma_wait3A_327 = tpu.memref_slice %arg6[%dma_wait3A_324, %dma_wait3A_325, %dma_wait3A_326] : memref<2x8x128xi32, #tpu.memory_space<vmem>> -> memref<1x1x128xi32, #tpu.memory_space<vmem>>
      %dma_wait3A_328 = tpu.memref_squeeze %dma_wait3A_327 : memref<1x1x128xi32, #tpu.memory_space<vmem>> -> memref<128xi32, #tpu.memory_space<vmem>>
      %dma_wait3A_329 = arith.constant 0 : i32
      %dma_wait3A_330 = arith.constant 0 : i32
      %dma_wait3A_331 = tpu.memref_slice %arg2[%dma_wait3A_329, %dma_wait3A_330] : memref<10240x128xf32, #tpu.memory_space<hbm>> -> memref<10240x128xf32, #tpu.memory_space<hbm>>
      tpu.wait_indirect_dma semaphore(%arg14 : memref<!tpu.dma_semaphore, #tpu.memory_space<semaphore_mem>>) src(%dma_wait3A_331 : memref<10240x128xf32, #tpu.memory_space<hbm>>) dst(%arg9 : memref<128x128xf32, #tpu.memory_space<vmem>>)
      %run_scoped3A_332 = arith.constant 1 : i32
      %run_scoped3A_333 = arith.constant 1 : i32
      "tpu.region"() ({
        %run_scoped3A_448 = tpu.sem_alloc : memref<!tpu.dma_semaphore, #tpu.memory_space<semaphore_mem>>
        %dma_start3A_449 = arith.constant 0 : i32
        %dma_start3A_450 = tpu.memref_slice %arg7[%run_scoped3A_332, %run_scoped3A_333, %dma_start3A_449] : memref<2x8x128xi32, #tpu.memory_space<vmem>> -> memref<1x1x128xi32, #tpu.memory_space<vmem>>
        %dma_start3A_451 = tpu.memref_squeeze %dma_start3A_450 : memref<1x1x128xi32, #tpu.memory_space<vmem>> -> memref<128xi32, #tpu.memory_space<vmem>>
        %dma_start3A_452 = arith.constant 0 : i32
        %dma_start3A_453 = arith.constant 0 : i32
        %dma_start3A_454 = tpu.memref_slice %arg10[%dma_start3A_452, %dma_start3A_453] : memref<10240x128xf32, #tpu.memory_space<vmem_shared>> -> memref<10240x128xf32, #tpu.memory_space<vmem_shared>>
        tpu.enqueue_indirect_dma source(%arg9 : memref<128x128xf32, #tpu.memory_space<vmem>>) target(%dma_start3A_454 : memref<10240x128xf32, #tpu.memory_space<vmem_shared>>) offsets(%dma_start3A_451 : memref<128xi32, #tpu.memory_space<vmem>>) semaphore(%run_scoped3A_448 : memref<!tpu.dma_semaphore, #tpu.memory_space<semaphore_mem>>) {add = true}
        %dma_wait3A_455 = arith.constant 0 : i32
        %dma_wait3A_456 = tpu.memref_slice %arg7[%run_scoped3A_332, %run_scoped3A_333, %dma_wait3A_455] : memref<2x8x128xi32, #tpu.memory_space<vmem>> -> memref<1x1x128xi32, #tpu.memory_space<vmem>>
        %dma_wait3A_457 = tpu.memref_squeeze %dma_wait3A_456 : memref<1x1x128xi32, #tpu.memory_space<vmem>> -> memref<128xi32, #tpu.memory_space<vmem>>
        %dma_wait3A_458 = arith.constant 0 : i32
        %dma_wait3A_459 = arith.constant 0 : i32
        %dma_wait3A_460 = tpu.memref_slice %arg10[%dma_wait3A_458, %dma_wait3A_459] : memref<10240x128xf32, #tpu.memory_space<vmem_shared>> -> memref<10240x128xf32, #tpu.memory_space<vmem_shared>>
        tpu.wait_indirect_dma semaphore(%run_scoped3A_448 : memref<!tpu.dma_semaphore, #tpu.memory_space<semaphore_mem>>) src(%arg9 : memref<128x128xf32, #tpu.memory_space<vmem>>) dst(%dma_wait3A_460 : memref<10240x128xf32, #tpu.memory_space<vmem_shared>>)
        tpu.yield
      }) : () -> ()
      %dma_start3A_334 = arith.constant 1 : i32
      %dma_start3A_335 = arith.constant 3 : i32
      %dma_start3A_336 = arith.constant 0 : i32
      %dma_start3A_337 = tpu.memref_slice %arg6[%dma_start3A_334, %dma_start3A_335, %dma_start3A_336] : memref<2x8x128xi32, #tpu.memory_space<vmem>> -> memref<1x1x128xi32, #tpu.memory_space<vmem>>
      %dma_start3A_338 = tpu.memref_squeeze %dma_start3A_337 : memref<1x1x128xi32, #tpu.memory_space<vmem>> -> memref<128xi32, #tpu.memory_space<vmem>>
      %dma_start3A_339 = arith.constant 0 : i32
      %dma_start3A_340 = arith.constant 0 : i32
      %dma_start3A_341 = tpu.memref_slice %arg2[%dma_start3A_339, %dma_start3A_340] : memref<10240x128xf32, #tpu.memory_space<hbm>> -> memref<10240x128xf32, #tpu.memory_space<hbm>>
      tpu.enqueue_indirect_dma source(%dma_start3A_341 : memref<10240x128xf32, #tpu.memory_space<hbm>>) target(%arg9 : memref<128x128xf32, #tpu.memory_space<vmem>>) offsets(%dma_start3A_338 : memref<128xi32, #tpu.memory_space<vmem>>) semaphore(%arg14 : memref<!tpu.dma_semaphore, #tpu.memory_space<semaphore_mem>>)
      %dma_wait3A_342 = arith.constant 1 : i32
      %dma_wait3A_343 = arith.constant 2 : i32
      %dma_wait3A_344 = arith.constant 0 : i32
      %dma_wait3A_345 = tpu.memref_slice %arg6[%dma_wait3A_342, %dma_wait3A_343, %dma_wait3A_344] : memref<2x8x128xi32, #tpu.memory_space<vmem>> -> memref<1x1x128xi32, #tpu.memory_space<vmem>>
      %dma_wait3A_346 = tpu.memref_squeeze %dma_wait3A_345 : memref<1x1x128xi32, #tpu.memory_space<vmem>> -> memref<128xi32, #tpu.memory_space<vmem>>
      %dma_wait3A_347 = arith.constant 0 : i32
      %dma_wait3A_348 = arith.constant 0 : i32
      %dma_wait3A_349 = tpu.memref_slice %arg2[%dma_wait3A_347, %dma_wait3A_348] : memref<10240x128xf32, #tpu.memory_space<hbm>> -> memref<10240x128xf32, #tpu.memory_space<hbm>>
      tpu.wait_indirect_dma semaphore(%arg13 : memref<!tpu.dma_semaphore, #tpu.memory_space<semaphore_mem>>) src(%dma_wait3A_349 : memref<10240x128xf32, #tpu.memory_space<hbm>>) dst(%arg8 : memref<128x128xf32, #tpu.memory_space<vmem>>)
      %run_scoped3A_350 = arith.constant 1 : i32
      %run_scoped3A_351 = arith.constant 2 : i32
      "tpu.region"() ({
        %run_scoped3A_448 = tpu.sem_alloc : memref<!tpu.dma_semaphore, #tpu.memory_space<semaphore_mem>>
        %dma_start3A_449 = arith.constant 0 : i32
        %dma_start3A_450 = tpu.memref_slice %arg7[%run_scoped3A_350, %run_scoped3A_351, %dma_start3A_449] : memref<2x8x128xi32, #tpu.memory_space<vmem>> -> memref<1x1x128xi32, #tpu.memory_space<vmem>>
        %dma_start3A_451 = tpu.memref_squeeze %dma_start3A_450 : memref<1x1x128xi32, #tpu.memory_space<vmem>> -> memref<128xi32, #tpu.memory_space<vmem>>
        %dma_start3A_452 = arith.constant 0 : i32
        %dma_start3A_453 = arith.constant 0 : i32
        %dma_start3A_454 = tpu.memref_slice %arg10[%dma_start3A_452, %dma_start3A_453] : memref<10240x128xf32, #tpu.memory_space<vmem_shared>> -> memref<10240x128xf32, #tpu.memory_space<vmem_shared>>
        tpu.enqueue_indirect_dma source(%arg8 : memref<128x128xf32, #tpu.memory_space<vmem>>) target(%dma_start3A_454 : memref<10240x128xf32, #tpu.memory_space<vmem_shared>>) offsets(%dma_start3A_451 : memref<128xi32, #tpu.memory_space<vmem>>) semaphore(%run_scoped3A_448 : memref<!tpu.dma_semaphore, #tpu.memory_space<semaphore_mem>>) {add = true}
        %dma_wait3A_455 = arith.constant 0 : i32
        %dma_wait3A_456 = tpu.memref_slice %arg7[%run_scoped3A_350, %run_scoped3A_351, %dma_wait3A_455] : memref<2x8x128xi32, #tpu.memory_space<vmem>> -> memref<1x1x128xi32, #tpu.memory_space<vmem>>
        %dma_wait3A_457 = tpu.memref_squeeze %dma_wait3A_456 : memref<1x1x128xi32, #tpu.memory_space<vmem>> -> memref<128xi32, #tpu.memory_space<vmem>>
        %dma_wait3A_458 = arith.constant 0 : i32
        %dma_wait3A_459 = arith.constant 0 : i32
        %dma_wait3A_460 = tpu.memref_slice %arg10[%dma_wait3A_458, %dma_wait3A_459] : memref<10240x128xf32, #tpu.memory_space<vmem_shared>> -> memref<10240x128xf32, #tpu.memory_space<vmem_shared>>
        tpu.wait_indirect_dma semaphore(%run_scoped3A_448 : memref<!tpu.dma_semaphore, #tpu.memory_space<semaphore_mem>>) src(%arg8 : memref<128x128xf32, #tpu.memory_space<vmem>>) dst(%dma_wait3A_460 : memref<10240x128xf32, #tpu.memory_space<vmem_shared>>)
        tpu.yield
      }) : () -> ()
      %dma_start3A_352 = arith.constant 1 : i32
      %dma_start3A_353 = arith.constant 4 : i32
      %dma_start3A_354 = arith.constant 0 : i32
      %dma_start3A_355 = tpu.memref_slice %arg6[%dma_start3A_352, %dma_start3A_353, %dma_start3A_354] : memref<2x8x128xi32, #tpu.memory_space<vmem>> -> memref<1x1x128xi32, #tpu.memory_space<vmem>>
      %dma_start3A_356 = tpu.memref_squeeze %dma_start3A_355 : memref<1x1x128xi32, #tpu.memory_space<vmem>> -> memref<128xi32, #tpu.memory_space<vmem>>
      %dma_start3A_357 = arith.constant 0 : i32
      %dma_start3A_358 = arith.constant 0 : i32
      %dma_start3A_359 = tpu.memref_slice %arg2[%dma_start3A_357, %dma_start3A_358] : memref<10240x128xf32, #tpu.memory_space<hbm>> -> memref<10240x128xf32, #tpu.memory_space<hbm>>
      tpu.enqueue_indirect_dma source(%dma_start3A_359 : memref<10240x128xf32, #tpu.memory_space<hbm>>) target(%arg8 : memref<128x128xf32, #tpu.memory_space<vmem>>) offsets(%dma_start3A_356 : memref<128xi32, #tpu.memory_space<vmem>>) semaphore(%arg13 : memref<!tpu.dma_semaphore, #tpu.memory_space<semaphore_mem>>)
      %dma_wait3A_360 = arith.constant 1 : i32
      %dma_wait3A_361 = arith.constant 3 : i32
      %dma_wait3A_362 = arith.constant 0 : i32
      %dma_wait3A_363 = tpu.memref_slice %arg6[%dma_wait3A_360, %dma_wait3A_361, %dma_wait3A_362] : memref<2x8x128xi32, #tpu.memory_space<vmem>> -> memref<1x1x128xi32, #tpu.memory_space<vmem>>
      %dma_wait3A_364 = tpu.memref_squeeze %dma_wait3A_363 : memref<1x1x128xi32, #tpu.memory_space<vmem>> -> memref<128xi32, #tpu.memory_space<vmem>>
      %dma_wait3A_365 = arith.constant 0 : i32
      %dma_wait3A_366 = arith.constant 0 : i32
      %dma_wait3A_367 = tpu.memref_slice %arg2[%dma_wait3A_365, %dma_wait3A_366] : memref<10240x128xf32, #tpu.memory_space<hbm>> -> memref<10240x128xf32, #tpu.memory_space<hbm>>
      tpu.wait_indirect_dma semaphore(%arg14 : memref<!tpu.dma_semaphore, #tpu.memory_space<semaphore_mem>>) src(%dma_wait3A_367 : memref<10240x128xf32, #tpu.memory_space<hbm>>) dst(%arg9 : memref<128x128xf32, #tpu.memory_space<vmem>>)
      %run_scoped3A_368 = arith.constant 1 : i32
      %run_scoped3A_369 = arith.constant 3 : i32
      "tpu.region"() ({
        %run_scoped3A_448 = tpu.sem_alloc : memref<!tpu.dma_semaphore, #tpu.memory_space<semaphore_mem>>
        %dma_start3A_449 = arith.constant 0 : i32
        %dma_start3A_450 = tpu.memref_slice %arg7[%run_scoped3A_368, %run_scoped3A_369, %dma_start3A_449] : memref<2x8x128xi32, #tpu.memory_space<vmem>> -> memref<1x1x128xi32, #tpu.memory_space<vmem>>
        %dma_start3A_451 = tpu.memref_squeeze %dma_start3A_450 : memref<1x1x128xi32, #tpu.memory_space<vmem>> -> memref<128xi32, #tpu.memory_space<vmem>>
        %dma_start3A_452 = arith.constant 0 : i32
        %dma_start3A_453 = arith.constant 0 : i32
        %dma_start3A_454 = tpu.memref_slice %arg10[%dma_start3A_452, %dma_start3A_453] : memref<10240x128xf32, #tpu.memory_space<vmem_shared>> -> memref<10240x128xf32, #tpu.memory_space<vmem_shared>>
        tpu.enqueue_indirect_dma source(%arg9 : memref<128x128xf32, #tpu.memory_space<vmem>>) target(%dma_start3A_454 : memref<10240x128xf32, #tpu.memory_space<vmem_shared>>) offsets(%dma_start3A_451 : memref<128xi32, #tpu.memory_space<vmem>>) semaphore(%run_scoped3A_448 : memref<!tpu.dma_semaphore, #tpu.memory_space<semaphore_mem>>) {add = true}
        %dma_wait3A_455 = arith.constant 0 : i32
        %dma_wait3A_456 = tpu.memref_slice %arg7[%run_scoped3A_368, %run_scoped3A_369, %dma_wait3A_455] : memref<2x8x128xi32, #tpu.memory_space<vmem>> -> memref<1x1x128xi32, #tpu.memory_space<vmem>>
        %dma_wait3A_457 = tpu.memref_squeeze %dma_wait3A_456 : memref<1x1x128xi32, #tpu.memory_space<vmem>> -> memref<128xi32, #tpu.memory_space<vmem>>
        %dma_wait3A_458 = arith.constant 0 : i32
        %dma_wait3A_459 = arith.constant 0 : i32
        %dma_wait3A_460 = tpu.memref_slice %arg10[%dma_wait3A_458, %dma_wait3A_459] : memref<10240x128xf32, #tpu.memory_space<vmem_shared>> -> memref<10240x128xf32, #tpu.memory_space<vmem_shared>>
        tpu.wait_indirect_dma semaphore(%run_scoped3A_448 : memref<!tpu.dma_semaphore, #tpu.memory_space<semaphore_mem>>) src(%arg9 : memref<128x128xf32, #tpu.memory_space<vmem>>) dst(%dma_wait3A_460 : memref<10240x128xf32, #tpu.memory_space<vmem_shared>>)
        tpu.yield
      }) : () -> ()
      %dma_start3A_370 = arith.constant 1 : i32
      %dma_start3A_371 = arith.constant 5 : i32
      %dma_start3A_372 = arith.constant 0 : i32
      %dma_start3A_373 = tpu.memref_slice %arg6[%dma_start3A_370, %dma_start3A_371, %dma_start3A_372] : memref<2x8x128xi32, #tpu.memory_space<vmem>> -> memref<1x1x128xi32, #tpu.memory_space<vmem>>
      %dma_start3A_374 = tpu.memref_squeeze %dma_start3A_373 : memref<1x1x128xi32, #tpu.memory_space<vmem>> -> memref<128xi32, #tpu.memory_space<vmem>>
      %dma_start3A_375 = arith.constant 0 : i32
      %dma_start3A_376 = arith.constant 0 : i32
      %dma_start3A_377 = tpu.memref_slice %arg2[%dma_start3A_375, %dma_start3A_376] : memref<10240x128xf32, #tpu.memory_space<hbm>> -> memref<10240x128xf32, #tpu.memory_space<hbm>>
      tpu.enqueue_indirect_dma source(%dma_start3A_377 : memref<10240x128xf32, #tpu.memory_space<hbm>>) target(%arg9 : memref<128x128xf32, #tpu.memory_space<vmem>>) offsets(%dma_start3A_374 : memref<128xi32, #tpu.memory_space<vmem>>) semaphore(%arg14 : memref<!tpu.dma_semaphore, #tpu.memory_space<semaphore_mem>>)
      %dma_wait3A_378 = arith.constant 1 : i32
      %dma_wait3A_379 = arith.constant 4 : i32
      %dma_wait3A_380 = arith.constant 0 : i32
      %dma_wait3A_381 = tpu.memref_slice %arg6[%dma_wait3A_378, %dma_wait3A_379, %dma_wait3A_380] : memref<2x8x128xi32, #tpu.memory_space<vmem>> -> memref<1x1x128xi32, #tpu.memory_space<vmem>>
      %dma_wait3A_382 = tpu.memref_squeeze %dma_wait3A_381 : memref<1x1x128xi32, #tpu.memory_space<vmem>> -> memref<128xi32, #tpu.memory_space<vmem>>
      %dma_wait3A_383 = arith.constant 0 : i32
      %dma_wait3A_384 = arith.constant 0 : i32
      %dma_wait3A_385 = tpu.memref_slice %arg2[%dma_wait3A_383, %dma_wait3A_384] : memref<10240x128xf32, #tpu.memory_space<hbm>> -> memref<10240x128xf32, #tpu.memory_space<hbm>>
      tpu.wait_indirect_dma semaphore(%arg13 : memref<!tpu.dma_semaphore, #tpu.memory_space<semaphore_mem>>) src(%dma_wait3A_385 : memref<10240x128xf32, #tpu.memory_space<hbm>>) dst(%arg8 : memref<128x128xf32, #tpu.memory_space<vmem>>)
      %run_scoped3A_386 = arith.constant 1 : i32
      %run_scoped3A_387 = arith.constant 4 : i32
      "tpu.region"() ({
        %run_scoped3A_448 = tpu.sem_alloc : memref<!tpu.dma_semaphore, #tpu.memory_space<semaphore_mem>>
        %dma_start3A_449 = arith.constant 0 : i32
        %dma_start3A_450 = tpu.memref_slice %arg7[%run_scoped3A_386, %run_scoped3A_387, %dma_start3A_449] : memref<2x8x128xi32, #tpu.memory_space<vmem>> -> memref<1x1x128xi32, #tpu.memory_space<vmem>>
        %dma_start3A_451 = tpu.memref_squeeze %dma_start3A_450 : memref<1x1x128xi32, #tpu.memory_space<vmem>> -> memref<128xi32, #tpu.memory_space<vmem>>
        %dma_start3A_452 = arith.constant 0 : i32
        %dma_start3A_453 = arith.constant 0 : i32
        %dma_start3A_454 = tpu.memref_slice %arg10[%dma_start3A_452, %dma_start3A_453] : memref<10240x128xf32, #tpu.memory_space<vmem_shared>> -> memref<10240x128xf32, #tpu.memory_space<vmem_shared>>
        tpu.enqueue_indirect_dma source(%arg8 : memref<128x128xf32, #tpu.memory_space<vmem>>) target(%dma_start3A_454 : memref<10240x128xf32, #tpu.memory_space<vmem_shared>>) offsets(%dma_start3A_451 : memref<128xi32, #tpu.memory_space<vmem>>) semaphore(%run_scoped3A_448 : memref<!tpu.dma_semaphore, #tpu.memory_space<semaphore_mem>>) {add = true}
        %dma_wait3A_455 = arith.constant 0 : i32
        %dma_wait3A_456 = tpu.memref_slice %arg7[%run_scoped3A_386, %run_scoped3A_387, %dma_wait3A_455] : memref<2x8x128xi32, #tpu.memory_space<vmem>> -> memref<1x1x128xi32, #tpu.memory_space<vmem>>
        %dma_wait3A_457 = tpu.memref_squeeze %dma_wait3A_456 : memref<1x1x128xi32, #tpu.memory_space<vmem>> -> memref<128xi32, #tpu.memory_space<vmem>>
        %dma_wait3A_458 = arith.constant 0 : i32
        %dma_wait3A_459 = arith.constant 0 : i32
        %dma_wait3A_460 = tpu.memref_slice %arg10[%dma_wait3A_458, %dma_wait3A_459] : memref<10240x128xf32, #tpu.memory_space<vmem_shared>> -> memref<10240x128xf32, #tpu.memory_space<vmem_shared>>
        tpu.wait_indirect_dma semaphore(%run_scoped3A_448 : memref<!tpu.dma_semaphore, #tpu.memory_space<semaphore_mem>>) src(%arg8 : memref<128x128xf32, #tpu.memory_space<vmem>>) dst(%dma_wait3A_460 : memref<10240x128xf32, #tpu.memory_space<vmem_shared>>)
        tpu.yield
      }) : () -> ()
      %dma_start3A_388 = arith.constant 1 : i32
      %dma_start3A_389 = arith.constant 6 : i32
      %dma_start3A_390 = arith.constant 0 : i32
      %dma_start3A_391 = tpu.memref_slice %arg6[%dma_start3A_388, %dma_start3A_389, %dma_start3A_390] : memref<2x8x128xi32, #tpu.memory_space<vmem>> -> memref<1x1x128xi32, #tpu.memory_space<vmem>>
      %dma_start3A_392 = tpu.memref_squeeze %dma_start3A_391 : memref<1x1x128xi32, #tpu.memory_space<vmem>> -> memref<128xi32, #tpu.memory_space<vmem>>
      %dma_start3A_393 = arith.constant 0 : i32
      %dma_start3A_394 = arith.constant 0 : i32
      %dma_start3A_395 = tpu.memref_slice %arg2[%dma_start3A_393, %dma_start3A_394] : memref<10240x128xf32, #tpu.memory_space<hbm>> -> memref<10240x128xf32, #tpu.memory_space<hbm>>
      tpu.enqueue_indirect_dma source(%dma_start3A_395 : memref<10240x128xf32, #tpu.memory_space<hbm>>) target(%arg8 : memref<128x128xf32, #tpu.memory_space<vmem>>) offsets(%dma_start3A_392 : memref<128xi32, #tpu.memory_space<vmem>>) semaphore(%arg13 : memref<!tpu.dma_semaphore, #tpu.memory_space<semaphore_mem>>)
      %dma_wait3A_396 = arith.constant 1 : i32
      %dma_wait3A_397 = arith.constant 5 : i32
      %dma_wait3A_398 = arith.constant 0 : i32
      %dma_wait3A_399 = tpu.memref_slice %arg6[%dma_wait3A_396, %dma_wait3A_397, %dma_wait3A_398] : memref<2x8x128xi32, #tpu.memory_space<vmem>> -> memref<1x1x128xi32, #tpu.memory_space<vmem>>
      %dma_wait3A_400 = tpu.memref_squeeze %dma_wait3A_399 : memref<1x1x128xi32, #tpu.memory_space<vmem>> -> memref<128xi32, #tpu.memory_space<vmem>>
      %dma_wait3A_401 = arith.constant 0 : i32
      %dma_wait3A_402 = arith.constant 0 : i32
      %dma_wait3A_403 = tpu.memref_slice %arg2[%dma_wait3A_401, %dma_wait3A_402] : memref<10240x128xf32, #tpu.memory_space<hbm>> -> memref<10240x128xf32, #tpu.memory_space<hbm>>
      tpu.wait_indirect_dma semaphore(%arg14 : memref<!tpu.dma_semaphore, #tpu.memory_space<semaphore_mem>>) src(%dma_wait3A_403 : memref<10240x128xf32, #tpu.memory_space<hbm>>) dst(%arg9 : memref<128x128xf32, #tpu.memory_space<vmem>>)
      %run_scoped3A_404 = arith.constant 1 : i32
      %run_scoped3A_405 = arith.constant 5 : i32
      "tpu.region"() ({
        %run_scoped3A_448 = tpu.sem_alloc : memref<!tpu.dma_semaphore, #tpu.memory_space<semaphore_mem>>
        %dma_start3A_449 = arith.constant 0 : i32
        %dma_start3A_450 = tpu.memref_slice %arg7[%run_scoped3A_404, %run_scoped3A_405, %dma_start3A_449] : memref<2x8x128xi32, #tpu.memory_space<vmem>> -> memref<1x1x128xi32, #tpu.memory_space<vmem>>
        %dma_start3A_451 = tpu.memref_squeeze %dma_start3A_450 : memref<1x1x128xi32, #tpu.memory_space<vmem>> -> memref<128xi32, #tpu.memory_space<vmem>>
        %dma_start3A_452 = arith.constant 0 : i32
        %dma_start3A_453 = arith.constant 0 : i32
        %dma_start3A_454 = tpu.memref_slice %arg10[%dma_start3A_452, %dma_start3A_453] : memref<10240x128xf32, #tpu.memory_space<vmem_shared>> -> memref<10240x128xf32, #tpu.memory_space<vmem_shared>>
        tpu.enqueue_indirect_dma source(%arg9 : memref<128x128xf32, #tpu.memory_space<vmem>>) target(%dma_start3A_454 : memref<10240x128xf32, #tpu.memory_space<vmem_shared>>) offsets(%dma_start3A_451 : memref<128xi32, #tpu.memory_space<vmem>>) semaphore(%run_scoped3A_448 : memref<!tpu.dma_semaphore, #tpu.memory_space<semaphore_mem>>) {add = true}
        %dma_wait3A_455 = arith.constant 0 : i32
        %dma_wait3A_456 = tpu.memref_slice %arg7[%run_scoped3A_404, %run_scoped3A_405, %dma_wait3A_455] : memref<2x8x128xi32, #tpu.memory_space<vmem>> -> memref<1x1x128xi32, #tpu.memory_space<vmem>>
        %dma_wait3A_457 = tpu.memref_squeeze %dma_wait3A_456 : memref<1x1x128xi32, #tpu.memory_space<vmem>> -> memref<128xi32, #tpu.memory_space<vmem>>
        %dma_wait3A_458 = arith.constant 0 : i32
        %dma_wait3A_459 = arith.constant 0 : i32
        %dma_wait3A_460 = tpu.memref_slice %arg10[%dma_wait3A_458, %dma_wait3A_459] : memref<10240x128xf32, #tpu.memory_space<vmem_shared>> -> memref<10240x128xf32, #tpu.memory_space<vmem_shared>>
        tpu.wait_indirect_dma semaphore(%run_scoped3A_448 : memref<!tpu.dma_semaphore, #tpu.memory_space<semaphore_mem>>) src(%arg9 : memref<128x128xf32, #tpu.memory_space<vmem>>) dst(%dma_wait3A_460 : memref<10240x128xf32, #tpu.memory_space<vmem_shared>>)
        tpu.yield
      }) : () -> ()
      %dma_start3A_406 = arith.constant 1 : i32
      %dma_start3A_407 = arith.constant 7 : i32
      %dma_start3A_408 = arith.constant 0 : i32
      %dma_start3A_409 = tpu.memref_slice %arg6[%dma_start3A_406, %dma_start3A_407, %dma_start3A_408] : memref<2x8x128xi32, #tpu.memory_space<vmem>> -> memref<1x1x128xi32, #tpu.memory_space<vmem>>
      %dma_start3A_410 = tpu.memref_squeeze %dma_start3A_409 : memref<1x1x128xi32, #tpu.memory_space<vmem>> -> memref<128xi32, #tpu.memory_space<vmem>>
      %dma_start3A_411 = arith.constant 0 : i32
      %dma_start3A_412 = arith.constant 0 : i32
      %dma_start3A_413 = tpu.memref_slice %arg2[%dma_start3A_411, %dma_start3A_412] : memref<10240x128xf32, #tpu.memory_space<hbm>> -> memref<10240x128xf32, #tpu.memory_space<hbm>>
      tpu.enqueue_indirect_dma source(%dma_start3A_413 : memref<10240x128xf32, #tpu.memory_space<hbm>>) target(%arg9 : memref<128x128xf32, #tpu.memory_space<vmem>>) offsets(%dma_start3A_410 : memref<128xi32, #tpu.memory_space<vmem>>) semaphore(%arg14 : memref<!tpu.dma_semaphore, #tpu.memory_space<semaphore_mem>>)
      %dma_wait3A_414 = arith.constant 1 : i32
      %dma_wait3A_415 = arith.constant 6 : i32
      %dma_wait3A_416 = arith.constant 0 : i32
      %dma_wait3A_417 = tpu.memref_slice %arg6[%dma_wait3A_414, %dma_wait3A_415, %dma_wait3A_416] : memref<2x8x128xi32, #tpu.memory_space<vmem>> -> memref<1x1x128xi32, #tpu.memory_space<vmem>>
      %dma_wait3A_418 = tpu.memref_squeeze %dma_wait3A_417 : memref<1x1x128xi32, #tpu.memory_space<vmem>> -> memref<128xi32, #tpu.memory_space<vmem>>
      %dma_wait3A_419 = arith.constant 0 : i32
      %dma_wait3A_420 = arith.constant 0 : i32
      %dma_wait3A_421 = tpu.memref_slice %arg2[%dma_wait3A_419, %dma_wait3A_420] : memref<10240x128xf32, #tpu.memory_space<hbm>> -> memref<10240x128xf32, #tpu.memory_space<hbm>>
      tpu.wait_indirect_dma semaphore(%arg13 : memref<!tpu.dma_semaphore, #tpu.memory_space<semaphore_mem>>) src(%dma_wait3A_421 : memref<10240x128xf32, #tpu.memory_space<hbm>>) dst(%arg8 : memref<128x128xf32, #tpu.memory_space<vmem>>)
      %run_scoped3A_422 = arith.constant 1 : i32
      %run_scoped3A_423 = arith.constant 6 : i32
      "tpu.region"() ({
        %run_scoped3A_448 = tpu.sem_alloc : memref<!tpu.dma_semaphore, #tpu.memory_space<semaphore_mem>>
        %dma_start3A_449 = arith.constant 0 : i32
        %dma_start3A_450 = tpu.memref_slice %arg7[%run_scoped3A_422, %run_scoped3A_423, %dma_start3A_449] : memref<2x8x128xi32, #tpu.memory_space<vmem>> -> memref<1x1x128xi32, #tpu.memory_space<vmem>>
        %dma_start3A_451 = tpu.memref_squeeze %dma_start3A_450 : memref<1x1x128xi32, #tpu.memory_space<vmem>> -> memref<128xi32, #tpu.memory_space<vmem>>
        %dma_start3A_452 = arith.constant 0 : i32
        %dma_start3A_453 = arith.constant 0 : i32
        %dma_start3A_454 = tpu.memref_slice %arg10[%dma_start3A_452, %dma_start3A_453] : memref<10240x128xf32, #tpu.memory_space<vmem_shared>> -> memref<10240x128xf32, #tpu.memory_space<vmem_shared>>
        tpu.enqueue_indirect_dma source(%arg8 : memref<128x128xf32, #tpu.memory_space<vmem>>) target(%dma_start3A_454 : memref<10240x128xf32, #tpu.memory_space<vmem_shared>>) offsets(%dma_start3A_451 : memref<128xi32, #tpu.memory_space<vmem>>) semaphore(%run_scoped3A_448 : memref<!tpu.dma_semaphore, #tpu.memory_space<semaphore_mem>>) {add = true}
        %dma_wait3A_455 = arith.constant 0 : i32
        %dma_wait3A_456 = tpu.memref_slice %arg7[%run_scoped3A_422, %run_scoped3A_423, %dma_wait3A_455] : memref<2x8x128xi32, #tpu.memory_space<vmem>> -> memref<1x1x128xi32, #tpu.memory_space<vmem>>
        %dma_wait3A_457 = tpu.memref_squeeze %dma_wait3A_456 : memref<1x1x128xi32, #tpu.memory_space<vmem>> -> memref<128xi32, #tpu.memory_space<vmem>>
        %dma_wait3A_458 = arith.constant 0 : i32
        %dma_wait3A_459 = arith.constant 0 : i32
        %dma_wait3A_460 = tpu.memref_slice %arg10[%dma_wait3A_458, %dma_wait3A_459] : memref<10240x128xf32, #tpu.memory_space<vmem_shared>> -> memref<10240x128xf32, #tpu.memory_space<vmem_shared>>
        tpu.wait_indirect_dma semaphore(%run_scoped3A_448 : memref<!tpu.dma_semaphore, #tpu.memory_space<semaphore_mem>>) src(%arg8 : memref<128x128xf32, #tpu.memory_space<vmem>>) dst(%dma_wait3A_460 : memref<10240x128xf32, #tpu.memory_space<vmem_shared>>)
        tpu.yield
      }) : () -> ()
      %add3A_424 = arith.constant 1 : i32
      %add3A_425 = arith.addi %add3A_290, %add3A_424 : i32
      %lt3A_426 = arith.constant 10 : i32
      %lt3A_427 = arith.cmpi slt, %add3A_425, %lt3A_426 : i32
      %convert_element_type3A_428 = arith.extui %lt3A_427 : i1 to i32
      %cond3A_429 = arith.constant 0 : i32
      %cond3A_430 = arith.cmpi ne, %convert_element_type3A_428, %cond3A_429 : i32
      scf.if %cond3A_430 {
        %dma_start3A_448 = arith.constant 0 : i32
        %dma_start3A_449 = arith.constant 0 : i32
        %dma_start3A_450 = arith.constant 0 : i32
        %dma_start3A_451 = tpu.memref_slice %arg6[%dma_start3A_448, %dma_start3A_449, %dma_start3A_450] : memref<2x8x128xi32, #tpu.memory_space<vmem>> -> memref<1x1x128xi32, #tpu.memory_space<vmem>>
        %dma_start3A_452 = tpu.memref_squeeze %dma_start3A_451 : memref<1x1x128xi32, #tpu.memory_space<vmem>> -> memref<128xi32, #tpu.memory_space<vmem>>
        %dma_start3A_453 = arith.constant 0 : i32
        %dma_start3A_454 = arith.constant 0 : i32
        %dma_start3A_455 = tpu.memref_slice %arg2[%dma_start3A_453, %dma_start3A_454] : memref<10240x128xf32, #tpu.memory_space<hbm>> -> memref<10240x128xf32, #tpu.memory_space<hbm>>
        tpu.enqueue_indirect_dma source(%dma_start3A_455 : memref<10240x128xf32, #tpu.memory_space<hbm>>) target(%arg8 : memref<128x128xf32, #tpu.memory_space<vmem>>) offsets(%dma_start3A_452 : memref<128xi32, #tpu.memory_space<vmem>>) semaphore(%arg13 : memref<!tpu.dma_semaphore, #tpu.memory_space<semaphore_mem>>)
      } else {
      }
      %dma_wait3A_431 = arith.constant 1 : i32
      %dma_wait3A_432 = arith.constant 7 : i32
      %dma_wait3A_433 = arith.constant 0 : i32
      %dma_wait3A_434 = tpu.memref_slice %arg6[%dma_wait3A_431, %dma_wait3A_432, %dma_wait3A_433] : memref<2x8x128xi32, #tpu.memory_space<vmem>> -> memref<1x1x128xi32, #tpu.memory_space<vmem>>
      %dma_wait3A_435 = tpu.memref_squeeze %dma_wait3A_434 : memref<1x1x128xi32, #tpu.memory_space<vmem>> -> memref<128xi32, #tpu.memory_space<vmem>>
      %dma_wait3A_436 = arith.constant 0 : i32
      %dma_wait3A_437 = arith.constant 0 : i32
      %dma_wait3A_438 = tpu.memref_slice %arg2[%dma_wait3A_436, %dma_wait3A_437] : memref<10240x128xf32, #tpu.memory_space<hbm>> -> memref<10240x128xf32, #tpu.memory_space<hbm>>
      tpu.wait_indirect_dma semaphore(%arg14 : memref<!tpu.dma_semaphore, #tpu.memory_space<semaphore_mem>>) src(%dma_wait3A_438 : memref<10240x128xf32, #tpu.memory_space<hbm>>) dst(%arg9 : memref<128x128xf32, #tpu.memory_space<vmem>>)
      %run_scoped3A_439 = arith.constant 1 : i32
      %run_scoped3A_440 = arith.constant 7 : i32
      "tpu.region"() ({
        %run_scoped3A_448 = tpu.sem_alloc : memref<!tpu.dma_semaphore, #tpu.memory_space<semaphore_mem>>
        %dma_start3A_449 = arith.constant 0 : i32
        %dma_start3A_450 = tpu.memref_slice %arg7[%run_scoped3A_439, %run_scoped3A_440, %dma_start3A_449] : memref<2x8x128xi32, #tpu.memory_space<vmem>> -> memref<1x1x128xi32, #tpu.memory_space<vmem>>
        %dma_start3A_451 = tpu.memref_squeeze %dma_start3A_450 : memref<1x1x128xi32, #tpu.memory_space<vmem>> -> memref<128xi32, #tpu.memory_space<vmem>>
        %dma_start3A_452 = arith.constant 0 : i32
        %dma_start3A_453 = arith.constant 0 : i32
        %dma_start3A_454 = tpu.memref_slice %arg10[%dma_start3A_452, %dma_start3A_453] : memref<10240x128xf32, #tpu.memory_space<vmem_shared>> -> memref<10240x128xf32, #tpu.memory_space<vmem_shared>>
        tpu.enqueue_indirect_dma source(%arg9 : memref<128x128xf32, #tpu.memory_space<vmem>>) target(%dma_start3A_454 : memref<10240x128xf32, #tpu.memory_space<vmem_shared>>) offsets(%dma_start3A_451 : memref<128xi32, #tpu.memory_space<vmem>>) semaphore(%run_scoped3A_448 : memref<!tpu.dma_semaphore, #tpu.memory_space<semaphore_mem>>) {add = true}
        %dma_wait3A_455 = arith.constant 0 : i32
        %dma_wait3A_456 = tpu.memref_slice %arg7[%run_scoped3A_439, %run_scoped3A_440, %dma_wait3A_455] : memref<2x8x128xi32, #tpu.memory_space<vmem>> -> memref<1x1x128xi32, #tpu.memory_space<vmem>>
        %dma_wait3A_457 = tpu.memref_squeeze %dma_wait3A_456 : memref<1x1x128xi32, #tpu.memory_space<vmem>> -> memref<128xi32, #tpu.memory_space<vmem>>
        %dma_wait3A_458 = arith.constant 0 : i32
        %dma_wait3A_459 = arith.constant 0 : i32
        %dma_wait3A_460 = tpu.memref_slice %arg10[%dma_wait3A_458, %dma_wait3A_459] : memref<10240x128xf32, #tpu.memory_space<vmem_shared>> -> memref<10240x128xf32, #tpu.memory_space<vmem_shared>>
        tpu.wait_indirect_dma semaphore(%run_scoped3A_448 : memref<!tpu.dma_semaphore, #tpu.memory_space<semaphore_mem>>) src(%arg9 : memref<128x128xf32, #tpu.memory_space<vmem>>) dst(%dma_wait3A_460 : memref<10240x128xf32, #tpu.memory_space<vmem_shared>>)
        tpu.yield
      }) : () -> ()
      %add3A_441 = arith.constant 2 : i32
      %add3A_442 = arith.addi %add3A_290, %add3A_441 : i32
      %lt3A_443 = arith.constant 10 : i32
      %lt3A_444 = arith.cmpi slt, %add3A_442, %lt3A_443 : i32
      %convert_element_type3A_445 = arith.extui %lt3A_444 : i1 to i32
      %cond3A_446 = arith.constant 0 : i32
      %cond3A_447 = arith.cmpi ne, %convert_element_type3A_445, %cond3A_446 : i32
      scf.if %cond3A_447 {
        %add3A_448 = arith.constant 2 : i32
        %add3A_449 = arith.addi %add3A_290, %add3A_448 : i32
        %dma_start3A_450 = arith.constant 1 : i32
        %dma_start3A_451 = arith.constant 0 : i32
        %dma_start3A_452 = arith.constant 0 : i32
        %dma_start3A_453 = tpu.memref_slice %arg6[%dma_start3A_450, %dma_start3A_451, %dma_start3A_452] : memref<2x8x128xi32, #tpu.memory_space<vmem>> -> memref<1x8x128xi32, #tpu.memory_space<vmem>>
        %dma_start3A_454 = tpu.memref_squeeze %dma_start3A_453 : memref<1x8x128xi32, #tpu.memory_space<vmem>> -> memref<8x128xi32, #tpu.memory_space<vmem>>
        %dma_start3A_455 = arith.constant 0 : i32
        %dma_start3A_456 = arith.constant 0 : i32
        %dma_start3A_457 = tpu.memref_slice %arg3[%add3A, %add3A_449, %dma_start3A_455, %dma_start3A_456] : memref<32x10x8x128xi32, #tpu.memory_space<hbm>> -> memref<1x1x8x128xi32, #tpu.memory_space<hbm>>
        %dma_start3A_458 = tpu.memref_squeeze %dma_start3A_457 : memref<1x1x8x128xi32, #tpu.memory_space<hbm>> -> memref<8x128xi32, #tpu.memory_space<hbm>>
        %dma_start3A_459 = arith.constant 0 : i32
        %dma_start3A_460 = arith.constant 0 : i32
        %dma_start3A_461 = tpu.memref_slice %arg6[%dma_start3A_450, %dma_start3A_459, %dma_start3A_460] : memref<2x8x128xi32, #tpu.memory_space<vmem>> -> memref<1x8x128xi32, #tpu.memory_space<vmem>>
        %dma_start3A_462 = tpu.memref_squeeze %dma_start3A_461 : memref<1x8x128xi32, #tpu.memory_space<vmem>> -> memref<8x128xi32, #tpu.memory_space<vmem>>
        %dma_start3A_463 = arith.constant 0 : i32
        %dma_start3A_464 = arith.constant 0 : i32
        %dma_start3A_465 = tpu.memref_slice %arg3[%add3A, %add3A_449, %dma_start3A_463, %dma_start3A_464] : memref<32x10x8x128xi32, #tpu.memory_space<hbm>> -> memref<1x1x8x128xi32, #tpu.memory_space<hbm>>
        %dma_start3A_466 = tpu.memref_squeeze %dma_start3A_465 : memref<1x1x8x128xi32, #tpu.memory_space<hbm>> -> memref<8x128xi32, #tpu.memory_space<hbm>>
        tpu.enqueue_dma source(%dma_start3A_466 : memref<8x128xi32, #tpu.memory_space<hbm>>) target(%dma_start3A_462 : memref<8x128xi32, #tpu.memory_space<vmem>>) target_semaphore(%arg12 : memref<!tpu.dma_semaphore, #tpu.memory_space<semaphore_mem>>)
        %dma_start3A_467 = arith.constant 1 : i32
        %dma_start3A_468 = arith.constant 0 : i32
        %dma_start3A_469 = arith.constant 0 : i32
        %dma_start3A_470 = tpu.memref_slice %arg7[%dma_start3A_467, %dma_start3A_468, %dma_start3A_469] : memref<2x8x128xi32, #tpu.memory_space<vmem>> -> memref<1x8x128xi32, #tpu.memory_space<vmem>>
        %dma_start3A_471 = tpu.memref_squeeze %dma_start3A_470 : memref<1x8x128xi32, #tpu.memory_space<vmem>> -> memref<8x128xi32, #tpu.memory_space<vmem>>
        %dma_start3A_472 = arith.constant 0 : i32
        %dma_start3A_473 = arith.constant 0 : i32
        %dma_start3A_474 = tpu.memref_slice %arg4[%add3A, %add3A_449, %dma_start3A_472, %dma_start3A_473] : memref<32x10x8x128xi32, #tpu.memory_space<hbm>> -> memref<1x1x8x128xi32, #tpu.memory_space<hbm>>
        %dma_start3A_475 = tpu.memref_squeeze %dma_start3A_474 : memref<1x1x8x128xi32, #tpu.memory_space<hbm>> -> memref<8x128xi32, #tpu.memory_space<hbm>>
        %dma_start3A_476 = arith.constant 0 : i32
        %dma_start3A_477 = arith.constant 0 : i32
        %dma_start3A_478 = tpu.memref_slice %arg7[%dma_start3A_467, %dma_start3A_476, %dma_start3A_477] : memref<2x8x128xi32, #tpu.memory_space<vmem>> -> memref<1x8x128xi32, #tpu.memory_space<vmem>>
        %dma_start3A_479 = tpu.memref_squeeze %dma_start3A_478 : memref<1x8x128xi32, #tpu.memory_space<vmem>> -> memref<8x128xi32, #tpu.memory_space<vmem>>
        %dma_start3A_480 = arith.constant 0 : i32
        %dma_start3A_481 = arith.constant 0 : i32
        %dma_start3A_482 = tpu.memref_slice %arg4[%add3A, %add3A_449, %dma_start3A_480, %dma_start3A_481] : memref<32x10x8x128xi32, #tpu.memory_space<hbm>> -> memref<1x1x8x128xi32, #tpu.memory_space<hbm>>
        %dma_start3A_483 = tpu.memref_squeeze %dma_start3A_482 : memref<1x1x8x128xi32, #tpu.memory_space<hbm>> -> memref<8x128xi32, #tpu.memory_space<hbm>>
        tpu.enqueue_dma source(%dma_start3A_483 : memref<8x128xi32, #tpu.memory_space<hbm>>) target(%dma_start3A_479 : memref<8x128xi32, #tpu.memory_space<vmem>>) target_semaphore(%arg12 : memref<!tpu.dma_semaphore, #tpu.memory_space<semaphore_mem>>)
      } else {
      }
    }
    %scan3A_123 = arith.constant 5 : i32
    %barrier3A_124 = arith.constant 0 : index
    tpu.barrier barrier_id(%barrier3A_124)
    %mul3A_125 = arith.constant 640 : i32
    %mul3A_126 = arith.muli %arg1, %mul3A_125 : i32
    %mul3A_127 = arith.constant 640 : i32
    %mul3A_128 = arith.muli %arg1, %mul3A_127 : i32
    "tpu.region"() ({
      %run_scoped3A = tpu.sem_alloc : memref<!tpu.dma_semaphore, #tpu.memory_space<semaphore_mem>>
      %dma_start3A_129 = arith.constant 0 : i32
      %dma_start3A_130 = tpu.memref_slice %arg5[%arg0, %mul3A_128, %dma_start3A_129] : memref<2x10240x128xf32, #tpu.memory_space<hbm>> -> memref<1x640x128xf32, #tpu.memory_space<hbm>>
      %dma_start3A_131 = tpu.memref_squeeze %dma_start3A_130 : memref<1x640x128xf32, #tpu.memory_space<hbm>> -> memref<640x128xf32, #tpu.memory_space<hbm>>
      %dma_start3A_132 = arith.constant 0 : i32
      %dma_start3A_133 = tpu.memref_slice %arg10[%mul3A_126, %dma_start3A_132] : memref<10240x128xf32, #tpu.memory_space<vmem_shared>> -> memref<640x128xf32, #tpu.memory_space<vmem_shared>>
      tpu.enqueue_dma source(%dma_start3A_133 : memref<640x128xf32, #tpu.memory_space<vmem_shared>>) target(%dma_start3A_131 : memref<640x128xf32, #tpu.memory_space<hbm>>) target_semaphore(%run_scoped3A : memref<!tpu.dma_semaphore, #tpu.memory_space<semaphore_mem>>)
      %dma_wait3A_134 = arith.constant 0 : i32
      %dma_wait3A_135 = tpu.memref_slice %arg5[%arg0, %mul3A_128, %dma_wait3A_134] : memref<2x10240x128xf32, #tpu.memory_space<hbm>> -> memref<1x640x128xf32, #tpu.memory_space<hbm>>
      %dma_wait3A_136 = tpu.memref_squeeze %dma_wait3A_135 : memref<1x640x128xf32, #tpu.memory_space<hbm>> -> memref<640x128xf32, #tpu.memory_space<hbm>>
      %dma_wait3A_137 = arith.constant 0 : i32
      %dma_wait3A_138 = tpu.memref_slice %arg10[%mul3A_126, %dma_wait3A_137] : memref<10240x128xf32, #tpu.memory_space<vmem_shared>> -> memref<640x128xf32, #tpu.memory_space<vmem_shared>>
      tpu.wait_dma2 semaphore(%run_scoped3A : memref<!tpu.dma_semaphore, #tpu.memory_space<semaphore_mem>>) src(%dma_wait3A_138 : memref<640x128xf32, #tpu.memory_space<vmem_shared>>) dst(%dma_wait3A_136 : memref<640x128xf32, #tpu.memory_space<hbm>>)
      tpu.yield
    }) : () -> ()
    return
  }
}

module attributes {stable_mosaic.version = 14 : i64} {
  func.func @_scale_mm_body(%arg0: i32, %arg1: memref<2048x128xf32, #tpu.memory_space<vmem>>, %arg2: memref<128x128xf32, #tpu.memory_space<vmem>>, %arg3: memref<2x2048x1xf32, #tpu.memory_space<vmem>>, %arg4: memref<2048x128xf32, #tpu.memory_space<vmem>>) attributes {dimension_semantics = [#tpu.dimension_semantics<arbitrary>], iteration_bounds = array<i64: 5>, scalar_prefetch = 0 : i64, scratch_operands = 0 : i64, tpu.core_type = #tpu.core_type<tc>, window_params = [{transform_indices = @transform_0, window_bounds = array<i64: 2048, 128>}, {pipeline_mode = #tpu.pipeline_mode<synchronous>, transform_indices = @transform_1, window_bounds = array<i64: 128, 128>}, {transform_indices = @transform_2, window_bounds = array<i64: 2, 2048, 1>}, {transform_indices = @transform_3, window_bounds = array<i64: 2048, 128>}]} {
    %get3A = arith.constant 0 : index
    %get3A_0 = arith.constant 0 : index
    %get3A_1 = vector.load %arg1[%get3A, %get3A_0] : memref<2048x128xf32, #tpu.memory_space<vmem>>, vector<2048x128xf32>
    %get3A_2 = arith.constant 0 : index
    %get3A_3 = arith.constant 0 : index
    %get3A_4 = vector.load %arg2[%get3A_2, %get3A_3] : memref<128x128xf32, #tpu.memory_space<vmem>>, vector<128x128xf32>
    %dot_general3A = arith.constant dense<0.000000e+00> : vector<2048x128xf32>
    %dot_general3A_5 = tpu.matmul %get3A_1, %get3A_4, %dot_general3A {dimension_numbers = #tpu.dot_dimension_numbers<[1], [0], [0], [1], [0, 0, 1, 1], [], []>, precision = #tpu.contract_precision<fp32>, transpose_lhs_hint = false} : vector<2048x128xf32>, vector<128x128xf32>, vector<2048x128xf32> -> vector<2048x128xf32>
    %get3A_6 = arith.constant 0 : index
    %get3A_7 = arith.constant 0 : index
    %get3A_8 = arith.constant 0 : index
    %get3A_9 = vector.load %arg3[%get3A_6, %get3A_7, %get3A_8] : memref<2x2048x1xf32, #tpu.memory_space<vmem>>, vector<1x2048x1xf32>
    %get3A_10 = vector.shape_cast %get3A_9 : vector<1x2048x1xf32> to vector<2048x1xf32>
    %get3A_11 = arith.constant 1 : index
    %get3A_12 = arith.constant 0 : index
    %get3A_13 = arith.constant 0 : index
    %get3A_14 = vector.load %arg3[%get3A_11, %get3A_12, %get3A_13] : memref<2x2048x1xf32, #tpu.memory_space<vmem>>, vector<1x2048x1xf32>
    %get3A_15 = vector.shape_cast %get3A_14 : vector<1x2048x1xf32> to vector<2048x1xf32>
    %add3A = arith.addf %get3A_10, %get3A_15 : vector<2048x1xf32>
    %add3A_16 = arith.constant 1.000000e+00 : f32
    %add3A_17 = vector.broadcast %add3A_16 : f32 to vector<2048x1xf32>
    %add3A_18 = arith.addf %add3A, %add3A_17 : vector<2048x1xf32>
    %rsqrt3A = math.rsqrt %add3A_18 : vector<2048x1xf32>
    %mul3A = vector.broadcast %rsqrt3A : vector<2048x1xf32> to vector<2048x128xf32>
    %mul3A_19 = arith.mulf %dot_general3A_5, %mul3A : vector<2048x128xf32>
    %swap3A = arith.constant 0 : index
    %swap3A_20 = arith.constant 0 : index
    %swap3A_21 = vector.load %arg4[%swap3A, %swap3A_20] : memref<2048x128xf32, #tpu.memory_space<vmem>>, vector<2048x128xf32>
    tpu.vector_store %arg4[%swap3A, %swap3A_20], %mul3A_19 {strides = array<i32>} : memref<2048x128xf32, #tpu.memory_space<vmem>>, vector<2048x128xf32>,
    return
  }
  func.func @transform_0(%arg0: i32) -> (i32, i32) {
    %c0_i32 = arith.constant 0 : i32
    %c0_i32_0 = arith.constant 0 : i32
    return %arg0, %c0_i32 : i32, i32
  }
  func.func @transform_1(%arg0: i32) -> (i32, i32) {
    %c0_i32 = arith.constant 0 : i32
    %c0_i32_0 = arith.constant 0 : i32
    %c0_i32_1 = arith.constant 0 : i32
    return %c0_i32, %c0_i32_0 : i32, i32
  }
  func.func @transform_2(%arg0: i32) -> (i32, i32, i32) {
    %c0_i32 = arith.constant 0 : i32
    %c0_i32_0 = arith.constant 0 : i32
    %c0_i32_1 = arith.constant 0 : i32
    return %c0_i32, %arg0, %c0_i32_0 : i32, i32, i32
  }
  func.func @transform_3(%arg0: i32) -> (i32, i32) {
    %c0_i32 = arith.constant 0 : i32
    %c0_i32_0 = arith.constant 0 : i32
    return %arg0, %c0_i32 : i32, i32
  }
}

module attributes {stable_mosaic.version = 14 : i64} {
  func.func @_mid_body(%arg0: i32, %arg1: memref<2x2048x128xf32, #tpu.memory_space<vmem>>, %arg2: memref<2048x128xf32, #tpu.memory_space<vmem>>, %arg3: memref<1x128xf32, #tpu.memory_space<vmem>>, %arg4: memref<128x128xf32, #tpu.memory_space<vmem>>, %arg5: memref<2x2048x1xf32, #tpu.memory_space<vmem>>, %arg6: memref<2048x128xf32, #tpu.memory_space<vmem>>) attributes {dimension_semantics = [#tpu.dimension_semantics<arbitrary>], iteration_bounds = array<i64: 5>, scalar_prefetch = 0 : i64, scratch_operands = 0 : i64, tpu.core_type = #tpu.core_type<tc>, window_params = [{transform_indices = @transform_0, window_bounds = array<i64: 2, 2048, 128>}, {transform_indices = @transform_1, window_bounds = array<i64: 2048, 128>}, {pipeline_mode = #tpu.pipeline_mode<synchronous>, transform_indices = @transform_2, window_bounds = array<i64: 1, 128>}, {pipeline_mode = #tpu.pipeline_mode<synchronous>, transform_indices = @transform_3, window_bounds = array<i64: 128, 128>}, {transform_indices = @transform_4, window_bounds = array<i64: 2, 2048, 1>}, {transform_indices = @transform_5, window_bounds = array<i64: 2048, 128>}]} {
    %get3A = arith.constant 0 : index
    %get3A_0 = arith.constant 0 : index
    %get3A_1 = arith.constant 0 : index
    %get3A_2 = vector.load %arg5[%get3A, %get3A_0, %get3A_1] : memref<2x2048x1xf32, #tpu.memory_space<vmem>>, vector<1x2048x1xf32>
    %get3A_3 = vector.shape_cast %get3A_2 : vector<1x2048x1xf32> to vector<2048x1xf32>
    %get3A_4 = arith.constant 1 : index
    %get3A_5 = arith.constant 0 : index
    %get3A_6 = arith.constant 0 : index
    %get3A_7 = vector.load %arg5[%get3A_4, %get3A_5, %get3A_6] : memref<2x2048x1xf32, #tpu.memory_space<vmem>>, vector<1x2048x1xf32>
    %get3A_8 = vector.shape_cast %get3A_7 : vector<1x2048x1xf32> to vector<2048x1xf32>
    %add3A = arith.addf %get3A_3, %get3A_8 : vector<2048x1xf32>
    %add3A_9 = arith.constant 1.000000e+00 : f32
    %add3A_10 = vector.broadcast %add3A_9 : f32 to vector<2048x1xf32>
    %add3A_11 = arith.addf %add3A, %add3A_10 : vector<2048x1xf32>
    %rsqrt3A = math.rsqrt %add3A_11 : vector<2048x1xf32>
    %get3A_12 = arith.constant 0 : index
    %get3A_13 = arith.constant 0 : index
    %get3A_14 = arith.constant 0 : index
    %get3A_15 = vector.load %arg1[%get3A_12, %get3A_13, %get3A_14] : memref<2x2048x128xf32, #tpu.memory_space<vmem>>, vector<1x2048x128xf32>
    %get3A_16 = vector.shape_cast %get3A_15 : vector<1x2048x128xf32> to vector<2048x128xf32>
    %get3A_17 = arith.constant 1 : index
    %get3A_18 = arith.constant 0 : index
    %get3A_19 = arith.constant 0 : index
    %get3A_20 = vector.load %arg1[%get3A_17, %get3A_18, %get3A_19] : memref<2x2048x128xf32, #tpu.memory_space<vmem>>, vector<1x2048x128xf32>
    %get3A_21 = vector.shape_cast %get3A_20 : vector<1x2048x128xf32> to vector<2048x128xf32>
    %add3A_22 = arith.addf %get3A_16, %get3A_21 : vector<2048x128xf32>
    %get3A_23 = arith.constant 0 : index
    %get3A_24 = arith.constant 0 : index
    %get3A_25 = vector.load %arg2[%get3A_23, %get3A_24] : memref<2048x128xf32, #tpu.memory_space<vmem>>, vector<2048x128xf32>
    %sub3A = arith.subf %add3A_22, %get3A_25 : vector<2048x128xf32>
    %mul3A = vector.broadcast %rsqrt3A : vector<2048x1xf32> to vector<2048x128xf32>
    %mul3A_26 = arith.mulf %sub3A, %mul3A : vector<2048x128xf32>
    %get3A_27 = arith.constant 0 : index
    %get3A_28 = arith.constant 0 : index
    %get3A_29 = vector.load %arg3[%get3A_27, %get3A_28] : memref<1x128xf32, #tpu.memory_space<vmem>>, vector<1x128xf32>
    %add3A_30 = vector.broadcast %get3A_29 : vector<1x128xf32> to vector<2048x128xf32>
    %add3A_31 = arith.addf %mul3A_26, %add3A_30 : vector<2048x128xf32>
    %max3A = arith.constant 0.000000e+00 : f32
    %max3A_32 = vector.broadcast %max3A : f32 to vector<2048x128xf32>
    %max3A_33 = arith.maximumf %add3A_31, %max3A_32 : vector<2048x128xf32>
    %get3A_34 = arith.constant 0 : index
    %get3A_35 = arith.constant 0 : index
    %get3A_36 = vector.load %arg4[%get3A_34, %get3A_35] : memref<128x128xf32, #tpu.memory_space<vmem>>, vector<128x128xf32>
    %dot_general3A = arith.constant dense<0.000000e+00> : vector<2048x128xf32>
    %dot_general3A_37 = tpu.matmul %max3A_33, %get3A_36, %dot_general3A {dimension_numbers = #tpu.dot_dimension_numbers<[1], [0], [0], [1], [0, 0, 1, 1], [], []>, precision = #tpu.contract_precision<fp32>, transpose_lhs_hint = false} : vector<2048x128xf32>, vector<128x128xf32>, vector<2048x128xf32> -> vector<2048x128xf32>
    %mul3A_38 = vector.broadcast %rsqrt3A : vector<2048x1xf32> to vector<2048x128xf32>
    %mul3A_39 = arith.mulf %dot_general3A_37, %mul3A_38 : vector<2048x128xf32>
    %swap3A = arith.constant 0 : index
    %swap3A_40 = arith.constant 0 : index
    %swap3A_41 = vector.load %arg6[%swap3A, %swap3A_40] : memref<2048x128xf32, #tpu.memory_space<vmem>>, vector<2048x128xf32>
    tpu.vector_store %arg6[%swap3A, %swap3A_40], %mul3A_39 {strides = array<i32>} : memref<2048x128xf32, #tpu.memory_space<vmem>>, vector<2048x128xf32>,
    return
  }
  func.func @transform_0(%arg0: i32) -> (i32, i32, i32) {
    %c0_i32 = arith.constant 0 : i32
    %c0_i32_0 = arith.constant 0 : i32
    %c0_i32_1 = arith.constant 0 : i32
    return %c0_i32, %arg0, %c0_i32_0 : i32, i32, i32
  }
  func.func @transform_1(%arg0: i32) -> (i32, i32) {
    %c0_i32 = arith.constant 0 : i32
    %c0_i32_0 = arith.constant 0 : i32
    return %arg0, %c0_i32 : i32, i32
  }
  func.func @transform_2(%arg0: i32) -> (i32, i32) {
    %c0_i32 = arith.constant 0 : i32
    %c0_i32_0 = arith.constant 0 : i32
    %c0_i32_1 = arith.constant 0 : i32
    return %c0_i32, %c0_i32_0 : i32, i32
  }
  func.func @transform_3(%arg0: i32) -> (i32, i32) {
    %c0_i32 = arith.constant 0 : i32
    %c0_i32_0 = arith.constant 0 : i32
    %c0_i32_1 = arith.constant 0 : i32
    return %c0_i32, %c0_i32_0 : i32, i32
  }
  func.func @transform_4(%arg0: i32) -> (i32, i32, i32) {
    %c0_i32 = arith.constant 0 : i32
    %c0_i32_0 = arith.constant 0 : i32
    %c0_i32_1 = arith.constant 0 : i32
    return %c0_i32, %arg0, %c0_i32_0 : i32, i32, i32
  }
  func.func @transform_5(%arg0: i32) -> (i32, i32) {
    %c0_i32 = arith.constant 0 : i32
    %c0_i32_0 = arith.constant 0 : i32
    return %arg0, %c0_i32 : i32, i32
  }
}

module attributes {stable_mosaic.version = 14 : i64} {
  func.func @_final_body(%arg0: i32, %arg1: memref<2x2048x128xf32, #tpu.memory_space<vmem>>, %arg2: memref<2048x128xf32, #tpu.memory_space<vmem>>, %arg3: memref<1x128xf32, #tpu.memory_space<vmem>>, %arg4: memref<128x128xf32, #tpu.memory_space<vmem>>, %arg5: memref<1x128xf32, #tpu.memory_space<vmem>>, %arg6: memref<2x2048x1xf32, #tpu.memory_space<vmem>>, %arg7: memref<2048x128xf32, #tpu.memory_space<vmem>>) attributes {dimension_semantics = [#tpu.dimension_semantics<arbitrary>], iteration_bounds = array<i64: 5>, scalar_prefetch = 0 : i64, scratch_operands = 0 : i64, tpu.core_type = #tpu.core_type<tc>, window_params = [{transform_indices = @transform_0, window_bounds = array<i64: 2, 2048, 128>}, {transform_indices = @transform_1, window_bounds = array<i64: 2048, 128>}, {pipeline_mode = #tpu.pipeline_mode<synchronous>, transform_indices = @transform_2, window_bounds = array<i64: 1, 128>}, {pipeline_mode = #tpu.pipeline_mode<synchronous>, transform_indices = @transform_3, window_bounds = array<i64: 128, 128>}, {pipeline_mode = #tpu.pipeline_mode<synchronous>, transform_indices = @transform_4, window_bounds = array<i64: 1, 128>}, {transform_indices = @transform_5, window_bounds = array<i64: 2, 2048, 1>}, {transform_indices = @transform_6, window_bounds = array<i64: 2048, 128>}]} {
    %get3A = arith.constant 0 : index
    %get3A_0 = arith.constant 0 : index
    %get3A_1 = arith.constant 0 : index
    %get3A_2 = vector.load %arg6[%get3A, %get3A_0, %get3A_1] : memref<2x2048x1xf32, #tpu.memory_space<vmem>>, vector<1x2048x1xf32>
    %get3A_3 = vector.shape_cast %get3A_2 : vector<1x2048x1xf32> to vector<2048x1xf32>
    %get3A_4 = arith.constant 1 : index
    %get3A_5 = arith.constant 0 : index
    %get3A_6 = arith.constant 0 : index
    %get3A_7 = vector.load %arg6[%get3A_4, %get3A_5, %get3A_6] : memref<2x2048x1xf32, #tpu.memory_space<vmem>>, vector<1x2048x1xf32>
    %get3A_8 = vector.shape_cast %get3A_7 : vector<1x2048x1xf32> to vector<2048x1xf32>
    %add3A = arith.addf %get3A_3, %get3A_8 : vector<2048x1xf32>
    %add3A_9 = arith.constant 1.000000e+00 : f32
    %add3A_10 = vector.broadcast %add3A_9 : f32 to vector<2048x1xf32>
    %add3A_11 = arith.addf %add3A, %add3A_10 : vector<2048x1xf32>
    %rsqrt3A = math.rsqrt %add3A_11 : vector<2048x1xf32>
    %get3A_12 = arith.constant 0 : index
    %get3A_13 = arith.constant 0 : index
    %get3A_14 = arith.constant 0 : index
    %get3A_15 = vector.load %arg1[%get3A_12, %get3A_13, %get3A_14] : memref<2x2048x128xf32, #tpu.memory_space<vmem>>, vector<1x2048x128xf32>
    %get3A_16 = vector.shape_cast %get3A_15 : vector<1x2048x128xf32> to vector<2048x128xf32>
    %get3A_17 = arith.constant 1 : index
    %get3A_18 = arith.constant 0 : index
    %get3A_19 = arith.constant 0 : index
    %get3A_20 = vector.load %arg1[%get3A_17, %get3A_18, %get3A_19] : memref<2x2048x128xf32, #tpu.memory_space<vmem>>, vector<1x2048x128xf32>
    %get3A_21 = vector.shape_cast %get3A_20 : vector<1x2048x128xf32> to vector<2048x128xf32>
    %add3A_22 = arith.addf %get3A_16, %get3A_21 : vector<2048x128xf32>
    %get3A_23 = arith.constant 0 : index
    %get3A_24 = arith.constant 0 : index
    %get3A_25 = vector.load %arg2[%get3A_23, %get3A_24] : memref<2048x128xf32, #tpu.memory_space<vmem>>, vector<2048x128xf32>
    %sub3A = arith.subf %add3A_22, %get3A_25 : vector<2048x128xf32>
    %mul3A = vector.broadcast %rsqrt3A : vector<2048x1xf32> to vector<2048x128xf32>
    %mul3A_26 = arith.mulf %sub3A, %mul3A : vector<2048x128xf32>
    %get3A_27 = arith.constant 0 : index
    %get3A_28 = arith.constant 0 : index
    %get3A_29 = vector.load %arg3[%get3A_27, %get3A_28] : memref<1x128xf32, #tpu.memory_space<vmem>>, vector<1x128xf32>
    %add3A_30 = vector.broadcast %get3A_29 : vector<1x128xf32> to vector<2048x128xf32>
    %add3A_31 = arith.addf %mul3A_26, %add3A_30 : vector<2048x128xf32>
    %max3A = arith.constant 0.000000e+00 : f32
    %max3A_32 = vector.broadcast %max3A : f32 to vector<2048x128xf32>
    %max3A_33 = arith.maximumf %add3A_31, %max3A_32 : vector<2048x128xf32>
    %get3A_34 = arith.constant 0 : index
    %get3A_35 = arith.constant 0 : index
    %get3A_36 = vector.load %arg4[%get3A_34, %get3A_35] : memref<128x128xf32, #tpu.memory_space<vmem>>, vector<128x128xf32>
    %dot_general3A = arith.constant dense<0.000000e+00> : vector<2048x128xf32>
    %dot_general3A_37 = tpu.matmul %max3A_33, %get3A_36, %dot_general3A {dimension_numbers = #tpu.dot_dimension_numbers<[1], [0], [0], [1], [0, 0, 1, 1], [], []>, precision = #tpu.contract_precision<fp32>, transpose_lhs_hint = false} : vector<2048x128xf32>, vector<128x128xf32>, vector<2048x128xf32> -> vector<2048x128xf32>
    %get3A_38 = arith.constant 0 : index
    %get3A_39 = arith.constant 0 : index
    %get3A_40 = vector.load %arg5[%get3A_38, %get3A_39] : memref<1x128xf32, #tpu.memory_space<vmem>>, vector<1x128xf32>
    %add3A_41 = vector.broadcast %get3A_40 : vector<1x128xf32> to vector<2048x128xf32>
    %add3A_42 = arith.addf %dot_general3A_37, %add3A_41 : vector<2048x128xf32>
    %swap3A = arith.constant 0 : index
    %swap3A_43 = arith.constant 0 : index
    %swap3A_44 = vector.load %arg7[%swap3A, %swap3A_43] : memref<2048x128xf32, #tpu.memory_space<vmem>>, vector<2048x128xf32>
    tpu.vector_store %arg7[%swap3A, %swap3A_43], %add3A_42 {strides = array<i32>} : memref<2048x128xf32, #tpu.memory_space<vmem>>, vector<2048x128xf32>,
    return
  }
  func.func @transform_0(%arg0: i32) -> (i32, i32, i32) {
    %c0_i32 = arith.constant 0 : i32
    %c0_i32_0 = arith.constant 0 : i32
    %c0_i32_1 = arith.constant 0 : i32
    return %c0_i32, %arg0, %c0_i32_0 : i32, i32, i32
  }
  func.func @transform_1(%arg0: i32) -> (i32, i32) {
    %c0_i32 = arith.constant 0 : i32
    %c0_i32_0 = arith.constant 0 : i32
    return %arg0, %c0_i32 : i32, i32
  }
  func.func @transform_2(%arg0: i32) -> (i32, i32) {
    %c0_i32 = arith.constant 0 : i32
    %c0_i32_0 = arith.constant 0 : i32
    %c0_i32_1 = arith.constant 0 : i32
    return %c0_i32, %c0_i32_0 : i32, i32
  }
  func.func @transform_3(%arg0: i32) -> (i32, i32) {
    %c0_i32 = arith.constant 0 : i32
    %c0_i32_0 = arith.constant 0 : i32
    %c0_i32_1 = arith.constant 0 : i32
    return %c0_i32, %c0_i32_0 : i32, i32
  }
  func.func @transform_4(%arg0: i32) -> (i32, i32) {
    %c0_i32 = arith.constant 0 : i32
    %c0_i32_0 = arith.constant 0 : i32
    %c0_i32_1 = arith.constant 0 : i32
    return %c0_i32, %c0_i32_0 : i32, i32
  }
  func.func @transform_5(%arg0: i32) -> (i32, i32, i32) {
    %c0_i32 = arith.constant 0 : i32
    %c0_i32_0 = arith.constant 0 : i32
    %c0_i32_1 = arith.constant 0 : i32
    return %c0_i32, %arg0, %c0_i32_0 : i32, i32, i32
  }
  func.func @transform_6(%arg0: i32) -> (i32, i32) {
    %c0_i32 = arith.constant 0 : i32
    %c0_i32_0 = arith.constant 0 : i32
    return %arg0, %c0_i32 : i32, i32
  }
}

</mosaic_0001>

<sc_bundles>
// kernel: kernel.11.cloned.1.call-start
scs
__scs_entry_jumppad:
0x0: {  	(pc) =	sbr.rel $0x88, $3  }
0x1: {  	(tag) =	ssettag $0x0;
	lr =	simm.s32 $0x1  }
0x2: {  	[smem:$0x3F99] =	sst lr;
	_ =	strace $0xD0000000  }
0x3: {  	_ = 	snop  }
0x4: {  	_ = 	snop  }
0x5: {  	_ = 	snop  }
0x6: {  	_ = 	snop  }
0x7: {  	_ = 	snop  }
__scs_overlays_trampoline_lowered:
0x8: {  	[smem:$0x3FA8] =	sst s0  }
0x9: {  	[smem:$0x3FA9] =	sst s1  }
0xa: {  	[smem:$0x3FAA] =	sst s2  }
0xb: {  	[smem:$0x3FAB] =	sst s3  }
0xc: {  	[smem:$0x3FAC] =	sst s4  }
0xd: {  	[smem:$0x3FAD] =	sst s5  }
0xe: {  	[smem:$0x3FAE] =	sst s6  }
0xf: {  	[smem:$0x3FAF] =	sst s7  }
0x10: {  	[smem:$0x3FB0] =	sst s8  }
0x11: {  	[smem:$0x3FB1] =	sst s9;
	s0 =	simm.s32 @!p0 $0x0  }
0x12: {  	s1 =	sld [smem:$0x3F97];
	s0 =	simm.s32 @p0 $0x1  }
0x13: {  	[smem:$0x3FB2] =	sst s0;
	s0 =	simm.s32 @!p1 $0x0  }
0x14: {  	s2 =	sld [smem:$0x3F96];
	s0 =	simm.s32 @p1 $0x1  }
0x15: {  	[smem:$0x3FB3] =	sst s0;
	s0 =	simm.s32 @!p2 $0x0  }
0x16: {  	s3 =	sld [smem:$0x3FDB];
	s0 =	simm.s32 @p2 $0x1  }
0x17: {  	s4 =	simm.s32 $0x1BF5;
	[smem:$0x3FB5] =	sst s0  }
0x18: {  	s0 =	sld [smem:$0x3F98];
	_ =	swait.ge [sflag:s4], $0x0  }
0x19: {  	s7 =	sld [smem:$0x3F99]  }
0x1a: {  	s8 =	sadd.s32 $0xFFFFE003, lr  }
0x1b: {  	s9 =	sadd.s32 $0xFFFFFEF7, lr;
	s5 =	simm.s32 $0xFFFFFFFF;
	p2 =	slt.u32 s8, $0xFFFFF086  }
0x1c: {  	p1 =	slt.u32 s9, $0xF7A;
	s5 =	simm.s32 @!p2 $0x0  }
0x1d: {  	s5 =	simm.s32 @p1 $0x1;
	p0 =	seq.s32 s7, s2  }
0x1e: {  	s7 =	smul.u32 @!p0 $0xF7A, s2;
	p2 =	seq.s32 @!p0 s5, $0x0  }
0x1f: {  	s9 =	smul.u32 $0xF7A, s1;
	s8 =	simm.s32 @!p0 $0x1BF5;
	p2 =	por !p2, p0  }
0x20: {  	[sflag:s8] =	ssyncset.s32 @!p0 $0xFFFFF086;
	s6 =	sadd.s32 @!p0 s3, s7;
	s7 =	simm.s32 @!p0 $0x108  }
0x21: {  	s3 =	sadd.s32 s3, s9;
	s6 =	sadd.s32 @!p0 $0x88, s6;
	s7 =	simm.s32 @p2 $0x1082  }
0x22: {  	[simem:s7], [sflag:s8] =	dma.local @!p0 [hbm:s6], $0xF7A  }
0x23: {  	s9 =	sor.u32 $0xD0000000, s2;
	s6 =	simm.s32 $0x108;
	_ =	swait.ge @!p0 [sflag:s8], $0x0  }
0x24: {  	s3 =	sadd.s32 $0x88, s3;
	s6 =	simm.s32 @!p1 $0x1082;
	[sflag:s4] =	ssyncset.s32 $0xFFFFF086  }
0x25: {  	[simem:s6], [sflag:s4] =	dma.local [hbm:s3], $0xF7A  }
0x26: {  	[smem:$0x3F99] =	sst s1;
	(tag) =	ssettag s2;
	_ =	strace s9  }
0x27: {  	s1 =	sld [smem:$0x3FA9]  }
0x28: {  	s2 =	sld [smem:$0x3FAA]  }
0x29: {  	s4 =	sld [smem:$0x3FAC]  }
0x2a: {  	p0 =	seq.s32 s5, $0x0;
	s5 =	sld [smem:$0x3FAD]  }
0x2b: {  	s6 =	sld [smem:$0x3FAE]  }
0x2c: {  	s7 =	sld [smem:$0x3FAF]  }
0x2d: {  	s3 =	simm.s32 $0x108;
	s8 =	sld [smem:$0x3FB0]  }
0x2e: {  	s3 =	simm.s32 @!p0 $0x1082;
	s9 =	sld [smem:$0x3FB1]  }
0x2f: {  	lr =	sadd.s32 s0, s3;
	s0 =	sld [smem:$0x3FA8]  }
0x30: {  	s3 =	sld [smem:$0x3FAB]  }
0x31: {  	[smem:$0x3FB4] =	sst s10  }
0x32: {  	s10 =	sld [smem:$0x3FB2];
	_ =	sdelay $0x3  }
0x33: {  	p0 =	seq.s32 s10, $0x1;
	s10 =	sld [smem:$0x3FB4];
	_ =	sdelay $0x3  }
0x34: {  	[smem:$0x3FB4] =	sst s10  }
0x35: {  	s10 =	sld [smem:$0x3FB3];
	_ =	sdelay $0x3  }
0x36: {  	p1 =	seq.s32 s10, $0x1;
	s10 =	sld [smem:$0x3FB4];
	_ =	sdelay $0x3  }
0x37: {  	[smem:$0x3FB4] =	sst s10  }
0x38: {  	s10 =	sld [smem:$0x3FB5]  }
0x39: {  	_ = 	snop;
	(pc) =	sbr.ind lr, $3  }
0x3a: {  	_ = 	snop  }
0x3b: {  	_ = 	snop  }
0x3c: {  	p2 =	seq.s32 s10, $0x1;
	s10 =	sld [smem:$0x3FB4]  }
0x3d: {  	_ =	shalt  }
0x3e: {  	_ =	shalt  }
0x3f: {  	_ =	shalt  }
0x40: {  	_ =	shalt  }
0x41: {  	_ =	shalt  }
0x42: {  	_ =	shalt  }
0x43: {  	_ =	shalt  }
0x44: {  	_ =	shalt  }
0x45: {  	_ =	shalt  }
0x46: {  	_ =	shalt  }
0x47: {  	_ =	shalt  }
0x48: {  	_ =	shalt  }
0x49: {  	_ =	shalt  }
0x4a: {  	_ =	shalt  }
0x4b: {  	_ =	shalt  }
0x4c: {  	_ =	shalt  }
0x4d: {  	_ =	shalt  }
0x4e: {  	_ =	shalt  }
0x4f: {  	_ =	shalt  }
0x50: {  	_ =	shalt  }
0x51: {  	_ =	shalt  }
0x52: {  	_ =	shalt  }
0x53: {  	_ =	shalt  }
0x54: {  	_ =	shalt  }
0x55: {  	_ =	shalt  }
0x56: {  	_ =	shalt  }
0x57: {  	_ =	shalt  }
0x58: {  	_ =	shalt  }
0x59: {  	_ =	shalt  }
0x5a: {  	_ =	shalt  }
0x5b: {  	_ =	shalt  }
0x5c: {  	_ =	shalt  }
0x5d: {  	_ =	shalt  }
0x5e: {  	_ =	shalt  }
0x5f: {  	_ =	shalt  }
0x60: {  	_ =	shalt  }
0x61: {  	_ =	shalt  }
0x62: {  	_ =	shalt  }
0x63: {  	_ =	shalt  }
0x64: {  	_ =	shalt  }
0x65: {  	_ =	shalt  }
0x66: {  	_ =	shalt  }
0x67: {  	_ =	shalt  }
0x68: {  	_ =	shalt  }
0x69: {  	_ =	shalt  }
0x6a: {  	_ =	shalt  }
0x6b: {  	_ =	shalt  }
0x6c: {  	_ =	shalt  }
0x6d: {  	_ =	shalt  }
0x6e: {  	_ =	shalt  }
0x6f: {  	_ =	shalt  }
0x70: {  	_ =	shalt  }
0x71: {  	_ =	shalt  }
0x72: {  	_ =	shalt  }
0x73: {  	_ =	shalt  }
0x74: {  	_ =	shalt  }
0x75: {  	_ =	shalt  }
0x76: {  	_ =	shalt  }
0x77: {  	_ =	shalt  }
0x78: {  	_ =	shalt  }
0x79: {  	_ =	shalt  }
0x7a: {  	_ =	shalt  }
0x7b: {  	_ =	shalt  }
0x7c: {  	_ =	shalt  }
0x7d: {  	_ =	shalt  }
0x7e: {  	_ =	shalt  }
0x7f: {  	_ =	shalt  }
0x80: {  	_ =	shalt  }
0x81: {  	_ =	shalt  }
0x82: {  	_ =	shalt  }
0x83: {  	_ =	shalt  }
0x84: {  	_ =	shalt  }
0x85: {  	_ =	shalt  }
0x86: {  	_ =	shalt  }
0x87: {  	_ =	shalt  }
.Lfunc_end0:
.L_simem_size_0:
called_computation.1_lowered:
.L_overlay_start_0:
0x88: {  	s2 =	sld [smem:$0x3FD9]  }
0x89: {  	s3 =	sld [smem:$0x3FFE];
	_ =	sdelay $0x1  }
0x8a: {  	s1 =	srdreg.scid  }
0x8b: {  	s0 =	sand.u32 $0x1, s1  }
0x8c: {  	s17 =	sshll.u32 s0, $0xA;
	s2 =	sadd.s32 s3, s2  }
0x8d: {  	s2 =	sadd.s32 s2, s17  }
0x8e: {  	[smem:$0x3FC0] =	sst s2  }
0x8f: {  	_ = 	snop  }
0x90: {  	s2 =	sld [smem:$0x3FD0];
	(tm) =	ssettm $0x1  }
0x91: {  	s18 =	sld [smem:$0x3FFB];
	_ =	sdelay $0x3  }
0x92: {  	_ =	strace s18  }
0x93: {  	s3 =	sld [smem:$0x3FFC];
	_ =	sdelay $0x3  }
0x94: {  	_ =	strace s3  }
0x95: {  	s3 =	sld [smem:$0x3FFD];
	_ =	sdelay $0x3  }
0x96: {  	_ =	strace s3  }
0x97: {  	_ =	strace $0x8FFFFFFF  }
0x98: {  	s19 =	sld [smem:$0x3FDB];
	_ =	sdelay $0x1  }
0x99: {  	s4 =	simm.s32 $_scs_section_size  }
0x9a: {  	s5 =	simm.s32 $_size__tile_overlayer_lowered;
	s6 =	simm.s32 $_tile_overlayer_lowered  }
0x9b: {  	s22 =	simm.s32 $0x1BFF;
	s21 =	sshll.u32 s6, $0x1;
	s3 =	sadd.s32 s4, s19  }
0x9c: {  	s7 =	simm.s32 $0x0;
	s20 =	sshll.u32 s5, $0x1;
	s5 =	sadd.s32 s21, s3  }
0x9d: {  	[timem:s7], [sflag:s22] =	dma.local [hbm:s5], s20  }
0x9e: {  	_ =	swait.ge [sflag:s22], s20  }
0x9f: {  	s4 =	ssub.s32 $0x0, s20;
	[sflag:s22] =	ssyncset.done $0x0  }
0xa0: {  	[sflag:s22] =	ssyncadd.s32 s4;
	_ =	sdelay $0x1  }
0xa1: {  	s23 =	simm.s32 $0x1B8B  }
0xa2: {  	_ =	swait.ge [sflag:s23], $0x1  }
0xa3: {  	[sflag:s23] =	ssyncset.done $0x0  }
0xa4: {  	s25 =	simm.s32 $0x1B8E;
	s24 =	sld [smem:$0x3FFE];
	[sflag:s23] =	ssyncadd.s32 $0xFFFFFFFF  }
0xa5: {  	s26 =	simm.s32 $execute0_lowered;
	[smem:$0x3FD2] =	sst s25  }
0xa6: {  	s5 =	sshll.u32 s26, $0x1;
	_ =	strace $0x80000049;
	[dreg:$0x1] =	wrdreg $0xFFFFFFFF  }
0xa7: {  	s28 =	simm.s32 $_size_execute0_lowered;
	s3 =	sadd.s32 s3, s5;
	[dreg:$0x0] =	wrdreg $0x0  }
0xa8: {  	s5 =	sshll.u32 s28, $0x1;
	[dreg:$0x2] =	wrdreg s3  }
0xa9: {  	[dreg:$0x3] =	wrdreg s5  }
0xaa: {  	[dreg:$0x4] =	wrdreg $0xC0  }
0xab: {  	_ =	task [dreg:s7], $0x5FFFF  }
0xac: {  	[dreg:$0x1] =	wrdreg $0xFFFFFFFF  }
0xad: {  	[dreg:$0x0] =	wrdreg $0x60  }
0xae: {  	[dreg:$0x2] =	wrdreg s24  }
0xaf: {  	[dreg:$0x3] =	wrdreg s2  }
0xb0: {  	[dreg:$0x4] =	wrdreg $0x90000  }
0xb1: {  	[dreg:$0x5] =	wrdreg $0x9  }
0xb2: {  	_ =	task.clear_ibuf [dreg:s7], $0x6FFFF;
	_ =	strace $0x90000049  }
0xb3: {  	s29 =	simm.s32 $0x9;
	_ =	strace $0x8000004B  }
0xb4: {  	_ =	swait.ge [sflag:s29], $0x1  }
0xb5: {  	[sflag:s29] =	ssyncadd.s32 $0xFFFFFFFF  }
0xb6: {  	_ =	strace $0x9000004B  }
0xb7: {  	_ =	sfence  }
0xb8: {  	s30 =	sld [smem:$0x0];
	_ =	sdelay $0x2  }
0xb9: {  	s31 =	sshll.u32 s1, $0xD;
	s1 =	sshrl.u32 s1, $0x2  }
0xba: {  	s3 =	sand.u32 $0x4000, s31;
	s1 =	sadd.s32 s1, s30  }
0xbb: {  	s0 =	sor.u32 s3, s0;
	s1 =	sshll.u32 s1, $0x11  }
0xbc: {  	s0 =	sor.u32 s1, s0  }
0xbd: {  	s0 =	sadd.s32 $0x8F2B, s0  }
0xbe: {  	[sflag:s0] =	ssyncadd.remote.s32 $0x1  }
0xbf: {  	_ =	sfence.sel $0xFFFF  }
0xc0: {  	[dreg:$0x0] =	wrdreg $0xFFFFFFFF;
	(pc) =	sbr.abs _section_cstart, $3  }
0xc1: {  	[dreg:$0x1] =	wrdreg $0xFFFFFFFF  }
0xc2: {  	_ =	task.clear_ibuf [dreg:s7], $0x2FFFF;
	_ =	strace $0x9FFFFFFF  }
0xc3: {  	(tm) =	ssettm $0x7FFFFFFF  }
tec
execute0_lowered:
.L_overlay_start_1:
0x0: {  	(tag) =	ssettag $0x1  }
0x1: {  	s0 =	rddreg [dreg:$0x0]  }
0x2: {  	s13 =	rddreg [dreg:$0x1]  }
0x3: {  	s3 =	rddreg [dreg:$0x2]  }
0x4: {  	s1 =	srdreg.scid;
	s12 =	stileid.u32;
	s4 =	simm.s32 $0x0  }
0x5: {  	s28 =	simm.s32 $0x5000;
	s29 =	simm.s32 $0x3;
	s31 =	simm.s32 $0x4  }
0x6: {  	s30 =	simm.s32 $0x580;
	s14 =	simm.s32 $0xF00;
	s2 =	smul.u32 $0x14000, s12  }
0x7: {  	s1 =	sand.u32 $0x1, s1;
	[smem:$0x7FF] =	sst s4;
	s10 =	smul.u32 $0x50000, s12  }
0x8: {  	s5 =	sadd.s32 $0x5CE00, s0;
	s6 =	sadd.s32 $0x2E00, s0;
	s11 =	smul.u32 $0x2800, s12  }
0x9: {  	s22 =	sshll.u32 s12, $0x6;
	s7 =	smul.u32 $0x140000, s1;
	_ =	strace $0x8000004A  }
0xa: {  	s8 =	sshll.u32 s1, $0x4;
	s9 =	ssub.s32 $0x2, s1;
	s1 =	smul.u32 $0x28000, s1  }
0xb: {  	s8 =	sor.u32 s12, s8;
	s17 =	sshrl.u32 s9, $0x1;
	s21 =	sshrl.u32 s10, $0x2  }
0xc: {  	s12 =	sor.u32 $0x1C05, s22;
	s22 =	simm.s32 $0x5;
	s10 =	simm.s32 $0x700  }
0xd: {  	s7 =	sadd.s32 s2, s7;
	s8 =	smul.u32 $0x2800, s8;
	s1 =	sadd.s32 s11, s1  }
0xe: {  	s2 =	sshrl.u32 s2, $0x3;
	s11 =	simm.s32 $0xE80;
	[dreg:$0x9] =	wrdreg s12  }
0xf: {  	s7 =	sshrl.u32 s7, $0x3;
	s23 =	sadd.s32 $0xC00, s1;
	s2 =	sadd.s32 s5, s2  }
0x10: {  	s26 =	sadd.s32 $0x800, s1;
	s1 =	simm.s32 $0x600;
	s0 =	sadd.s32 s7, s0  }
0x11: {  	s7 =	ssub.s32 s9, s17;
	s8 =	sshrl.u32 s8, $0x3;
	[dreg:$0x8] =	wrdreg s2  }
0x12: {  	s24 =	sshrl.u32 s23, $0x3;
	[dreg:$0xc] =	wrdreg s26;
	s26 =	simm.s32 $0x2  }
0x13: {  	s17 =	simm.s32 $0xF80;
	s18 =	sadd.s32 s6, s8;
	s19 =	sor.u32 $0x80, s8  }
0x14: {  	s8 =	sadd.s32 s13, s8;
	s0 =	sadd.s32 $0x84E00, s0;
	s25 =	smax.u32 s7, $0x1  }
0x15: {  	s15 =	sadd.s32 s24, s13;
	s16 =	sadd.s32 s24, s6;
	[dreg:$0x4] =	wrdreg s18  }
0x16: {  	s24 =	simm.s32 $0x80;
	s7 =	simm.s32 $0xD80;
	[dreg:$0x5] =	wrdreg s8  }
0x17: {  	s20 =	sadd.s32 s6, s19;
	s9 =	sadd.s32 s13, s19;
	[dreg:$0xa] =	wrdreg s0  }
.Ltmp0:
0x18: {  	s8 =	sadd.s32 s21, s3;
	[dreg:$0xb] =	wrdreg s25;
	(pc) =	sbr.rel .LBB2_1-.Ltmp0, $4  }
0x19: {  	s19 =	simm.s32 $0x400;
	s25 =	simm.s32 $0x1000;
	s0 =	simm.s32 $0xD00  }
0x1a: {  	s13 =	simm.s32 $0x780;
	s18 =	simm.s32 $0x0;
	[dreg:$0x6] =	wrdreg s20  }
0x1b: {  	[dreg:$0x7] =	wrdreg s9;
	s20 =	simm.s32 $0xC00;
	s21 =	sshrl.u32 s8, $0x3  }
0x1c: {  	s8 =	simm.s32 $0x680;
	s9 =	simm.s32 $0xE00;
	[dreg:$0xd] =	wrdreg s21  }
.LBB2_4:
0x1d: {  	_ =	swait.ge [sflag:s31], $0x4000  }
0x1e: {  	[sflag:s31] =	ssyncset.done $0x0  }
0x1f: {  	[sflag:s31] =	ssyncadd.s32 $0xFFFFC000  }
0x20: {  	[spmem:s3] =	stream.indirect.scatter.add.f32 [tilespmem:s28], [sflag:$0x5], $0x80, s17, s24, $0xb8;
	[tilespmem:$0x1D000] =	vst v63  }
0x21: {  	_ =	swait.ge [sflag:s22], $0x4000  }
0x22: {  	[sflag:s22] =	ssyncset.done $0x0  }
0x23: {  	[sflag:s22] =	ssyncadd.s32 $0xFFFFC000  }
0x24: {  	[bflag:$0x0] =	sbarrier.arrive $0xFFFF  }
0x25: {  	s12 =	rddreg [dreg:$0x9]  }
0x26: {  	s2 =	rddreg [dreg:$0xa]  }
0x27: {  	s21 =	rddreg [dreg:$0xd]  }
0x28: {  	[hbm:s2], [sflag:s12] =	dma.local [spmem:s21], $0x2800  }
0x29: {  	_ =	swait.ge [sflag:s22], $0x2800  }
0x2a: {  	s18 =	rddreg [dreg:$0xe]  }
0x2b: {  	s23 =	rddreg [dreg:$0xb];
	s18 =	sadd.s32 $0x1, s18  }
0x2c: {  	p0 =	sne.s32 s18, s23  }
.Ltmp1:
0x2d: {  	_ = 	snop;
	(pc) =	sbr.rel @!p0 .LBB2_5-.Ltmp1, $3  }
0x2e: {  	_ =	sdelay $0x1  }
0x2f: {  	[sflag:s22] =	ssyncset.done $0x0  }
0x30: {  	[sflag:s22] =	ssyncadd.s32 $0xFFFFD800  }
.LBB2_1:
0x31: {  	[dreg:$0xe] =	wrdreg s18  }
0x32: {  	s2 =	rddreg [dreg:$0x4]  }
0x33: {  	[tilespmem:s4], [sflag:$0x1] =	stream.linear.gather [hbm4b:s2+s4], $0x400, $0x38;
	[tilespmem:$0x1D000] =	vst v63  }
0x34: {  	s18 =	rddreg [dreg:$0x5];
	s23 =	simm.s32 $0x800  }
0x35: {  	[tilespmem:s23], [sflag:$0x1] =	stream.linear.gather [hbm4b:s18+s4], $0x400, $0x38;
	[tilespmem:$0x1D000] =	vst v63  }
0x36: {  	s18 =	rddreg [dreg:$0x6]  }
0x37: {  	s23 =	rddreg [dreg:$0x7]  }
0x38: {  	[tilespmem:s19], [sflag:$0x2] =	stream.linear.gather [hbm4b:s18+s4], $0x400, $0x38;
	[tilespmem:$0x1D000] =	vst v63  }
0x39: {  	s18 =	rddreg [dreg:$0x8]  }
0x3a: {  	[tilespmem:s20], [sflag:$0x2] =	stream.linear.gather [hbm4b:s23+s4], $0x400, $0x38;
	[tilespmem:$0x1D000] =	vst v63  }
0x3b: {  	[spmem:s21], [sflag:s12] =	dma.local [hbm:s18], $0x2800  }
0x3c: {  	_ =	swait.ge [sflag:s22], $0x2800  }
0x3d: {  	[sflag:s22] =	ssyncset.done $0x0  }
0x3e: {  	[sflag:s22] =	ssyncadd.s32 $0xFFFFD800  }
0x3f: {  	s23 =	simm.s32 $0x1;
	[bflag:$0x0] =	sbarrier.arrive $0xFFFF  }
0x40: {  	_ =	swait.ge [sflag:s23], $0x400  }
0x41: {  	[sflag:s23] =	ssyncset.done $0x0  }
0x42: {  	[sflag:s23] =	ssyncadd.s32 $0xFFFFFC00  }
0x43: {  	_ =	swait.ge [sflag:s23], $0x400  }
0x44: {  	[sflag:s23] =	ssyncset.done $0x0  }
0x45: {  	s21 =	simm.s32 $0x0;
	s12 =	rddreg [dreg:$0xc];
	[sflag:s23] =	ssyncadd.s32 $0xFFFFFC00  }
0x46: {  	[tilespmem:s25], [sflag:$0x3] =	stream.indirect.gather [hbm4b:s5+s24], $0x80, s4, s24, $0xb8;
	[tilespmem:$0x1D000] =	vst v63  }
.LBB2_2:
0x47: {  	_ =	swait.ge [sflag:s26], $0x400  }
0x48: {  	[sflag:s26] =	ssyncset.done $0x0  }
0x49: {  	[sflag:s26] =	ssyncadd.s32 $0xFFFFFC00  }
0x4a: {  	_ =	swait.ge [sflag:s26], $0x400  }
0x4b: {  	[sflag:s26] =	ssyncset.done $0x0  }
0x4c: {  	[sflag:s26] =	ssyncadd.s32 $0xFFFFFC00  }
0x4d: {  	[tilespmem:s28], [sflag:$0x4] =	stream.indirect.gather [hbm4b:s5+s24], $0x80, s24, s24, $0xb8;
	[tilespmem:$0x1D000] =	vst v63  }
0x4e: {  	_ =	swait.ge [sflag:s29], $0x4000  }
0x4f: {  	[sflag:s29] =	ssyncset.done $0x0  }
0x50: {  	s2 =	simm.s32 $0x800;
	[sflag:s29] =	ssyncadd.s32 $0xFFFFC000  }
0x51: {  	[spmem:s3] =	stream.indirect.scatter.add.f32 [tilespmem:s25], [sflag:$0x5], $0x80, s2, s24, $0xb8;
	[tilespmem:$0x1D000] =	vst v63  }
0x52: {  	_ =	swait.ge [sflag:s22], $0x4000  }
0x53: {  	[sflag:s22] =	ssyncset.done $0x0  }
0x54: {  	s18 =	simm.s32 $0x100;
	[sflag:s22] =	ssyncadd.s32 $0xFFFFC000  }
0x55: {  	[tilespmem:s25], [sflag:$0x3] =	stream.indirect.gather [hbm4b:s5+s24], $0x80, s18, s24, $0xb8;
	[tilespmem:$0x1D000] =	vst v63  }
0x56: {  	_ =	swait.ge [sflag:s31], $0x4000  }
0x57: {  	[sflag:s31] =	ssyncset.done $0x0  }
0x58: {  	s23 =	simm.s32 $0x880;
	[sflag:s31] =	ssyncadd.s32 $0xFFFFC000  }
0x59: {  	[spmem:s3] =	stream.indirect.scatter.add.f32 [tilespmem:s28], [sflag:$0x5], $0x80, s23, s24, $0xb8;
	[tilespmem:$0x1D000] =	vst v63  }
0x5a: {  	_ =	swait.ge [sflag:s22], $0x4000  }
0x5b: {  	[sflag:s22] =	ssyncset.done $0x0  }
0x5c: {  	s18 =	simm.s32 $0x180;
	[sflag:s22] =	ssyncadd.s32 $0xFFFFC000  }
0x5d: {  	[tilespmem:s28], [sflag:$0x4] =	stream.indirect.gather [hbm4b:s5+s24], $0x80, s18, s24, $0xb8;
	[tilespmem:$0x1D000] =	vst v63  }
0x5e: {  	_ =	swait.ge [sflag:s29], $0x4000  }
0x5f: {  	[sflag:s29] =	ssyncset.done $0x0  }
0x60: {  	s23 =	simm.s32 $0x900;
	[sflag:s29] =	ssyncadd.s32 $0xFFFFC000  }
0x61: {  	[spmem:s3] =	stream.indirect.scatter.add.f32 [tilespmem:s25], [sflag:$0x5], $0x80, s23, s24, $0xb8;
	[tilespmem:$0x1D000] =	vst v63  }
0x62: {  	_ =	swait.ge [sflag:s22], $0x4000  }
0x63: {  	[sflag:s22] =	ssyncset.done $0x0  }
0x64: {  	s18 =	simm.s32 $0x200;
	[sflag:s22] =	ssyncadd.s32 $0xFFFFC000  }
0x65: {  	[tilespmem:s25], [sflag:$0x3] =	stream.indirect.gather [hbm4b:s5+s24], $0x80, s18, s24, $0xb8;
	[tilespmem:$0x1D000] =	vst v63  }
0x66: {  	_ =	swait.ge [sflag:s31], $0x4000  }
0x67: {  	[sflag:s31] =	ssyncset.done $0x0  }
0x68: {  	s23 =	simm.s32 $0x980;
	[sflag:s31] =	ssyncadd.s32 $0xFFFFC000  }
0x69: {  	[spmem:s3] =	stream.indirect.scatter.add.f32 [tilespmem:s28], [sflag:$0x5], $0x80, s23, s24, $0xb8;
	[tilespmem:$0x1D000] =	vst v63  }
0x6a: {  	_ =	swait.ge [sflag:s22], $0x4000  }
0x6b: {  	[sflag:s22] =	ssyncset.done $0x0  }
0x6c: {  	s18 =	simm.s32 $0x280;
	[sflag:s22] =	ssyncadd.s32 $0xFFFFC000  }
0x6d: {  	[tilespmem:s28], [sflag:$0x4] =	stream.indirect.gather [hbm4b:s5+s24], $0x80, s18, s24, $0xb8;
	[tilespmem:$0x1D000] =	vst v63  }
0x6e: {  	_ =	swait.ge [sflag:s29], $0x4000  }
0x6f: {  	[sflag:s29] =	ssyncset.done $0x0  }
0x70: {  	s23 =	simm.s32 $0xA00;
	[sflag:s29] =	ssyncadd.s32 $0xFFFFC000  }
0x71: {  	[spmem:s3] =	stream.indirect.scatter.add.f32 [tilespmem:s25], [sflag:$0x5], $0x80, s23, s24, $0xb8;
	[tilespmem:$0x1D000] =	vst v63  }
0x72: {  	_ =	swait.ge [sflag:s22], $0x4000  }
0x73: {  	[sflag:s22] =	ssyncset.done $0x0  }
0x74: {  	s18 =	simm.s32 $0x300;
	[sflag:s22] =	ssyncadd.s32 $0xFFFFC000  }
0x75: {  	[tilespmem:s25], [sflag:$0x3] =	stream.indirect.gather [hbm4b:s5+s24], $0x80, s18, s24, $0xb8;
	[tilespmem:$0x1D000] =	vst v63  }
0x76: {  	_ =	swait.ge [sflag:s31], $0x4000  }
0x77: {  	[sflag:s31] =	ssyncset.done $0x0  }
0x78: {  	s23 =	simm.s32 $0xA80;
	[sflag:s31] =	ssyncadd.s32 $0xFFFFC000  }
0x79: {  	[spmem:s3] =	stream.indirect.scatter.add.f32 [tilespmem:s28], [sflag:$0x5], $0x80, s23, s24, $0xb8;
	[tilespmem:$0x1D000] =	vst v63  }
0x7a: {  	_ =	swait.ge [sflag:s22], $0x4000  }
0x7b: {  	[sflag:s22] =	ssyncset.done $0x0  }
0x7c: {  	s18 =	simm.s32 $0x380;
	[sflag:s22] =	ssyncadd.s32 $0xFFFFC000  }
0x7d: {  	[tilespmem:s28], [sflag:$0x4] =	stream.indirect.gather [hbm4b:s5+s24], $0x80, s18, s24, $0xb8;
	[tilespmem:$0x1D000] =	vst v63  }
0x7e: {  	_ =	swait.ge [sflag:s29], $0x4000  }
0x7f: {  	[sflag:s29] =	ssyncset.done $0x0  }
0x80: {  	s23 =	simm.s32 $0xB00;
	[sflag:s29] =	ssyncadd.s32 $0xFFFFC000  }
0x81: {  	[spmem:s3] =	stream.indirect.scatter.add.f32 [tilespmem:s25], [sflag:$0x5], $0x80, s23, s24, $0xb8;
	[tilespmem:$0x1D000] =	vst v63  }
0x82: {  	_ =	swait.ge [sflag:s22], $0x4000  }
0x83: {  	[sflag:s22] =	ssyncset.done $0x0  }
0x84: {  	[sflag:s22] =	ssyncadd.s32 $0xFFFFC000  }
0x85: {  	[tilespmem:s25], [sflag:$0x3] =	stream.indirect.gather [hbm4b:s5+s24], $0x80, s19, s24, $0xb8;
	[tilespmem:$0x1D000] =	vst v63  }
0x86: {  	_ =	swait.ge [sflag:s31], $0x4000  }
0x87: {  	[sflag:s31] =	ssyncset.done $0x0  }
0x88: {  	s18 =	simm.s32 $0xB80;
	[sflag:s31] =	ssyncadd.s32 $0xFFFFC000  }
0x89: {  	[spmem:s3] =	stream.indirect.scatter.add.f32 [tilespmem:s28], [sflag:$0x5], $0x80, s18, s24, $0xb8;
	[tilespmem:$0x1D000] =	vst v63  }
0x8a: {  	p0 =	seq.s32 s21, $0x400;
	_ =	swait.ge [sflag:s22], $0x4000  }
0x8b: {  	s23 =	sshrl.u32 @!p0 s12, $0x3;
	[sflag:s22] =	ssyncset.done $0x0  }
0x8c: {  	s2 =	sadd.s32 @!p0 s6, s23;
	s18 =	simm.s32 @!p0 $0x0;
	[sflag:s22] =	ssyncadd.s32 $0xFFFFC000  }
0x8d: {  	[tilespmem:s18], [sflag:$0x1] =	stream.linear.gather @!p0 [hbm4b:s2+s18], $0x400, $0x38;
	[tilespmem:$0x1D000] =	vst v63  }
0x8e: {  	s2 =	rddreg [dreg:$0x1]  }
0x8f: {  	s2 =	sadd.s32 @!p0 s2, s23;
	s23 =	simm.s32 @!p0 $0x800  }
0x90: {  	[tilespmem:s23], [sflag:$0x1] =	stream.linear.gather @!p0 [hbm4b:s2+s18], $0x400, $0x38;
	[tilespmem:$0x1D000] =	vst v63  }
0x91: {  	s2 =	simm.s32 @!p0 $0x1  }
0x92: {  	_ =	swait.ge @!p0 [sflag:s2], $0x400  }
0x93: {  	[sflag:s2] =	ssyncset.done @!p0 $0x0  }
0x94: {  	[sflag:s2] =	ssyncadd.s32 @!p0 $0xFFFFFC00  }
0x95: {  	_ =	swait.ge @!p0 [sflag:s2], $0x400  }
0x96: {  	[sflag:s2] =	ssyncset.done @!p0 $0x0  }
0x97: {  	s23 =	simm.s32 $0x480;
	[sflag:s2] =	ssyncadd.s32 @!p0 $0xFFFFFC00  }
0x98: {  	[tilespmem:s28], [sflag:$0x4] =	stream.indirect.gather [hbm4b:s5+s24], $0x80, s23, s24, $0xb8;
	[tilespmem:$0x1D000] =	vst v63  }
0x99: {  	_ =	swait.ge [sflag:s29], $0x4000  }
0x9a: {  	[sflag:s29] =	ssyncset.done $0x0  }
0x9b: {  	[sflag:s29] =	ssyncadd.s32 $0xFFFFC000  }
0x9c: {  	[spmem:s3] =	stream.indirect.scatter.add.f32 [tilespmem:s25], [sflag:$0x5], $0x80, s20, s24, $0xb8;
	[tilespmem:$0x1D000] =	vst v63  }
0x9d: {  	_ =	swait.ge [sflag:s22], $0x4000  }
0x9e: {  	[sflag:s22] =	ssyncset.done $0x0  }
0x9f: {  	s18 =	simm.s32 $0x500;
	[sflag:s22] =	ssyncadd.s32 $0xFFFFC000  }
0xa0: {  	[tilespmem:s25], [sflag:$0x3] =	stream.indirect.gather [hbm4b:s5+s24], $0x80, s18, s24, $0xb8;
	[tilespmem:$0x1D000] =	vst v63  }
0xa1: {  	_ =	swait.ge [sflag:s31], $0x4000  }
0xa2: {  	[sflag:s31] =	ssyncset.done $0x0  }
0xa3: {  	s23 =	simm.s32 $0xC80;
	[sflag:s31] =	ssyncadd.s32 $0xFFFFC000  }
0xa4: {  	[spmem:s3] =	stream.indirect.scatter.add.f32 [tilespmem:s28], [sflag:$0x5], $0x80, s23, s24, $0xb8;
	[tilespmem:$0x1D000] =	vst v63  }
0xa5: {  	_ =	swait.ge [sflag:s22], $0x4000  }
0xa6: {  	[sflag:s22] =	ssyncset.done $0x0  }
0xa7: {  	[sflag:s22] =	ssyncadd.s32 $0xFFFFC000  }
0xa8: {  	[tilespmem:s28], [sflag:$0x4] =	stream.indirect.gather [hbm4b:s5+s24], $0x80, s30, s24, $0xb8;
	[tilespmem:$0x1D000] =	vst v63  }
0xa9: {  	_ =	swait.ge [sflag:s29], $0x4000  }
0xaa: {  	[sflag:s29] =	ssyncset.done $0x0  }
0xab: {  	[sflag:s29] =	ssyncadd.s32 $0xFFFFC000  }
0xac: {  	[spmem:s3] =	stream.indirect.scatter.add.f32 [tilespmem:s25], [sflag:$0x5], $0x80, s0, s24, $0xb8;
	[tilespmem:$0x1D000] =	vst v63  }
0xad: {  	_ =	swait.ge [sflag:s22], $0x4000  }
0xae: {  	[sflag:s22] =	ssyncset.done $0x0  }
0xaf: {  	[sflag:s22] =	ssyncadd.s32 $0xFFFFC000  }
0xb0: {  	[tilespmem:s25], [sflag:$0x3] =	stream.indirect.gather [hbm4b:s5+s24], $0x80, s1, s24, $0xb8;
	[tilespmem:$0x1D000] =	vst v63  }
0xb1: {  	_ =	swait.ge [sflag:s31], $0x4000  }
0xb2: {  	[sflag:s31] =	ssyncset.done $0x0  }
0xb3: {  	[sflag:s31] =	ssyncadd.s32 $0xFFFFC000  }
0xb4: {  	[spmem:s3] =	stream.indirect.scatter.add.f32 [tilespmem:s28], [sflag:$0x5], $0x80, s7, s24, $0xb8;
	[tilespmem:$0x1D000] =	vst v63  }
0xb5: {  	_ =	swait.ge [sflag:s22], $0x4000  }
0xb6: {  	[sflag:s22] =	ssyncset.done $0x0  }
0xb7: {  	[sflag:s22] =	ssyncadd.s32 $0xFFFFC000  }
0xb8: {  	[tilespmem:s28], [sflag:$0x4] =	stream.indirect.gather [hbm4b:s5+s24], $0x80, s8, s24, $0xb8;
	[tilespmem:$0x1D000] =	vst v63  }
0xb9: {  	_ =	swait.ge [sflag:s29], $0x4000  }
0xba: {  	[sflag:s29] =	ssyncset.done $0x0  }
0xbb: {  	[sflag:s29] =	ssyncadd.s32 $0xFFFFC000  }
0xbc: {  	[spmem:s3] =	stream.indirect.scatter.add.f32 [tilespmem:s25], [sflag:$0x5], $0x80, s9, s24, $0xb8;
	[tilespmem:$0x1D000] =	vst v63  }
0xbd: {  	_ =	swait.ge [sflag:s22], $0x4000  }
0xbe: {  	[sflag:s22] =	ssyncset.done $0x0  }
0xbf: {  	[sflag:s22] =	ssyncadd.s32 $0xFFFFC000  }
0xc0: {  	[tilespmem:s25], [sflag:$0x3] =	stream.indirect.gather [hbm4b:s5+s24], $0x80, s10, s24, $0xb8;
	[tilespmem:$0x1D000] =	vst v63  }
0xc1: {  	_ =	swait.ge [sflag:s31], $0x4000  }
0xc2: {  	[sflag:s31] =	ssyncset.done $0x0  }
0xc3: {  	[sflag:s31] =	ssyncadd.s32 $0xFFFFC000  }
0xc4: {  	[spmem:s3] =	stream.indirect.scatter.add.f32 [tilespmem:s28], [sflag:$0x5], $0x80, s11, s24, $0xb8;
	[tilespmem:$0x1D000] =	vst v63  }
0xc5: {  	_ =	swait.ge [sflag:s22], $0x4000  }
0xc6: {  	[sflag:s22] =	ssyncset.done $0x0  }
0xc7: {  	[sflag:s22] =	ssyncadd.s32 $0xFFFFC000  }
0xc8: {  	[tilespmem:s28], [sflag:$0x4] =	stream.indirect.gather [hbm4b:s5+s24], $0x80, s13, s24, $0xb8;
	[tilespmem:$0x1D000] =	vst v63  }
0xc9: {  	_ =	swait.ge [sflag:s29], $0x4000  }
0xca: {  	[sflag:s29] =	ssyncset.done $0x0  }
.Ltmp2:
0xcb: {  	[sflag:s29] =	ssyncadd.s32 $0xFFFFC000;
	(pc) =	sbr.rel @p0 .LBB2_4-.Ltmp2, $4  }
0xcc: {  	[spmem:s3] =	stream.indirect.scatter.add.f32 [tilespmem:s25], [sflag:$0x5], $0x80, s14, s24, $0xb8;
	[tilespmem:$0x1D000] =	vst v63  }
0xcd: {  	_ =	swait.ge [sflag:s22], $0x4000  }
0xce: {  	[sflag:s22] =	ssyncset.done $0x0  }
0xcf: {  	[sflag:s22] =	ssyncadd.s32 $0xFFFFC000  }
0xd0: {  	[tilespmem:s25], [sflag:$0x3] =	stream.indirect.gather [hbm4b:s5+s24], $0x80, s4, s24, $0xb8;
	[tilespmem:$0x1D000] =	vst v63  }
0xd1: {  	_ =	swait.ge [sflag:s31], $0x4000  }
0xd2: {  	[sflag:s31] =	ssyncset.done $0x0  }
0xd3: {  	[sflag:s31] =	ssyncadd.s32 $0xFFFFC000  }
0xd4: {  	[spmem:s3] =	stream.indirect.scatter.add.f32 [tilespmem:s28], [sflag:$0x5], $0x80, s17, s24, $0xb8;
	[tilespmem:$0x1D000] =	vst v63  }
0xd5: {  	_ =	swait.ge [sflag:s22], $0x4000  }
.Ltmp3:
0xd6: {  	[sflag:s22] =	ssyncset.done $0x0;
	(pc) =	sbr.rel .LBB2_2-.Ltmp3, $4  }
0xd7: {  	s2 =	sadd.s32 s21, s16;
	[sflag:s22] =	ssyncadd.s32 $0xFFFFC000  }
0xd8: {  	[tilespmem:s19], [sflag:$0x2] =	stream.linear.gather [hbm4b:s2+s4], $0x400, $0x38;
	[tilespmem:$0x1D000] =	vst v63  }
0xd9: {  	s23 =	sadd.s32 s21, s15;
	s21 =	sadd.s32 $0x100, s21;
	s12 =	sadd.s32 $0x800, s12  }
0xda: {  	[tilespmem:s20], [sflag:$0x2] =	stream.linear.gather [hbm4b:s23+s4], $0x400, $0x38;
	[tilespmem:$0x1D000] =	vst v63  }
.LBB2_5:
0xdb: {  	_ =	sfence.sel $0x180000  }
0xdc: {  	[bflag:$0x0] =	sbarrier.arrive $0xFFFF  }
0xdd: {  	_ =	strace $0x9000004A  }
0xde: {  	s0 =	stileid.u32;
	[bflag:$0x2] =	sbarrier.arrive $0xFFFF  }
0xdf: {  	p0 =	sne.s32 s0, $0x0;
	s0 =	rddreg [dreg:$0x3]  }
0xe0: {  	s0 =	sadd.s32 @!p0 $0x100000, s0  }
0xe1: {  	[sflag:s0] =	ssyncadd.tile.s32 @!p0 $0x1;
	_ =	shalt  }
.Lfunc_end2:
_tile_overlayer_lowered:
.L_overlay_start_2:
0xe2: {  	(tag) =	ssettag $0x2  }
0xe3: {  	s0 =	rddreg [dreg:$0x0];
	s2 =	stileid.u32  }
0xe4: {  	s1 =	rddreg [dreg:$0x1];
	p0 =	sne.s32 s2, $0x0  }
0xe5: {  	s3 =	rddreg [dreg:$0x2];
	[bflag:$0x3] =	sbarrier.arrive $0xFFFF;
	s2 =	simm.s32 @!p0 $0x1C05  }
0xe6: {  	[timem:s3], [sflag:s2] =	dma.local @!p0 [hbm:s0], s1  }
0xe7: {  	s0 =	simm.s32 @!p0 $0x5  }
0xe8: {  	_ =	swait.ge @!p0 [sflag:s0], s1  }
0xe9: {  	s1 =	ssub.s32 @!p0 $0x0, s1;
	[sflag:s0] =	ssyncset.done @!p0 $0x0  }
0xea: {  	[sflag:s0] =	ssyncadd.s32 @!p0 s1  }
0xeb: {  	[bflag:$0x3] =	sbarrier.arrive $0xFFFF  }
0xec: {  	_ =	shalt  }

// kernel: kernel.14.cloned.1.call-start
scs
__scs_entry_jumppad:
0x0: {  	(pc) =	sbr.rel $0x88, $3  }
0x1: {  	(tag) =	ssettag $0x0;
	lr =	simm.s32 $0x1  }
0x2: {  	[smem:$0x3F99] =	sst lr;
	_ =	strace $0xD0000000  }
0x3: {  	_ = 	snop  }
0x4: {  	_ = 	snop  }
0x5: {  	_ = 	snop  }
0x6: {  	_ = 	snop  }
0x7: {  	_ = 	snop  }
__scs_overlays_trampoline_lowered:
0x8: {  	[smem:$0x3FA8] =	sst s0  }
0x9: {  	[smem:$0x3FA9] =	sst s1  }
0xa: {  	[smem:$0x3FAA] =	sst s2  }
0xb: {  	[smem:$0x3FAB] =	sst s3  }
0xc: {  	[smem:$0x3FAC] =	sst s4  }
0xd: {  	[smem:$0x3FAD] =	sst s5  }
0xe: {  	[smem:$0x3FAE] =	sst s6  }
0xf: {  	[smem:$0x3FAF] =	sst s7  }
0x10: {  	[smem:$0x3FB0] =	sst s8  }
0x11: {  	[smem:$0x3FB1] =	sst s9;
	s0 =	simm.s32 @!p0 $0x0  }
0x12: {  	s1 =	sld [smem:$0x3F97];
	s0 =	simm.s32 @p0 $0x1  }
0x13: {  	[smem:$0x3FB2] =	sst s0;
	s0 =	simm.s32 @!p1 $0x0  }
0x14: {  	s2 =	sld [smem:$0x3F96];
	s0 =	simm.s32 @p1 $0x1  }
0x15: {  	[smem:$0x3FB3] =	sst s0;
	s0 =	simm.s32 @!p2 $0x0  }
0x16: {  	s3 =	sld [smem:$0x3FDB];
	s0 =	simm.s32 @p2 $0x1  }
0x17: {  	s4 =	simm.s32 $0x1BF5;
	[smem:$0x3FB5] =	sst s0  }
0x18: {  	s0 =	sld [smem:$0x3F98];
	_ =	swait.ge [sflag:s4], $0x0  }
0x19: {  	s7 =	sld [smem:$0x3F99]  }
0x1a: {  	s8 =	sadd.s32 $0xFFFFE003, lr  }
0x1b: {  	s9 =	sadd.s32 $0xFFFFFEF7, lr;
	s5 =	simm.s32 $0xFFFFFFFF;
	p2 =	slt.u32 s8, $0xFFFFF086  }
0x1c: {  	p1 =	slt.u32 s9, $0xF7A;
	s5 =	simm.s32 @!p2 $0x0  }
0x1d: {  	s5 =	simm.s32 @p1 $0x1;
	p0 =	seq.s32 s7, s2  }
0x1e: {  	s7 =	smul.u32 @!p0 $0xF7A, s2;
	p2 =	seq.s32 @!p0 s5, $0x0  }
0x1f: {  	s9 =	smul.u32 $0xF7A, s1;
	s8 =	simm.s32 @!p0 $0x1BF5;
	p2 =	por !p2, p0  }
0x20: {  	[sflag:s8] =	ssyncset.s32 @!p0 $0xFFFFF086;
	s6 =	sadd.s32 @!p0 s3, s7;
	s7 =	simm.s32 @!p0 $0x108  }
0x21: {  	s3 =	sadd.s32 s3, s9;
	s6 =	sadd.s32 @!p0 $0x88, s6;
	s7 =	simm.s32 @p2 $0x1082  }
0x22: {  	[simem:s7], [sflag:s8] =	dma.local @!p0 [hbm:s6], $0xF7A  }
0x23: {  	s9 =	sor.u32 $0xD0000000, s2;
	s6 =	simm.s32 $0x108;
	_ =	swait.ge @!p0 [sflag:s8], $0x0  }
0x24: {  	s3 =	sadd.s32 $0x88, s3;
	s6 =	simm.s32 @!p1 $0x1082;
	[sflag:s4] =	ssyncset.s32 $0xFFFFF086  }
0x25: {  	[simem:s6], [sflag:s4] =	dma.local [hbm:s3], $0xF7A  }
0x26: {  	[smem:$0x3F99] =	sst s1;
	(tag) =	ssettag s2;
	_ =	strace s9  }
0x27: {  	s1 =	sld [smem:$0x3FA9]  }
0x28: {  	s2 =	sld [smem:$0x3FAA]  }
0x29: {  	s4 =	sld [smem:$0x3FAC]  }
0x2a: {  	p0 =	seq.s32 s5, $0x0;
	s5 =	sld [smem:$0x3FAD]  }
0x2b: {  	s6 =	sld [smem:$0x3FAE]  }
0x2c: {  	s7 =	sld [smem:$0x3FAF]  }
0x2d: {  	s3 =	simm.s32 $0x108;
	s8 =	sld [smem:$0x3FB0]  }
0x2e: {  	s3 =	simm.s32 @!p0 $0x1082;
	s9 =	sld [smem:$0x3FB1]  }
0x2f: {  	lr =	sadd.s32 s0, s3;
	s0 =	sld [smem:$0x3FA8]  }
0x30: {  	s3 =	sld [smem:$0x3FAB]  }
0x31: {  	[smem:$0x3FB4] =	sst s10  }
0x32: {  	s10 =	sld [smem:$0x3FB2];
	_ =	sdelay $0x3  }
0x33: {  	p0 =	seq.s32 s10, $0x1;
	s10 =	sld [smem:$0x3FB4];
	_ =	sdelay $0x3  }
0x34: {  	[smem:$0x3FB4] =	sst s10  }
0x35: {  	s10 =	sld [smem:$0x3FB3];
	_ =	sdelay $0x3  }
0x36: {  	p1 =	seq.s32 s10, $0x1;
	s10 =	sld [smem:$0x3FB4];
	_ =	sdelay $0x3  }
0x37: {  	[smem:$0x3FB4] =	sst s10  }
0x38: {  	s10 =	sld [smem:$0x3FB5]  }
0x39: {  	_ = 	snop;
	(pc) =	sbr.ind lr, $3  }
0x3a: {  	_ = 	snop  }
0x3b: {  	_ = 	snop  }
0x3c: {  	p2 =	seq.s32 s10, $0x1;
	s10 =	sld [smem:$0x3FB4]  }
0x3d: {  	_ =	shalt  }
0x3e: {  	_ =	shalt  }
0x3f: {  	_ =	shalt  }
0x40: {  	_ =	shalt  }
0x41: {  	_ =	shalt  }
0x42: {  	_ =	shalt  }
0x43: {  	_ =	shalt  }
0x44: {  	_ =	shalt  }
0x45: {  	_ =	shalt  }
0x46: {  	_ =	shalt  }
0x47: {  	_ =	shalt  }
0x48: {  	_ =	shalt  }
0x49: {  	_ =	shalt  }
0x4a: {  	_ =	shalt  }
0x4b: {  	_ =	shalt  }
0x4c: {  	_ =	shalt  }
0x4d: {  	_ =	shalt  }
0x4e: {  	_ =	shalt  }
0x4f: {  	_ =	shalt  }
0x50: {  	_ =	shalt  }
0x51: {  	_ =	shalt  }
0x52: {  	_ =	shalt  }
0x53: {  	_ =	shalt  }
0x54: {  	_ =	shalt  }
0x55: {  	_ =	shalt  }
0x56: {  	_ =	shalt  }
0x57: {  	_ =	shalt  }
0x58: {  	_ =	shalt  }
0x59: {  	_ =	shalt  }
0x5a: {  	_ =	shalt  }
0x5b: {  	_ =	shalt  }
0x5c: {  	_ =	shalt  }
0x5d: {  	_ =	shalt  }
0x5e: {  	_ =	shalt  }
0x5f: {  	_ =	shalt  }
0x60: {  	_ =	shalt  }
0x61: {  	_ =	shalt  }
0x62: {  	_ =	shalt  }
0x63: {  	_ =	shalt  }
0x64: {  	_ =	shalt  }
0x65: {  	_ =	shalt  }
0x66: {  	_ =	shalt  }
0x67: {  	_ =	shalt  }
0x68: {  	_ =	shalt  }
0x69: {  	_ =	shalt  }
0x6a: {  	_ =	shalt  }
0x6b: {  	_ =	shalt  }
0x6c: {  	_ =	shalt  }
0x6d: {  	_ =	shalt  }
0x6e: {  	_ =	shalt  }
0x6f: {  	_ =	shalt  }
0x70: {  	_ =	shalt  }
0x71: {  	_ =	shalt  }
0x72: {  	_ =	shalt  }
0x73: {  	_ =	shalt  }
0x74: {  	_ =	shalt  }
0x75: {  	_ =	shalt  }
0x76: {  	_ =	shalt  }
0x77: {  	_ =	shalt  }
0x78: {  	_ =	shalt  }
0x79: {  	_ =	shalt  }
0x7a: {  	_ =	shalt  }
0x7b: {  	_ =	shalt  }
0x7c: {  	_ =	shalt  }
0x7d: {  	_ =	shalt  }
0x7e: {  	_ =	shalt  }
0x7f: {  	_ =	shalt  }
0x80: {  	_ =	shalt  }
0x81: {  	_ =	shalt  }
0x82: {  	_ =	shalt  }
0x83: {  	_ =	shalt  }
0x84: {  	_ =	shalt  }
0x85: {  	_ =	shalt  }
0x86: {  	_ =	shalt  }
0x87: {  	_ =	shalt  }
.Lfunc_end0:
.L_simem_size_0:
called_computation.2_lowered:
.L_overlay_start_0:
0x88: {  	s2 =	sld [smem:$0x3FD9]  }
0x89: {  	s3 =	sld [smem:$0x3FFE];
	_ =	sdelay $0x1  }
0x8a: {  	s1 =	srdreg.scid  }
0x8b: {  	s0 =	sand.u32 $0x1, s1  }
0x8c: {  	s17 =	sshll.u32 s0, $0xA;
	s2 =	sadd.s32 s3, s2  }
0x8d: {  	s2 =	sadd.s32 s2, s17  }
0x8e: {  	[smem:$0x3FC0] =	sst s2  }
0x8f: {  	_ = 	snop  }
0x90: {  	s2 =	sld [smem:$0x3FD0];
	(tm) =	ssettm $0x1  }
0x91: {  	s18 =	sld [smem:$0x3FFB];
	_ =	sdelay $0x3  }
0x92: {  	_ =	strace s18  }
0x93: {  	s3 =	sld [smem:$0x3FFC];
	_ =	sdelay $0x3  }
0x94: {  	_ =	strace s3  }
0x95: {  	s3 =	sld [smem:$0x3FFD];
	_ =	sdelay $0x3  }
0x96: {  	_ =	strace s3  }
0x97: {  	_ =	strace $0x8FFFFFFF  }
0x98: {  	s19 =	sld [smem:$0x3FDB];
	_ =	sdelay $0x1  }
0x99: {  	s4 =	simm.s32 $_scs_section_size  }
0x9a: {  	s5 =	simm.s32 $_size__tile_overlayer_lowered;
	s6 =	simm.s32 $_tile_overlayer_lowered  }
0x9b: {  	s22 =	simm.s32 $0x1BFF;
	s21 =	sshll.u32 s6, $0x1;
	s3 =	sadd.s32 s4, s19  }
0x9c: {  	s7 =	simm.s32 $0x0;
	s20 =	sshll.u32 s5, $0x1;
	s5 =	sadd.s32 s21, s3  }
0x9d: {  	[timem:s7], [sflag:s22] =	dma.local [hbm:s5], s20  }
0x9e: {  	_ =	swait.ge [sflag:s22], s20  }
0x9f: {  	s4 =	ssub.s32 $0x0, s20;
	[sflag:s22] =	ssyncset.done $0x0  }
0xa0: {  	[sflag:s22] =	ssyncadd.s32 s4;
	_ =	sdelay $0x1  }
0xa1: {  	s23 =	simm.s32 $0x1B8B  }
0xa2: {  	_ =	swait.ge [sflag:s23], $0x1  }
0xa3: {  	[sflag:s23] =	ssyncset.done $0x0  }
0xa4: {  	s25 =	simm.s32 $0x1B8E;
	s24 =	sld [smem:$0x3FFE];
	[sflag:s23] =	ssyncadd.s32 $0xFFFFFFFF  }
0xa5: {  	s26 =	simm.s32 $execute0_lowered;
	[smem:$0x3FD2] =	sst s25  }
0xa6: {  	s5 =	sshll.u32 s26, $0x1;
	_ =	strace $0x8000004C;
	[dreg:$0x1] =	wrdreg $0xFFFFFFFF  }
0xa7: {  	s28 =	simm.s32 $_size_execute0_lowered;
	s3 =	sadd.s32 s3, s5;
	[dreg:$0x0] =	wrdreg $0x0  }
0xa8: {  	s5 =	sshll.u32 s28, $0x1;
	[dreg:$0x2] =	wrdreg s3  }
0xa9: {  	[dreg:$0x3] =	wrdreg s5  }
0xaa: {  	[dreg:$0x4] =	wrdreg $0xC0  }
0xab: {  	_ =	task [dreg:s7], $0x5FFFF  }
0xac: {  	[dreg:$0x1] =	wrdreg $0xFFFFFFFF  }
0xad: {  	[dreg:$0x0] =	wrdreg $0x60  }
0xae: {  	[dreg:$0x2] =	wrdreg s24  }
0xaf: {  	[dreg:$0x3] =	wrdreg s2  }
0xb0: {  	[dreg:$0x4] =	wrdreg $0x90000  }
0xb1: {  	[dreg:$0x5] =	wrdreg $0x9  }
0xb2: {  	_ =	task.clear_ibuf [dreg:s7], $0x6FFFF;
	_ =	strace $0x9000004C  }
0xb3: {  	s29 =	simm.s32 $0x9;
	_ =	strace $0x8000004E  }
0xb4: {  	_ =	swait.ge [sflag:s29], $0x1  }
0xb5: {  	[sflag:s29] =	ssyncadd.s32 $0xFFFFFFFF  }
0xb6: {  	_ =	strace $0x9000004E  }
0xb7: {  	_ =	sfence  }
0xb8: {  	s30 =	sld [smem:$0x0];
	_ =	sdelay $0x2  }
0xb9: {  	s31 =	sshll.u32 s1, $0xD;
	s1 =	sshrl.u32 s1, $0x2  }
0xba: {  	s3 =	sand.u32 $0x4000, s31;
	s1 =	sadd.s32 s1, s30  }
0xbb: {  	s0 =	sor.u32 s3, s0;
	s1 =	sshll.u32 s1, $0x11  }
0xbc: {  	s0 =	sor.u32 s1, s0  }
0xbd: {  	s0 =	sadd.s32 $0x8F2B, s0  }
0xbe: {  	[sflag:s0] =	ssyncadd.remote.s32 $0x1  }
0xbf: {  	_ =	sfence.sel $0xFFFF  }
0xc0: {  	[dreg:$0x0] =	wrdreg $0xFFFFFFFF;
	(pc) =	sbr.abs _section_cstart, $3  }
0xc1: {  	[dreg:$0x1] =	wrdreg $0xFFFFFFFF  }
0xc2: {  	_ =	task.clear_ibuf [dreg:s7], $0x2FFFF;
	_ =	strace $0x9FFFFFFF  }
0xc3: {  	(tm) =	ssettm $0x7FFFFFFF  }
tec
execute0_lowered:
.L_overlay_start_1:
0x0: {  	(tag) =	ssettag $0x1  }
0x1: {  	s0 =	rddreg [dreg:$0x0]  }
0x2: {  	s13 =	rddreg [dreg:$0x1]  }
0x3: {  	s3 =	rddreg [dreg:$0x2]  }
0x4: {  	s1 =	srdreg.scid;
	s12 =	stileid.u32;
	s4 =	simm.s32 $0x0  }
0x5: {  	s28 =	simm.s32 $0x5000;
	s29 =	simm.s32 $0x3;
	s31 =	simm.s32 $0x4  }
0x6: {  	s30 =	simm.s32 $0x580;
	s14 =	simm.s32 $0xF00;
	s2 =	smul.u32 $0x14000, s12  }
0x7: {  	s1 =	sand.u32 $0x1, s1;
	[smem:$0x7FF] =	sst s4;
	s10 =	smul.u32 $0x50000, s12  }
0x8: {  	s5 =	sadd.s32 $0x5CE00, s0;
	s6 =	sadd.s32 $0x2E00, s0;
	s11 =	smul.u32 $0x2800, s12  }
0x9: {  	s22 =	sshll.u32 s12, $0x6;
	s7 =	smul.u32 $0x140000, s1;
	_ =	strace $0x8000004D  }
0xa: {  	s8 =	sshll.u32 s1, $0x4;
	s9 =	ssub.s32 $0x2, s1;
	s1 =	smul.u32 $0x28000, s1  }
0xb: {  	s8 =	sor.u32 s12, s8;
	s17 =	sshrl.u32 s9, $0x1;
	s21 =	sshrl.u32 s10, $0x2  }
0xc: {  	s12 =	sor.u32 $0x1C05, s22;
	s22 =	simm.s32 $0x5;
	s10 =	simm.s32 $0x700  }
0xd: {  	s7 =	sadd.s32 s2, s7;
	s8 =	smul.u32 $0x2800, s8;
	s1 =	sadd.s32 s11, s1  }
0xe: {  	s2 =	sshrl.u32 s2, $0x3;
	s11 =	simm.s32 $0xE80;
	[dreg:$0x9] =	wrdreg s12  }
0xf: {  	s7 =	sshrl.u32 s7, $0x3;
	s23 =	sadd.s32 $0xC00, s1;
	s2 =	sadd.s32 s5, s2  }
0x10: {  	s26 =	sadd.s32 $0x800, s1;
	s1 =	simm.s32 $0x600;
	s0 =	sadd.s32 s7, s0  }
0x11: {  	s7 =	ssub.s32 s9, s17;
	s8 =	sshrl.u32 s8, $0x3;
	[dreg:$0x8] =	wrdreg s2  }
0x12: {  	s24 =	sshrl.u32 s23, $0x3;
	[dreg:$0xc] =	wrdreg s26;
	s26 =	simm.s32 $0x2  }
0x13: {  	s17 =	simm.s32 $0xF80;
	s18 =	sadd.s32 s6, s8;
	s19 =	sor.u32 $0x80, s8  }
0x14: {  	s8 =	sadd.s32 s13, s8;
	s0 =	sadd.s32 $0x84E00, s0;
	s25 =	smax.u32 s7, $0x1  }
0x15: {  	s15 =	sadd.s32 s24, s13;
	s16 =	sadd.s32 s24, s6;
	[dreg:$0x4] =	wrdreg s18  }
0x16: {  	s24 =	simm.s32 $0x80;
	s7 =	simm.s32 $0xD80;
	[dreg:$0x5] =	wrdreg s8  }
0x17: {  	s20 =	sadd.s32 s6, s19;
	s9 =	sadd.s32 s13, s19;
	[dreg:$0xa] =	wrdreg s0  }
.Ltmp0:
0x18: {  	s8 =	sadd.s32 s21, s3;
	[dreg:$0xb] =	wrdreg s25;
	(pc) =	sbr.rel .LBB2_1-.Ltmp0, $4  }
0x19: {  	s19 =	simm.s32 $0x400;
	s25 =	simm.s32 $0x1000;
	s0 =	simm.s32 $0xD00  }
0x1a: {  	s13 =	simm.s32 $0x780;
	s18 =	simm.s32 $0x0;
	[dreg:$0x6] =	wrdreg s20  }
0x1b: {  	[dreg:$0x7] =	wrdreg s9;
	s20 =	simm.s32 $0xC00;
	s21 =	sshrl.u32 s8, $0x3  }
0x1c: {  	s8 =	simm.s32 $0x680;
	s9 =	simm.s32 $0xE00;
	[dreg:$0xd] =	wrdreg s21  }
.LBB2_4:
0x1d: {  	_ =	swait.ge [sflag:s31], $0x4000  }
0x1e: {  	[sflag:s31] =	ssyncset.done $0x0  }
0x1f: {  	[sflag:s31] =	ssyncadd.s32 $0xFFFFC000  }
0x20: {  	[spmem:s3] =	stream.indirect.scatter.add.f32 [tilespmem:s28], [sflag:$0x5], $0x80, s17, s24, $0xb8;
	[tilespmem:$0x1D000] =	vst v63  }
0x21: {  	_ =	swait.ge [sflag:s22], $0x4000  }
0x22: {  	[sflag:s22] =	ssyncset.done $0x0  }
0x23: {  	[sflag:s22] =	ssyncadd.s32 $0xFFFFC000  }
0x24: {  	[bflag:$0x0] =	sbarrier.arrive $0xFFFF  }
0x25: {  	s12 =	rddreg [dreg:$0x9]  }
0x26: {  	s2 =	rddreg [dreg:$0xa]  }
0x27: {  	s21 =	rddreg [dreg:$0xd]  }
0x28: {  	[hbm:s2], [sflag:s12] =	dma.local [spmem:s21], $0x2800  }
0x29: {  	_ =	swait.ge [sflag:s22], $0x2800  }
0x2a: {  	s18 =	rddreg [dreg:$0xe]  }
0x2b: {  	s23 =	rddreg [dreg:$0xb];
	s18 =	sadd.s32 $0x1, s18  }
0x2c: {  	p0 =	sne.s32 s18, s23  }
.Ltmp1:
0x2d: {  	_ = 	snop;
	(pc) =	sbr.rel @!p0 .LBB2_5-.Ltmp1, $3  }
0x2e: {  	_ =	sdelay $0x1  }
0x2f: {  	[sflag:s22] =	ssyncset.done $0x0  }
0x30: {  	[sflag:s22] =	ssyncadd.s32 $0xFFFFD800  }
.LBB2_1:
0x31: {  	[dreg:$0xe] =	wrdreg s18  }
0x32: {  	s2 =	rddreg [dreg:$0x4]  }
0x33: {  	[tilespmem:s4], [sflag:$0x1] =	stream.linear.gather [hbm4b:s2+s4], $0x400, $0x38;
	[tilespmem:$0x1D000] =	vst v63  }
0x34: {  	s18 =	rddreg [dreg:$0x5];
	s23 =	simm.s32 $0x800  }
0x35: {  	[tilespmem:s23], [sflag:$0x1] =	stream.linear.gather [hbm4b:s18+s4], $0x400, $0x38;
	[tilespmem:$0x1D000] =	vst v63  }
0x36: {  	s18 =	rddreg [dreg:$0x6]  }
0x37: {  	s23 =	rddreg [dreg:$0x7]  }
0x38: {  	[tilespmem:s19], [sflag:$0x2] =	stream.linear.gather [hbm4b:s18+s4], $0x400, $0x38;
	[tilespmem:$0x1D000] =	vst v63  }
0x39: {  	s18 =	rddreg [dreg:$0x8]  }
0x3a: {  	[tilespmem:s20], [sflag:$0x2] =	stream.linear.gather [hbm4b:s23+s4], $0x400, $0x38;
	[tilespmem:$0x1D000] =	vst v63  }
0x3b: {  	[spmem:s21], [sflag:s12] =	dma.local [hbm:s18], $0x2800  }
0x3c: {  	_ =	swait.ge [sflag:s22], $0x2800  }
0x3d: {  	[sflag:s22] =	ssyncset.done $0x0  }
0x3e: {  	[sflag:s22] =	ssyncadd.s32 $0xFFFFD800  }
0x3f: {  	s23 =	simm.s32 $0x1;
	[bflag:$0x0] =	sbarrier.arrive $0xFFFF  }
0x40: {  	_ =	swait.ge [sflag:s23], $0x400  }
0x41: {  	[sflag:s23] =	ssyncset.done $0x0  }
0x42: {  	[sflag:s23] =	ssyncadd.s32 $0xFFFFFC00  }
0x43: {  	_ =	swait.ge [sflag:s23], $0x400  }
0x44: {  	[sflag:s23] =	ssyncset.done $0x0  }
0x45: {  	s21 =	simm.s32 $0x0;
	s12 =	rddreg [dreg:$0xc];
	[sflag:s23] =	ssyncadd.s32 $0xFFFFFC00  }
0x46: {  	[tilespmem:s25], [sflag:$0x3] =	stream.indirect.gather [hbm4b:s5+s24], $0x80, s4, s24, $0xb8;
	[tilespmem:$0x1D000] =	vst v63  }
.LBB2_2:
0x47: {  	_ =	swait.ge [sflag:s26], $0x400  }
0x48: {  	[sflag:s26] =	ssyncset.done $0x0  }
0x49: {  	[sflag:s26] =	ssyncadd.s32 $0xFFFFFC00  }
0x4a: {  	_ =	swait.ge [sflag:s26], $0x400  }
0x4b: {  	[sflag:s26] =	ssyncset.done $0x0  }
0x4c: {  	[sflag:s26] =	ssyncadd.s32 $0xFFFFFC00  }
0x4d: {  	[tilespmem:s28], [sflag:$0x4] =	stream.indirect.gather [hbm4b:s5+s24], $0x80, s24, s24, $0xb8;
	[tilespmem:$0x1D000] =	vst v63  }
0x4e: {  	_ =	swait.ge [sflag:s29], $0x4000  }
0x4f: {  	[sflag:s29] =	ssyncset.done $0x0  }
0x50: {  	s2 =	simm.s32 $0x800;
	[sflag:s29] =	ssyncadd.s32 $0xFFFFC000  }
0x51: {  	[spmem:s3] =	stream.indirect.scatter.add.f32 [tilespmem:s25], [sflag:$0x5], $0x80, s2, s24, $0xb8;
	[tilespmem:$0x1D000] =	vst v63  }
0x52: {  	_ =	swait.ge [sflag:s22], $0x4000  }
0x53: {  	[sflag:s22] =	ssyncset.done $0x0  }
0x54: {  	s18 =	simm.s32 $0x100;
	[sflag:s22] =	ssyncadd.s32 $0xFFFFC000  }
0x55: {  	[tilespmem:s25], [sflag:$0x3] =	stream.indirect.gather [hbm4b:s5+s24], $0x80, s18, s24, $0xb8;
	[tilespmem:$0x1D000] =	vst v63  }
0x56: {  	_ =	swait.ge [sflag:s31], $0x4000  }
0x57: {  	[sflag:s31] =	ssyncset.done $0x0  }
0x58: {  	s23 =	simm.s32 $0x880;
	[sflag:s31] =	ssyncadd.s32 $0xFFFFC000  }
0x59: {  	[spmem:s3] =	stream.indirect.scatter.add.f32 [tilespmem:s28], [sflag:$0x5], $0x80, s23, s24, $0xb8;
	[tilespmem:$0x1D000] =	vst v63  }
0x5a: {  	_ =	swait.ge [sflag:s22], $0x4000  }
0x5b: {  	[sflag:s22] =	ssyncset.done $0x0  }
0x5c: {  	s18 =	simm.s32 $0x180;
	[sflag:s22] =	ssyncadd.s32 $0xFFFFC000  }
0x5d: {  	[tilespmem:s28], [sflag:$0x4] =	stream.indirect.gather [hbm4b:s5+s24], $0x80, s18, s24, $0xb8;
	[tilespmem:$0x1D000] =	vst v63  }
0x5e: {  	_ =	swait.ge [sflag:s29], $0x4000  }
0x5f: {  	[sflag:s29] =	ssyncset.done $0x0  }
0x60: {  	s23 =	simm.s32 $0x900;
	[sflag:s29] =	ssyncadd.s32 $0xFFFFC000  }
0x61: {  	[spmem:s3] =	stream.indirect.scatter.add.f32 [tilespmem:s25], [sflag:$0x5], $0x80, s23, s24, $0xb8;
	[tilespmem:$0x1D000] =	vst v63  }
0x62: {  	_ =	swait.ge [sflag:s22], $0x4000  }
0x63: {  	[sflag:s22] =	ssyncset.done $0x0  }
0x64: {  	s18 =	simm.s32 $0x200;
	[sflag:s22] =	ssyncadd.s32 $0xFFFFC000  }
0x65: {  	[tilespmem:s25], [sflag:$0x3] =	stream.indirect.gather [hbm4b:s5+s24], $0x80, s18, s24, $0xb8;
	[tilespmem:$0x1D000] =	vst v63  }
0x66: {  	_ =	swait.ge [sflag:s31], $0x4000  }
0x67: {  	[sflag:s31] =	ssyncset.done $0x0  }
0x68: {  	s23 =	simm.s32 $0x980;
	[sflag:s31] =	ssyncadd.s32 $0xFFFFC000  }
0x69: {  	[spmem:s3] =	stream.indirect.scatter.add.f32 [tilespmem:s28], [sflag:$0x5], $0x80, s23, s24, $0xb8;
	[tilespmem:$0x1D000] =	vst v63  }
0x6a: {  	_ =	swait.ge [sflag:s22], $0x4000  }
0x6b: {  	[sflag:s22] =	ssyncset.done $0x0  }
0x6c: {  	s18 =	simm.s32 $0x280;
	[sflag:s22] =	ssyncadd.s32 $0xFFFFC000  }
0x6d: {  	[tilespmem:s28], [sflag:$0x4] =	stream.indirect.gather [hbm4b:s5+s24], $0x80, s18, s24, $0xb8;
	[tilespmem:$0x1D000] =	vst v63  }
0x6e: {  	_ =	swait.ge [sflag:s29], $0x4000  }
0x6f: {  	[sflag:s29] =	ssyncset.done $0x0  }
0x70: {  	s23 =	simm.s32 $0xA00;
	[sflag:s29] =	ssyncadd.s32 $0xFFFFC000  }
0x71: {  	[spmem:s3] =	stream.indirect.scatter.add.f32 [tilespmem:s25], [sflag:$0x5], $0x80, s23, s24, $0xb8;
	[tilespmem:$0x1D000] =	vst v63  }
0x72: {  	_ =	swait.ge [sflag:s22], $0x4000  }
0x73: {  	[sflag:s22] =	ssyncset.done $0x0  }
0x74: {  	s18 =	simm.s32 $0x300;
	[sflag:s22] =	ssyncadd.s32 $0xFFFFC000  }
0x75: {  	[tilespmem:s25], [sflag:$0x3] =	stream.indirect.gather [hbm4b:s5+s24], $0x80, s18, s24, $0xb8;
	[tilespmem:$0x1D000] =	vst v63  }
0x76: {  	_ =	swait.ge [sflag:s31], $0x4000  }
0x77: {  	[sflag:s31] =	ssyncset.done $0x0  }
0x78: {  	s23 =	simm.s32 $0xA80;
	[sflag:s31] =	ssyncadd.s32 $0xFFFFC000  }
0x79: {  	[spmem:s3] =	stream.indirect.scatter.add.f32 [tilespmem:s28], [sflag:$0x5], $0x80, s23, s24, $0xb8;
	[tilespmem:$0x1D000] =	vst v63  }
0x7a: {  	_ =	swait.ge [sflag:s22], $0x4000  }
0x7b: {  	[sflag:s22] =	ssyncset.done $0x0  }
0x7c: {  	s18 =	simm.s32 $0x380;
	[sflag:s22] =	ssyncadd.s32 $0xFFFFC000  }
0x7d: {  	[tilespmem:s28], [sflag:$0x4] =	stream.indirect.gather [hbm4b:s5+s24], $0x80, s18, s24, $0xb8;
	[tilespmem:$0x1D000] =	vst v63  }
0x7e: {  	_ =	swait.ge [sflag:s29], $0x4000  }
0x7f: {  	[sflag:s29] =	ssyncset.done $0x0  }
0x80: {  	s23 =	simm.s32 $0xB00;
	[sflag:s29] =	ssyncadd.s32 $0xFFFFC000  }
0x81: {  	[spmem:s3] =	stream.indirect.scatter.add.f32 [tilespmem:s25], [sflag:$0x5], $0x80, s23, s24, $0xb8;
	[tilespmem:$0x1D000] =	vst v63  }
0x82: {  	_ =	swait.ge [sflag:s22], $0x4000  }
0x83: {  	[sflag:s22] =	ssyncset.done $0x0  }
0x84: {  	[sflag:s22] =	ssyncadd.s32 $0xFFFFC000  }
0x85: {  	[tilespmem:s25], [sflag:$0x3] =	stream.indirect.gather [hbm4b:s5+s24], $0x80, s19, s24, $0xb8;
	[tilespmem:$0x1D000] =	vst v63  }
0x86: {  	_ =	swait.ge [sflag:s31], $0x4000  }
0x87: {  	[sflag:s31] =	ssyncset.done $0x0  }
0x88: {  	s18 =	simm.s32 $0xB80;
	[sflag:s31] =	ssyncadd.s32 $0xFFFFC000  }
0x89: {  	[spmem:s3] =	stream.indirect.scatter.add.f32 [tilespmem:s28], [sflag:$0x5], $0x80, s18, s24, $0xb8;
	[tilespmem:$0x1D000] =	vst v63  }
0x8a: {  	p0 =	seq.s32 s21, $0x400;
	_ =	swait.ge [sflag:s22], $0x4000  }
0x8b: {  	s23 =	sshrl.u32 @!p0 s12, $0x3;
	[sflag:s22] =	ssyncset.done $0x0  }
0x8c: {  	s2 =	sadd.s32 @!p0 s6, s23;
	s18 =	simm.s32 @!p0 $0x0;
	[sflag:s22] =	ssyncadd.s32 $0xFFFFC000  }
0x8d: {  	[tilespmem:s18], [sflag:$0x1] =	stream.linear.gather @!p0 [hbm4b:s2+s18], $0x400, $0x38;
	[tilespmem:$0x1D000] =	vst v63  }
0x8e: {  	s2 =	rddreg [dreg:$0x1]  }
0x8f: {  	s2 =	sadd.s32 @!p0 s2, s23;
	s23 =	simm.s32 @!p0 $0x800  }
0x90: {  	[tilespmem:s23], [sflag:$0x1] =	stream.linear.gather @!p0 [hbm4b:s2+s18], $0x400, $0x38;
	[tilespmem:$0x1D000] =	vst v63  }
0x91: {  	s2 =	simm.s32 @!p0 $0x1  }
0x92: {  	_ =	swait.ge @!p0 [sflag:s2], $0x400  }
0x93: {  	[sflag:s2] =	ssyncset.done @!p0 $0x0  }
0x94: {  	[sflag:s2] =	ssyncadd.s32 @!p0 $0xFFFFFC00  }
0x95: {  	_ =	swait.ge @!p0 [sflag:s2], $0x400  }
0x96: {  	[sflag:s2] =	ssyncset.done @!p0 $0x0  }
0x97: {  	s23 =	simm.s32 $0x480;
	[sflag:s2] =	ssyncadd.s32 @!p0 $0xFFFFFC00  }
0x98: {  	[tilespmem:s28], [sflag:$0x4] =	stream.indirect.gather [hbm4b:s5+s24], $0x80, s23, s24, $0xb8;
	[tilespmem:$0x1D000] =	vst v63  }
0x99: {  	_ =	swait.ge [sflag:s29], $0x4000  }
0x9a: {  	[sflag:s29] =	ssyncset.done $0x0  }
0x9b: {  	[sflag:s29] =	ssyncadd.s32 $0xFFFFC000  }
0x9c: {  	[spmem:s3] =	stream.indirect.scatter.add.f32 [tilespmem:s25], [sflag:$0x5], $0x80, s20, s24, $0xb8;
	[tilespmem:$0x1D000] =	vst v63  }
0x9d: {  	_ =	swait.ge [sflag:s22], $0x4000  }
0x9e: {  	[sflag:s22] =	ssyncset.done $0x0  }
0x9f: {  	s18 =	simm.s32 $0x500;
	[sflag:s22] =	ssyncadd.s32 $0xFFFFC000  }
0xa0: {  	[tilespmem:s25], [sflag:$0x3] =	stream.indirect.gather [hbm4b:s5+s24], $0x80, s18, s24, $0xb8;
	[tilespmem:$0x1D000] =	vst v63  }
0xa1: {  	_ =	swait.ge [sflag:s31], $0x4000  }
0xa2: {  	[sflag:s31] =	ssyncset.done $0x0  }
0xa3: {  	s23 =	simm.s32 $0xC80;
	[sflag:s31] =	ssyncadd.s32 $0xFFFFC000  }
0xa4: {  	[spmem:s3] =	stream.indirect.scatter.add.f32 [tilespmem:s28], [sflag:$0x5], $0x80, s23, s24, $0xb8;
	[tilespmem:$0x1D000] =	vst v63  }
0xa5: {  	_ =	swait.ge [sflag:s22], $0x4000  }
0xa6: {  	[sflag:s22] =	ssyncset.done $0x0  }
0xa7: {  	[sflag:s22] =	ssyncadd.s32 $0xFFFFC000  }
0xa8: {  	[tilespmem:s28], [sflag:$0x4] =	stream.indirect.gather [hbm4b:s5+s24], $0x80, s30, s24, $0xb8;
	[tilespmem:$0x1D000] =	vst v63  }
0xa9: {  	_ =	swait.ge [sflag:s29], $0x4000  }
0xaa: {  	[sflag:s29] =	ssyncset.done $0x0  }
0xab: {  	[sflag:s29] =	ssyncadd.s32 $0xFFFFC000  }
0xac: {  	[spmem:s3] =	stream.indirect.scatter.add.f32 [tilespmem:s25], [sflag:$0x5], $0x80, s0, s24, $0xb8;
	[tilespmem:$0x1D000] =	vst v63  }
0xad: {  	_ =	swait.ge [sflag:s22], $0x4000  }
0xae: {  	[sflag:s22] =	ssyncset.done $0x0  }
0xaf: {  	[sflag:s22] =	ssyncadd.s32 $0xFFFFC000  }
0xb0: {  	[tilespmem:s25], [sflag:$0x3] =	stream.indirect.gather [hbm4b:s5+s24], $0x80, s1, s24, $0xb8;
	[tilespmem:$0x1D000] =	vst v63  }
0xb1: {  	_ =	swait.ge [sflag:s31], $0x4000  }
0xb2: {  	[sflag:s31] =	ssyncset.done $0x0  }
0xb3: {  	[sflag:s31] =	ssyncadd.s32 $0xFFFFC000  }
0xb4: {  	[spmem:s3] =	stream.indirect.scatter.add.f32 [tilespmem:s28], [sflag:$0x5], $0x80, s7, s24, $0xb8;
	[tilespmem:$0x1D000] =	vst v63  }
0xb5: {  	_ =	swait.ge [sflag:s22], $0x4000  }
0xb6: {  	[sflag:s22] =	ssyncset.done $0x0  }
0xb7: {  	[sflag:s22] =	ssyncadd.s32 $0xFFFFC000  }
0xb8: {  	[tilespmem:s28], [sflag:$0x4] =	stream.indirect.gather [hbm4b:s5+s24], $0x80, s8, s24, $0xb8;
	[tilespmem:$0x1D000] =	vst v63  }
0xb9: {  	_ =	swait.ge [sflag:s29], $0x4000  }
0xba: {  	[sflag:s29] =	ssyncset.done $0x0  }
0xbb: {  	[sflag:s29] =	ssyncadd.s32 $0xFFFFC000  }
0xbc: {  	[spmem:s3] =	stream.indirect.scatter.add.f32 [tilespmem:s25], [sflag:$0x5], $0x80, s9, s24, $0xb8;
	[tilespmem:$0x1D000] =	vst v63  }
0xbd: {  	_ =	swait.ge [sflag:s22], $0x4000  }
0xbe: {  	[sflag:s22] =	ssyncset.done $0x0  }
0xbf: {  	[sflag:s22] =	ssyncadd.s32 $0xFFFFC000  }
0xc0: {  	[tilespmem:s25], [sflag:$0x3] =	stream.indirect.gather [hbm4b:s5+s24], $0x80, s10, s24, $0xb8;
	[tilespmem:$0x1D000] =	vst v63  }
0xc1: {  	_ =	swait.ge [sflag:s31], $0x4000  }
0xc2: {  	[sflag:s31] =	ssyncset.done $0x0  }
0xc3: {  	[sflag:s31] =	ssyncadd.s32 $0xFFFFC000  }
0xc4: {  	[spmem:s3] =	stream.indirect.scatter.add.f32 [tilespmem:s28], [sflag:$0x5], $0x80, s11, s24, $0xb8;
	[tilespmem:$0x1D000] =	vst v63  }
0xc5: {  	_ =	swait.ge [sflag:s22], $0x4000  }
0xc6: {  	[sflag:s22] =	ssyncset.done $0x0  }
0xc7: {  	[sflag:s22] =	ssyncadd.s32 $0xFFFFC000  }
0xc8: {  	[tilespmem:s28], [sflag:$0x4] =	stream.indirect.gather [hbm4b:s5+s24], $0x80, s13, s24, $0xb8;
	[tilespmem:$0x1D000] =	vst v63  }
0xc9: {  	_ =	swait.ge [sflag:s29], $0x4000  }
0xca: {  	[sflag:s29] =	ssyncset.done $0x0  }
.Ltmp2:
0xcb: {  	[sflag:s29] =	ssyncadd.s32 $0xFFFFC000;
	(pc) =	sbr.rel @p0 .LBB2_4-.Ltmp2, $4  }
0xcc: {  	[spmem:s3] =	stream.indirect.scatter.add.f32 [tilespmem:s25], [sflag:$0x5], $0x80, s14, s24, $0xb8;
	[tilespmem:$0x1D000] =	vst v63  }
0xcd: {  	_ =	swait.ge [sflag:s22], $0x4000  }
0xce: {  	[sflag:s22] =	ssyncset.done $0x0  }
0xcf: {  	[sflag:s22] =	ssyncadd.s32 $0xFFFFC000  }
0xd0: {  	[tilespmem:s25], [sflag:$0x3] =	stream.indirect.gather [hbm4b:s5+s24], $0x80, s4, s24, $0xb8;
	[tilespmem:$0x1D000] =	vst v63  }
0xd1: {  	_ =	swait.ge [sflag:s31], $0x4000  }
0xd2: {  	[sflag:s31] =	ssyncset.done $0x0  }
0xd3: {  	[sflag:s31] =	ssyncadd.s32 $0xFFFFC000  }
0xd4: {  	[spmem:s3] =	stream.indirect.scatter.add.f32 [tilespmem:s28], [sflag:$0x5], $0x80, s17, s24, $0xb8;
	[tilespmem:$0x1D000] =	vst v63  }
0xd5: {  	_ =	swait.ge [sflag:s22], $0x4000  }
.Ltmp3:
0xd6: {  	[sflag:s22] =	ssyncset.done $0x0;
	(pc) =	sbr.rel .LBB2_2-.Ltmp3, $4  }
0xd7: {  	s2 =	sadd.s32 s21, s16;
	[sflag:s22] =	ssyncadd.s32 $0xFFFFC000  }
0xd8: {  	[tilespmem:s19], [sflag:$0x2] =	stream.linear.gather [hbm4b:s2+s4], $0x400, $0x38;
	[tilespmem:$0x1D000] =	vst v63  }
0xd9: {  	s23 =	sadd.s32 s21, s15;
	s21 =	sadd.s32 $0x100, s21;
	s12 =	sadd.s32 $0x800, s12  }
0xda: {  	[tilespmem:s20], [sflag:$0x2] =	stream.linear.gather [hbm4b:s23+s4], $0x400, $0x38;
	[tilespmem:$0x1D000] =	vst v63  }
.LBB2_5:
0xdb: {  	_ =	sfence.sel $0x180000  }
0xdc: {  	[bflag:$0x0] =	sbarrier.arrive $0xFFFF  }
0xdd: {  	_ =	strace $0x9000004D  }
0xde: {  	s0 =	stileid.u32;
	[bflag:$0x2] =	sbarrier.arrive $0xFFFF  }
0xdf: {  	p0 =	sne.s32 s0, $0x0;
	s0 =	rddreg [dreg:$0x3]  }
0xe0: {  	s0 =	sadd.s32 @!p0 $0x100000, s0  }
0xe1: {  	[sflag:s0] =	ssyncadd.tile.s32 @!p0 $0x1;
	_ =	shalt  }
.Lfunc_end2:
_tile_overlayer_lowered:
.L_overlay_start_2:
0xe2: {  	(tag) =	ssettag $0x2  }
0xe3: {  	s0 =	rddreg [dreg:$0x0];
	s2 =	stileid.u32  }
0xe4: {  	s1 =	rddreg [dreg:$0x1];
	p0 =	sne.s32 s2, $0x0  }
0xe5: {  	s3 =	rddreg [dreg:$0x2];
	[bflag:$0x3] =	sbarrier.arrive $0xFFFF;
	s2 =	simm.s32 @!p0 $0x1C05  }
0xe6: {  	[timem:s3], [sflag:s2] =	dma.local @!p0 [hbm:s0], s1  }
0xe7: {  	s0 =	simm.s32 @!p0 $0x5  }
0xe8: {  	_ =	swait.ge @!p0 [sflag:s0], s1  }
0xe9: {  	s1 =	ssub.s32 @!p0 $0x0, s1;
	[sflag:s0] =	ssyncset.done @!p0 $0x0  }
0xea: {  	[sflag:s0] =	ssyncadd.s32 @!p0 s1  }
0xeb: {  	[bflag:$0x3] =	sbarrier.arrive $0xFFFF  }
0xec: {  	_ =	shalt  }

// kernel: kernel.8.cloned.1.call-start
scs
__scs_entry_jumppad:
0x0: {  	(pc) =	sbr.rel $0x88, $3  }
0x1: {  	(tag) =	ssettag $0x0;
	lr =	simm.s32 $0x1  }
0x2: {  	[smem:$0x3F99] =	sst lr;
	_ =	strace $0xD0000000  }
0x3: {  	_ = 	snop  }
0x4: {  	_ = 	snop  }
0x5: {  	_ = 	snop  }
0x6: {  	_ = 	snop  }
0x7: {  	_ = 	snop  }
__scs_overlays_trampoline_lowered:
0x8: {  	[smem:$0x3FA8] =	sst s0  }
0x9: {  	[smem:$0x3FA9] =	sst s1  }
0xa: {  	[smem:$0x3FAA] =	sst s2  }
0xb: {  	[smem:$0x3FAB] =	sst s3  }
0xc: {  	[smem:$0x3FAC] =	sst s4  }
0xd: {  	[smem:$0x3FAD] =	sst s5  }
0xe: {  	[smem:$0x3FAE] =	sst s6  }
0xf: {  	[smem:$0x3FAF] =	sst s7  }
0x10: {  	[smem:$0x3FB0] =	sst s8  }
0x11: {  	[smem:$0x3FB1] =	sst s9;
	s0 =	simm.s32 @!p0 $0x0  }
0x12: {  	s1 =	sld [smem:$0x3F97];
	s0 =	simm.s32 @p0 $0x1  }
0x13: {  	[smem:$0x3FB2] =	sst s0;
	s0 =	simm.s32 @!p1 $0x0  }
0x14: {  	s2 =	sld [smem:$0x3F96];
	s0 =	simm.s32 @p1 $0x1  }
0x15: {  	[smem:$0x3FB3] =	sst s0;
	s0 =	simm.s32 @!p2 $0x0  }
0x16: {  	s3 =	sld [smem:$0x3FDB];
	s0 =	simm.s32 @p2 $0x1  }
0x17: {  	s4 =	simm.s32 $0x1BF5;
	[smem:$0x3FB5] =	sst s0  }
0x18: {  	s0 =	sld [smem:$0x3F98];
	_ =	swait.ge [sflag:s4], $0x0  }
0x19: {  	s7 =	sld [smem:$0x3F99]  }
0x1a: {  	s8 =	sadd.s32 $0xFFFFE003, lr  }
0x1b: {  	s9 =	sadd.s32 $0xFFFFFEF7, lr;
	s5 =	simm.s32 $0xFFFFFFFF;
	p2 =	slt.u32 s8, $0xFFFFF086  }
0x1c: {  	p1 =	slt.u32 s9, $0xF7A;
	s5 =	simm.s32 @!p2 $0x0  }
0x1d: {  	s5 =	simm.s32 @p1 $0x1;
	p0 =	seq.s32 s7, s2  }
0x1e: {  	s7 =	smul.u32 @!p0 $0xF7A, s2;
	p2 =	seq.s32 @!p0 s5, $0x0  }
0x1f: {  	s9 =	smul.u32 $0xF7A, s1;
	s8 =	simm.s32 @!p0 $0x1BF5;
	p2 =	por !p2, p0  }
0x20: {  	[sflag:s8] =	ssyncset.s32 @!p0 $0xFFFFF086;
	s6 =	sadd.s32 @!p0 s3, s7;
	s7 =	simm.s32 @!p0 $0x108  }
0x21: {  	s3 =	sadd.s32 s3, s9;
	s6 =	sadd.s32 @!p0 $0x88, s6;
	s7 =	simm.s32 @p2 $0x1082  }
0x22: {  	[simem:s7], [sflag:s8] =	dma.local @!p0 [hbm:s6], $0xF7A  }
0x23: {  	s9 =	sor.u32 $0xD0000000, s2;
	s6 =	simm.s32 $0x108;
	_ =	swait.ge @!p0 [sflag:s8], $0x0  }
0x24: {  	s3 =	sadd.s32 $0x88, s3;
	s6 =	simm.s32 @!p1 $0x1082;
	[sflag:s4] =	ssyncset.s32 $0xFFFFF086  }
0x25: {  	[simem:s6], [sflag:s4] =	dma.local [hbm:s3], $0xF7A  }
0x26: {  	[smem:$0x3F99] =	sst s1;
	(tag) =	ssettag s2;
	_ =	strace s9  }
0x27: {  	s1 =	sld [smem:$0x3FA9]  }
0x28: {  	s2 =	sld [smem:$0x3FAA]  }
0x29: {  	s4 =	sld [smem:$0x3FAC]  }
0x2a: {  	p0 =	seq.s32 s5, $0x0;
	s5 =	sld [smem:$0x3FAD]  }
0x2b: {  	s6 =	sld [smem:$0x3FAE]  }
0x2c: {  	s7 =	sld [smem:$0x3FAF]  }
0x2d: {  	s3 =	simm.s32 $0x108;
	s8 =	sld [smem:$0x3FB0]  }
0x2e: {  	s3 =	simm.s32 @!p0 $0x1082;
	s9 =	sld [smem:$0x3FB1]  }
0x2f: {  	lr =	sadd.s32 s0, s3;
	s0 =	sld [smem:$0x3FA8]  }
0x30: {  	s3 =	sld [smem:$0x3FAB]  }
0x31: {  	[smem:$0x3FB4] =	sst s10  }
0x32: {  	s10 =	sld [smem:$0x3FB2];
	_ =	sdelay $0x3  }
0x33: {  	p0 =	seq.s32 s10, $0x1;
	s10 =	sld [smem:$0x3FB4];
	_ =	sdelay $0x3  }
0x34: {  	[smem:$0x3FB4] =	sst s10  }
0x35: {  	s10 =	sld [smem:$0x3FB3];
	_ =	sdelay $0x3  }
0x36: {  	p1 =	seq.s32 s10, $0x1;
	s10 =	sld [smem:$0x3FB4];
	_ =	sdelay $0x3  }
0x37: {  	[smem:$0x3FB4] =	sst s10  }
0x38: {  	s10 =	sld [smem:$0x3FB5]  }
0x39: {  	_ = 	snop;
	(pc) =	sbr.ind lr, $3  }
0x3a: {  	_ = 	snop  }
0x3b: {  	_ = 	snop  }
0x3c: {  	p2 =	seq.s32 s10, $0x1;
	s10 =	sld [smem:$0x3FB4]  }
0x3d: {  	_ =	shalt  }
0x3e: {  	_ =	shalt  }
0x3f: {  	_ =	shalt  }
0x40: {  	_ =	shalt  }
0x41: {  	_ =	shalt  }
0x42: {  	_ =	shalt  }
0x43: {  	_ =	shalt  }
0x44: {  	_ =	shalt  }
0x45: {  	_ =	shalt  }
0x46: {  	_ =	shalt  }
0x47: {  	_ =	shalt  }
0x48: {  	_ =	shalt  }
0x49: {  	_ =	shalt  }
0x4a: {  	_ =	shalt  }
0x4b: {  	_ =	shalt  }
0x4c: {  	_ =	shalt  }
0x4d: {  	_ =	shalt  }
0x4e: {  	_ =	shalt  }
0x4f: {  	_ =	shalt  }
0x50: {  	_ =	shalt  }
0x51: {  	_ =	shalt  }
0x52: {  	_ =	shalt  }
0x53: {  	_ =	shalt  }
0x54: {  	_ =	shalt  }
0x55: {  	_ =	shalt  }
0x56: {  	_ =	shalt  }
0x57: {  	_ =	shalt  }
0x58: {  	_ =	shalt  }
0x59: {  	_ =	shalt  }
0x5a: {  	_ =	shalt  }
0x5b: {  	_ =	shalt  }
0x5c: {  	_ =	shalt  }
0x5d: {  	_ =	shalt  }
0x5e: {  	_ =	shalt  }
0x5f: {  	_ =	shalt  }
0x60: {  	_ =	shalt  }
0x61: {  	_ =	shalt  }
0x62: {  	_ =	shalt  }
0x63: {  	_ =	shalt  }
0x64: {  	_ =	shalt  }
0x65: {  	_ =	shalt  }
0x66: {  	_ =	shalt  }
0x67: {  	_ =	shalt  }
0x68: {  	_ =	shalt  }
0x69: {  	_ =	shalt  }
0x6a: {  	_ =	shalt  }
0x6b: {  	_ =	shalt  }
0x6c: {  	_ =	shalt  }
0x6d: {  	_ =	shalt  }
0x6e: {  	_ =	shalt  }
0x6f: {  	_ =	shalt  }
0x70: {  	_ =	shalt  }
0x71: {  	_ =	shalt  }
0x72: {  	_ =	shalt  }
0x73: {  	_ =	shalt  }
0x74: {  	_ =	shalt  }
0x75: {  	_ =	shalt  }
0x76: {  	_ =	shalt  }
0x77: {  	_ =	shalt  }
0x78: {  	_ =	shalt  }
0x79: {  	_ =	shalt  }
0x7a: {  	_ =	shalt  }
0x7b: {  	_ =	shalt  }
0x7c: {  	_ =	shalt  }
0x7d: {  	_ =	shalt  }
0x7e: {  	_ =	shalt  }
0x7f: {  	_ =	shalt  }
0x80: {  	_ =	shalt  }
0x81: {  	_ =	shalt  }
0x82: {  	_ =	shalt  }
0x83: {  	_ =	shalt  }
0x84: {  	_ =	shalt  }
0x85: {  	_ =	shalt  }
0x86: {  	_ =	shalt  }
0x87: {  	_ =	shalt  }
.Lfunc_end0:
.L_simem_size_0:
called_computation_lowered:
.L_overlay_start_0:
0x88: {  	s2 =	sld [smem:$0x3FD9]  }
0x89: {  	s3 =	sld [smem:$0x3FFE];
	_ =	sdelay $0x1  }
0x8a: {  	s1 =	srdreg.scid  }
0x8b: {  	s0 =	sand.u32 $0x1, s1  }
0x8c: {  	s17 =	sshll.u32 s0, $0xA;
	s2 =	sadd.s32 s3, s2  }
0x8d: {  	s2 =	sadd.s32 s2, s17  }
0x8e: {  	[smem:$0x3FC0] =	sst s2  }
0x8f: {  	_ = 	snop  }
0x90: {  	s2 =	sld [smem:$0x3FD0];
	(tm) =	ssettm $0x1  }
0x91: {  	s18 =	sld [smem:$0x3FFB];
	_ =	sdelay $0x3  }
0x92: {  	_ =	strace s18  }
0x93: {  	s3 =	sld [smem:$0x3FFC];
	_ =	sdelay $0x3  }
0x94: {  	_ =	strace s3  }
0x95: {  	s3 =	sld [smem:$0x3FFD];
	_ =	sdelay $0x3  }
0x96: {  	_ =	strace s3  }
0x97: {  	_ =	strace $0x8FFFFFFF  }
0x98: {  	s19 =	sld [smem:$0x3FDB];
	_ =	sdelay $0x1  }
0x99: {  	s4 =	simm.s32 $_scs_section_size  }
0x9a: {  	s5 =	simm.s32 $_size__tile_overlayer_lowered;
	s6 =	simm.s32 $_tile_overlayer_lowered  }
0x9b: {  	s22 =	simm.s32 $0x1BFF;
	s21 =	sshll.u32 s6, $0x1;
	s3 =	sadd.s32 s4, s19  }
0x9c: {  	s7 =	simm.s32 $0x0;
	s20 =	sshll.u32 s5, $0x1;
	s5 =	sadd.s32 s21, s3  }
0x9d: {  	[timem:s7], [sflag:s22] =	dma.local [hbm:s5], s20  }
0x9e: {  	_ =	swait.ge [sflag:s22], s20  }
0x9f: {  	s4 =	ssub.s32 $0x0, s20;
	[sflag:s22] =	ssyncset.done $0x0  }
0xa0: {  	[sflag:s22] =	ssyncadd.s32 s4;
	_ =	sdelay $0x1  }
0xa1: {  	s23 =	simm.s32 $0x1B8B  }
0xa2: {  	_ =	swait.ge [sflag:s23], $0x1  }
0xa3: {  	[sflag:s23] =	ssyncset.done $0x0  }
0xa4: {  	s25 =	simm.s32 $0x1B8E;
	s24 =	sld [smem:$0x3FFE];
	[sflag:s23] =	ssyncadd.s32 $0xFFFFFFFF  }
0xa5: {  	s26 =	simm.s32 $execute0_lowered;
	[smem:$0x3FD2] =	sst s25  }
0xa6: {  	s5 =	sshll.u32 s26, $0x1;
	_ =	strace $0x80000046;
	[dreg:$0x1] =	wrdreg $0xFFFFFFFF  }
0xa7: {  	s28 =	simm.s32 $_size_execute0_lowered;
	s3 =	sadd.s32 s3, s5;
	[dreg:$0x0] =	wrdreg $0x0  }
0xa8: {  	s5 =	sshll.u32 s28, $0x1;
	[dreg:$0x2] =	wrdreg s3  }
0xa9: {  	[dreg:$0x3] =	wrdreg s5  }
0xaa: {  	[dreg:$0x4] =	wrdreg $0xC0  }
0xab: {  	_ =	task [dreg:s7], $0x5FFFF  }
0xac: {  	[dreg:$0x1] =	wrdreg $0xFFFFFFFF  }
0xad: {  	[dreg:$0x0] =	wrdreg $0x60  }
0xae: {  	[dreg:$0x2] =	wrdreg s2  }
0xaf: {  	[dreg:$0x3] =	wrdreg s24  }
0xb0: {  	[dreg:$0x4] =	wrdreg $0x28800  }
0xb1: {  	[dreg:$0x5] =	wrdreg $0x9  }
0xb2: {  	_ =	task.clear_ibuf [dreg:s7], $0x6FFFF;
	_ =	strace $0x90000046  }
0xb3: {  	s29 =	simm.s32 $0x9;
	_ =	strace $0x80000048  }
0xb4: {  	_ =	swait.ge [sflag:s29], $0x1  }
0xb5: {  	[sflag:s29] =	ssyncadd.s32 $0xFFFFFFFF  }
0xb6: {  	_ =	strace $0x90000048  }
0xb7: {  	_ =	sfence  }
0xb8: {  	s30 =	sld [smem:$0x0];
	_ =	sdelay $0x2  }
0xb9: {  	s31 =	sshll.u32 s1, $0xD;
	s1 =	sshrl.u32 s1, $0x2  }
0xba: {  	s3 =	sand.u32 $0x4000, s31;
	s1 =	sadd.s32 s1, s30  }
0xbb: {  	s0 =	sor.u32 s3, s0;
	s1 =	sshll.u32 s1, $0x11  }
0xbc: {  	s0 =	sor.u32 s1, s0  }
0xbd: {  	s0 =	sadd.s32 $0x8F2B, s0  }
0xbe: {  	[sflag:s0] =	ssyncadd.remote.s32 $0x1  }
0xbf: {  	_ =	sfence.sel $0xFFFF  }
0xc0: {  	[dreg:$0x0] =	wrdreg $0xFFFFFFFF;
	(pc) =	sbr.abs _section_cstart, $3  }
0xc1: {  	[dreg:$0x1] =	wrdreg $0xFFFFFFFF  }
0xc2: {  	_ =	task.clear_ibuf [dreg:s7], $0x2FFFF;
	_ =	strace $0x9FFFFFFF  }
0xc3: {  	(tm) =	ssettm $0x7FFFFFFF  }
tec
execute0_lowered:
.L_overlay_start_1:
0x0: {  	(tag) =	ssettag $0x1  }
0x1: {  	s5 =	rddreg [dreg:$0x0]  }
0x2: {  	s6 =	rddreg [dreg:$0x1]  }
0x3: {  	s2 =	rddreg [dreg:$0x2]  }
0x4: {  	s0 =	rddreg [dreg:$0x3];
	s3 =	simm.s32 $0x0;
	s1 =	stileid.u32  }
0x5: {  	s4 =	srdreg.scid;
	s13 =	simm.s32 $0x80;
	s14 =	simm.s32 $0x20  }
0x6: {  	s15 =	simm.s32 $0x10;
	s16 =	simm.s32 $0x0;
	s7 =	smul.u32 $0x280, s1  }
0x7: {  	[smem:$0x7FF] =	sst s3;
	s8 =	sand.u32 $0x1, s4;
	s9 =	smul.u32 $0x500, s1  }
0x8: {  	s4 =	sadd.s32 $0xCE00, s6;
	s31 =	sshll.u32 s1, $0x6;
	_ =	strace $0x80000047  }
0x9: {  	s10 =	sshll.u32 s8, $0x7;
	s11 =	sshll.u32 s8, $0x4;
	s8 =	ssub.s32 $0x2, s8  }
0xa: {  	s12 =	sshrl.u32 s7, $0x3;
	s9 =	sor.u32 s10, s9;
	s26 =	sor.u32 s1, s11  }
0xb: {  	s29 =	sshrl.u32 s8, $0x1;
	s30 =	sadd.s32 s7, s2;
	s11 =	sor.u32 $0x1C01, s31  }
0xc: {  	s9 =	sshrl.u32 s9, $0x3;
	s10 =	smul.u32 $0x500, s26;
	s28 =	sadd.s32 s12, s6  }
0xd: {  	s8 =	ssub.s32 s8, s29;
	s12 =	sshrl.u32 s30, $0x3;
	s9 =	sadd.s32 s9, s6  }
0xe: {  	s6 =	sadd.s32 $0xD000, s28;
	s8 =	smax.u32 s8, $0x1;
	s5 =	sadd.s32 s5, s10  }
0xf: {  	s7 =	sadd.s32 $0xD600, s9;
	s9 =	simm.s32 $0x1;
	s10 =	simm.s32 $0x2800  }
.LBB2_1:
0x10: {  	[tilespmem:s3], [sflag:$0x1] =	stream.linear.gather [hbm4b:s5+s3], $0x2800, $0x38;
	[tilespmem:$0x2B00] =	vst v63  }
0x11: {  	_ =	swait.ge [sflag:s9], $0x2800  }
0x12: {  	[sflag:s9] =	ssyncset.done $0x0  }
0x13: {  	[sflag:s9] =	ssyncadd.s32 $0xFFFFD800  }
0x14: {  	[tilespmem:s10], [sflag:$0x1] =	stream.linear.gather [hbm4b:s4+s3], $0x80, $0x38;
	[tilespmem:$0x2B00] =	vst v63  }
0x15: {  	_ =	swait.ge [sflag:s9], $0x80  }
0x16: {  	[sflag:s9] =	ssyncset.done $0x0  }
0x17: {  	[sflag:s9] =	ssyncadd.s32 $0xFFFFFF80  }
0x18: {  	[spmem:s12], [sflag:s11] =	dma.local [hbm:s6], $0x50  }
0x19: {  	_ =	swait.ge [sflag:s9], $0x50  }
0x1a: {  	[sflag:s9] =	ssyncset.done $0x0  }
0x1b: {  	[sflag:s9] =	ssyncadd.s32 $0xFFFFFFB0  }
0x1c: {  	s17 =	simm.s32 $0x0;
	[bflag:$0x0] =	sbarrier.arrive $0xFFFF  }
0x1d: {  	[spmem:s2] =	stream.indirect.scatter.add.f32 [tilespmem:s10], [sflag:$0x1], $0x1, s17, s13, $0xb8;
	[tilespmem:$0x2B00] =	vst v63  }
0x1e: {  	_ =	swait.ge [sflag:s9], $0x80  }
0x1f: {  	[sflag:s9] =	ssyncset.done $0x0  }
0x20: {  	s24 =	simm.s32 $0x80;
	[sflag:s9] =	ssyncadd.s32 $0xFFFFFF80  }
0x21: {  	[spmem:s2] =	stream.indirect.scatter.add.f32 [tilespmem:s10], [sflag:$0x1], $0x1, s24, s13, $0xb8;
	[tilespmem:$0x2B00] =	vst v63  }
0x22: {  	_ =	swait.ge [sflag:s9], $0x80  }
0x23: {  	[sflag:s9] =	ssyncset.done $0x0  }
0x24: {  	s25 =	simm.s32 $0x100;
	[sflag:s9] =	ssyncadd.s32 $0xFFFFFF80  }
0x25: {  	[spmem:s2] =	stream.indirect.scatter.add.f32 [tilespmem:s10], [sflag:$0x1], $0x1, s25, s13, $0xb8;
	[tilespmem:$0x2B00] =	vst v63  }
0x26: {  	_ =	swait.ge [sflag:s9], $0x80  }
0x27: {  	[sflag:s9] =	ssyncset.done $0x0  }
0x28: {  	s26 =	simm.s32 $0x180;
	[sflag:s9] =	ssyncadd.s32 $0xFFFFFF80  }
0x29: {  	[spmem:s2] =	stream.indirect.scatter.add.f32 [tilespmem:s10], [sflag:$0x1], $0x1, s26, s13, $0xb8;
	[tilespmem:$0x2B00] =	vst v63  }
0x2a: {  	_ =	swait.ge [sflag:s9], $0x80  }
0x2b: {  	[sflag:s9] =	ssyncset.done $0x0  }
0x2c: {  	s28 =	simm.s32 $0x200;
	[sflag:s9] =	ssyncadd.s32 $0xFFFFFF80  }
0x2d: {  	[spmem:s2] =	stream.indirect.scatter.add.f32 [tilespmem:s10], [sflag:$0x1], $0x1, s28, s13, $0xb8;
	[tilespmem:$0x2B00] =	vst v63  }
0x2e: {  	_ =	swait.ge [sflag:s9], $0x80  }
0x2f: {  	[sflag:s9] =	ssyncset.done $0x0  }
0x30: {  	s29 =	simm.s32 $0x280;
	[sflag:s9] =	ssyncadd.s32 $0xFFFFFF80  }
0x31: {  	[spmem:s2] =	stream.indirect.scatter.add.f32 [tilespmem:s10], [sflag:$0x1], $0x1, s29, s13, $0xb8;
	[tilespmem:$0x2B00] =	vst v63  }
0x32: {  	_ =	swait.ge [sflag:s9], $0x80  }
0x33: {  	[sflag:s9] =	ssyncset.done $0x0  }
0x34: {  	s30 =	simm.s32 $0x300;
	[sflag:s9] =	ssyncadd.s32 $0xFFFFFF80  }
0x35: {  	[spmem:s2] =	stream.indirect.scatter.add.f32 [tilespmem:s10], [sflag:$0x1], $0x1, s30, s13, $0xb8;
	[tilespmem:$0x2B00] =	vst v63  }
0x36: {  	_ =	swait.ge [sflag:s9], $0x80  }
0x37: {  	[sflag:s9] =	ssyncset.done $0x0  }
0x38: {  	s31 =	simm.s32 $0x380;
	[sflag:s9] =	ssyncadd.s32 $0xFFFFFF80  }
0x39: {  	[spmem:s2] =	stream.indirect.scatter.add.f32 [tilespmem:s10], [sflag:$0x1], $0x1, s31, s13, $0xb8;
	[tilespmem:$0x2B00] =	vst v63  }
0x3a: {  	_ =	swait.ge [sflag:s9], $0x80  }
0x3b: {  	s20 =	simm.s32 $0x2000;
	s17 =	simm.s32 $0x1000;
	[sflag:s9] =	ssyncset.done $0x0  }
.LBB2_2:
0x3c: {  	s19 =	sshra.s32 s17, $0x2  }
0x3d: {  	[sflag:s9] =	ssyncadd.s32 $0xFFFFFF80;
	s17 =	smov.u32 s20;
	s18 =	sadd.s32 $0x1000, s20  }
0x3e: {  	[spmem:s2] =	stream.indirect.scatter.add.f32 [tilespmem:s10], [sflag:$0x1], $0x1, s19, s13, $0xb8;
	[tilespmem:$0x2B00] =	vst v63  }
0x3f: {  	p0 =	sne.s32 s20, $0x9000;
	_ =	swait.ge [sflag:s9], $0x80  }
0x40: {  	[sflag:s9] =	ssyncset.done $0x0  }
0x41: {  	s20 =	sadd.s32 $0x80, s19;
	[sflag:s9] =	ssyncadd.s32 $0xFFFFFF80  }
0x42: {  	[spmem:s2] =	stream.indirect.scatter.add.f32 [tilespmem:s10], [sflag:$0x1], $0x1, s20, s13, $0xb8;
	[tilespmem:$0x2B00] =	vst v63  }
0x43: {  	_ =	swait.ge [sflag:s9], $0x80  }
0x44: {  	[sflag:s9] =	ssyncset.done $0x0  }
0x45: {  	s20 =	sadd.s32 $0x100, s19;
	[sflag:s9] =	ssyncadd.s32 $0xFFFFFF80  }
0x46: {  	[spmem:s2] =	stream.indirect.scatter.add.f32 [tilespmem:s10], [sflag:$0x1], $0x1, s20, s13, $0xb8;
	[tilespmem:$0x2B00] =	vst v63  }
0x47: {  	_ =	swait.ge [sflag:s9], $0x80  }
0x48: {  	[sflag:s9] =	ssyncset.done $0x0  }
0x49: {  	s20 =	sadd.s32 $0x180, s19;
	[sflag:s9] =	ssyncadd.s32 $0xFFFFFF80  }
0x4a: {  	[spmem:s2] =	stream.indirect.scatter.add.f32 [tilespmem:s10], [sflag:$0x1], $0x1, s20, s13, $0xb8;
	[tilespmem:$0x2B00] =	vst v63  }
0x4b: {  	_ =	swait.ge [sflag:s9], $0x80  }
0x4c: {  	[sflag:s9] =	ssyncset.done $0x0  }
0x4d: {  	s20 =	sadd.s32 $0x200, s19;
	[sflag:s9] =	ssyncadd.s32 $0xFFFFFF80  }
0x4e: {  	[spmem:s2] =	stream.indirect.scatter.add.f32 [tilespmem:s10], [sflag:$0x1], $0x1, s20, s13, $0xb8;
	[tilespmem:$0x2B00] =	vst v63  }
0x4f: {  	_ =	swait.ge [sflag:s9], $0x80  }
0x50: {  	[sflag:s9] =	ssyncset.done $0x0  }
0x51: {  	s20 =	sadd.s32 $0x280, s19;
	[sflag:s9] =	ssyncadd.s32 $0xFFFFFF80  }
0x52: {  	[spmem:s2] =	stream.indirect.scatter.add.f32 [tilespmem:s10], [sflag:$0x1], $0x1, s20, s13, $0xb8;
	[tilespmem:$0x2B00] =	vst v63  }
0x53: {  	_ =	swait.ge [sflag:s9], $0x80  }
0x54: {  	[sflag:s9] =	ssyncset.done $0x0  }
0x55: {  	s20 =	sadd.s32 $0x300, s19;
	[sflag:s9] =	ssyncadd.s32 $0xFFFFFF80  }
0x56: {  	[spmem:s2] =	stream.indirect.scatter.add.f32 [tilespmem:s10], [sflag:$0x1], $0x1, s20, s13, $0xb8;
	[tilespmem:$0x2B00] =	vst v63  }
0x57: {  	_ =	swait.ge [sflag:s9], $0x80  }
.Ltmp0:
0x58: {  	[sflag:s9] =	ssyncset.done $0x0;
	(pc) =	sbr.rel @p0 .LBB2_2-.Ltmp0, $4  }
0x59: {  	s19 =	sadd.s32 $0x380, s19;
	[sflag:s9] =	ssyncadd.s32 $0xFFFFFF80  }
0x5a: {  	[spmem:s2] =	stream.indirect.scatter.add.f32 [tilespmem:s10], [sflag:$0x1], $0x1, s19, s13, $0xb8;
	[tilespmem:$0x2B00] =	vst v63  }
0x5b: {  	_ =	swait.ge [sflag:s9], $0x80  }
0x5c: {  	s20 =	smov.u32 s18;
	[sflag:s9] =	ssyncset.done $0x0  }
0x5d: {  	s17 =	sshra.s32 s17, $0x2;
	[sflag:s9] =	ssyncadd.s32 $0xFFFFFF80  }
0x5e: {  	[spmem:s2] =	stream.indirect.scatter.add.f32 [tilespmem:s10], [sflag:$0x1], $0x1, s17, s13, $0xb8;
	[tilespmem:$0x2B00] =	vst v63  }
0x5f: {  	_ =	swait.ge [sflag:s9], $0x80  }
0x60: {  	[sflag:s9] =	ssyncset.done $0x0  }
0x61: {  	s18 =	sadd.s32 $0x80, s17;
	[sflag:s9] =	ssyncadd.s32 $0xFFFFFF80  }
0x62: {  	[spmem:s2] =	stream.indirect.scatter.add.f32 [tilespmem:s10], [sflag:$0x1], $0x1, s18, s13, $0xb8;
	[tilespmem:$0x2B00] =	vst v63  }
0x63: {  	_ =	swait.ge [sflag:s9], $0x80  }
0x64: {  	[sflag:s9] =	ssyncset.done $0x0  }
0x65: {  	s26 =	sadd.s32 $0x100, s17;
	[sflag:s9] =	ssyncadd.s32 $0xFFFFFF80  }
0x66: {  	[spmem:s2] =	stream.indirect.scatter.add.f32 [tilespmem:s10], [sflag:$0x1], $0x1, s26, s13, $0xb8;
	[tilespmem:$0x2B00] =	vst v63  }
0x67: {  	_ =	swait.ge [sflag:s9], $0x80  }
0x68: {  	[sflag:s9] =	ssyncset.done $0x0  }
0x69: {  	s28 =	sadd.s32 $0x180, s17;
	[sflag:s9] =	ssyncadd.s32 $0xFFFFFF80  }
0x6a: {  	[spmem:s2] =	stream.indirect.scatter.add.f32 [tilespmem:s10], [sflag:$0x1], $0x1, s28, s13, $0xb8;
	[tilespmem:$0x2B00] =	vst v63  }
0x6b: {  	_ =	swait.ge [sflag:s9], $0x80  }
0x6c: {  	[sflag:s9] =	ssyncset.done $0x0  }
0x6d: {  	s29 =	sadd.s32 $0x200, s17;
	[sflag:s9] =	ssyncadd.s32 $0xFFFFFF80  }
0x6e: {  	[spmem:s2] =	stream.indirect.scatter.add.f32 [tilespmem:s10], [sflag:$0x1], $0x1, s29, s13, $0xb8;
	[tilespmem:$0x2B00] =	vst v63  }
0x6f: {  	_ =	swait.ge [sflag:s9], $0x80  }
0x70: {  	[sflag:s9] =	ssyncset.done $0x0  }
0x71: {  	s30 =	sadd.s32 $0x280, s17;
	[sflag:s9] =	ssyncadd.s32 $0xFFFFFF80  }
0x72: {  	[spmem:s2] =	stream.indirect.scatter.add.f32 [tilespmem:s10], [sflag:$0x1], $0x1, s30, s13, $0xb8;
	[tilespmem:$0x2B00] =	vst v63  }
0x73: {  	_ =	swait.ge [sflag:s9], $0x80  }
0x74: {  	[sflag:s9] =	ssyncset.done $0x0  }
0x75: {  	s31 =	sadd.s32 $0x300, s17;
	[sflag:s9] =	ssyncadd.s32 $0xFFFFFF80  }
0x76: {  	[spmem:s2] =	stream.indirect.scatter.add.f32 [tilespmem:s10], [sflag:$0x1], $0x1, s31, s13, $0xb8;
	[tilespmem:$0x2B00] =	vst v63  }
0x77: {  	_ =	swait.ge [sflag:s9], $0x80  }
0x78: {  	[sflag:s9] =	ssyncset.done $0x0  }
0x79: {  	s17 =	sadd.s32 $0x380, s17;
	[sflag:s9] =	ssyncadd.s32 $0xFFFFFF80  }
0x7a: {  	[spmem:s2] =	stream.indirect.scatter.add.f32 [tilespmem:s10], [sflag:$0x1], $0x1, s17, s13, $0xb8;
	[tilespmem:$0x2B00] =	vst v63  }
0x7b: {  	_ =	swait.ge [sflag:s9], $0x80  }
0x7c: {  	s16 =	sadd.s32 $0x1, s16;
	[sflag:s9] =	ssyncset.done $0x0  }
0x7d: {  	p0 =	sne.s32 s16, s8;
	[sflag:s9] =	ssyncadd.s32 $0xFFFFFF80  }
.Ltmp1:
0x7e: {  	[bflag:$0x0] =	sbarrier.arrive $0xFFFF;
	(pc) =	sbr.rel @p0 .LBB2_1-.Ltmp1, $4  }
0x7f: {  	[hbm:s7@s14], [sflag:s11] =	dma.strided [spmem:s12@s15], $0x50, s9, $0x10   }
0x80: {  	_ =	swait.ge [sflag:s9], $0x50  }
0x81: {  	[sflag:s9] =	ssyncset.done $0x0  }
0x82: {  	[sflag:s9] =	ssyncadd.s32 $0xFFFFFFB0  }
0x83: {  	_ =	sfence.sel $0x180000  }
0x84: {  	[bflag:$0x0] =	sbarrier.arrive $0xFFFF  }
0x85: {  	p0 =	sne.s32 s1, $0x0;
	_ =	strace $0x90000047  }
0x86: {  	s0 =	sadd.s32 @!p0 $0x100000, s0;
	[bflag:$0x2] =	sbarrier.arrive $0xFFFF  }
0x87: {  	[sflag:s0] =	ssyncadd.tile.s32 @!p0 $0x1;
	_ =	shalt  }
.Lfunc_end2:
_tile_overlayer_lowered:
.L_overlay_start_2:
0x88: {  	(tag) =	ssettag $0x2  }
0x89: {  	s0 =	rddreg [dreg:$0x0];
	s2 =	stileid.u32  }
0x8a: {  	s1 =	rddreg [dreg:$0x1];
	p0 =	sne.s32 s2, $0x0  }
0x8b: {  	s3 =	rddreg [dreg:$0x2];
	[bflag:$0x3] =	sbarrier.arrive $0xFFFF;
	s2 =	simm.s32 @!p0 $0x1C01  }
0x8c: {  	[timem:s3], [sflag:s2] =	dma.local @!p0 [hbm:s0], s1  }
0x8d: {  	s0 =	simm.s32 @!p0 $0x1  }
0x8e: {  	_ =	swait.ge @!p0 [sflag:s0], s1  }
0x8f: {  	s1 =	ssub.s32 @!p0 $0x0, s1;
	[sflag:s0] =	ssyncset.done @!p0 $0x0  }
0x90: {  	[sflag:s0] =	ssyncadd.s32 @!p0 s1  }
0x91: {  	[bflag:$0x3] =	sbarrier.arrive $0xFFFF  }
0x92: {  	_ =	shalt  }

</sc_bundles>
